<compile_context>
chip_gen: v7x
topology: tpu7x:2x2x1
jax: 0.10.2.dev20260603
libtpu: 0.0.44.dev20260713+nightly
codegen_flags: <defaults>
</compile_context>

<pallas_src>
import dataclasses
import functools
import jax
import jax.numpy as jnp
import numpy as np
from jax import lax
from jax.experimental import pallas as pl
from jax.experimental.pallas import tpu as pltpu
from jax.experimental.pallas import tpu_sc as plsc

N = 10000
E = 320000
D = 128
R = 8
D_OUT = 64

NUM_CORES = 2
NUM_SUBCORES = 16
NUM_TILES = NUM_CORES * NUM_SUBCORES
CHUNK = 128
NCHUNKS = E // CHUNK
T0 = 80
T1 = 80

STRIPE = 632
LAST_STRIPE = N - 15 * STRIPE

def _proj_and_shift(xb, wqk_ref, xqk_ref, cv_ref):
    xqk = jnp.dot(xb, wqk_ref[...].astype(jnp.bfloat16),
                  preferred_element_type=jnp.float32)
    xqk_ref[...] = xqk
    m = jnp.max(xqk[:, 0:R]) + jnp.max(xqk[:, R:2 * R])
    cv = jnp.where(m >= 0, m, 0.2 * m)
    cv_ref[0, :] = jnp.full((16,), cv, jnp.float32)


def _t1_body(x_ref, w_ref, wqk_ref, xwb_ref, xqk_ref, cv_ref, xb_ref):
    r = pl.program_id(0)

    @pl.when(r == 0)
    def _():
        xb_ref[...] = x_ref[...].astype(jnp.bfloat16)
        _proj_and_shift(xb_ref[...], wqk_ref, xqk_ref, cv_ref)

    wb = w_ref[0].astype(jnp.bfloat16)
    xwb_ref[...] = jnp.dot(xb_ref[...], wb,
                           preferred_element_type=jnp.float32)


def _transform1(x, w, wqk):
    return pl.pallas_call(
        _t1_body,
        grid=(R,),
        in_specs=[
            pl.BlockSpec((N, D), lambda r: (0, 0)),
            pl.BlockSpec((1, D, D), lambda r: (r, 0, 0)),
            pl.BlockSpec((D, 2 * R), lambda r: (0, 0)),
        ],
        out_specs=[
            pl.BlockSpec((N, D), lambda r: (r, 0)),
            pl.BlockSpec((N, 2 * R), lambda r: (0, 0)),
            pl.BlockSpec((1, 16), lambda r: (0, 0)),
        ],
        out_shape=[
            jax.ShapeDtypeStruct((R * N, D), jnp.float32),
            jax.ShapeDtypeStruct((N, 2 * R), jnp.float32),
            jax.ShapeDtypeStruct((1, 16), jnp.float32),
        ],
        scratch_shapes=[pltpu.VMEM((N, D), jnp.bfloat16)],
    )(x, w, wqk)


def _t2_body(num_ref, den_ref, b_ref, w_ref, wqk_ref,
             xwb_ref, xqk_ref, cv_ref, hb_ref):
    r = pl.program_id(0)

    @pl.when(r == 0)
    def _():
        ns = num_ref[0] + num_ref[1]
        d = jnp.sum(den_ref[...], axis=0)
        h = ns / (d[:, None] + 1e-16) + b_ref[...]
        hb_ref[...] = jnp.maximum(h, 0.0).astype(jnp.bfloat16)
        _proj_and_shift(hb_ref[...], wqk_ref, xqk_ref, cv_ref)

    wb = w_ref[0].astype(jnp.bfloat16)
    xwb_ref[...] = jnp.dot(hb_ref[...], wb,
                           preferred_element_type=jnp.float32)


def _transform2(num, den, b, w, wqk):
    return pl.pallas_call(
        _t2_body,
        grid=(R,),
        in_specs=[
            pl.BlockSpec((2, N, D), lambda r: (0, 0, 0)),
            pl.BlockSpec((NUM_TILES, N), lambda r: (0, 0)),
            pl.BlockSpec((1, D), lambda r: (0, 0)),
            pl.BlockSpec((1, D, D), lambda r: (r, 0, 0)),
            pl.BlockSpec((D, 2 * R), lambda r: (0, 0)),
        ],
        out_specs=[
            pl.BlockSpec((N, D), lambda r: (r, 0)),
            pl.BlockSpec((N, 2 * R), lambda r: (0, 0)),
            pl.BlockSpec((1, 16), lambda r: (0, 0)),
        ],
        out_shape=[
            jax.ShapeDtypeStruct((R * N, D), jnp.float32),
            jax.ShapeDtypeStruct((N, 2 * R), jnp.float32),
            jax.ShapeDtypeStruct((1, 16), jnp.float32),
        ],
        scratch_shapes=[pltpu.VMEM((N, D), jnp.bfloat16)],
    )(num, den, b.reshape(1, D), w, wqk)


def _t3_body(num_ref, den_ref, b_ref, lw_ref, lb_ref, out_ref):
    ns = num_ref[0] + num_ref[1]
    d = jnp.sum(den_ref[...], axis=0)
    h = jnp.maximum(ns / (d[:, None] + 1e-16) + b_ref[...], 0.0)
    pooled = jnp.sum(h, axis=0, keepdims=True) * (1.0 / N)
    logits = jnp.dot(pooled, lw_ref[...],
                     preferred_element_type=jnp.float32) + lb_ref[...]
    m = jnp.max(logits)
    z = logits - m
    out_ref[...] = z - jnp.log(jnp.sum(jnp.exp(z)))


def _final(num, den, b, lin_w, lin_b):
    return pl.pallas_call(
        _t3_body,
        grid=(1,),
        in_specs=[
            pl.BlockSpec((2, N, D), lambda i: (0, 0, 0)),
            pl.BlockSpec((NUM_TILES, N), lambda i: (0, 0)),
            pl.BlockSpec((1, D), lambda i: (0, 0)),
            pl.BlockSpec((D, D_OUT), lambda i: (0, 0)),
            pl.BlockSpec((1, D_OUT), lambda i: (0, 0)),
        ],
        out_specs=pl.BlockSpec((1, D_OUT), lambda i: (0, 0)),
        out_shape=jax.ShapeDtypeStruct((1, D_OUT), jnp.float32),
    )(num, den, b.reshape(1, D), lin_w, lin_b.reshape(1, D_OUT))


def _edge_body(ei_hbm, typ_hbm, xwb_hbm, xqk_hbm, cvec_hbm,
               z128_hbm, zn_hbm,
               num_out, den_out,
               sv0, sv1, tv0, tv1, qv0, qv1, kv0, kv1, rv0, rv1,
               dv0, dv1, sd0, sd1,
               sq0, sq1, sk0, sk1, eav, rb0, rb1, denv, cvv,
               num_sh,
               si0, si1, sg0, sg1, ss0, ss1):
    core = lax.axis_index("c")
    sid = lax.axis_index("s")
    wid = sid * NUM_CORES + core

    start = jnp.where(core == 0, sid * T0, 16 * T0 + sid * T1)
    tcap = jnp.where(core == 0, T0, T1)
    count = jnp.maximum(0, jnp.minimum(tcap, NCHUNKS - start))
    half = count // 2

    sv = (sv0, sv1)
    tv = (tv0, tv1)
    qv = (qv0, qv1)
    kv = (kv0, kv1)
    rv = (rv0, rv1)
    dv = (dv0, dv1)
    sd = (sd0, sd1)
    sq = (sq0, sq1)
    sk = (sk0, sk1)
    rb = (rb0, rb1)
    si = (si0, si1)
    sg = (sg0, sg1)
    ss = (ss0, ss1)

    def idx_copies(i, p):
        b = (start + i) * CHUNK
        return (pltpu.make_async_copy(ei_hbm.at[0, pl.ds(b, CHUNK)], sv[p], si[p]),
                pltpu.make_async_copy(ei_hbm.at[1, pl.ds(b, CHUNK)], dv[p], si[p]),
                pltpu.make_async_copy(typ_hbm.at[pl.ds(b, CHUNK)], tv[p], si[p]))

    def flat_idx(p):
        for jj in range(0, CHUNK, 16):
            sl = pl.ds(jj, 16)
            t = tv[p][sl]
            qv[p][sl] = dv[p][sl] * (2 * R) + t
            kv[p][sl] = sv[p][sl] * (2 * R) + (t + R)
            rv[p][sl] = t * N + sv[p][sl]

    def gather_copies(p):
        return (pltpu.make_async_copy(xqk_hbm.at[qv[p]], sq[p], sg[p]),
                pltpu.make_async_copy(xqk_hbm.at[kv[p]], sk[p], sg[p]),
                pltpu.make_async_copy(xwb_hbm.at[rv[p]], rb[p], sg[p]))

    stripe0 = sid * STRIPE

    @pl.when(sid < 15)
    def _():
        pltpu.sync_copy(z128_hbm.at[pl.ds(stripe0, STRIPE)],
                        num_sh.at[pl.ds(stripe0, STRIPE)])

    @pl.when(sid == 15)
    def _():
        pltpu.sync_copy(z128_hbm.at[pl.ds(15 * STRIPE, LAST_STRIPE)],
                        num_sh.at[pl.ds(15 * STRIPE, LAST_STRIPE)])

    pltpu.sync_copy(zn_hbm, denv)
    pltpu.sync_copy(cvec_hbm.at[0], cvv)
    plsc.subcore_barrier()

    def process(i, j, p):
        for c in gather_copies(p):
            c.wait()
        cv = cvv[...]
        for jj in range(0, CHUNK, 16):
            sl = pl.ds(jj, 16)
            z = sq[p][sl] + sk[p][sl]
            alpha = jnp.maximum(z, 0.2 * z)
            ea = jnp.exp(alpha - cv)
            eav[sl] = ea
            d16 = dv[p][sl]
            plsc.addupdate_scatter(denv, [d16], ea)
            sd[p][sl] = d16

        @pl.when(j < half - 1)
        def _():
            for c in idx_copies(i + 2, p):
                c.start()

        @pl.loop(0, CHUNK)
        def _(e):
            splat = plsc.load_gather(eav, [jnp.full((16,), e, jnp.int32)])
            for kk in range(0, D, 16):
                ksl = pl.ds(kk, 16)
                rb[p][e, ksl] = rb[p][e, ksl] * splat

        pltpu.async_copy(rb[p], num_sh.at[sd[p]], ss[p], add=True)

    @pl.when(half > 0)
    def _():
        for c in idx_copies(0, 0):
            c.start()
        for c in idx_copies(0, 0):
            c.wait()
        flat_idx(0)
        for c in gather_copies(0):
            c.start()
        for c in idx_copies(1, 1):
            c.start()

        @pl.loop(0, half)
        def _(j):
            i = 2 * j
            for c in idx_copies(i + 1, 1):
                c.wait()
            flat_idx(1)

            @pl.when(j > 0)
            def _():
                pltpu.make_async_copy(rb[1], num_sh.at[sd[1]], ss[1]).wait()

            for c in gather_copies(1):
                c.start()
            process(i, j, 0)

            @pl.when(j < half - 1)
            def _():
                for c in idx_copies(i + 2, 0):
                    c.wait()
                flat_idx(0)

            pltpu.make_async_copy(rb[0], num_sh.at[sd[0]], ss[0]).wait()

            @pl.when(j < half - 1)
            def _():
                for c in gather_copies(0):
                    c.start()

            process(i + 1, j, 1)

        pltpu.make_async_copy(rb[1], num_sh.at[sd[1]], ss[1]).wait()

    plsc.subcore_barrier()

    @pl.when(sid < 15)
    def _():
        pltpu.sync_copy(num_sh.at[pl.ds(stripe0, STRIPE)],
                        num_out.at[core, pl.ds(stripe0, STRIPE)])

    @pl.when(sid == 15)
    def _():
        pltpu.sync_copy(num_sh.at[pl.ds(15 * STRIPE, LAST_STRIPE)],
                        num_out.at[core, pl.ds(15 * STRIPE, LAST_STRIPE)])

    pltpu.sync_copy(denv, den_out.at[wid])


@jax.jit
def _edge_pass(ei, typ, xwb, xqk_flat, cvec, z128, zn):
    mesh = plsc.VectorSubcoreMesh(core_axis_name="c", subcore_axis_name="s")
    cp = pltpu.CompilerParams()
    if "needs_layout_passes" in pltpu.CompilerParams.__dataclass_fields__:
        cp = dataclasses.replace(cp, needs_layout_passes=False)
    f = pl.kernel(
        _edge_body,
        out_type=[
            jax.ShapeDtypeStruct((NUM_CORES, N, D), jnp.float32),
            jax.ShapeDtypeStruct((NUM_TILES, N), jnp.float32),
        ],
        mesh=mesh,
        scratch_types=[
            pltpu.VMEM((CHUNK,), jnp.int32),
            pltpu.VMEM((CHUNK,), jnp.int32),
            pltpu.VMEM((CHUNK,), jnp.int32),
            pltpu.VMEM((CHUNK,), jnp.int32),
            pltpu.VMEM((CHUNK,), jnp.int32),
            pltpu.VMEM((CHUNK,), jnp.int32),
            pltpu.VMEM((CHUNK,), jnp.int32),
            pltpu.VMEM((CHUNK,), jnp.int32),
            pltpu.VMEM((CHUNK,), jnp.int32),
            pltpu.VMEM((CHUNK,), jnp.int32),
            pltpu.VMEM((CHUNK,), jnp.int32),
            pltpu.VMEM((CHUNK,), jnp.int32),
            pltpu.VMEM((CHUNK,), jnp.int32),
            pltpu.VMEM((CHUNK,), jnp.int32),
            pltpu.VMEM((CHUNK,), jnp.float32),
            pltpu.VMEM((CHUNK,), jnp.float32),
            pltpu.VMEM((CHUNK,), jnp.float32),
            pltpu.VMEM((CHUNK,), jnp.float32),
            pltpu.VMEM((CHUNK,), jnp.float32),
            pltpu.VMEM((CHUNK, D), jnp.float32),
            pltpu.VMEM((CHUNK, D), jnp.float32),
            pltpu.VMEM((N,), jnp.float32),
            pltpu.VMEM((16,), jnp.float32),
            pltpu.VMEM_SHARED((N, D), jnp.float32),
            pltpu.SemaphoreType.DMA,
            pltpu.SemaphoreType.DMA,
            pltpu.SemaphoreType.DMA,
            pltpu.SemaphoreType.DMA,
            pltpu.SemaphoreType.DMA,
            pltpu.SemaphoreType.DMA,
        ],
        compiler_params=cp,
    )
    return f(ei, typ, xwb, xqk_flat, cvec, z128, zn)


def kernel(x, edge_index, edge_type, w1, q1, k1, b1, w2, q2, k2, b2,
           lin_w, lin_b):
    ei = edge_index.astype(jnp.int32)
    typ = edge_type.astype(jnp.int32)
    wqk1 = jnp.concatenate([jnp.matmul(w1, q1)[:, :, 0].T,
                            jnp.matmul(w1, k1)[:, :, 0].T], axis=1)
    wqk2 = jnp.concatenate([jnp.matmul(w2, q2)[:, :, 0].T,
                            jnp.matmul(w2, k2)[:, :, 0].T], axis=1)
    z128 = jnp.zeros((N, D), jnp.float32)
    zn = jnp.zeros((N,), jnp.float32)

    xwb1, xqk1, c1 = _transform1(x, w1, wqk1)
    num1, den1 = _edge_pass(ei, typ, xwb1, xqk1.reshape(-1), c1, z128, zn)

    xwb2, xqk2, c2 = _transform2(num1, den1, b1, w2, wqk2)
    num2, den2 = _edge_pass(ei, typ, xwb2, xqk2.reshape(-1), c2, z128, zn)

    return _final(num2, den2, b2, lin_w, lin_b)

# --- scband reference (transcript-rebuilt; emitter-appended) ---
"""Pipeline reference for scband-encoder-attention-27075473834021 (READ-ONLY COPY).

The authoritative reference and input builder live on the scoring server;
editing this copy changes nothing except your own understanding.
"""

import jax, jax.numpy as jnp
import numpy as np

N = 10000
E = 320000
D_IN = 128
D_HID = 128
D_OUT = 64
R = 8


def _glorot(key, shape):
    fan_in, fan_out = shape[-2], shape[-1]
    lim = float(np.sqrt(6.0 / (fan_in + fan_out)))
    return jax.random.uniform(key, shape, jnp.float32, -lim, lim)


def setup_inputs(seed: int = 0) -> dict:
    key = jax.random.key(seed)
    ks = jax.random.split(key, 16)
    x = jax.random.normal(ks[0], (N, D_IN), jnp.float32)
    edge_index = jax.random.randint(ks[1], (2, E), 0, N)
    edge_type = jax.random.randint(ks[2], (E,), 0, R)
    # RGATConv layer 1 params (heads=1, dim=1, additive-self-attention, across-relation)
    w1 = _glorot(ks[3], (R, D_IN, D_HID))
    q1 = _glorot(ks[4], (D_HID, 1))
    k1 = _glorot(ks[5], (D_HID, 1))
    b1 = jnp.zeros((D_HID,), jnp.float32)
    # RGATConv layer 2 params
    w2 = _glorot(ks[6], (R, D_HID, D_HID))
    q2 = _glorot(ks[7], (D_HID, 1))
    k2 = _glorot(ks[8], (D_HID, 1))
    b2 = jnp.zeros((D_HID,), jnp.float32)
    # final linear
    lin_w = _glorot(ks[9], (D_HID, D_OUT))
    lin_b = jnp.zeros((D_OUT,), jnp.float32)
    return {
        'x': x, 'edge_index': edge_index, 'edge_type': edge_type,
        'w1': w1, 'q1': q1, 'k1': k1, 'b1': b1,
        'w2': w2, 'q2': q2, 'k2': k2, 'b2': b2,
        'lin_w': lin_w, 'lin_b': lin_b,
    }


def _rgat(x, edge_index, edge_type, weight, q, k, bias):
    # PyG RGATConv, heads=1, dim=1, additive-self-attention, across-relation softmax
    src = edge_index[0]
    dst = edge_index[1]
    n = x.shape[0]
    # per-relation linear transform of all nodes (equivalent to per-edge bmm with weight[edge_type])
    xw = jnp.einsum('ni,rio->rno', x, weight)  # [R, N, out]
    out_i = xw[edge_type, dst]                 # [E, out] (target nodes)
    out_j = xw[edge_type, src]                 # [E, out] (source nodes)
    qi = out_i @ q                             # [E, 1]
    kj = out_j @ k                             # [E, 1]
    alpha = jax.nn.leaky_relu(qi + kj, 0.2)    # [E, 1]
    # softmax over incoming edges of each destination node
    amax = jax.ops.segment_max(alpha, dst, num_segments=n)
    amax = jnp.where(jnp.isfinite(amax), amax, 0.0)
    ea = jnp.exp(alpha - amax[dst])
    denom = jax.ops.segment_sum(ea, dst, num_segments=n)
    a = ea / (denom[dst] + 1e-16)              # [E, 1]
    msg = a * out_j                            # [E, out]
    out = jax.ops.segment_sum(msg, dst, num_segments=n)
    return out + bias


def reference(x, edge_index, edge_type, w1, q1, k1, b1, w2, q2, k2, b2, lin_w, lin_b):
    h = jax.nn.relu(_rgat(x, edge_index, edge_type, w1, q1, k1, b1))
    h = jax.nn.relu(_rgat(h, edge_index, edge_type, w2, q2, k2, b2))
    h = h @ lin_w + lin_b
    pooled = jnp.mean(h, axis=0, keepdims=True)  # global_mean_pool with batch=None
    return jax.nn.log_softmax(pooled, axis=-1)

if __name__ == "__main__":
    import jax
    _d = setup_inputs()
    print(jax.jit(kernel)(*tuple(_d.values())))

</pallas_src>

<mosaic_0001>
#map = affine_map<(d0, d1) -> (0, 0)>
#map1 = affine_map<(d0, d1) -> (0)>
#map2 = affine_map<(d0, d1) -> (0, 0, 0)>
module attributes {stable_mosaic.version = 14 : i64} {
  func.func @_edge_body(%arg0: i32, %arg1: i32, %arg2: memref<2x320000xi32, #tpu.memory_space<hbm>>, %arg3: memref<320000xi32, #tpu.memory_space<hbm>>, %arg4: memref<80000x128xf32, #tpu.memory_space<hbm>>, %arg5: memref<160000xf32, #tpu.memory_space<hbm>>, %arg6: memref<1x16xf32, #tpu.memory_space<hbm>>, %arg7: memref<10000x128xf32, #tpu.memory_space<hbm>>, %arg8: memref<10000xf32, #tpu.memory_space<hbm>>, %arg9: memref<2x10000x128xf32, #tpu.memory_space<hbm>>, %arg10: memref<32x10000xf32, #tpu.memory_space<hbm>>, %arg11: memref<128xi32, #tpu.memory_space<vmem>>, %arg12: memref<128xi32, #tpu.memory_space<vmem>>, %arg13: memref<128xi32, #tpu.memory_space<vmem>>, %arg14: memref<128xi32, #tpu.memory_space<vmem>>, %arg15: memref<128xi32, #tpu.memory_space<vmem>>, %arg16: memref<128xi32, #tpu.memory_space<vmem>>, %arg17: memref<128xi32, #tpu.memory_space<vmem>>, %arg18: memref<128xi32, #tpu.memory_space<vmem>>, %arg19: memref<128xi32, #tpu.memory_space<vmem>>, %arg20: memref<128xi32, #tpu.memory_space<vmem>>, %arg21: memref<128xi32, #tpu.memory_space<vmem>>, %arg22: memref<128xi32, #tpu.memory_space<vmem>>, %arg23: memref<128xi32, #tpu.memory_space<vmem>>, %arg24: memref<128xi32, #tpu.memory_space<vmem>>, %arg25: memref<128xf32, #tpu.memory_space<vmem>>, %arg26: memref<128xf32, #tpu.memory_space<vmem>>, %arg27: memref<128xf32, #tpu.memory_space<vmem>>, %arg28: memref<128xf32, #tpu.memory_space<vmem>>, %arg29: memref<128xf32, #tpu.memory_space<vmem>>, %arg30: memref<128x128xf32, #tpu.memory_space<vmem>>, %arg31: memref<128x128xf32, #tpu.memory_space<vmem>>, %arg32: memref<10000xf32, #tpu.memory_space<vmem>>, %arg33: memref<16xf32, #tpu.memory_space<vmem>>, %arg34: memref<10000x128xf32, #tpu.memory_space<vmem_shared>>, %arg35: memref<!tpu.dma_semaphore, #tpu.memory_space<semaphore_mem>>, %arg36: memref<!tpu.dma_semaphore, #tpu.memory_space<semaphore_mem>>, %arg37: memref<!tpu.dma_semaphore, #tpu.memory_space<semaphore_mem>>, %arg38: memref<!tpu.dma_semaphore, #tpu.memory_space<semaphore_mem>>, %arg39: memref<!tpu.dma_semaphore, #tpu.memory_space<semaphore_mem>>, %arg40: memref<!tpu.dma_semaphore, #tpu.memory_space<semaphore_mem>>) attributes {dimension_semantics = [#tpu.dimension_semantics<core_parallel>, #tpu.dimension_semantics<subcore_parallel>], iteration_bounds = array<i64: 2, 16>, scalar_prefetch = 0 : i64, scratch_operands = 30 : i64, tpu.core_type = #tpu.core_type<sc_vector_subcore>, window_params = [{transform_indices = #map}, {transform_indices = #map1}, {transform_indices = #map}, {transform_indices = #map1}, {transform_indices = #map}, {transform_indices = #map}, {transform_indices = #map1}, {transform_indices = #map2}, {transform_indices = #map}]} {
    %mul3A = arith.constant 2 : i32
    %mul3A_0 = arith.muli %arg1, %mul3A : i32
    %add3A = arith.addi %mul3A_0, %arg0 : i32
    %eq3A = arith.constant 0 : i32
    %eq3A_1 = arith.cmpi eq, %arg0, %eq3A : i32
    %mul3A_2 = arith.constant 80 : i32
    %mul3A_3 = arith.muli %arg1, %mul3A_2 : i32
    %mul3A_4 = arith.constant 80 : i32
    %mul3A_5 = arith.muli %arg1, %mul3A_4 : i32
    %add3A_6 = arith.constant 1280 : i32
    %add3A_7 = arith.addi %add3A_6, %mul3A_5 : i32
    %select_n3A = arith.select %eq3A_1, %mul3A_3, %add3A_7 : i32
    %eq3A_8 = arith.constant 0 : i32
    %eq3A_9 = arith.cmpi eq, %arg0, %eq3A_8 : i32
    %jit3A = arith.constant 80 : i32
    %jit3A_10 = arith.constant 80 : i32
    %select_n3A_11 = arith.select %eq3A_9, %jit3A, %jit3A_10 : i32
    %sub3A = arith.constant 2500 : i32
    %sub3A_12 = arith.subi %sub3A, %select_n3A : i32
    %min3A = arith.minsi %select_n3A_11, %sub3A_12 : i32
    %max3A = arith.constant 0 : i32
    %max3A_13 = arith.maxsi %max3A, %min3A : i32
    %jit3A_14 = arith.constant 2 : i32
    %div3A = arith.divsi %max3A_13, %jit3A_14 : i32
    %sign3A = arith.constant 0 : i32
    %sign3A_15 = arith.cmpi sgt, %max3A_13, %sign3A : i32
    %sign3A_16 = arith.extui %sign3A_15 : i1 to i32
    %sign3A_17 = arith.constant 0 : i32
    %sign3A_18 = arith.cmpi slt, %max3A_13, %sign3A_17 : i32
    %sign3A_19 = arith.extui %sign3A_18 : i1 to i32
    %sign3A_20 = arith.subi %sign3A_16, %sign3A_19 : i32
    %sign3A_21 = arith.constant 0 : i32
    %sign3A_22 = arith.cmpi sgt, %jit3A_14, %sign3A_21 : i32
    %sign3A_23 = arith.extui %sign3A_22 : i1 to i32
    %sign3A_24 = arith.constant 0 : i32
    %sign3A_25 = arith.cmpi slt, %jit3A_14, %sign3A_24 : i32
    %sign3A_26 = arith.extui %sign3A_25 : i1 to i32
    %sign3A_27 = arith.subi %sign3A_23, %sign3A_26 : i32
    %ne3A = arith.cmpi ne, %sign3A_20, %sign3A_27 : i32
    %rem3A = arith.remsi %max3A_13, %jit3A_14 : i32
    %ne3A_28 = arith.constant 0 : i32
    %ne3A_29 = arith.cmpi ne, %rem3A, %ne3A_28 : i32
    %and3A = arith.andi %ne3A, %ne3A_29 : i1
    %sub3A_30 = arith.constant 1 : i32
    %sub3A_31 = arith.subi %div3A, %sub3A_30 : i32
    %select_n3A_32 = arith.select %and3A, %sub3A_31, %div3A : i32
    %mul3A_33 = arith.constant 632 : i32
    %mul3A_34 = arith.muli %arg1, %mul3A_33 : i32
    %lt3A = arith.constant 15 : i32
    %lt3A_35 = arith.cmpi slt, %arg1, %lt3A : i32
    %convert_element_type3A = arith.extui %lt3A_35 : i1 to i32
    %cond3A = arith.constant 0 : i32
    %cond3A_36 = arith.cmpi ne, %convert_element_type3A, %cond3A : i32
    scf.if %cond3A_36 {
      "tpu.region"() ({
        %run_scoped3A_57 = tpu.sem_alloc : memref<!tpu.dma_semaphore, #tpu.memory_space<semaphore_mem>>
        %dma_start3A = arith.constant 0 : i32
        %dma_start3A_58 = tpu.memref_slice %arg34[%mul3A_34, %dma_start3A] : memref<10000x128xf32, #tpu.memory_space<vmem_shared>> -> memref<632x128xf32, #tpu.memory_space<vmem_shared>>
        %dma_start3A_59 = arith.constant 0 : i32
        %dma_start3A_60 = tpu.memref_slice %arg7[%mul3A_34, %dma_start3A_59] : memref<10000x128xf32, #tpu.memory_space<hbm>> -> memref<632x128xf32, #tpu.memory_space<hbm>>
        tpu.enqueue_dma source(%dma_start3A_60 : memref<632x128xf32, #tpu.memory_space<hbm>>) target(%dma_start3A_58 : memref<632x128xf32, #tpu.memory_space<vmem_shared>>) target_semaphore(%run_scoped3A_57 : memref<!tpu.dma_semaphore, #tpu.memory_space<semaphore_mem>>)
        %dma_wait3A = arith.constant 0 : i32
        %dma_wait3A_61 = tpu.memref_slice %arg34[%mul3A_34, %dma_wait3A] : memref<10000x128xf32, #tpu.memory_space<vmem_shared>> -> memref<632x128xf32, #tpu.memory_space<vmem_shared>>
        %dma_wait3A_62 = arith.constant 0 : i32
        %dma_wait3A_63 = tpu.memref_slice %arg7[%mul3A_34, %dma_wait3A_62] : memref<10000x128xf32, #tpu.memory_space<hbm>> -> memref<632x128xf32, #tpu.memory_space<hbm>>
        tpu.wait_dma2 semaphore(%run_scoped3A_57 : memref<!tpu.dma_semaphore, #tpu.memory_space<semaphore_mem>>) src(%dma_wait3A_63 : memref<632x128xf32, #tpu.memory_space<hbm>>) dst(%dma_wait3A_61 : memref<632x128xf32, #tpu.memory_space<vmem_shared>>)
        tpu.yield
      }) : () -> ()
    } else {
    }
    %eq3A_37 = arith.constant 15 : i32
    %eq3A_38 = arith.cmpi eq, %arg1, %eq3A_37 : i32
    %convert_element_type3A_39 = arith.extui %eq3A_38 : i1 to i32
    %cond3A_40 = arith.constant 0 : i32
    %cond3A_41 = arith.cmpi ne, %convert_element_type3A_39, %cond3A_40 : i32
    scf.if %cond3A_41 {
      "tpu.region"() ({
        %run_scoped3A_57 = tpu.sem_alloc : memref<!tpu.dma_semaphore, #tpu.memory_space<semaphore_mem>>
        %dma_start3A = arith.constant 9480 : i32
        %dma_start3A_58 = arith.constant 0 : i32
        %dma_start3A_59 = tpu.memref_slice %arg34[%dma_start3A, %dma_start3A_58] : memref<10000x128xf32, #tpu.memory_space<vmem_shared>> -> memref<520x128xf32, #tpu.memory_space<vmem_shared>>
        %dma_start3A_60 = arith.constant 9480 : i32
        %dma_start3A_61 = arith.constant 0 : i32
        %dma_start3A_62 = tpu.memref_slice %arg7[%dma_start3A_60, %dma_start3A_61] : memref<10000x128xf32, #tpu.memory_space<hbm>> -> memref<520x128xf32, #tpu.memory_space<hbm>>
        tpu.enqueue_dma source(%dma_start3A_62 : memref<520x128xf32, #tpu.memory_space<hbm>>) target(%dma_start3A_59 : memref<520x128xf32, #tpu.memory_space<vmem_shared>>) target_semaphore(%run_scoped3A_57 : memref<!tpu.dma_semaphore, #tpu.memory_space<semaphore_mem>>)
        %dma_wait3A = arith.constant 9480 : i32
        %dma_wait3A_63 = arith.constant 0 : i32
        %dma_wait3A_64 = tpu.memref_slice %arg34[%dma_wait3A, %dma_wait3A_63] : memref<10000x128xf32, #tpu.memory_space<vmem_shared>> -> memref<520x128xf32, #tpu.memory_space<vmem_shared>>
        %dma_wait3A_65 = arith.constant 9480 : i32
        %dma_wait3A_66 = arith.constant 0 : i32
        %dma_wait3A_67 = tpu.memref_slice %arg7[%dma_wait3A_65, %dma_wait3A_66] : memref<10000x128xf32, #tpu.memory_space<hbm>> -> memref<520x128xf32, #tpu.memory_space<hbm>>
        tpu.wait_dma2 semaphore(%run_scoped3A_57 : memref<!tpu.dma_semaphore, #tpu.memory_space<semaphore_mem>>) src(%dma_wait3A_67 : memref<520x128xf32, #tpu.memory_space<hbm>>) dst(%dma_wait3A_64 : memref<520x128xf32, #tpu.memory_space<vmem_shared>>)
        tpu.yield
      }) : () -> ()
    } else {
    }
    "tpu.region"() ({
      %run_scoped3A_57 = tpu.sem_alloc : memref<!tpu.dma_semaphore, #tpu.memory_space<semaphore_mem>>
      tpu.enqueue_dma source(%arg8 : memref<10000xf32, #tpu.memory_space<hbm>>) target(%arg32 : memref<10000xf32, #tpu.memory_space<vmem>>) target_semaphore(%run_scoped3A_57 : memref<!tpu.dma_semaphore, #tpu.memory_space<semaphore_mem>>)
      tpu.wait_dma2 semaphore(%run_scoped3A_57 : memref<!tpu.dma_semaphore, #tpu.memory_space<semaphore_mem>>) src(%arg8 : memref<10000xf32, #tpu.memory_space<hbm>>) dst(%arg32 : memref<10000xf32, #tpu.memory_space<vmem>>)
      tpu.yield
    }) : () -> ()
    %run_scoped3A = arith.constant 0 : i32
    "tpu.region"() ({
      %run_scoped3A_57 = tpu.sem_alloc : memref<!tpu.dma_semaphore, #tpu.memory_space<semaphore_mem>>
      %dma_start3A = arith.constant 0 : i32
      %dma_start3A_58 = tpu.memref_slice %arg6[%run_scoped3A, %dma_start3A] : memref<1x16xf32, #tpu.memory_space<hbm>> -> memref<1x16xf32, #tpu.memory_space<hbm>>
      %dma_start3A_59 = tpu.memref_squeeze %dma_start3A_58 : memref<1x16xf32, #tpu.memory_space<hbm>> -> memref<16xf32, #tpu.memory_space<hbm>>
      %dma_start3A_60 = arith.constant 0 : i32
      %dma_start3A_61 = tpu.memref_slice %arg6[%run_scoped3A, %dma_start3A_60] : memref<1x16xf32, #tpu.memory_space<hbm>> -> memref<1x16xf32, #tpu.memory_space<hbm>>
      %dma_start3A_62 = tpu.memref_squeeze %dma_start3A_61 : memref<1x16xf32, #tpu.memory_space<hbm>> -> memref<16xf32, #tpu.memory_space<hbm>>
      tpu.enqueue_dma source(%dma_start3A_62 : memref<16xf32, #tpu.memory_space<hbm>>) target(%arg33 : memref<16xf32, #tpu.memory_space<vmem>>) target_semaphore(%run_scoped3A_57 : memref<!tpu.dma_semaphore, #tpu.memory_space<semaphore_mem>>)
      %dma_wait3A = arith.constant 0 : i32
      %dma_wait3A_63 = tpu.memref_slice %arg6[%run_scoped3A, %dma_wait3A] : memref<1x16xf32, #tpu.memory_space<hbm>> -> memref<1x16xf32, #tpu.memory_space<hbm>>
      %dma_wait3A_64 = tpu.memref_squeeze %dma_wait3A_63 : memref<1x16xf32, #tpu.memory_space<hbm>> -> memref<16xf32, #tpu.memory_space<hbm>>
      %dma_wait3A_65 = arith.constant 0 : i32
      %dma_wait3A_66 = tpu.memref_slice %arg6[%run_scoped3A, %dma_wait3A_65] : memref<1x16xf32, #tpu.memory_space<hbm>> -> memref<1x16xf32, #tpu.memory_space<hbm>>
      %dma_wait3A_67 = tpu.memref_squeeze %dma_wait3A_66 : memref<1x16xf32, #tpu.memory_space<hbm>> -> memref<16xf32, #tpu.memory_space<hbm>>
      tpu.wait_dma2 semaphore(%run_scoped3A_57 : memref<!tpu.dma_semaphore, #tpu.memory_space<semaphore_mem>>) src(%dma_wait3A_67 : memref<16xf32, #tpu.memory_space<hbm>>) dst(%arg33 : memref<16xf32, #tpu.memory_space<vmem>>)
      tpu.yield
    }) : () -> ()
    %barrier3A = arith.constant 0 : index
    tpu.barrier barrier_id(%barrier3A)
    %gt3A = arith.constant 0 : i32
    %gt3A_42 = arith.cmpi sgt, %select_n3A_32, %gt3A : i32
    %convert_element_type3A_43 = arith.extui %gt3A_42 : i1 to i32
    %cond3A_44 = arith.constant 0 : i32
    %cond3A_45 = arith.cmpi ne, %convert_element_type3A_43, %cond3A_44 : i32
    scf.if %cond3A_45 {
      %add3A_57 = arith.constant 0 : i32
      %add3A_58 = arith.addi %select_n3A, %add3A_57 : i32
      %mul3A_59 = arith.constant 128 : i32
      %mul3A_60 = arith.muli %add3A_58, %mul3A_59 : i32
      %dma_start3A = arith.constant 0 : i32
      %dma_start3A_61 = tpu.memref_slice %arg2[%dma_start3A, %mul3A_60] : memref<2x320000xi32, #tpu.memory_space<hbm>> -> memref<1x128xi32, #tpu.memory_space<hbm>>
      %dma_start3A_62 = tpu.memref_squeeze %dma_start3A_61 : memref<1x128xi32, #tpu.memory_space<hbm>> -> memref<128xi32, #tpu.memory_space<hbm>>
      %dma_start3A_63 = tpu.memref_slice %arg2[%dma_start3A, %mul3A_60] : memref<2x320000xi32, #tpu.memory_space<hbm>> -> memref<1x128xi32, #tpu.memory_space<hbm>>
      %dma_start3A_64 = tpu.memref_squeeze %dma_start3A_63 : memref<1x128xi32, #tpu.memory_space<hbm>> -> memref<128xi32, #tpu.memory_space<hbm>>
      tpu.enqueue_dma source(%dma_start3A_64 : memref<128xi32, #tpu.memory_space<hbm>>) target(%arg11 : memref<128xi32, #tpu.memory_space<vmem>>) target_semaphore(%arg35 : memref<!tpu.dma_semaphore, #tpu.memory_space<semaphore_mem>>)
      %dma_start3A_65 = arith.constant 1 : i32
      %dma_start3A_66 = tpu.memref_slice %arg2[%dma_start3A_65, %mul3A_60] : memref<2x320000xi32, #tpu.memory_space<hbm>> -> memref<1x128xi32, #tpu.memory_space<hbm>>
      %dma_start3A_67 = tpu.memref_squeeze %dma_start3A_66 : memref<1x128xi32, #tpu.memory_space<hbm>> -> memref<128xi32, #tpu.memory_space<hbm>>
      %dma_start3A_68 = tpu.memref_slice %arg2[%dma_start3A_65, %mul3A_60] : memref<2x320000xi32, #tpu.memory_space<hbm>> -> memref<1x128xi32, #tpu.memory_space<hbm>>
      %dma_start3A_69 = tpu.memref_squeeze %dma_start3A_68 : memref<1x128xi32, #tpu.memory_space<hbm>> -> memref<128xi32, #tpu.memory_space<hbm>>
      tpu.enqueue_dma source(%dma_start3A_69 : memref<128xi32, #tpu.memory_space<hbm>>) target(%arg21 : memref<128xi32, #tpu.memory_space<vmem>>) target_semaphore(%arg35 : memref<!tpu.dma_semaphore, #tpu.memory_space<semaphore_mem>>)
      %dma_start3A_70 = tpu.memref_slice %arg3[%mul3A_60] : memref<320000xi32, #tpu.memory_space<hbm>> -> memref<128xi32, #tpu.memory_space<hbm>>
      %dma_start3A_71 = tpu.memref_slice %arg3[%mul3A_60] : memref<320000xi32, #tpu.memory_space<hbm>> -> memref<128xi32, #tpu.memory_space<hbm>>
      tpu.enqueue_dma source(%dma_start3A_71 : memref<128xi32, #tpu.memory_space<hbm>>) target(%arg13 : memref<128xi32, #tpu.memory_space<vmem>>) target_semaphore(%arg35 : memref<!tpu.dma_semaphore, #tpu.memory_space<semaphore_mem>>)
      %add3A_72 = arith.constant 0 : i32
      %add3A_73 = arith.addi %select_n3A, %add3A_72 : i32
      %mul3A_74 = arith.constant 128 : i32
      %mul3A_75 = arith.muli %add3A_73, %mul3A_74 : i32
      %dma_wait3A = arith.constant 0 : i32
      %dma_wait3A_76 = tpu.memref_slice %arg2[%dma_wait3A, %mul3A_75] : memref<2x320000xi32, #tpu.memory_space<hbm>> -> memref<1x128xi32, #tpu.memory_space<hbm>>
      %dma_wait3A_77 = tpu.memref_squeeze %dma_wait3A_76 : memref<1x128xi32, #tpu.memory_space<hbm>> -> memref<128xi32, #tpu.memory_space<hbm>>
      %dma_wait3A_78 = tpu.memref_slice %arg2[%dma_wait3A, %mul3A_75] : memref<2x320000xi32, #tpu.memory_space<hbm>> -> memref<1x128xi32, #tpu.memory_space<hbm>>
      %dma_wait3A_79 = tpu.memref_squeeze %dma_wait3A_78 : memref<1x128xi32, #tpu.memory_space<hbm>> -> memref<128xi32, #tpu.memory_space<hbm>>
      tpu.wait_dma2 semaphore(%arg35 : memref<!tpu.dma_semaphore, #tpu.memory_space<semaphore_mem>>) src(%dma_wait3A_79 : memref<128xi32, #tpu.memory_space<hbm>>) dst(%arg11 : memref<128xi32, #tpu.memory_space<vmem>>)
      %dma_wait3A_80 = arith.constant 1 : i32
      %dma_wait3A_81 = tpu.memref_slice %arg2[%dma_wait3A_80, %mul3A_75] : memref<2x320000xi32, #tpu.memory_space<hbm>> -> memref<1x128xi32, #tpu.memory_space<hbm>>
      %dma_wait3A_82 = tpu.memref_squeeze %dma_wait3A_81 : memref<1x128xi32, #tpu.memory_space<hbm>> -> memref<128xi32, #tpu.memory_space<hbm>>
      %dma_wait3A_83 = tpu.memref_slice %arg2[%dma_wait3A_80, %mul3A_75] : memref<2x320000xi32, #tpu.memory_space<hbm>> -> memref<1x128xi32, #tpu.memory_space<hbm>>
      %dma_wait3A_84 = tpu.memref_squeeze %dma_wait3A_83 : memref<1x128xi32, #tpu.memory_space<hbm>> -> memref<128xi32, #tpu.memory_space<hbm>>
      tpu.wait_dma2 semaphore(%arg35 : memref<!tpu.dma_semaphore, #tpu.memory_space<semaphore_mem>>) src(%dma_wait3A_84 : memref<128xi32, #tpu.memory_space<hbm>>) dst(%arg21 : memref<128xi32, #tpu.memory_space<vmem>>)
      %dma_wait3A_85 = tpu.memref_slice %arg3[%mul3A_75] : memref<320000xi32, #tpu.memory_space<hbm>> -> memref<128xi32, #tpu.memory_space<hbm>>
      %dma_wait3A_86 = tpu.memref_slice %arg3[%mul3A_75] : memref<320000xi32, #tpu.memory_space<hbm>> -> memref<128xi32, #tpu.memory_space<hbm>>
      tpu.wait_dma2 semaphore(%arg35 : memref<!tpu.dma_semaphore, #tpu.memory_space<semaphore_mem>>) src(%dma_wait3A_86 : memref<128xi32, #tpu.memory_space<hbm>>) dst(%arg13 : memref<128xi32, #tpu.memory_space<vmem>>)
      %get3A = arith.constant 0 : index
      %get3A_87 = tpu.vector_load %arg13[%get3A] {strides = array<i32>} : memref<128xi32, #tpu.memory_space<vmem>>, vector<16xi32>,
      %get3A_88 = arith.constant 0 : index
      %get3A_89 = tpu.vector_load %arg21[%get3A_88] {strides = array<i32>} : memref<128xi32, #tpu.memory_space<vmem>>, vector<16xi32>,
      %mul3A_90 = arith.constant 16 : i32
      %mul3A_91 = vector.broadcast %mul3A_90 : i32 to vector<16xi32>
      %mul3A_92 = arith.muli %get3A_89, %mul3A_91 : vector<16xi32>
      %add3A_93 = arith.addi %mul3A_92, %get3A_87 : vector<16xi32>
      %swap3A = arith.constant 0 : index
      %swap3A_94 = tpu.vector_load %arg15[%swap3A] {strides = array<i32>} : memref<128xi32, #tpu.memory_space<vmem>>, vector<16xi32>,
      tpu.vector_store %arg15[%swap3A], %add3A_93 {strides = array<i32>} : memref<128xi32, #tpu.memory_space<vmem>>, vector<16xi32>,
      %get3A_95 = arith.constant 0 : index
      %get3A_96 = tpu.vector_load %arg11[%get3A_95] {strides = array<i32>} : memref<128xi32, #tpu.memory_space<vmem>>, vector<16xi32>,
      %mul3A_97 = arith.constant 16 : i32
      %mul3A_98 = vector.broadcast %mul3A_97 : i32 to vector<16xi32>
      %mul3A_99 = arith.muli %get3A_96, %mul3A_98 : vector<16xi32>
      %add3A_100 = arith.constant 8 : i32
      %add3A_101 = vector.broadcast %add3A_100 : i32 to vector<16xi32>
      %add3A_102 = arith.addi %get3A_87, %add3A_101 : vector<16xi32>
      %add3A_103 = arith.addi %mul3A_99, %add3A_102 : vector<16xi32>
      %swap3A_104 = arith.constant 0 : index
      %swap3A_105 = tpu.vector_load %arg17[%swap3A_104] {strides = array<i32>} : memref<128xi32, #tpu.memory_space<vmem>>, vector<16xi32>,
      tpu.vector_store %arg17[%swap3A_104], %add3A_103 {strides = array<i32>} : memref<128xi32, #tpu.memory_space<vmem>>, vector<16xi32>,
      %mul3A_106 = arith.constant 10000 : i32
      %mul3A_107 = vector.broadcast %mul3A_106 : i32 to vector<16xi32>
      %mul3A_108 = arith.muli %get3A_87, %mul3A_107 : vector<16xi32>
      %get3A_109 = arith.constant 0 : index
      %get3A_110 = tpu.vector_load %arg11[%get3A_109] {strides = array<i32>} : memref<128xi32, #tpu.memory_space<vmem>>, vector<16xi32>,
      %add3A_111 = arith.addi %mul3A_108, %get3A_110 : vector<16xi32>
      %swap3A_112 = arith.constant 0 : index
      %swap3A_113 = tpu.vector_load %arg19[%swap3A_112] {strides = array<i32>} : memref<128xi32, #tpu.memory_space<vmem>>, vector<16xi32>,
      tpu.vector_store %arg19[%swap3A_112], %add3A_111 {strides = array<i32>} : memref<128xi32, #tpu.memory_space<vmem>>, vector<16xi32>,
      %get3A_114 = arith.constant 16 : index
      %get3A_115 = tpu.vector_load %arg13[%get3A_114] {strides = array<i32>} : memref<128xi32, #tpu.memory_space<vmem>>, vector<16xi32>,
      %get3A_116 = arith.constant 16 : index
      %get3A_117 = tpu.vector_load %arg21[%get3A_116] {strides = array<i32>} : memref<128xi32, #tpu.memory_space<vmem>>, vector<16xi32>,
      %mul3A_118 = arith.constant 16 : i32
      %mul3A_119 = vector.broadcast %mul3A_118 : i32 to vector<16xi32>
      %mul3A_120 = arith.muli %get3A_117, %mul3A_119 : vector<16xi32>
      %add3A_121 = arith.addi %mul3A_120, %get3A_115 : vector<16xi32>
      %swap3A_122 = arith.constant 16 : index
      %swap3A_123 = tpu.vector_load %arg15[%swap3A_122] {strides = array<i32>} : memref<128xi32, #tpu.memory_space<vmem>>, vector<16xi32>,
      tpu.vector_store %arg15[%swap3A_122], %add3A_121 {strides = array<i32>} : memref<128xi32, #tpu.memory_space<vmem>>, vector<16xi32>,
      %get3A_124 = arith.constant 16 : index
      %get3A_125 = tpu.vector_load %arg11[%get3A_124] {strides = array<i32>} : memref<128xi32, #tpu.memory_space<vmem>>, vector<16xi32>,
      %mul3A_126 = arith.constant 16 : i32
      %mul3A_127 = vector.broadcast %mul3A_126 : i32 to vector<16xi32>
      %mul3A_128 = arith.muli %get3A_125, %mul3A_127 : vector<16xi32>
      %add3A_129 = arith.constant 8 : i32
      %add3A_130 = vector.broadcast %add3A_129 : i32 to vector<16xi32>
      %add3A_131 = arith.addi %get3A_115, %add3A_130 : vector<16xi32>
      %add3A_132 = arith.addi %mul3A_128, %add3A_131 : vector<16xi32>
      %swap3A_133 = arith.constant 16 : index
      %swap3A_134 = tpu.vector_load %arg17[%swap3A_133] {strides = array<i32>} : memref<128xi32, #tpu.memory_space<vmem>>, vector<16xi32>,
      tpu.vector_store %arg17[%swap3A_133], %add3A_132 {strides = array<i32>} : memref<128xi32, #tpu.memory_space<vmem>>, vector<16xi32>,
      %mul3A_135 = arith.constant 10000 : i32
      %mul3A_136 = vector.broadcast %mul3A_135 : i32 to vector<16xi32>
      %mul3A_137 = arith.muli %get3A_115, %mul3A_136 : vector<16xi32>
      %get3A_138 = arith.constant 16 : index
      %get3A_139 = tpu.vector_load %arg11[%get3A_138] {strides = array<i32>} : memref<128xi32, #tpu.memory_space<vmem>>, vector<16xi32>,
      %add3A_140 = arith.addi %mul3A_137, %get3A_139 : vector<16xi32>
      %swap3A_141 = arith.constant 16 : index
      %swap3A_142 = tpu.vector_load %arg19[%swap3A_141] {strides = array<i32>} : memref<128xi32, #tpu.memory_space<vmem>>, vector<16xi32>,
      tpu.vector_store %arg19[%swap3A_141], %add3A_140 {strides = array<i32>} : memref<128xi32, #tpu.memory_space<vmem>>, vector<16xi32>,
      %get3A_143 = arith.constant 32 : index
      %get3A_144 = tpu.vector_load %arg13[%get3A_143] {strides = array<i32>} : memref<128xi32, #tpu.memory_space<vmem>>, vector<16xi32>,
      %get3A_145 = arith.constant 32 : index
      %get3A_146 = tpu.vector_load %arg21[%get3A_145] {strides = array<i32>} : memref<128xi32, #tpu.memory_space<vmem>>, vector<16xi32>,
      %mul3A_147 = arith.constant 16 : i32
      %mul3A_148 = vector.broadcast %mul3A_147 : i32 to vector<16xi32>
      %mul3A_149 = arith.muli %get3A_146, %mul3A_148 : vector<16xi32>
      %add3A_150 = arith.addi %mul3A_149, %get3A_144 : vector<16xi32>
      %swap3A_151 = arith.constant 32 : index
      %swap3A_152 = tpu.vector_load %arg15[%swap3A_151] {strides = array<i32>} : memref<128xi32, #tpu.memory_space<vmem>>, vector<16xi32>,
      tpu.vector_store %arg15[%swap3A_151], %add3A_150 {strides = array<i32>} : memref<128xi32, #tpu.memory_space<vmem>>, vector<16xi32>,
      %get3A_153 = arith.constant 32 : index
      %get3A_154 = tpu.vector_load %arg11[%get3A_153] {strides = array<i32>} : memref<128xi32, #tpu.memory_space<vmem>>, vector<16xi32>,
      %mul3A_155 = arith.constant 16 : i32
      %mul3A_156 = vector.broadcast %mul3A_155 : i32 to vector<16xi32>
      %mul3A_157 = arith.muli %get3A_154, %mul3A_156 : vector<16xi32>
      %add3A_158 = arith.constant 8 : i32
      %add3A_159 = vector.broadcast %add3A_158 : i32 to vector<16xi32>
      %add3A_160 = arith.addi %get3A_144, %add3A_159 : vector<16xi32>
      %add3A_161 = arith.addi %mul3A_157, %add3A_160 : vector<16xi32>
      %swap3A_162 = arith.constant 32 : index
      %swap3A_163 = tpu.vector_load %arg17[%swap3A_162] {strides = array<i32>} : memref<128xi32, #tpu.memory_space<vmem>>, vector<16xi32>,
      tpu.vector_store %arg17[%swap3A_162], %add3A_161 {strides = array<i32>} : memref<128xi32, #tpu.memory_space<vmem>>, vector<16xi32>,
      %mul3A_164 = arith.constant 10000 : i32
      %mul3A_165 = vector.broadcast %mul3A_164 : i32 to vector<16xi32>
      %mul3A_166 = arith.muli %get3A_144, %mul3A_165 : vector<16xi32>
      %get3A_167 = arith.constant 32 : index
      %get3A_168 = tpu.vector_load %arg11[%get3A_167] {strides = array<i32>} : memref<128xi32, #tpu.memory_space<vmem>>, vector<16xi32>,
      %add3A_169 = arith.addi %mul3A_166, %get3A_168 : vector<16xi32>
      %swap3A_170 = arith.constant 32 : index
      %swap3A_171 = tpu.vector_load %arg19[%swap3A_170] {strides = array<i32>} : memref<128xi32, #tpu.memory_space<vmem>>, vector<16xi32>,
      tpu.vector_store %arg19[%swap3A_170], %add3A_169 {strides = array<i32>} : memref<128xi32, #tpu.memory_space<vmem>>, vector<16xi32>,
      %get3A_172 = arith.constant 48 : index
      %get3A_173 = tpu.vector_load %arg13[%get3A_172] {strides = array<i32>} : memref<128xi32, #tpu.memory_space<vmem>>, vector<16xi32>,
      %get3A_174 = arith.constant 48 : index
      %get3A_175 = tpu.vector_load %arg21[%get3A_174] {strides = array<i32>} : memref<128xi32, #tpu.memory_space<vmem>>, vector<16xi32>,
      %mul3A_176 = arith.constant 16 : i32
      %mul3A_177 = vector.broadcast %mul3A_176 : i32 to vector<16xi32>
      %mul3A_178 = arith.muli %get3A_175, %mul3A_177 : vector<16xi32>
      %add3A_179 = arith.addi %mul3A_178, %get3A_173 : vector<16xi32>
      %swap3A_180 = arith.constant 48 : index
      %swap3A_181 = tpu.vector_load %arg15[%swap3A_180] {strides = array<i32>} : memref<128xi32, #tpu.memory_space<vmem>>, vector<16xi32>,
      tpu.vector_store %arg15[%swap3A_180], %add3A_179 {strides = array<i32>} : memref<128xi32, #tpu.memory_space<vmem>>, vector<16xi32>,
      %get3A_182 = arith.constant 48 : index
      %get3A_183 = tpu.vector_load %arg11[%get3A_182] {strides = array<i32>} : memref<128xi32, #tpu.memory_space<vmem>>, vector<16xi32>,
      %mul3A_184 = arith.constant 16 : i32
      %mul3A_185 = vector.broadcast %mul3A_184 : i32 to vector<16xi32>
      %mul3A_186 = arith.muli %get3A_183, %mul3A_185 : vector<16xi32>
      %add3A_187 = arith.constant 8 : i32
      %add3A_188 = vector.broadcast %add3A_187 : i32 to vector<16xi32>
      %add3A_189 = arith.addi %get3A_173, %add3A_188 : vector<16xi32>
      %add3A_190 = arith.addi %mul3A_186, %add3A_189 : vector<16xi32>
      %swap3A_191 = arith.constant 48 : index
      %swap3A_192 = tpu.vector_load %arg17[%swap3A_191] {strides = array<i32>} : memref<128xi32, #tpu.memory_space<vmem>>, vector<16xi32>,
      tpu.vector_store %arg17[%swap3A_191], %add3A_190 {strides = array<i32>} : memref<128xi32, #tpu.memory_space<vmem>>, vector<16xi32>,
      %mul3A_193 = arith.constant 10000 : i32
      %mul3A_194 = vector.broadcast %mul3A_193 : i32 to vector<16xi32>
      %mul3A_195 = arith.muli %get3A_173, %mul3A_194 : vector<16xi32>
      %get3A_196 = arith.constant 48 : index
      %get3A_197 = tpu.vector_load %arg11[%get3A_196] {strides = array<i32>} : memref<128xi32, #tpu.memory_space<vmem>>, vector<16xi32>,
      %add3A_198 = arith.addi %mul3A_195, %get3A_197 : vector<16xi32>
      %swap3A_199 = arith.constant 48 : index
      %swap3A_200 = tpu.vector_load %arg19[%swap3A_199] {strides = array<i32>} : memref<128xi32, #tpu.memory_space<vmem>>, vector<16xi32>,
      tpu.vector_store %arg19[%swap3A_199], %add3A_198 {strides = array<i32>} : memref<128xi32, #tpu.memory_space<vmem>>, vector<16xi32>,
      %get3A_201 = arith.constant 64 : index
      %get3A_202 = tpu.vector_load %arg13[%get3A_201] {strides = array<i32>} : memref<128xi32, #tpu.memory_space<vmem>>, vector<16xi32>,
      %get3A_203 = arith.constant 64 : index
      %get3A_204 = tpu.vector_load %arg21[%get3A_203] {strides = array<i32>} : memref<128xi32, #tpu.memory_space<vmem>>, vector<16xi32>,
      %mul3A_205 = arith.constant 16 : i32
      %mul3A_206 = vector.broadcast %mul3A_205 : i32 to vector<16xi32>
      %mul3A_207 = arith.muli %get3A_204, %mul3A_206 : vector<16xi32>
      %add3A_208 = arith.addi %mul3A_207, %get3A_202 : vector<16xi32>
      %swap3A_209 = arith.constant 64 : index
      %swap3A_210 = tpu.vector_load %arg15[%swap3A_209] {strides = array<i32>} : memref<128xi32, #tpu.memory_space<vmem>>, vector<16xi32>,
      tpu.vector_store %arg15[%swap3A_209], %add3A_208 {strides = array<i32>} : memref<128xi32, #tpu.memory_space<vmem>>, vector<16xi32>,
      %get3A_211 = arith.constant 64 : index
      %get3A_212 = tpu.vector_load %arg11[%get3A_211] {strides = array<i32>} : memref<128xi32, #tpu.memory_space<vmem>>, vector<16xi32>,
      %mul3A_213 = arith.constant 16 : i32
      %mul3A_214 = vector.broadcast %mul3A_213 : i32 to vector<16xi32>
      %mul3A_215 = arith.muli %get3A_212, %mul3A_214 : vector<16xi32>
      %add3A_216 = arith.constant 8 : i32
      %add3A_217 = vector.broadcast %add3A_216 : i32 to vector<16xi32>
      %add3A_218 = arith.addi %get3A_202, %add3A_217 : vector<16xi32>
      %add3A_219 = arith.addi %mul3A_215, %add3A_218 : vector<16xi32>
      %swap3A_220 = arith.constant 64 : index
      %swap3A_221 = tpu.vector_load %arg17[%swap3A_220] {strides = array<i32>} : memref<128xi32, #tpu.memory_space<vmem>>, vector<16xi32>,
      tpu.vector_store %arg17[%swap3A_220], %add3A_219 {strides = array<i32>} : memref<128xi32, #tpu.memory_space<vmem>>, vector<16xi32>,
      %mul3A_222 = arith.constant 10000 : i32
      %mul3A_223 = vector.broadcast %mul3A_222 : i32 to vector<16xi32>
      %mul3A_224 = arith.muli %get3A_202, %mul3A_223 : vector<16xi32>
      %get3A_225 = arith.constant 64 : index
      %get3A_226 = tpu.vector_load %arg11[%get3A_225] {strides = array<i32>} : memref<128xi32, #tpu.memory_space<vmem>>, vector<16xi32>,
      %add3A_227 = arith.addi %mul3A_224, %get3A_226 : vector<16xi32>
      %swap3A_228 = arith.constant 64 : index
      %swap3A_229 = tpu.vector_load %arg19[%swap3A_228] {strides = array<i32>} : memref<128xi32, #tpu.memory_space<vmem>>, vector<16xi32>,
      tpu.vector_store %arg19[%swap3A_228], %add3A_227 {strides = array<i32>} : memref<128xi32, #tpu.memory_space<vmem>>, vector<16xi32>,
      %get3A_230 = arith.constant 80 : index
      %get3A_231 = tpu.vector_load %arg13[%get3A_230] {strides = array<i32>} : memref<128xi32, #tpu.memory_space<vmem>>, vector<16xi32>,
      %get3A_232 = arith.constant 80 : index
      %get3A_233 = tpu.vector_load %arg21[%get3A_232] {strides = array<i32>} : memref<128xi32, #tpu.memory_space<vmem>>, vector<16xi32>,
      %mul3A_234 = arith.constant 16 : i32
      %mul3A_235 = vector.broadcast %mul3A_234 : i32 to vector<16xi32>
      %mul3A_236 = arith.muli %get3A_233, %mul3A_235 : vector<16xi32>
      %add3A_237 = arith.addi %mul3A_236, %get3A_231 : vector<16xi32>
      %swap3A_238 = arith.constant 80 : index
      %swap3A_239 = tpu.vector_load %arg15[%swap3A_238] {strides = array<i32>} : memref<128xi32, #tpu.memory_space<vmem>>, vector<16xi32>,
      tpu.vector_store %arg15[%swap3A_238], %add3A_237 {strides = array<i32>} : memref<128xi32, #tpu.memory_space<vmem>>, vector<16xi32>,
      %get3A_240 = arith.constant 80 : index
      %get3A_241 = tpu.vector_load %arg11[%get3A_240] {strides = array<i32>} : memref<128xi32, #tpu.memory_space<vmem>>, vector<16xi32>,
      %mul3A_242 = arith.constant 16 : i32
      %mul3A_243 = vector.broadcast %mul3A_242 : i32 to vector<16xi32>
      %mul3A_244 = arith.muli %get3A_241, %mul3A_243 : vector<16xi32>
      %add3A_245 = arith.constant 8 : i32
      %add3A_246 = vector.broadcast %add3A_245 : i32 to vector<16xi32>
      %add3A_247 = arith.addi %get3A_231, %add3A_246 : vector<16xi32>
      %add3A_248 = arith.addi %mul3A_244, %add3A_247 : vector<16xi32>
      %swap3A_249 = arith.constant 80 : index
      %swap3A_250 = tpu.vector_load %arg17[%swap3A_249] {strides = array<i32>} : memref<128xi32, #tpu.memory_space<vmem>>, vector<16xi32>,
      tpu.vector_store %arg17[%swap3A_249], %add3A_248 {strides = array<i32>} : memref<128xi32, #tpu.memory_space<vmem>>, vector<16xi32>,
      %mul3A_251 = arith.constant 10000 : i32
      %mul3A_252 = vector.broadcast %mul3A_251 : i32 to vector<16xi32>
      %mul3A_253 = arith.muli %get3A_231, %mul3A_252 : vector<16xi32>
      %get3A_254 = arith.constant 80 : index
      %get3A_255 = tpu.vector_load %arg11[%get3A_254] {strides = array<i32>} : memref<128xi32, #tpu.memory_space<vmem>>, vector<16xi32>,
      %add3A_256 = arith.addi %mul3A_253, %get3A_255 : vector<16xi32>
      %swap3A_257 = arith.constant 80 : index
      %swap3A_258 = tpu.vector_load %arg19[%swap3A_257] {strides = array<i32>} : memref<128xi32, #tpu.memory_space<vmem>>, vector<16xi32>,
      tpu.vector_store %arg19[%swap3A_257], %add3A_256 {strides = array<i32>} : memref<128xi32, #tpu.memory_space<vmem>>, vector<16xi32>,
      %get3A_259 = arith.constant 96 : index
      %get3A_260 = tpu.vector_load %arg13[%get3A_259] {strides = array<i32>} : memref<128xi32, #tpu.memory_space<vmem>>, vector<16xi32>,
      %get3A_261 = arith.constant 96 : index
      %get3A_262 = tpu.vector_load %arg21[%get3A_261] {strides = array<i32>} : memref<128xi32, #tpu.memory_space<vmem>>, vector<16xi32>,
      %mul3A_263 = arith.constant 16 : i32
      %mul3A_264 = vector.broadcast %mul3A_263 : i32 to vector<16xi32>
      %mul3A_265 = arith.muli %get3A_262, %mul3A_264 : vector<16xi32>
      %add3A_266 = arith.addi %mul3A_265, %get3A_260 : vector<16xi32>
      %swap3A_267 = arith.constant 96 : index
      %swap3A_268 = tpu.vector_load %arg15[%swap3A_267] {strides = array<i32>} : memref<128xi32, #tpu.memory_space<vmem>>, vector<16xi32>,
      tpu.vector_store %arg15[%swap3A_267], %add3A_266 {strides = array<i32>} : memref<128xi32, #tpu.memory_space<vmem>>, vector<16xi32>,
      %get3A_269 = arith.constant 96 : index
      %get3A_270 = tpu.vector_load %arg11[%get3A_269] {strides = array<i32>} : memref<128xi32, #tpu.memory_space<vmem>>, vector<16xi32>,
      %mul3A_271 = arith.constant 16 : i32
      %mul3A_272 = vector.broadcast %mul3A_271 : i32 to vector<16xi32>
      %mul3A_273 = arith.muli %get3A_270, %mul3A_272 : vector<16xi32>
      %add3A_274 = arith.constant 8 : i32
      %add3A_275 = vector.broadcast %add3A_274 : i32 to vector<16xi32>
      %add3A_276 = arith.addi %get3A_260, %add3A_275 : vector<16xi32>
      %add3A_277 = arith.addi %mul3A_273, %add3A_276 : vector<16xi32>
      %swap3A_278 = arith.constant 96 : index
      %swap3A_279 = tpu.vector_load %arg17[%swap3A_278] {strides = array<i32>} : memref<128xi32, #tpu.memory_space<vmem>>, vector<16xi32>,
      tpu.vector_store %arg17[%swap3A_278], %add3A_277 {strides = array<i32>} : memref<128xi32, #tpu.memory_space<vmem>>, vector<16xi32>,
      %mul3A_280 = arith.constant 10000 : i32
      %mul3A_281 = vector.broadcast %mul3A_280 : i32 to vector<16xi32>
      %mul3A_282 = arith.muli %get3A_260, %mul3A_281 : vector<16xi32>
      %get3A_283 = arith.constant 96 : index
      %get3A_284 = tpu.vector_load %arg11[%get3A_283] {strides = array<i32>} : memref<128xi32, #tpu.memory_space<vmem>>, vector<16xi32>,
      %add3A_285 = arith.addi %mul3A_282, %get3A_284 : vector<16xi32>
      %swap3A_286 = arith.constant 96 : index
      %swap3A_287 = tpu.vector_load %arg19[%swap3A_286] {strides = array<i32>} : memref<128xi32, #tpu.memory_space<vmem>>, vector<16xi32>,
      tpu.vector_store %arg19[%swap3A_286], %add3A_285 {strides = array<i32>} : memref<128xi32, #tpu.memory_space<vmem>>, vector<16xi32>,
      %get3A_288 = arith.constant 112 : index
      %get3A_289 = tpu.vector_load %arg13[%get3A_288] {strides = array<i32>} : memref<128xi32, #tpu.memory_space<vmem>>, vector<16xi32>,
      %get3A_290 = arith.constant 112 : index
      %get3A_291 = tpu.vector_load %arg21[%get3A_290] {strides = array<i32>} : memref<128xi32, #tpu.memory_space<vmem>>, vector<16xi32>,
      %mul3A_292 = arith.constant 16 : i32
      %mul3A_293 = vector.broadcast %mul3A_292 : i32 to vector<16xi32>
      %mul3A_294 = arith.muli %get3A_291, %mul3A_293 : vector<16xi32>
      %add3A_295 = arith.addi %mul3A_294, %get3A_289 : vector<16xi32>
      %swap3A_296 = arith.constant 112 : index
      %swap3A_297 = tpu.vector_load %arg15[%swap3A_296] {strides = array<i32>} : memref<128xi32, #tpu.memory_space<vmem>>, vector<16xi32>,
      tpu.vector_store %arg15[%swap3A_296], %add3A_295 {strides = array<i32>} : memref<128xi32, #tpu.memory_space<vmem>>, vector<16xi32>,
      %get3A_298 = arith.constant 112 : index
      %get3A_299 = tpu.vector_load %arg11[%get3A_298] {strides = array<i32>} : memref<128xi32, #tpu.memory_space<vmem>>, vector<16xi32>,
      %mul3A_300 = arith.constant 16 : i32
      %mul3A_301 = vector.broadcast %mul3A_300 : i32 to vector<16xi32>
      %mul3A_302 = arith.muli %get3A_299, %mul3A_301 : vector<16xi32>
      %add3A_303 = arith.constant 8 : i32
      %add3A_304 = vector.broadcast %add3A_303 : i32 to vector<16xi32>
      %add3A_305 = arith.addi %get3A_289, %add3A_304 : vector<16xi32>
      %add3A_306 = arith.addi %mul3A_302, %add3A_305 : vector<16xi32>
      %swap3A_307 = arith.constant 112 : index
      %swap3A_308 = tpu.vector_load %arg17[%swap3A_307] {strides = array<i32>} : memref<128xi32, #tpu.memory_space<vmem>>, vector<16xi32>,
      tpu.vector_store %arg17[%swap3A_307], %add3A_306 {strides = array<i32>} : memref<128xi32, #tpu.memory_space<vmem>>, vector<16xi32>,
      %mul3A_309 = arith.constant 10000 : i32
      %mul3A_310 = vector.broadcast %mul3A_309 : i32 to vector<16xi32>
      %mul3A_311 = arith.muli %get3A_289, %mul3A_310 : vector<16xi32>
      %get3A_312 = arith.constant 112 : index
      %get3A_313 = tpu.vector_load %arg11[%get3A_312] {strides = array<i32>} : memref<128xi32, #tpu.memory_space<vmem>>, vector<16xi32>,
      %add3A_314 = arith.addi %mul3A_311, %get3A_313 : vector<16xi32>
      %swap3A_315 = arith.constant 112 : index
      %swap3A_316 = tpu.vector_load %arg19[%swap3A_315] {strides = array<i32>} : memref<128xi32, #tpu.memory_space<vmem>>, vector<16xi32>,
      tpu.vector_store %arg19[%swap3A_315], %add3A_314 {strides = array<i32>} : memref<128xi32, #tpu.memory_space<vmem>>, vector<16xi32>,
      %dma_start3A_317 = arith.constant 0 : i32
      %dma_start3A_318 = tpu.memref_slice %arg5[%dma_start3A_317] : memref<160000xf32, #tpu.memory_space<hbm>> -> memref<160000xf32, #tpu.memory_space<hbm>>
      tpu.enqueue_indirect_dma source(%dma_start3A_318 : memref<160000xf32, #tpu.memory_space<hbm>>) target(%arg25 : memref<128xf32, #tpu.memory_space<vmem>>) offsets(%arg15 : memref<128xi32, #tpu.memory_space<vmem>>) semaphore(%arg37 : memref<!tpu.dma_semaphore, #tpu.memory_space<semaphore_mem>>)
      %dma_start3A_319 = arith.constant 0 : i32
      %dma_start3A_320 = tpu.memref_slice %arg5[%dma_start3A_319] : memref<160000xf32, #tpu.memory_space<hbm>> -> memref<160000xf32, #tpu.memory_space<hbm>>
      tpu.enqueue_indirect_dma source(%dma_start3A_320 : memref<160000xf32, #tpu.memory_space<hbm>>) target(%arg27 : memref<128xf32, #tpu.memory_space<vmem>>) offsets(%arg17 : memref<128xi32, #tpu.memory_space<vmem>>) semaphore(%arg37 : memref<!tpu.dma_semaphore, #tpu.memory_space<semaphore_mem>>)
      %dma_start3A_321 = arith.constant 0 : i32
      %dma_start3A_322 = arith.constant 0 : i32
      %dma_start3A_323 = tpu.memref_slice %arg4[%dma_start3A_321, %dma_start3A_322] : memref<80000x128xf32, #tpu.memory_space<hbm>> -> memref<80000x128xf32, #tpu.memory_space<hbm>>
      tpu.enqueue_indirect_dma source(%dma_start3A_323 : memref<80000x128xf32, #tpu.memory_space<hbm>>) target(%arg30 : memref<128x128xf32, #tpu.memory_space<vmem>>) offsets(%arg19 : memref<128xi32, #tpu.memory_space<vmem>>) semaphore(%arg37 : memref<!tpu.dma_semaphore, #tpu.memory_space<semaphore_mem>>)
      %add3A_324 = arith.constant 1 : i32
      %add3A_325 = arith.addi %select_n3A, %add3A_324 : i32
      %mul3A_326 = arith.constant 128 : i32
      %mul3A_327 = arith.muli %add3A_325, %mul3A_326 : i32
      %dma_start3A_328 = arith.constant 0 : i32
      %dma_start3A_329 = tpu.memref_slice %arg2[%dma_start3A_328, %mul3A_327] : memref<2x320000xi32, #tpu.memory_space<hbm>> -> memref<1x128xi32, #tpu.memory_space<hbm>>
      %dma_start3A_330 = tpu.memref_squeeze %dma_start3A_329 : memref<1x128xi32, #tpu.memory_space<hbm>> -> memref<128xi32, #tpu.memory_space<hbm>>
      %dma_start3A_331 = tpu.memref_slice %arg2[%dma_start3A_328, %mul3A_327] : memref<2x320000xi32, #tpu.memory_space<hbm>> -> memref<1x128xi32, #tpu.memory_space<hbm>>
      %dma_start3A_332 = tpu.memref_squeeze %dma_start3A_331 : memref<1x128xi32, #tpu.memory_space<hbm>> -> memref<128xi32, #tpu.memory_space<hbm>>
      tpu.enqueue_dma source(%dma_start3A_332 : memref<128xi32, #tpu.memory_space<hbm>>) target(%arg12 : memref<128xi32, #tpu.memory_space<vmem>>) target_semaphore(%arg36 : memref<!tpu.dma_semaphore, #tpu.memory_space<semaphore_mem>>)
      %dma_start3A_333 = arith.constant 1 : i32
      %dma_start3A_334 = tpu.memref_slice %arg2[%dma_start3A_333, %mul3A_327] : memref<2x320000xi32, #tpu.memory_space<hbm>> -> memref<1x128xi32, #tpu.memory_space<hbm>>
      %dma_start3A_335 = tpu.memref_squeeze %dma_start3A_334 : memref<1x128xi32, #tpu.memory_space<hbm>> -> memref<128xi32, #tpu.memory_space<hbm>>
      %dma_start3A_336 = tpu.memref_slice %arg2[%dma_start3A_333, %mul3A_327] : memref<2x320000xi32, #tpu.memory_space<hbm>> -> memref<1x128xi32, #tpu.memory_space<hbm>>
      %dma_start3A_337 = tpu.memref_squeeze %dma_start3A_336 : memref<1x128xi32, #tpu.memory_space<hbm>> -> memref<128xi32, #tpu.memory_space<hbm>>
      tpu.enqueue_dma source(%dma_start3A_337 : memref<128xi32, #tpu.memory_space<hbm>>) target(%arg22 : memref<128xi32, #tpu.memory_space<vmem>>) target_semaphore(%arg36 : memref<!tpu.dma_semaphore, #tpu.memory_space<semaphore_mem>>)
      %dma_start3A_338 = tpu.memref_slice %arg3[%mul3A_327] : memref<320000xi32, #tpu.memory_space<hbm>> -> memref<128xi32, #tpu.memory_space<hbm>>
      %dma_start3A_339 = tpu.memref_slice %arg3[%mul3A_327] : memref<320000xi32, #tpu.memory_space<hbm>> -> memref<128xi32, #tpu.memory_space<hbm>>
      tpu.enqueue_dma source(%dma_start3A_339 : memref<128xi32, #tpu.memory_space<hbm>>) target(%arg14 : memref<128xi32, #tpu.memory_space<vmem>>) target_semaphore(%arg36 : memref<!tpu.dma_semaphore, #tpu.memory_space<semaphore_mem>>)
      %sub3A_340 = arith.constant 0 : i32
      %sub3A_341 = arith.subi %select_n3A_32, %sub3A_340 : i32
      %sub3A_342 = arith.constant 1 : i32
      %sub3A_343 = arith.constant 1 : i32
      %sub3A_344 = arith.subi %sub3A_342, %sub3A_343 : i32
      %add3A_345 = arith.addi %sub3A_341, %sub3A_344 : i32
      %div3A_346 = arith.constant 1 : i32
      %div3A_347 = arith.divsi %add3A_345, %div3A_346 : i32
      %while3A = arith.constant 1 : i32
      %while3A_348 = arith.constant 0 : i32
      %while3A_349 = arith.constant 0 : i32
      %while3A_350 = arith.subi %div3A_347, %while3A_349 : i32
      %while3A_351 = arith.addi %while3A_349, %while3A_350 : i32
      %while3A_352 = arith.constant 1 : i32
      %while3A_353 = arith.divsi %while3A_350, %while3A_352 : i32
      %while3A_354 = arith.muli %while3A_353, %while3A_352 : i32
      %while3A_355 = arith.addi %while3A_349, %while3A_354 : i32
      %while3A_356 = arith.constant 1 : i32
      scf.for %while3A_361 = %while3A_349 to %while3A_355 step %while3A_356  : i32 {
        %mul3A_362 = arith.muli %while3A_361, %while3A : i32
        %add3A_363 = arith.addi %while3A_348, %mul3A_362 : i32
        %mul3A_364 = arith.constant 2 : i32
        %mul3A_365 = arith.muli %mul3A_364, %add3A_363 : i32
        %add3A_366 = arith.constant 1 : i32
        %add3A_367 = arith.addi %mul3A_365, %add3A_366 : i32
        %add3A_368 = arith.addi %select_n3A, %add3A_367 : i32
        %mul3A_369 = arith.constant 128 : i32
        %mul3A_370 = arith.muli %add3A_368, %mul3A_369 : i32
        %dma_wait3A_371 = arith.constant 0 : i32
        %dma_wait3A_372 = tpu.memref_slice %arg2[%dma_wait3A_371, %mul3A_370] : memref<2x320000xi32, #tpu.memory_space<hbm>> -> memref<1x128xi32, #tpu.memory_space<hbm>>
        %dma_wait3A_373 = tpu.memref_squeeze %dma_wait3A_372 : memref<1x128xi32, #tpu.memory_space<hbm>> -> memref<128xi32, #tpu.memory_space<hbm>>
        %dma_wait3A_374 = tpu.memref_slice %arg2[%dma_wait3A_371, %mul3A_370] : memref<2x320000xi32, #tpu.memory_space<hbm>> -> memref<1x128xi32, #tpu.memory_space<hbm>>
        %dma_wait3A_375 = tpu.memref_squeeze %dma_wait3A_374 : memref<1x128xi32, #tpu.memory_space<hbm>> -> memref<128xi32, #tpu.memory_space<hbm>>
        tpu.wait_dma2 semaphore(%arg36 : memref<!tpu.dma_semaphore, #tpu.memory_space<semaphore_mem>>) src(%dma_wait3A_375 : memref<128xi32, #tpu.memory_space<hbm>>) dst(%arg12 : memref<128xi32, #tpu.memory_space<vmem>>)
        %dma_wait3A_376 = arith.constant 1 : i32
        %dma_wait3A_377 = tpu.memref_slice %arg2[%dma_wait3A_376, %mul3A_370] : memref<2x320000xi32, #tpu.memory_space<hbm>> -> memref<1x128xi32, #tpu.memory_space<hbm>>
        %dma_wait3A_378 = tpu.memref_squeeze %dma_wait3A_377 : memref<1x128xi32, #tpu.memory_space<hbm>> -> memref<128xi32, #tpu.memory_space<hbm>>
        %dma_wait3A_379 = tpu.memref_slice %arg2[%dma_wait3A_376, %mul3A_370] : memref<2x320000xi32, #tpu.memory_space<hbm>> -> memref<1x128xi32, #tpu.memory_space<hbm>>
        %dma_wait3A_380 = tpu.memref_squeeze %dma_wait3A_379 : memref<1x128xi32, #tpu.memory_space<hbm>> -> memref<128xi32, #tpu.memory_space<hbm>>
        tpu.wait_dma2 semaphore(%arg36 : memref<!tpu.dma_semaphore, #tpu.memory_space<semaphore_mem>>) src(%dma_wait3A_380 : memref<128xi32, #tpu.memory_space<hbm>>) dst(%arg22 : memref<128xi32, #tpu.memory_space<vmem>>)
        %dma_wait3A_381 = tpu.memref_slice %arg3[%mul3A_370] : memref<320000xi32, #tpu.memory_space<hbm>> -> memref<128xi32, #tpu.memory_space<hbm>>
        %dma_wait3A_382 = tpu.memref_slice %arg3[%mul3A_370] : memref<320000xi32, #tpu.memory_space<hbm>> -> memref<128xi32, #tpu.memory_space<hbm>>
        tpu.wait_dma2 semaphore(%arg36 : memref<!tpu.dma_semaphore, #tpu.memory_space<semaphore_mem>>) src(%dma_wait3A_382 : memref<128xi32, #tpu.memory_space<hbm>>) dst(%arg14 : memref<128xi32, #tpu.memory_space<vmem>>)
        %get3A_383 = arith.constant 0 : index
        %get3A_384 = tpu.vector_load %arg14[%get3A_383] {strides = array<i32>} : memref<128xi32, #tpu.memory_space<vmem>>, vector<16xi32>,
        %get3A_385 = arith.constant 0 : index
        %get3A_386 = tpu.vector_load %arg22[%get3A_385] {strides = array<i32>} : memref<128xi32, #tpu.memory_space<vmem>>, vector<16xi32>,
        %mul3A_387 = arith.constant 16 : i32
        %mul3A_388 = vector.broadcast %mul3A_387 : i32 to vector<16xi32>
        %mul3A_389 = arith.muli %get3A_386, %mul3A_388 : vector<16xi32>
        %add3A_390 = arith.addi %mul3A_389, %get3A_384 : vector<16xi32>
        %swap3A_391 = arith.constant 0 : index
        %swap3A_392 = tpu.vector_load %arg16[%swap3A_391] {strides = array<i32>} : memref<128xi32, #tpu.memory_space<vmem>>, vector<16xi32>,
        tpu.vector_store %arg16[%swap3A_391], %add3A_390 {strides = array<i32>} : memref<128xi32, #tpu.memory_space<vmem>>, vector<16xi32>,
        %get3A_393 = arith.constant 0 : index
        %get3A_394 = tpu.vector_load %arg12[%get3A_393] {strides = array<i32>} : memref<128xi32, #tpu.memory_space<vmem>>, vector<16xi32>,
        %mul3A_395 = arith.constant 16 : i32
        %mul3A_396 = vector.broadcast %mul3A_395 : i32 to vector<16xi32>
        %mul3A_397 = arith.muli %get3A_394, %mul3A_396 : vector<16xi32>
        %add3A_398 = arith.constant 8 : i32
        %add3A_399 = vector.broadcast %add3A_398 : i32 to vector<16xi32>
        %add3A_400 = arith.addi %get3A_384, %add3A_399 : vector<16xi32>
        %add3A_401 = arith.addi %mul3A_397, %add3A_400 : vector<16xi32>
        %swap3A_402 = arith.constant 0 : index
        %swap3A_403 = tpu.vector_load %arg18[%swap3A_402] {strides = array<i32>} : memref<128xi32, #tpu.memory_space<vmem>>, vector<16xi32>,
        tpu.vector_store %arg18[%swap3A_402], %add3A_401 {strides = array<i32>} : memref<128xi32, #tpu.memory_space<vmem>>, vector<16xi32>,
        %mul3A_404 = arith.constant 10000 : i32
        %mul3A_405 = vector.broadcast %mul3A_404 : i32 to vector<16xi32>
        %mul3A_406 = arith.muli %get3A_384, %mul3A_405 : vector<16xi32>
        %get3A_407 = arith.constant 0 : index
        %get3A_408 = tpu.vector_load %arg12[%get3A_407] {strides = array<i32>} : memref<128xi32, #tpu.memory_space<vmem>>, vector<16xi32>,
        %add3A_409 = arith.addi %mul3A_406, %get3A_408 : vector<16xi32>
        %swap3A_410 = arith.constant 0 : index
        %swap3A_411 = tpu.vector_load %arg20[%swap3A_410] {strides = array<i32>} : memref<128xi32, #tpu.memory_space<vmem>>, vector<16xi32>,
        tpu.vector_store %arg20[%swap3A_410], %add3A_409 {strides = array<i32>} : memref<128xi32, #tpu.memory_space<vmem>>, vector<16xi32>,
        %get3A_412 = arith.constant 16 : index
        %get3A_413 = tpu.vector_load %arg14[%get3A_412] {strides = array<i32>} : memref<128xi32, #tpu.memory_space<vmem>>, vector<16xi32>,
        %get3A_414 = arith.constant 16 : index
        %get3A_415 = tpu.vector_load %arg22[%get3A_414] {strides = array<i32>} : memref<128xi32, #tpu.memory_space<vmem>>, vector<16xi32>,
        %mul3A_416 = arith.constant 16 : i32
        %mul3A_417 = vector.broadcast %mul3A_416 : i32 to vector<16xi32>
        %mul3A_418 = arith.muli %get3A_415, %mul3A_417 : vector<16xi32>
        %add3A_419 = arith.addi %mul3A_418, %get3A_413 : vector<16xi32>
        %swap3A_420 = arith.constant 16 : index
        %swap3A_421 = tpu.vector_load %arg16[%swap3A_420] {strides = array<i32>} : memref<128xi32, #tpu.memory_space<vmem>>, vector<16xi32>,
        tpu.vector_store %arg16[%swap3A_420], %add3A_419 {strides = array<i32>} : memref<128xi32, #tpu.memory_space<vmem>>, vector<16xi32>,
        %get3A_422 = arith.constant 16 : index
        %get3A_423 = tpu.vector_load %arg12[%get3A_422] {strides = array<i32>} : memref<128xi32, #tpu.memory_space<vmem>>, vector<16xi32>,
        %mul3A_424 = arith.constant 16 : i32
        %mul3A_425 = vector.broadcast %mul3A_424 : i32 to vector<16xi32>
        %mul3A_426 = arith.muli %get3A_423, %mul3A_425 : vector<16xi32>
        %add3A_427 = arith.constant 8 : i32
        %add3A_428 = vector.broadcast %add3A_427 : i32 to vector<16xi32>
        %add3A_429 = arith.addi %get3A_413, %add3A_428 : vector<16xi32>
        %add3A_430 = arith.addi %mul3A_426, %add3A_429 : vector<16xi32>
        %swap3A_431 = arith.constant 16 : index
        %swap3A_432 = tpu.vector_load %arg18[%swap3A_431] {strides = array<i32>} : memref<128xi32, #tpu.memory_space<vmem>>, vector<16xi32>,
        tpu.vector_store %arg18[%swap3A_431], %add3A_430 {strides = array<i32>} : memref<128xi32, #tpu.memory_space<vmem>>, vector<16xi32>,
        %mul3A_433 = arith.constant 10000 : i32
        %mul3A_434 = vector.broadcast %mul3A_433 : i32 to vector<16xi32>
        %mul3A_435 = arith.muli %get3A_413, %mul3A_434 : vector<16xi32>
        %get3A_436 = arith.constant 16 : index
        %get3A_437 = tpu.vector_load %arg12[%get3A_436] {strides = array<i32>} : memref<128xi32, #tpu.memory_space<vmem>>, vector<16xi32>,
        %add3A_438 = arith.addi %mul3A_435, %get3A_437 : vector<16xi32>
        %swap3A_439 = arith.constant 16 : index
        %swap3A_440 = tpu.vector_load %arg20[%swap3A_439] {strides = array<i32>} : memref<128xi32, #tpu.memory_space<vmem>>, vector<16xi32>,
        tpu.vector_store %arg20[%swap3A_439], %add3A_438 {strides = array<i32>} : memref<128xi32, #tpu.memory_space<vmem>>, vector<16xi32>,
        %get3A_441 = arith.constant 32 : index
        %get3A_442 = tpu.vector_load %arg14[%get3A_441] {strides = array<i32>} : memref<128xi32, #tpu.memory_space<vmem>>, vector<16xi32>,
        %get3A_443 = arith.constant 32 : index
        %get3A_444 = tpu.vector_load %arg22[%get3A_443] {strides = array<i32>} : memref<128xi32, #tpu.memory_space<vmem>>, vector<16xi32>,
        %mul3A_445 = arith.constant 16 : i32
        %mul3A_446 = vector.broadcast %mul3A_445 : i32 to vector<16xi32>
        %mul3A_447 = arith.muli %get3A_444, %mul3A_446 : vector<16xi32>
        %add3A_448 = arith.addi %mul3A_447, %get3A_442 : vector<16xi32>
        %swap3A_449 = arith.constant 32 : index
        %swap3A_450 = tpu.vector_load %arg16[%swap3A_449] {strides = array<i32>} : memref<128xi32, #tpu.memory_space<vmem>>, vector<16xi32>,
        tpu.vector_store %arg16[%swap3A_449], %add3A_448 {strides = array<i32>} : memref<128xi32, #tpu.memory_space<vmem>>, vector<16xi32>,
        %get3A_451 = arith.constant 32 : index
        %get3A_452 = tpu.vector_load %arg12[%get3A_451] {strides = array<i32>} : memref<128xi32, #tpu.memory_space<vmem>>, vector<16xi32>,
        %mul3A_453 = arith.constant 16 : i32
        %mul3A_454 = vector.broadcast %mul3A_453 : i32 to vector<16xi32>
        %mul3A_455 = arith.muli %get3A_452, %mul3A_454 : vector<16xi32>
        %add3A_456 = arith.constant 8 : i32
        %add3A_457 = vector.broadcast %add3A_456 : i32 to vector<16xi32>
        %add3A_458 = arith.addi %get3A_442, %add3A_457 : vector<16xi32>
        %add3A_459 = arith.addi %mul3A_455, %add3A_458 : vector<16xi32>
        %swap3A_460 = arith.constant 32 : index
        %swap3A_461 = tpu.vector_load %arg18[%swap3A_460] {strides = array<i32>} : memref<128xi32, #tpu.memory_space<vmem>>, vector<16xi32>,
        tpu.vector_store %arg18[%swap3A_460], %add3A_459 {strides = array<i32>} : memref<128xi32, #tpu.memory_space<vmem>>, vector<16xi32>,
        %mul3A_462 = arith.constant 10000 : i32
        %mul3A_463 = vector.broadcast %mul3A_462 : i32 to vector<16xi32>
        %mul3A_464 = arith.muli %get3A_442, %mul3A_463 : vector<16xi32>
        %get3A_465 = arith.constant 32 : index
        %get3A_466 = tpu.vector_load %arg12[%get3A_465] {strides = array<i32>} : memref<128xi32, #tpu.memory_space<vmem>>, vector<16xi32>,
        %add3A_467 = arith.addi %mul3A_464, %get3A_466 : vector<16xi32>
        %swap3A_468 = arith.constant 32 : index
        %swap3A_469 = tpu.vector_load %arg20[%swap3A_468] {strides = array<i32>} : memref<128xi32, #tpu.memory_space<vmem>>, vector<16xi32>,
        tpu.vector_store %arg20[%swap3A_468], %add3A_467 {strides = array<i32>} : memref<128xi32, #tpu.memory_space<vmem>>, vector<16xi32>,
        %get3A_470 = arith.constant 48 : index
        %get3A_471 = tpu.vector_load %arg14[%get3A_470] {strides = array<i32>} : memref<128xi32, #tpu.memory_space<vmem>>, vector<16xi32>,
        %get3A_472 = arith.constant 48 : index
        %get3A_473 = tpu.vector_load %arg22[%get3A_472] {strides = array<i32>} : memref<128xi32, #tpu.memory_space<vmem>>, vector<16xi32>,
        %mul3A_474 = arith.constant 16 : i32
        %mul3A_475 = vector.broadcast %mul3A_474 : i32 to vector<16xi32>
        %mul3A_476 = arith.muli %get3A_473, %mul3A_475 : vector<16xi32>
        %add3A_477 = arith.addi %mul3A_476, %get3A_471 : vector<16xi32>
        %swap3A_478 = arith.constant 48 : index
        %swap3A_479 = tpu.vector_load %arg16[%swap3A_478] {strides = array<i32>} : memref<128xi32, #tpu.memory_space<vmem>>, vector<16xi32>,
        tpu.vector_store %arg16[%swap3A_478], %add3A_477 {strides = array<i32>} : memref<128xi32, #tpu.memory_space<vmem>>, vector<16xi32>,
        %get3A_480 = arith.constant 48 : index
        %get3A_481 = tpu.vector_load %arg12[%get3A_480] {strides = array<i32>} : memref<128xi32, #tpu.memory_space<vmem>>, vector<16xi32>,
        %mul3A_482 = arith.constant 16 : i32
        %mul3A_483 = vector.broadcast %mul3A_482 : i32 to vector<16xi32>
        %mul3A_484 = arith.muli %get3A_481, %mul3A_483 : vector<16xi32>
        %add3A_485 = arith.constant 8 : i32
        %add3A_486 = vector.broadcast %add3A_485 : i32 to vector<16xi32>
        %add3A_487 = arith.addi %get3A_471, %add3A_486 : vector<16xi32>
        %add3A_488 = arith.addi %mul3A_484, %add3A_487 : vector<16xi32>
        %swap3A_489 = arith.constant 48 : index
        %swap3A_490 = tpu.vector_load %arg18[%swap3A_489] {strides = array<i32>} : memref<128xi32, #tpu.memory_space<vmem>>, vector<16xi32>,
        tpu.vector_store %arg18[%swap3A_489], %add3A_488 {strides = array<i32>} : memref<128xi32, #tpu.memory_space<vmem>>, vector<16xi32>,
        %mul3A_491 = arith.constant 10000 : i32
        %mul3A_492 = vector.broadcast %mul3A_491 : i32 to vector<16xi32>
        %mul3A_493 = arith.muli %get3A_471, %mul3A_492 : vector<16xi32>
        %get3A_494 = arith.constant 48 : index
        %get3A_495 = tpu.vector_load %arg12[%get3A_494] {strides = array<i32>} : memref<128xi32, #tpu.memory_space<vmem>>, vector<16xi32>,
        %add3A_496 = arith.addi %mul3A_493, %get3A_495 : vector<16xi32>
        %swap3A_497 = arith.constant 48 : index
        %swap3A_498 = tpu.vector_load %arg20[%swap3A_497] {strides = array<i32>} : memref<128xi32, #tpu.memory_space<vmem>>, vector<16xi32>,
        tpu.vector_store %arg20[%swap3A_497], %add3A_496 {strides = array<i32>} : memref<128xi32, #tpu.memory_space<vmem>>, vector<16xi32>,
        %get3A_499 = arith.constant 64 : index
        %get3A_500 = tpu.vector_load %arg14[%get3A_499] {strides = array<i32>} : memref<128xi32, #tpu.memory_space<vmem>>, vector<16xi32>,
        %get3A_501 = arith.constant 64 : index
        %get3A_502 = tpu.vector_load %arg22[%get3A_501] {strides = array<i32>} : memref<128xi32, #tpu.memory_space<vmem>>, vector<16xi32>,
        %mul3A_503 = arith.constant 16 : i32
        %mul3A_504 = vector.broadcast %mul3A_503 : i32 to vector<16xi32>
        %mul3A_505 = arith.muli %get3A_502, %mul3A_504 : vector<16xi32>
        %add3A_506 = arith.addi %mul3A_505, %get3A_500 : vector<16xi32>
        %swap3A_507 = arith.constant 64 : index
        %swap3A_508 = tpu.vector_load %arg16[%swap3A_507] {strides = array<i32>} : memref<128xi32, #tpu.memory_space<vmem>>, vector<16xi32>,
        tpu.vector_store %arg16[%swap3A_507], %add3A_506 {strides = array<i32>} : memref<128xi32, #tpu.memory_space<vmem>>, vector<16xi32>,
        %get3A_509 = arith.constant 64 : index
        %get3A_510 = tpu.vector_load %arg12[%get3A_509] {strides = array<i32>} : memref<128xi32, #tpu.memory_space<vmem>>, vector<16xi32>,
        %mul3A_511 = arith.constant 16 : i32
        %mul3A_512 = vector.broadcast %mul3A_511 : i32 to vector<16xi32>
        %mul3A_513 = arith.muli %get3A_510, %mul3A_512 : vector<16xi32>
        %add3A_514 = arith.constant 8 : i32
        %add3A_515 = vector.broadcast %add3A_514 : i32 to vector<16xi32>
        %add3A_516 = arith.addi %get3A_500, %add3A_515 : vector<16xi32>
        %add3A_517 = arith.addi %mul3A_513, %add3A_516 : vector<16xi32>
        %swap3A_518 = arith.constant 64 : index
        %swap3A_519 = tpu.vector_load %arg18[%swap3A_518] {strides = array<i32>} : memref<128xi32, #tpu.memory_space<vmem>>, vector<16xi32>,
        tpu.vector_store %arg18[%swap3A_518], %add3A_517 {strides = array<i32>} : memref<128xi32, #tpu.memory_space<vmem>>, vector<16xi32>,
        %mul3A_520 = arith.constant 10000 : i32
        %mul3A_521 = vector.broadcast %mul3A_520 : i32 to vector<16xi32>
        %mul3A_522 = arith.muli %get3A_500, %mul3A_521 : vector<16xi32>
        %get3A_523 = arith.constant 64 : index
        %get3A_524 = tpu.vector_load %arg12[%get3A_523] {strides = array<i32>} : memref<128xi32, #tpu.memory_space<vmem>>, vector<16xi32>,
        %add3A_525 = arith.addi %mul3A_522, %get3A_524 : vector<16xi32>
        %swap3A_526 = arith.constant 64 : index
        %swap3A_527 = tpu.vector_load %arg20[%swap3A_526] {strides = array<i32>} : memref<128xi32, #tpu.memory_space<vmem>>, vector<16xi32>,
        tpu.vector_store %arg20[%swap3A_526], %add3A_525 {strides = array<i32>} : memref<128xi32, #tpu.memory_space<vmem>>, vector<16xi32>,
        %get3A_528 = arith.constant 80 : index
        %get3A_529 = tpu.vector_load %arg14[%get3A_528] {strides = array<i32>} : memref<128xi32, #tpu.memory_space<vmem>>, vector<16xi32>,
        %get3A_530 = arith.constant 80 : index
        %get3A_531 = tpu.vector_load %arg22[%get3A_530] {strides = array<i32>} : memref<128xi32, #tpu.memory_space<vmem>>, vector<16xi32>,
        %mul3A_532 = arith.constant 16 : i32
        %mul3A_533 = vector.broadcast %mul3A_532 : i32 to vector<16xi32>
        %mul3A_534 = arith.muli %get3A_531, %mul3A_533 : vector<16xi32>
        %add3A_535 = arith.addi %mul3A_534, %get3A_529 : vector<16xi32>
        %swap3A_536 = arith.constant 80 : index
        %swap3A_537 = tpu.vector_load %arg16[%swap3A_536] {strides = array<i32>} : memref<128xi32, #tpu.memory_space<vmem>>, vector<16xi32>,
        tpu.vector_store %arg16[%swap3A_536], %add3A_535 {strides = array<i32>} : memref<128xi32, #tpu.memory_space<vmem>>, vector<16xi32>,
        %get3A_538 = arith.constant 80 : index
        %get3A_539 = tpu.vector_load %arg12[%get3A_538] {strides = array<i32>} : memref<128xi32, #tpu.memory_space<vmem>>, vector<16xi32>,
        %mul3A_540 = arith.constant 16 : i32
        %mul3A_541 = vector.broadcast %mul3A_540 : i32 to vector<16xi32>
        %mul3A_542 = arith.muli %get3A_539, %mul3A_541 : vector<16xi32>
        %add3A_543 = arith.constant 8 : i32
        %add3A_544 = vector.broadcast %add3A_543 : i32 to vector<16xi32>
        %add3A_545 = arith.addi %get3A_529, %add3A_544 : vector<16xi32>
        %add3A_546 = arith.addi %mul3A_542, %add3A_545 : vector<16xi32>
        %swap3A_547 = arith.constant 80 : index
        %swap3A_548 = tpu.vector_load %arg18[%swap3A_547] {strides = array<i32>} : memref<128xi32, #tpu.memory_space<vmem>>, vector<16xi32>,
        tpu.vector_store %arg18[%swap3A_547], %add3A_546 {strides = array<i32>} : memref<128xi32, #tpu.memory_space<vmem>>, vector<16xi32>,
        %mul3A_549 = arith.constant 10000 : i32
        %mul3A_550 = vector.broadcast %mul3A_549 : i32 to vector<16xi32>
        %mul3A_551 = arith.muli %get3A_529, %mul3A_550 : vector<16xi32>
        %get3A_552 = arith.constant 80 : index
        %get3A_553 = tpu.vector_load %arg12[%get3A_552] {strides = array<i32>} : memref<128xi32, #tpu.memory_space<vmem>>, vector<16xi32>,
        %add3A_554 = arith.addi %mul3A_551, %get3A_553 : vector<16xi32>
        %swap3A_555 = arith.constant 80 : index
        %swap3A_556 = tpu.vector_load %arg20[%swap3A_555] {strides = array<i32>} : memref<128xi32, #tpu.memory_space<vmem>>, vector<16xi32>,
        tpu.vector_store %arg20[%swap3A_555], %add3A_554 {strides = array<i32>} : memref<128xi32, #tpu.memory_space<vmem>>, vector<16xi32>,
        %get3A_557 = arith.constant 96 : index
        %get3A_558 = tpu.vector_load %arg14[%get3A_557] {strides = array<i32>} : memref<128xi32, #tpu.memory_space<vmem>>, vector<16xi32>,
        %get3A_559 = arith.constant 96 : index
        %get3A_560 = tpu.vector_load %arg22[%get3A_559] {strides = array<i32>} : memref<128xi32, #tpu.memory_space<vmem>>, vector<16xi32>,
        %mul3A_561 = arith.constant 16 : i32
        %mul3A_562 = vector.broadcast %mul3A_561 : i32 to vector<16xi32>
        %mul3A_563 = arith.muli %get3A_560, %mul3A_562 : vector<16xi32>
        %add3A_564 = arith.addi %mul3A_563, %get3A_558 : vector<16xi32>
        %swap3A_565 = arith.constant 96 : index
        %swap3A_566 = tpu.vector_load %arg16[%swap3A_565] {strides = array<i32>} : memref<128xi32, #tpu.memory_space<vmem>>, vector<16xi32>,
        tpu.vector_store %arg16[%swap3A_565], %add3A_564 {strides = array<i32>} : memref<128xi32, #tpu.memory_space<vmem>>, vector<16xi32>,
        %get3A_567 = arith.constant 96 : index
        %get3A_568 = tpu.vector_load %arg12[%get3A_567] {strides = array<i32>} : memref<128xi32, #tpu.memory_space<vmem>>, vector<16xi32>,
        %mul3A_569 = arith.constant 16 : i32
        %mul3A_570 = vector.broadcast %mul3A_569 : i32 to vector<16xi32>
        %mul3A_571 = arith.muli %get3A_568, %mul3A_570 : vector<16xi32>
        %add3A_572 = arith.constant 8 : i32
        %add3A_573 = vector.broadcast %add3A_572 : i32 to vector<16xi32>
        %add3A_574 = arith.addi %get3A_558, %add3A_573 : vector<16xi32>
        %add3A_575 = arith.addi %mul3A_571, %add3A_574 : vector<16xi32>
        %swap3A_576 = arith.constant 96 : index
        %swap3A_577 = tpu.vector_load %arg18[%swap3A_576] {strides = array<i32>} : memref<128xi32, #tpu.memory_space<vmem>>, vector<16xi32>,
        tpu.vector_store %arg18[%swap3A_576], %add3A_575 {strides = array<i32>} : memref<128xi32, #tpu.memory_space<vmem>>, vector<16xi32>,
        %mul3A_578 = arith.constant 10000 : i32
        %mul3A_579 = vector.broadcast %mul3A_578 : i32 to vector<16xi32>
        %mul3A_580 = arith.muli %get3A_558, %mul3A_579 : vector<16xi32>
        %get3A_581 = arith.constant 96 : index
        %get3A_582 = tpu.vector_load %arg12[%get3A_581] {strides = array<i32>} : memref<128xi32, #tpu.memory_space<vmem>>, vector<16xi32>,
        %add3A_583 = arith.addi %mul3A_580, %get3A_582 : vector<16xi32>
        %swap3A_584 = arith.constant 96 : index
        %swap3A_585 = tpu.vector_load %arg20[%swap3A_584] {strides = array<i32>} : memref<128xi32, #tpu.memory_space<vmem>>, vector<16xi32>,
        tpu.vector_store %arg20[%swap3A_584], %add3A_583 {strides = array<i32>} : memref<128xi32, #tpu.memory_space<vmem>>, vector<16xi32>,
        %get3A_586 = arith.constant 112 : index
        %get3A_587 = tpu.vector_load %arg14[%get3A_586] {strides = array<i32>} : memref<128xi32, #tpu.memory_space<vmem>>, vector<16xi32>,
        %get3A_588 = arith.constant 112 : index
        %get3A_589 = tpu.vector_load %arg22[%get3A_588] {strides = array<i32>} : memref<128xi32, #tpu.memory_space<vmem>>, vector<16xi32>,
        %mul3A_590 = arith.constant 16 : i32
        %mul3A_591 = vector.broadcast %mul3A_590 : i32 to vector<16xi32>
        %mul3A_592 = arith.muli %get3A_589, %mul3A_591 : vector<16xi32>
        %add3A_593 = arith.addi %mul3A_592, %get3A_587 : vector<16xi32>
        %swap3A_594 = arith.constant 112 : index
        %swap3A_595 = tpu.vector_load %arg16[%swap3A_594] {strides = array<i32>} : memref<128xi32, #tpu.memory_space<vmem>>, vector<16xi32>,
        tpu.vector_store %arg16[%swap3A_594], %add3A_593 {strides = array<i32>} : memref<128xi32, #tpu.memory_space<vmem>>, vector<16xi32>,
        %get3A_596 = arith.constant 112 : index
        %get3A_597 = tpu.vector_load %arg12[%get3A_596] {strides = array<i32>} : memref<128xi32, #tpu.memory_space<vmem>>, vector<16xi32>,
        %mul3A_598 = arith.constant 16 : i32
        %mul3A_599 = vector.broadcast %mul3A_598 : i32 to vector<16xi32>
        %mul3A_600 = arith.muli %get3A_597, %mul3A_599 : vector<16xi32>
        %add3A_601 = arith.constant 8 : i32
        %add3A_602 = vector.broadcast %add3A_601 : i32 to vector<16xi32>
        %add3A_603 = arith.addi %get3A_587, %add3A_602 : vector<16xi32>
        %add3A_604 = arith.addi %mul3A_600, %add3A_603 : vector<16xi32>
        %swap3A_605 = arith.constant 112 : index
        %swap3A_606 = tpu.vector_load %arg18[%swap3A_605] {strides = array<i32>} : memref<128xi32, #tpu.memory_space<vmem>>, vector<16xi32>,
        tpu.vector_store %arg18[%swap3A_605], %add3A_604 {strides = array<i32>} : memref<128xi32, #tpu.memory_space<vmem>>, vector<16xi32>,
        %mul3A_607 = arith.constant 10000 : i32
        %mul3A_608 = vector.broadcast %mul3A_607 : i32 to vector<16xi32>
        %mul3A_609 = arith.muli %get3A_587, %mul3A_608 : vector<16xi32>
        %get3A_610 = arith.constant 112 : index
        %get3A_611 = tpu.vector_load %arg12[%get3A_610] {strides = array<i32>} : memref<128xi32, #tpu.memory_space<vmem>>, vector<16xi32>,
        %add3A_612 = arith.addi %mul3A_609, %get3A_611 : vector<16xi32>
        %swap3A_613 = arith.constant 112 : index
        %swap3A_614 = tpu.vector_load %arg20[%swap3A_613] {strides = array<i32>} : memref<128xi32, #tpu.memory_space<vmem>>, vector<16xi32>,
        tpu.vector_store %arg20[%swap3A_613], %add3A_612 {strides = array<i32>} : memref<128xi32, #tpu.memory_space<vmem>>, vector<16xi32>,
        %gt3A_615 = arith.constant 0 : i32
        %gt3A_616 = arith.cmpi sgt, %add3A_363, %gt3A_615 : i32
        %convert_element_type3A_617 = arith.extui %gt3A_616 : i1 to i32
        %cond3A_618 = arith.constant 0 : i32
        %cond3A_619 = arith.cmpi ne, %convert_element_type3A_617, %cond3A_618 : i32
        scf.if %cond3A_619 {
          %dma_wait3A_960 = arith.constant 0 : i32
          %dma_wait3A_961 = arith.constant 0 : i32
          %dma_wait3A_962 = tpu.memref_slice %arg34[%dma_wait3A_960, %dma_wait3A_961] : memref<10000x128xf32, #tpu.memory_space<vmem_shared>> -> memref<10000x128xf32, #tpu.memory_space<vmem_shared>>
          tpu.wait_indirect_dma semaphore(%arg40 : memref<!tpu.dma_semaphore, #tpu.memory_space<semaphore_mem>>) src(%arg31 : memref<128x128xf32, #tpu.memory_space<vmem>>) dst(%dma_wait3A_962 : memref<10000x128xf32, #tpu.memory_space<vmem_shared>>)
        } else {
        }
        %dma_start3A_620 = arith.constant 0 : i32
        %dma_start3A_621 = tpu.memref_slice %arg5[%dma_start3A_620] : memref<160000xf32, #tpu.memory_space<hbm>> -> memref<160000xf32, #tpu.memory_space<hbm>>
        tpu.enqueue_indirect_dma source(%dma_start3A_621 : memref<160000xf32, #tpu.memory_space<hbm>>) target(%arg26 : memref<128xf32, #tpu.memory_space<vmem>>) offsets(%arg16 : memref<128xi32, #tpu.memory_space<vmem>>) semaphore(%arg38 : memref<!tpu.dma_semaphore, #tpu.memory_space<semaphore_mem>>)
        %dma_start3A_622 = arith.constant 0 : i32
        %dma_start3A_623 = tpu.memref_slice %arg5[%dma_start3A_622] : memref<160000xf32, #tpu.memory_space<hbm>> -> memref<160000xf32, #tpu.memory_space<hbm>>
        tpu.enqueue_indirect_dma source(%dma_start3A_623 : memref<160000xf32, #tpu.memory_space<hbm>>) target(%arg28 : memref<128xf32, #tpu.memory_space<vmem>>) offsets(%arg18 : memref<128xi32, #tpu.memory_space<vmem>>) semaphore(%arg38 : memref<!tpu.dma_semaphore, #tpu.memory_space<semaphore_mem>>)
        %dma_start3A_624 = arith.constant 0 : i32
        %dma_start3A_625 = arith.constant 0 : i32
        %dma_start3A_626 = tpu.memref_slice %arg4[%dma_start3A_624, %dma_start3A_625] : memref<80000x128xf32, #tpu.memory_space<hbm>> -> memref<80000x128xf32, #tpu.memory_space<hbm>>
        tpu.enqueue_indirect_dma source(%dma_start3A_626 : memref<80000x128xf32, #tpu.memory_space<hbm>>) target(%arg31 : memref<128x128xf32, #tpu.memory_space<vmem>>) offsets(%arg20 : memref<128xi32, #tpu.memory_space<vmem>>) semaphore(%arg38 : memref<!tpu.dma_semaphore, #tpu.memory_space<semaphore_mem>>)
        %dma_wait3A_627 = arith.constant 0 : i32
        %dma_wait3A_628 = tpu.memref_slice %arg5[%dma_wait3A_627] : memref<160000xf32, #tpu.memory_space<hbm>> -> memref<160000xf32, #tpu.memory_space<hbm>>
        tpu.wait_indirect_dma semaphore(%arg37 : memref<!tpu.dma_semaphore, #tpu.memory_space<semaphore_mem>>) src(%dma_wait3A_628 : memref<160000xf32, #tpu.memory_space<hbm>>) dst(%arg25 : memref<128xf32, #tpu.memory_space<vmem>>)
        %dma_wait3A_629 = arith.constant 0 : i32
        %dma_wait3A_630 = tpu.memref_slice %arg5[%dma_wait3A_629] : memref<160000xf32, #tpu.memory_space<hbm>> -> memref<160000xf32, #tpu.memory_space<hbm>>
        tpu.wait_indirect_dma semaphore(%arg37 : memref<!tpu.dma_semaphore, #tpu.memory_space<semaphore_mem>>) src(%dma_wait3A_630 : memref<160000xf32, #tpu.memory_space<hbm>>) dst(%arg27 : memref<128xf32, #tpu.memory_space<vmem>>)
        %dma_wait3A_631 = arith.constant 0 : i32
        %dma_wait3A_632 = arith.constant 0 : i32
        %dma_wait3A_633 = tpu.memref_slice %arg4[%dma_wait3A_631, %dma_wait3A_632] : memref<80000x128xf32, #tpu.memory_space<hbm>> -> memref<80000x128xf32, #tpu.memory_space<hbm>>
        tpu.wait_indirect_dma semaphore(%arg37 : memref<!tpu.dma_semaphore, #tpu.memory_space<semaphore_mem>>) src(%dma_wait3A_633 : memref<80000x128xf32, #tpu.memory_space<hbm>>) dst(%arg30 : memref<128x128xf32, #tpu.memory_space<vmem>>)
        %get3A_634 = arith.constant 0 : index
        %get3A_635 = tpu.vector_load %arg33[%get3A_634] {strides = array<i32>} : memref<16xf32, #tpu.memory_space<vmem>>, vector<16xf32>,
        %get3A_636 = arith.constant 0 : index
        %get3A_637 = tpu.vector_load %arg25[%get3A_636] {strides = array<i32>} : memref<128xf32, #tpu.memory_space<vmem>>, vector<16xf32>,
        %get3A_638 = arith.constant 0 : index
        %get3A_639 = tpu.vector_load %arg27[%get3A_638] {strides = array<i32>} : memref<128xf32, #tpu.memory_space<vmem>>, vector<16xf32>,
        %add3A_640 = arith.addf %get3A_637, %get3A_639 : vector<16xf32>
        %mul3A_641 = arith.constant 2.000000e-01 : f32
        %mul3A_642 = vector.broadcast %mul3A_641 : f32 to vector<16xf32>
        %mul3A_643 = arith.mulf %mul3A_642, %add3A_640 : vector<16xf32>
        %max3A_644 = arith.maximumf %add3A_640, %mul3A_643 : vector<16xf32>
        %sub3A_645 = arith.subf %max3A_644, %get3A_635 : vector<16xf32>
        %exp3A = math.exp %sub3A_645 : vector<16xf32>
        %swap3A_646 = arith.constant 0 : index
        %swap3A_647 = tpu.vector_load %arg29[%swap3A_646] {strides = array<i32>} : memref<128xf32, #tpu.memory_space<vmem>>, vector<16xf32>,
        tpu.vector_store %arg29[%swap3A_646], %exp3A {strides = array<i32>} : memref<128xf32, #tpu.memory_space<vmem>>, vector<16xf32>,
        %get3A_648 = arith.constant 0 : index
        %get3A_649 = tpu.vector_load %arg21[%get3A_648] {strides = array<i32>} : memref<128xi32, #tpu.memory_space<vmem>>, vector<16xi32>,
        tpu.vector_store_idx %arg32[%get3A_649], %exp3A {add = true} : memref<10000xf32, #tpu.memory_space<vmem>>[vector<16xi32>], vector<16xf32>,
        %swap3A_650 = arith.constant 0 : index
        %swap3A_651 = tpu.vector_load %arg23[%swap3A_650] {strides = array<i32>} : memref<128xi32, #tpu.memory_space<vmem>>, vector<16xi32>,
        tpu.vector_store %arg23[%swap3A_650], %get3A_649 {strides = array<i32>} : memref<128xi32, #tpu.memory_space<vmem>>, vector<16xi32>,
        %get3A_652 = arith.constant 16 : index
        %get3A_653 = tpu.vector_load %arg25[%get3A_652] {strides = array<i32>} : memref<128xf32, #tpu.memory_space<vmem>>, vector<16xf32>,
        %get3A_654 = arith.constant 16 : index
        %get3A_655 = tpu.vector_load %arg27[%get3A_654] {strides = array<i32>} : memref<128xf32, #tpu.memory_space<vmem>>, vector<16xf32>,
        %add3A_656 = arith.addf %get3A_653, %get3A_655 : vector<16xf32>
        %mul3A_657 = arith.constant 2.000000e-01 : f32
        %mul3A_658 = vector.broadcast %mul3A_657 : f32 to vector<16xf32>
        %mul3A_659 = arith.mulf %mul3A_658, %add3A_656 : vector<16xf32>
        %max3A_660 = arith.maximumf %add3A_656, %mul3A_659 : vector<16xf32>
        %sub3A_661 = arith.subf %max3A_660, %get3A_635 : vector<16xf32>
        %exp3A_662 = math.exp %sub3A_661 : vector<16xf32>
        %swap3A_663 = arith.constant 16 : index
        %swap3A_664 = tpu.vector_load %arg29[%swap3A_663] {strides = array<i32>} : memref<128xf32, #tpu.memory_space<vmem>>, vector<16xf32>,
        tpu.vector_store %arg29[%swap3A_663], %exp3A_662 {strides = array<i32>} : memref<128xf32, #tpu.memory_space<vmem>>, vector<16xf32>,
        %get3A_665 = arith.constant 16 : index
        %get3A_666 = tpu.vector_load %arg21[%get3A_665] {strides = array<i32>} : memref<128xi32, #tpu.memory_space<vmem>>, vector<16xi32>,
        tpu.vector_store_idx %arg32[%get3A_666], %exp3A_662 {add = true} : memref<10000xf32, #tpu.memory_space<vmem>>[vector<16xi32>], vector<16xf32>,
        %swap3A_667 = arith.constant 16 : index
        %swap3A_668 = tpu.vector_load %arg23[%swap3A_667] {strides = array<i32>} : memref<128xi32, #tpu.memory_space<vmem>>, vector<16xi32>,
        tpu.vector_store %arg23[%swap3A_667], %get3A_666 {strides = array<i32>} : memref<128xi32, #tpu.memory_space<vmem>>, vector<16xi32>,
        %get3A_669 = arith.constant 32 : index
        %get3A_670 = tpu.vector_load %arg25[%get3A_669] {strides = array<i32>} : memref<128xf32, #tpu.memory_space<vmem>>, vector<16xf32>,
        %get3A_671 = arith.constant 32 : index
        %get3A_672 = tpu.vector_load %arg27[%get3A_671] {strides = array<i32>} : memref<128xf32, #tpu.memory_space<vmem>>, vector<16xf32>,
        %add3A_673 = arith.addf %get3A_670, %get3A_672 : vector<16xf32>
        %mul3A_674 = arith.constant 2.000000e-01 : f32
        %mul3A_675 = vector.broadcast %mul3A_674 : f32 to vector<16xf32>
        %mul3A_676 = arith.mulf %mul3A_675, %add3A_673 : vector<16xf32>
        %max3A_677 = arith.maximumf %add3A_673, %mul3A_676 : vector<16xf32>
        %sub3A_678 = arith.subf %max3A_677, %get3A_635 : vector<16xf32>
        %exp3A_679 = math.exp %sub3A_678 : vector<16xf32>
        %swap3A_680 = arith.constant 32 : index
        %swap3A_681 = tpu.vector_load %arg29[%swap3A_680] {strides = array<i32>} : memref<128xf32, #tpu.memory_space<vmem>>, vector<16xf32>,
        tpu.vector_store %arg29[%swap3A_680], %exp3A_679 {strides = array<i32>} : memref<128xf32, #tpu.memory_space<vmem>>, vector<16xf32>,
        %get3A_682 = arith.constant 32 : index
        %get3A_683 = tpu.vector_load %arg21[%get3A_682] {strides = array<i32>} : memref<128xi32, #tpu.memory_space<vmem>>, vector<16xi32>,
        tpu.vector_store_idx %arg32[%get3A_683], %exp3A_679 {add = true} : memref<10000xf32, #tpu.memory_space<vmem>>[vector<16xi32>], vector<16xf32>,
        %swap3A_684 = arith.constant 32 : index
        %swap3A_685 = tpu.vector_load %arg23[%swap3A_684] {strides = array<i32>} : memref<128xi32, #tpu.memory_space<vmem>>, vector<16xi32>,
        tpu.vector_store %arg23[%swap3A_684], %get3A_683 {strides = array<i32>} : memref<128xi32, #tpu.memory_space<vmem>>, vector<16xi32>,
        %get3A_686 = arith.constant 48 : index
        %get3A_687 = tpu.vector_load %arg25[%get3A_686] {strides = array<i32>} : memref<128xf32, #tpu.memory_space<vmem>>, vector<16xf32>,
        %get3A_688 = arith.constant 48 : index
        %get3A_689 = tpu.vector_load %arg27[%get3A_688] {strides = array<i32>} : memref<128xf32, #tpu.memory_space<vmem>>, vector<16xf32>,
        %add3A_690 = arith.addf %get3A_687, %get3A_689 : vector<16xf32>
        %mul3A_691 = arith.constant 2.000000e-01 : f32
        %mul3A_692 = vector.broadcast %mul3A_691 : f32 to vector<16xf32>
        %mul3A_693 = arith.mulf %mul3A_692, %add3A_690 : vector<16xf32>
        %max3A_694 = arith.maximumf %add3A_690, %mul3A_693 : vector<16xf32>
        %sub3A_695 = arith.subf %max3A_694, %get3A_635 : vector<16xf32>
        %exp3A_696 = math.exp %sub3A_695 : vector<16xf32>
        %swap3A_697 = arith.constant 48 : index
        %swap3A_698 = tpu.vector_load %arg29[%swap3A_697] {strides = array<i32>} : memref<128xf32, #tpu.memory_space<vmem>>, vector<16xf32>,
        tpu.vector_store %arg29[%swap3A_697], %exp3A_696 {strides = array<i32>} : memref<128xf32, #tpu.memory_space<vmem>>, vector<16xf32>,
        %get3A_699 = arith.constant 48 : index
        %get3A_700 = tpu.vector_load %arg21[%get3A_699] {strides = array<i32>} : memref<128xi32, #tpu.memory_space<vmem>>, vector<16xi32>,
        tpu.vector_store_idx %arg32[%get3A_700], %exp3A_696 {add = true} : memref<10000xf32, #tpu.memory_space<vmem>>[vector<16xi32>], vector<16xf32>,
        %swap3A_701 = arith.constant 48 : index
        %swap3A_702 = tpu.vector_load %arg23[%swap3A_701] {strides = array<i32>} : memref<128xi32, #tpu.memory_space<vmem>>, vector<16xi32>,
        tpu.vector_store %arg23[%swap3A_701], %get3A_700 {strides = array<i32>} : memref<128xi32, #tpu.memory_space<vmem>>, vector<16xi32>,
        %get3A_703 = arith.constant 64 : index
        %get3A_704 = tpu.vector_load %arg25[%get3A_703] {strides = array<i32>} : memref<128xf32, #tpu.memory_space<vmem>>, vector<16xf32>,
        %get3A_705 = arith.constant 64 : index
        %get3A_706 = tpu.vector_load %arg27[%get3A_705] {strides = array<i32>} : memref<128xf32, #tpu.memory_space<vmem>>, vector<16xf32>,
        %add3A_707 = arith.addf %get3A_704, %get3A_706 : vector<16xf32>
        %mul3A_708 = arith.constant 2.000000e-01 : f32
        %mul3A_709 = vector.broadcast %mul3A_708 : f32 to vector<16xf32>
        %mul3A_710 = arith.mulf %mul3A_709, %add3A_707 : vector<16xf32>
        %max3A_711 = arith.maximumf %add3A_707, %mul3A_710 : vector<16xf32>
        %sub3A_712 = arith.subf %max3A_711, %get3A_635 : vector<16xf32>
        %exp3A_713 = math.exp %sub3A_712 : vector<16xf32>
        %swap3A_714 = arith.constant 64 : index
        %swap3A_715 = tpu.vector_load %arg29[%swap3A_714] {strides = array<i32>} : memref<128xf32, #tpu.memory_space<vmem>>, vector<16xf32>,
        tpu.vector_store %arg29[%swap3A_714], %exp3A_713 {strides = array<i32>} : memref<128xf32, #tpu.memory_space<vmem>>, vector<16xf32>,
        %get3A_716 = arith.constant 64 : index
        %get3A_717 = tpu.vector_load %arg21[%get3A_716] {strides = array<i32>} : memref<128xi32, #tpu.memory_space<vmem>>, vector<16xi32>,
        tpu.vector_store_idx %arg32[%get3A_717], %exp3A_713 {add = true} : memref<10000xf32, #tpu.memory_space<vmem>>[vector<16xi32>], vector<16xf32>,
        %swap3A_718 = arith.constant 64 : index
        %swap3A_719 = tpu.vector_load %arg23[%swap3A_718] {strides = array<i32>} : memref<128xi32, #tpu.memory_space<vmem>>, vector<16xi32>,
        tpu.vector_store %arg23[%swap3A_718], %get3A_717 {strides = array<i32>} : memref<128xi32, #tpu.memory_space<vmem>>, vector<16xi32>,
        %get3A_720 = arith.constant 80 : index
        %get3A_721 = tpu.vector_load %arg25[%get3A_720] {strides = array<i32>} : memref<128xf32, #tpu.memory_space<vmem>>, vector<16xf32>,
        %get3A_722 = arith.constant 80 : index
        %get3A_723 = tpu.vector_load %arg27[%get3A_722] {strides = array<i32>} : memref<128xf32, #tpu.memory_space<vmem>>, vector<16xf32>,
        %add3A_724 = arith.addf %get3A_721, %get3A_723 : vector<16xf32>
        %mul3A_725 = arith.constant 2.000000e-01 : f32
        %mul3A_726 = vector.broadcast %mul3A_725 : f32 to vector<16xf32>
        %mul3A_727 = arith.mulf %mul3A_726, %add3A_724 : vector<16xf32>
        %max3A_728 = arith.maximumf %add3A_724, %mul3A_727 : vector<16xf32>
        %sub3A_729 = arith.subf %max3A_728, %get3A_635 : vector<16xf32>
        %exp3A_730 = math.exp %sub3A_729 : vector<16xf32>
        %swap3A_731 = arith.constant 80 : index
        %swap3A_732 = tpu.vector_load %arg29[%swap3A_731] {strides = array<i32>} : memref<128xf32, #tpu.memory_space<vmem>>, vector<16xf32>,
        tpu.vector_store %arg29[%swap3A_731], %exp3A_730 {strides = array<i32>} : memref<128xf32, #tpu.memory_space<vmem>>, vector<16xf32>,
        %get3A_733 = arith.constant 80 : index
        %get3A_734 = tpu.vector_load %arg21[%get3A_733] {strides = array<i32>} : memref<128xi32, #tpu.memory_space<vmem>>, vector<16xi32>,
        tpu.vector_store_idx %arg32[%get3A_734], %exp3A_730 {add = true} : memref<10000xf32, #tpu.memory_space<vmem>>[vector<16xi32>], vector<16xf32>,
        %swap3A_735 = arith.constant 80 : index
        %swap3A_736 = tpu.vector_load %arg23[%swap3A_735] {strides = array<i32>} : memref<128xi32, #tpu.memory_space<vmem>>, vector<16xi32>,
        tpu.vector_store %arg23[%swap3A_735], %get3A_734 {strides = array<i32>} : memref<128xi32, #tpu.memory_space<vmem>>, vector<16xi32>,
        %get3A_737 = arith.constant 96 : index
        %get3A_738 = tpu.vector_load %arg25[%get3A_737] {strides = array<i32>} : memref<128xf32, #tpu.memory_space<vmem>>, vector<16xf32>,
        %get3A_739 = arith.constant 96 : index
        %get3A_740 = tpu.vector_load %arg27[%get3A_739] {strides = array<i32>} : memref<128xf32, #tpu.memory_space<vmem>>, vector<16xf32>,
        %add3A_741 = arith.addf %get3A_738, %get3A_740 : vector<16xf32>
        %mul3A_742 = arith.constant 2.000000e-01 : f32
        %mul3A_743 = vector.broadcast %mul3A_742 : f32 to vector<16xf32>
        %mul3A_744 = arith.mulf %mul3A_743, %add3A_741 : vector<16xf32>
        %max3A_745 = arith.maximumf %add3A_741, %mul3A_744 : vector<16xf32>
        %sub3A_746 = arith.subf %max3A_745, %get3A_635 : vector<16xf32>
        %exp3A_747 = math.exp %sub3A_746 : vector<16xf32>
        %swap3A_748 = arith.constant 96 : index
        %swap3A_749 = tpu.vector_load %arg29[%swap3A_748] {strides = array<i32>} : memref<128xf32, #tpu.memory_space<vmem>>, vector<16xf32>,
        tpu.vector_store %arg29[%swap3A_748], %exp3A_747 {strides = array<i32>} : memref<128xf32, #tpu.memory_space<vmem>>, vector<16xf32>,
        %get3A_750 = arith.constant 96 : index
        %get3A_751 = tpu.vector_load %arg21[%get3A_750] {strides = array<i32>} : memref<128xi32, #tpu.memory_space<vmem>>, vector<16xi32>,
        tpu.vector_store_idx %arg32[%get3A_751], %exp3A_747 {add = true} : memref<10000xf32, #tpu.memory_space<vmem>>[vector<16xi32>], vector<16xf32>,
        %swap3A_752 = arith.constant 96 : index
        %swap3A_753 = tpu.vector_load %arg23[%swap3A_752] {strides = array<i32>} : memref<128xi32, #tpu.memory_space<vmem>>, vector<16xi32>,
        tpu.vector_store %arg23[%swap3A_752], %get3A_751 {strides = array<i32>} : memref<128xi32, #tpu.memory_space<vmem>>, vector<16xi32>,
        %get3A_754 = arith.constant 112 : index
        %get3A_755 = tpu.vector_load %arg25[%get3A_754] {strides = array<i32>} : memref<128xf32, #tpu.memory_space<vmem>>, vector<16xf32>,
        %get3A_756 = arith.constant 112 : index
        %get3A_757 = tpu.vector_load %arg27[%get3A_756] {strides = array<i32>} : memref<128xf32, #tpu.memory_space<vmem>>, vector<16xf32>,
        %add3A_758 = arith.addf %get3A_755, %get3A_757 : vector<16xf32>
        %mul3A_759 = arith.constant 2.000000e-01 : f32
        %mul3A_760 = vector.broadcast %mul3A_759 : f32 to vector<16xf32>
        %mul3A_761 = arith.mulf %mul3A_760, %add3A_758 : vector<16xf32>
        %max3A_762 = arith.maximumf %add3A_758, %mul3A_761 : vector<16xf32>
        %sub3A_763 = arith.subf %max3A_762, %get3A_635 : vector<16xf32>
        %exp3A_764 = math.exp %sub3A_763 : vector<16xf32>
        %swap3A_765 = arith.constant 112 : index
        %swap3A_766 = tpu.vector_load %arg29[%swap3A_765] {strides = array<i32>} : memref<128xf32, #tpu.memory_space<vmem>>, vector<16xf32>,
        tpu.vector_store %arg29[%swap3A_765], %exp3A_764 {strides = array<i32>} : memref<128xf32, #tpu.memory_space<vmem>>, vector<16xf32>,
        %get3A_767 = arith.constant 112 : index
        %get3A_768 = tpu.vector_load %arg21[%get3A_767] {strides = array<i32>} : memref<128xi32, #tpu.memory_space<vmem>>, vector<16xi32>,
        tpu.vector_store_idx %arg32[%get3A_768], %exp3A_764 {add = true} : memref<10000xf32, #tpu.memory_space<vmem>>[vector<16xi32>], vector<16xf32>,
        %swap3A_769 = arith.constant 112 : index
        %swap3A_770 = tpu.vector_load %arg23[%swap3A_769] {strides = array<i32>} : memref<128xi32, #tpu.memory_space<vmem>>, vector<16xi32>,
        tpu.vector_store %arg23[%swap3A_769], %get3A_768 {strides = array<i32>} : memref<128xi32, #tpu.memory_space<vmem>>, vector<16xi32>,
        %sub3A_771 = arith.constant 1 : i32
        %sub3A_772 = arith.subi %select_n3A_32, %sub3A_771 : i32
        %lt3A_773 = arith.cmpi slt, %add3A_363, %sub3A_772 : i32
        %convert_element_type3A_774 = arith.extui %lt3A_773 : i1 to i32
        %cond3A_775 = arith.constant 0 : i32
        %cond3A_776 = arith.cmpi ne, %convert_element_type3A_774, %cond3A_775 : i32
        scf.if %cond3A_776 {
          %add3A_960 = arith.constant 2 : i32
          %add3A_961 = arith.addi %mul3A_365, %add3A_960 : i32
          %add3A_962 = arith.addi %select_n3A, %add3A_961 : i32
          %mul3A_963 = arith.constant 128 : i32
          %mul3A_964 = arith.muli %add3A_962, %mul3A_963 : i32
          %dma_start3A_965 = arith.constant 0 : i32
          %dma_start3A_966 = tpu.memref_slice %arg2[%dma_start3A_965, %mul3A_964] : memref<2x320000xi32, #tpu.memory_space<hbm>> -> memref<1x128xi32, #tpu.memory_space<hbm>>
          %dma_start3A_967 = tpu.memref_squeeze %dma_start3A_966 : memref<1x128xi32, #tpu.memory_space<hbm>> -> memref<128xi32, #tpu.memory_space<hbm>>
          %dma_start3A_968 = tpu.memref_slice %arg2[%dma_start3A_965, %mul3A_964] : memref<2x320000xi32, #tpu.memory_space<hbm>> -> memref<1x128xi32, #tpu.memory_space<hbm>>
          %dma_start3A_969 = tpu.memref_squeeze %dma_start3A_968 : memref<1x128xi32, #tpu.memory_space<hbm>> -> memref<128xi32, #tpu.memory_space<hbm>>
          tpu.enqueue_dma source(%dma_start3A_969 : memref<128xi32, #tpu.memory_space<hbm>>) target(%arg11 : memref<128xi32, #tpu.memory_space<vmem>>) target_semaphore(%arg35 : memref<!tpu.dma_semaphore, #tpu.memory_space<semaphore_mem>>)
          %dma_start3A_970 = arith.constant 1 : i32
          %dma_start3A_971 = tpu.memref_slice %arg2[%dma_start3A_970, %mul3A_964] : memref<2x320000xi32, #tpu.memory_space<hbm>> -> memref<1x128xi32, #tpu.memory_space<hbm>>
          %dma_start3A_972 = tpu.memref_squeeze %dma_start3A_971 : memref<1x128xi32, #tpu.memory_space<hbm>> -> memref<128xi32, #tpu.memory_space<hbm>>
          %dma_start3A_973 = tpu.memref_slice %arg2[%dma_start3A_970, %mul3A_964] : memref<2x320000xi32, #tpu.memory_space<hbm>> -> memref<1x128xi32, #tpu.memory_space<hbm>>
          %dma_start3A_974 = tpu.memref_squeeze %dma_start3A_973 : memref<1x128xi32, #tpu.memory_space<hbm>> -> memref<128xi32, #tpu.memory_space<hbm>>
          tpu.enqueue_dma source(%dma_start3A_974 : memref<128xi32, #tpu.memory_space<hbm>>) target(%arg21 : memref<128xi32, #tpu.memory_space<vmem>>) target_semaphore(%arg35 : memref<!tpu.dma_semaphore, #tpu.memory_space<semaphore_mem>>)
          %dma_start3A_975 = tpu.memref_slice %arg3[%mul3A_964] : memref<320000xi32, #tpu.memory_space<hbm>> -> memref<128xi32, #tpu.memory_space<hbm>>
          %dma_start3A_976 = tpu.memref_slice %arg3[%mul3A_964] : memref<320000xi32, #tpu.memory_space<hbm>> -> memref<128xi32, #tpu.memory_space<hbm>>
          tpu.enqueue_dma source(%dma_start3A_976 : memref<128xi32, #tpu.memory_space<hbm>>) target(%arg13 : memref<128xi32, #tpu.memory_space<vmem>>) target_semaphore(%arg35 : memref<!tpu.dma_semaphore, #tpu.memory_space<semaphore_mem>>)
        } else {
        }
        %scan3A = arith.constant 0 : i32
        %scan3A_777 = arith.constant 128 : i32
        %scan3A_778 = arith.addi %scan3A, %scan3A_777 : i32
        %scan3A_779 = arith.constant 1 : i32
        scf.for %scan3A_960 = %scan3A to %scan3A_778 step %scan3A_779  : i32 {
          %mul3A_961 = arith.constant 1 : i32
          %mul3A_962 = arith.muli %scan3A_960, %mul3A_961 : i32
          %add3A_963 = arith.constant 0 : i32
          %add3A_964 = arith.addi %add3A_963, %mul3A_962 : i32
          %broadcast_in_dim3A = vector.broadcast %add3A_964 : i32 to vector<16xi32>
          %gather3A = tpu.vector_load_idx %arg29[%broadcast_in_dim3A] : memref<128xf32, #tpu.memory_space<vmem>>[vector<16xi32>], vector<16xf32>,
          %get3A_965 = arith.index_cast %add3A_964 : i32 to index
          %get3A_966 = arith.constant 0 : index
          %get3A_967 = tpu.vector_load %arg30[%get3A_965, %get3A_966] {strides = array<i32>} : memref<128x128xf32, #tpu.memory_space<vmem>>, vector<16xf32>,
          %mul3A_968 = arith.mulf %get3A_967, %gather3A : vector<16xf32>
          %swap3A_969 = arith.index_cast %add3A_964 : i32 to index
          %swap3A_970 = arith.constant 0 : index
          %swap3A_971 = tpu.vector_load %arg30[%swap3A_969, %swap3A_970] {strides = array<i32>} : memref<128x128xf32, #tpu.memory_space<vmem>>, vector<16xf32>,
          tpu.vector_store %arg30[%swap3A_969, %swap3A_970], %mul3A_968 {strides = array<i32>} : memref<128x128xf32, #tpu.memory_space<vmem>>, vector<16xf32>,
          %get3A_972 = arith.index_cast %add3A_964 : i32 to index
          %get3A_973 = arith.constant 16 : index
          %get3A_974 = tpu.vector_load %arg30[%get3A_972, %get3A_973] {strides = array<i32>} : memref<128x128xf32, #tpu.memory_space<vmem>>, vector<16xf32>,
          %mul3A_975 = arith.mulf %get3A_974, %gather3A : vector<16xf32>
          %swap3A_976 = arith.index_cast %add3A_964 : i32 to index
          %swap3A_977 = arith.constant 16 : index
          %swap3A_978 = tpu.vector_load %arg30[%swap3A_976, %swap3A_977] {strides = array<i32>} : memref<128x128xf32, #tpu.memory_space<vmem>>, vector<16xf32>,
          tpu.vector_store %arg30[%swap3A_976, %swap3A_977], %mul3A_975 {strides = array<i32>} : memref<128x128xf32, #tpu.memory_space<vmem>>, vector<16xf32>,
          %get3A_979 = arith.index_cast %add3A_964 : i32 to index
          %get3A_980 = arith.constant 32 : index
          %get3A_981 = tpu.vector_load %arg30[%get3A_979, %get3A_980] {strides = array<i32>} : memref<128x128xf32, #tpu.memory_space<vmem>>, vector<16xf32>,
          %mul3A_982 = arith.mulf %get3A_981, %gather3A : vector<16xf32>
          %swap3A_983 = arith.index_cast %add3A_964 : i32 to index
          %swap3A_984 = arith.constant 32 : index
          %swap3A_985 = tpu.vector_load %arg30[%swap3A_983, %swap3A_984] {strides = array<i32>} : memref<128x128xf32, #tpu.memory_space<vmem>>, vector<16xf32>,
          tpu.vector_store %arg30[%swap3A_983, %swap3A_984], %mul3A_982 {strides = array<i32>} : memref<128x128xf32, #tpu.memory_space<vmem>>, vector<16xf32>,
          %get3A_986 = arith.index_cast %add3A_964 : i32 to index
          %get3A_987 = arith.constant 48 : index
          %get3A_988 = tpu.vector_load %arg30[%get3A_986, %get3A_987] {strides = array<i32>} : memref<128x128xf32, #tpu.memory_space<vmem>>, vector<16xf32>,
          %mul3A_989 = arith.mulf %get3A_988, %gather3A : vector<16xf32>
          %swap3A_990 = arith.index_cast %add3A_964 : i32 to index
          %swap3A_991 = arith.constant 48 : index
          %swap3A_992 = tpu.vector_load %arg30[%swap3A_990, %swap3A_991] {strides = array<i32>} : memref<128x128xf32, #tpu.memory_space<vmem>>, vector<16xf32>,
          tpu.vector_store %arg30[%swap3A_990, %swap3A_991], %mul3A_989 {strides = array<i32>} : memref<128x128xf32, #tpu.memory_space<vmem>>, vector<16xf32>,
          %get3A_993 = arith.index_cast %add3A_964 : i32 to index
          %get3A_994 = arith.constant 64 : index
          %get3A_995 = tpu.vector_load %arg30[%get3A_993, %get3A_994] {strides = array<i32>} : memref<128x128xf32, #tpu.memory_space<vmem>>, vector<16xf32>,
          %mul3A_996 = arith.mulf %get3A_995, %gather3A : vector<16xf32>
          %swap3A_997 = arith.index_cast %add3A_964 : i32 to index
          %swap3A_998 = arith.constant 64 : index
          %swap3A_999 = tpu.vector_load %arg30[%swap3A_997, %swap3A_998] {strides = array<i32>} : memref<128x128xf32, #tpu.memory_space<vmem>>, vector<16xf32>,
          tpu.vector_store %arg30[%swap3A_997, %swap3A_998], %mul3A_996 {strides = array<i32>} : memref<128x128xf32, #tpu.memory_space<vmem>>, vector<16xf32>,
          %get3A_1000 = arith.index_cast %add3A_964 : i32 to index
          %get3A_1001 = arith.constant 80 : index
          %get3A_1002 = tpu.vector_load %arg30[%get3A_1000, %get3A_1001] {strides = array<i32>} : memref<128x128xf32, #tpu.memory_space<vmem>>, vector<16xf32>,
          %mul3A_1003 = arith.mulf %get3A_1002, %gather3A : vector<16xf32>
          %swap3A_1004 = arith.index_cast %add3A_964 : i32 to index
          %swap3A_1005 = arith.constant 80 : index
          %swap3A_1006 = tpu.vector_load %arg30[%swap3A_1004, %swap3A_1005] {strides = array<i32>} : memref<128x128xf32, #tpu.memory_space<vmem>>, vector<16xf32>,
          tpu.vector_store %arg30[%swap3A_1004, %swap3A_1005], %mul3A_1003 {strides = array<i32>} : memref<128x128xf32, #tpu.memory_space<vmem>>, vector<16xf32>,
          %get3A_1007 = arith.index_cast %add3A_964 : i32 to index
          %get3A_1008 = arith.constant 96 : index
          %get3A_1009 = tpu.vector_load %arg30[%get3A_1007, %get3A_1008] {strides = array<i32>} : memref<128x128xf32, #tpu.memory_space<vmem>>, vector<16xf32>,
          %mul3A_1010 = arith.mulf %get3A_1009, %gather3A : vector<16xf32>
          %swap3A_1011 = arith.index_cast %add3A_964 : i32 to index
          %swap3A_1012 = arith.constant 96 : index
          %swap3A_1013 = tpu.vector_load %arg30[%swap3A_1011, %swap3A_1012] {strides = array<i32>} : memref<128x128xf32, #tpu.memory_space<vmem>>, vector<16xf32>,
          tpu.vector_store %arg30[%swap3A_1011, %swap3A_1012], %mul3A_1010 {strides = array<i32>} : memref<128x128xf32, #tpu.memory_space<vmem>>, vector<16xf32>,
          %get3A_1014 = arith.index_cast %add3A_964 : i32 to index
          %get3A_1015 = arith.constant 112 : index
          %get3A_1016 = tpu.vector_load %arg30[%get3A_1014, %get3A_1015] {strides = array<i32>} : memref<128x128xf32, #tpu.memory_space<vmem>>, vector<16xf32>,
          %mul3A_1017 = arith.mulf %get3A_1016, %gather3A : vector<16xf32>
          %swap3A_1018 = arith.index_cast %add3A_964 : i32 to index
          %swap3A_1019 = arith.constant 112 : index
          %swap3A_1020 = tpu.vector_load %arg30[%swap3A_1018, %swap3A_1019] {strides = array<i32>} : memref<128x128xf32, #tpu.memory_space<vmem>>, vector<16xf32>,
          tpu.vector_store %arg30[%swap3A_1018, %swap3A_1019], %mul3A_1017 {strides = array<i32>} : memref<128x128xf32, #tpu.memory_space<vmem>>, vector<16xf32>,
        }
        %scan3A_780 = arith.constant 128 : i32
        %dma_start3A_781 = arith.constant 0 : i32
        %dma_start3A_782 = arith.constant 0 : i32
        %dma_start3A_783 = tpu.memref_slice %arg34[%dma_start3A_781, %dma_start3A_782] : memref<10000x128xf32, #tpu.memory_space<vmem_shared>> -> memref<10000x128xf32, #tpu.memory_space<vmem_shared>>
        tpu.enqueue_indirect_dma source(%arg30 : memref<128x128xf32, #tpu.memory_space<vmem>>) target(%dma_start3A_783 : memref<10000x128xf32, #tpu.memory_space<vmem_shared>>) offsets(%arg23 : memref<128xi32, #tpu.memory_space<vmem>>) semaphore(%arg39 : memref<!tpu.dma_semaphore, #tpu.memory_space<semaphore_mem>>) {add = true}
        %sub3A_784 = arith.constant 1 : i32
        %sub3A_785 = arith.subi %select_n3A_32, %sub3A_784 : i32
        %lt3A_786 = arith.cmpi slt, %add3A_363, %sub3A_785 : i32
        %convert_element_type3A_787 = arith.extui %lt3A_786 : i1 to i32
        %cond3A_788 = arith.constant 0 : i32
        %cond3A_789 = arith.cmpi ne, %convert_element_type3A_787, %cond3A_788 : i32
        scf.if %cond3A_789 {
          %add3A_960 = arith.constant 2 : i32
          %add3A_961 = arith.addi %mul3A_365, %add3A_960 : i32
          %add3A_962 = arith.addi %select_n3A, %add3A_961 : i32
          %mul3A_963 = arith.constant 128 : i32
          %mul3A_964 = arith.muli %add3A_962, %mul3A_963 : i32
          %dma_wait3A_965 = arith.constant 0 : i32
          %dma_wait3A_966 = tpu.memref_slice %arg2[%dma_wait3A_965, %mul3A_964] : memref<2x320000xi32, #tpu.memory_space<hbm>> -> memref<1x128xi32, #tpu.memory_space<hbm>>
          %dma_wait3A_967 = tpu.memref_squeeze %dma_wait3A_966 : memref<1x128xi32, #tpu.memory_space<hbm>> -> memref<128xi32, #tpu.memory_space<hbm>>
          %dma_wait3A_968 = tpu.memref_slice %arg2[%dma_wait3A_965, %mul3A_964] : memref<2x320000xi32, #tpu.memory_space<hbm>> -> memref<1x128xi32, #tpu.memory_space<hbm>>
          %dma_wait3A_969 = tpu.memref_squeeze %dma_wait3A_968 : memref<1x128xi32, #tpu.memory_space<hbm>> -> memref<128xi32, #tpu.memory_space<hbm>>
          tpu.wait_dma2 semaphore(%arg35 : memref<!tpu.dma_semaphore, #tpu.memory_space<semaphore_mem>>) src(%dma_wait3A_969 : memref<128xi32, #tpu.memory_space<hbm>>) dst(%arg11 : memref<128xi32, #tpu.memory_space<vmem>>)
          %dma_wait3A_970 = arith.constant 1 : i32
          %dma_wait3A_971 = tpu.memref_slice %arg2[%dma_wait3A_970, %mul3A_964] : memref<2x320000xi32, #tpu.memory_space<hbm>> -> memref<1x128xi32, #tpu.memory_space<hbm>>
          %dma_wait3A_972 = tpu.memref_squeeze %dma_wait3A_971 : memref<1x128xi32, #tpu.memory_space<hbm>> -> memref<128xi32, #tpu.memory_space<hbm>>
          %dma_wait3A_973 = tpu.memref_slice %arg2[%dma_wait3A_970, %mul3A_964] : memref<2x320000xi32, #tpu.memory_space<hbm>> -> memref<1x128xi32, #tpu.memory_space<hbm>>
          %dma_wait3A_974 = tpu.memref_squeeze %dma_wait3A_973 : memref<1x128xi32, #tpu.memory_space<hbm>> -> memref<128xi32, #tpu.memory_space<hbm>>
          tpu.wait_dma2 semaphore(%arg35 : memref<!tpu.dma_semaphore, #tpu.memory_space<semaphore_mem>>) src(%dma_wait3A_974 : memref<128xi32, #tpu.memory_space<hbm>>) dst(%arg21 : memref<128xi32, #tpu.memory_space<vmem>>)
          %dma_wait3A_975 = tpu.memref_slice %arg3[%mul3A_964] : memref<320000xi32, #tpu.memory_space<hbm>> -> memref<128xi32, #tpu.memory_space<hbm>>
          %dma_wait3A_976 = tpu.memref_slice %arg3[%mul3A_964] : memref<320000xi32, #tpu.memory_space<hbm>> -> memref<128xi32, #tpu.memory_space<hbm>>
          tpu.wait_dma2 semaphore(%arg35 : memref<!tpu.dma_semaphore, #tpu.memory_space<semaphore_mem>>) src(%dma_wait3A_976 : memref<128xi32, #tpu.memory_space<hbm>>) dst(%arg13 : memref<128xi32, #tpu.memory_space<vmem>>)
          %get3A_977 = arith.constant 0 : index
          %get3A_978 = tpu.vector_load %arg13[%get3A_977] {strides = array<i32>} : memref<128xi32, #tpu.memory_space<vmem>>, vector<16xi32>,
          %get3A_979 = arith.constant 0 : index
          %get3A_980 = tpu.vector_load %arg21[%get3A_979] {strides = array<i32>} : memref<128xi32, #tpu.memory_space<vmem>>, vector<16xi32>,
          %mul3A_981 = arith.constant 16 : i32
          %mul3A_982 = vector.broadcast %mul3A_981 : i32 to vector<16xi32>
          %mul3A_983 = arith.muli %get3A_980, %mul3A_982 : vector<16xi32>
          %add3A_984 = arith.addi %mul3A_983, %get3A_978 : vector<16xi32>
          %swap3A_985 = arith.constant 0 : index
          %swap3A_986 = tpu.vector_load %arg15[%swap3A_985] {strides = array<i32>} : memref<128xi32, #tpu.memory_space<vmem>>, vector<16xi32>,
          tpu.vector_store %arg15[%swap3A_985], %add3A_984 {strides = array<i32>} : memref<128xi32, #tpu.memory_space<vmem>>, vector<16xi32>,
          %get3A_987 = arith.constant 0 : index
          %get3A_988 = tpu.vector_load %arg11[%get3A_987] {strides = array<i32>} : memref<128xi32, #tpu.memory_space<vmem>>, vector<16xi32>,
          %mul3A_989 = arith.constant 16 : i32
          %mul3A_990 = vector.broadcast %mul3A_989 : i32 to vector<16xi32>
          %mul3A_991 = arith.muli %get3A_988, %mul3A_990 : vector<16xi32>
          %add3A_992 = arith.constant 8 : i32
          %add3A_993 = vector.broadcast %add3A_992 : i32 to vector<16xi32>
          %add3A_994 = arith.addi %get3A_978, %add3A_993 : vector<16xi32>
          %add3A_995 = arith.addi %mul3A_991, %add3A_994 : vector<16xi32>
          %swap3A_996 = arith.constant 0 : index
          %swap3A_997 = tpu.vector_load %arg17[%swap3A_996] {strides = array<i32>} : memref<128xi32, #tpu.memory_space<vmem>>, vector<16xi32>,
          tpu.vector_store %arg17[%swap3A_996], %add3A_995 {strides = array<i32>} : memref<128xi32, #tpu.memory_space<vmem>>, vector<16xi32>,
          %mul3A_998 = arith.constant 10000 : i32
          %mul3A_999 = vector.broadcast %mul3A_998 : i32 to vector<16xi32>
          %mul3A_1000 = arith.muli %get3A_978, %mul3A_999 : vector<16xi32>
          %get3A_1001 = arith.constant 0 : index
          %get3A_1002 = tpu.vector_load %arg11[%get3A_1001] {strides = array<i32>} : memref<128xi32, #tpu.memory_space<vmem>>, vector<16xi32>,
          %add3A_1003 = arith.addi %mul3A_1000, %get3A_1002 : vector<16xi32>
          %swap3A_1004 = arith.constant 0 : index
          %swap3A_1005 = tpu.vector_load %arg19[%swap3A_1004] {strides = array<i32>} : memref<128xi32, #tpu.memory_space<vmem>>, vector<16xi32>,
          tpu.vector_store %arg19[%swap3A_1004], %add3A_1003 {strides = array<i32>} : memref<128xi32, #tpu.memory_space<vmem>>, vector<16xi32>,
          %get3A_1006 = arith.constant 16 : index
          %get3A_1007 = tpu.vector_load %arg13[%get3A_1006] {strides = array<i32>} : memref<128xi32, #tpu.memory_space<vmem>>, vector<16xi32>,
          %get3A_1008 = arith.constant 16 : index
          %get3A_1009 = tpu.vector_load %arg21[%get3A_1008] {strides = array<i32>} : memref<128xi32, #tpu.memory_space<vmem>>, vector<16xi32>,
          %mul3A_1010 = arith.constant 16 : i32
          %mul3A_1011 = vector.broadcast %mul3A_1010 : i32 to vector<16xi32>
          %mul3A_1012 = arith.muli %get3A_1009, %mul3A_1011 : vector<16xi32>
          %add3A_1013 = arith.addi %mul3A_1012, %get3A_1007 : vector<16xi32>
          %swap3A_1014 = arith.constant 16 : index
          %swap3A_1015 = tpu.vector_load %arg15[%swap3A_1014] {strides = array<i32>} : memref<128xi32, #tpu.memory_space<vmem>>, vector<16xi32>,
          tpu.vector_store %arg15[%swap3A_1014], %add3A_1013 {strides = array<i32>} : memref<128xi32, #tpu.memory_space<vmem>>, vector<16xi32>,
          %get3A_1016 = arith.constant 16 : index
          %get3A_1017 = tpu.vector_load %arg11[%get3A_1016] {strides = array<i32>} : memref<128xi32, #tpu.memory_space<vmem>>, vector<16xi32>,
          %mul3A_1018 = arith.constant 16 : i32
          %mul3A_1019 = vector.broadcast %mul3A_1018 : i32 to vector<16xi32>
          %mul3A_1020 = arith.muli %get3A_1017, %mul3A_1019 : vector<16xi32>
          %add3A_1021 = arith.constant 8 : i32
          %add3A_1022 = vector.broadcast %add3A_1021 : i32 to vector<16xi32>
          %add3A_1023 = arith.addi %get3A_1007, %add3A_1022 : vector<16xi32>
          %add3A_1024 = arith.addi %mul3A_1020, %add3A_1023 : vector<16xi32>
          %swap3A_1025 = arith.constant 16 : index
          %swap3A_1026 = tpu.vector_load %arg17[%swap3A_1025] {strides = array<i32>} : memref<128xi32, #tpu.memory_space<vmem>>, vector<16xi32>,
          tpu.vector_store %arg17[%swap3A_1025], %add3A_1024 {strides = array<i32>} : memref<128xi32, #tpu.memory_space<vmem>>, vector<16xi32>,
          %mul3A_1027 = arith.constant 10000 : i32
          %mul3A_1028 = vector.broadcast %mul3A_1027 : i32 to vector<16xi32>
          %mul3A_1029 = arith.muli %get3A_1007, %mul3A_1028 : vector<16xi32>
          %get3A_1030 = arith.constant 16 : index
          %get3A_1031 = tpu.vector_load %arg11[%get3A_1030] {strides = array<i32>} : memref<128xi32, #tpu.memory_space<vmem>>, vector<16xi32>,
          %add3A_1032 = arith.addi %mul3A_1029, %get3A_1031 : vector<16xi32>
          %swap3A_1033 = arith.constant 16 : index
          %swap3A_1034 = tpu.vector_load %arg19[%swap3A_1033] {strides = array<i32>} : memref<128xi32, #tpu.memory_space<vmem>>, vector<16xi32>,
          tpu.vector_store %arg19[%swap3A_1033], %add3A_1032 {strides = array<i32>} : memref<128xi32, #tpu.memory_space<vmem>>, vector<16xi32>,
          %get3A_1035 = arith.constant 32 : index
          %get3A_1036 = tpu.vector_load %arg13[%get3A_1035] {strides = array<i32>} : memref<128xi32, #tpu.memory_space<vmem>>, vector<16xi32>,
          %get3A_1037 = arith.constant 32 : index
          %get3A_1038 = tpu.vector_load %arg21[%get3A_1037] {strides = array<i32>} : memref<128xi32, #tpu.memory_space<vmem>>, vector<16xi32>,
          %mul3A_1039 = arith.constant 16 : i32
          %mul3A_1040 = vector.broadcast %mul3A_1039 : i32 to vector<16xi32>
          %mul3A_1041 = arith.muli %get3A_1038, %mul3A_1040 : vector<16xi32>
          %add3A_1042 = arith.addi %mul3A_1041, %get3A_1036 : vector<16xi32>
          %swap3A_1043 = arith.constant 32 : index
          %swap3A_1044 = tpu.vector_load %arg15[%swap3A_1043] {strides = array<i32>} : memref<128xi32, #tpu.memory_space<vmem>>, vector<16xi32>,
          tpu.vector_store %arg15[%swap3A_1043], %add3A_1042 {strides = array<i32>} : memref<128xi32, #tpu.memory_space<vmem>>, vector<16xi32>,
          %get3A_1045 = arith.constant 32 : index
          %get3A_1046 = tpu.vector_load %arg11[%get3A_1045] {strides = array<i32>} : memref<128xi32, #tpu.memory_space<vmem>>, vector<16xi32>,
          %mul3A_1047 = arith.constant 16 : i32
          %mul3A_1048 = vector.broadcast %mul3A_1047 : i32 to vector<16xi32>
          %mul3A_1049 = arith.muli %get3A_1046, %mul3A_1048 : vector<16xi32>
          %add3A_1050 = arith.constant 8 : i32
          %add3A_1051 = vector.broadcast %add3A_1050 : i32 to vector<16xi32>
          %add3A_1052 = arith.addi %get3A_1036, %add3A_1051 : vector<16xi32>
          %add3A_1053 = arith.addi %mul3A_1049, %add3A_1052 : vector<16xi32>
          %swap3A_1054 = arith.constant 32 : index
          %swap3A_1055 = tpu.vector_load %arg17[%swap3A_1054] {strides = array<i32>} : memref<128xi32, #tpu.memory_space<vmem>>, vector<16xi32>,
          tpu.vector_store %arg17[%swap3A_1054], %add3A_1053 {strides = array<i32>} : memref<128xi32, #tpu.memory_space<vmem>>, vector<16xi32>,
          %mul3A_1056 = arith.constant 10000 : i32
          %mul3A_1057 = vector.broadcast %mul3A_1056 : i32 to vector<16xi32>
          %mul3A_1058 = arith.muli %get3A_1036, %mul3A_1057 : vector<16xi32>
          %get3A_1059 = arith.constant 32 : index
          %get3A_1060 = tpu.vector_load %arg11[%get3A_1059] {strides = array<i32>} : memref<128xi32, #tpu.memory_space<vmem>>, vector<16xi32>,
          %add3A_1061 = arith.addi %mul3A_1058, %get3A_1060 : vector<16xi32>
          %swap3A_1062 = arith.constant 32 : index
          %swap3A_1063 = tpu.vector_load %arg19[%swap3A_1062] {strides = array<i32>} : memref<128xi32, #tpu.memory_space<vmem>>, vector<16xi32>,
          tpu.vector_store %arg19[%swap3A_1062], %add3A_1061 {strides = array<i32>} : memref<128xi32, #tpu.memory_space<vmem>>, vector<16xi32>,
          %get3A_1064 = arith.constant 48 : index
          %get3A_1065 = tpu.vector_load %arg13[%get3A_1064] {strides = array<i32>} : memref<128xi32, #tpu.memory_space<vmem>>, vector<16xi32>,
          %get3A_1066 = arith.constant 48 : index
          %get3A_1067 = tpu.vector_load %arg21[%get3A_1066] {strides = array<i32>} : memref<128xi32, #tpu.memory_space<vmem>>, vector<16xi32>,
          %mul3A_1068 = arith.constant 16 : i32
          %mul3A_1069 = vector.broadcast %mul3A_1068 : i32 to vector<16xi32>
          %mul3A_1070 = arith.muli %get3A_1067, %mul3A_1069 : vector<16xi32>
          %add3A_1071 = arith.addi %mul3A_1070, %get3A_1065 : vector<16xi32>
          %swap3A_1072 = arith.constant 48 : index
          %swap3A_1073 = tpu.vector_load %arg15[%swap3A_1072] {strides = array<i32>} : memref<128xi32, #tpu.memory_space<vmem>>, vector<16xi32>,
          tpu.vector_store %arg15[%swap3A_1072], %add3A_1071 {strides = array<i32>} : memref<128xi32, #tpu.memory_space<vmem>>, vector<16xi32>,
          %get3A_1074 = arith.constant 48 : index
          %get3A_1075 = tpu.vector_load %arg11[%get3A_1074] {strides = array<i32>} : memref<128xi32, #tpu.memory_space<vmem>>, vector<16xi32>,
          %mul3A_1076 = arith.constant 16 : i32
          %mul3A_1077 = vector.broadcast %mul3A_1076 : i32 to vector<16xi32>
          %mul3A_1078 = arith.muli %get3A_1075, %mul3A_1077 : vector<16xi32>
          %add3A_1079 = arith.constant 8 : i32
          %add3A_1080 = vector.broadcast %add3A_1079 : i32 to vector<16xi32>
          %add3A_1081 = arith.addi %get3A_1065, %add3A_1080 : vector<16xi32>
          %add3A_1082 = arith.addi %mul3A_1078, %add3A_1081 : vector<16xi32>
          %swap3A_1083 = arith.constant 48 : index
          %swap3A_1084 = tpu.vector_load %arg17[%swap3A_1083] {strides = array<i32>} : memref<128xi32, #tpu.memory_space<vmem>>, vector<16xi32>,
          tpu.vector_store %arg17[%swap3A_1083], %add3A_1082 {strides = array<i32>} : memref<128xi32, #tpu.memory_space<vmem>>, vector<16xi32>,
          %mul3A_1085 = arith.constant 10000 : i32
          %mul3A_1086 = vector.broadcast %mul3A_1085 : i32 to vector<16xi32>
          %mul3A_1087 = arith.muli %get3A_1065, %mul3A_1086 : vector<16xi32>
          %get3A_1088 = arith.constant 48 : index
          %get3A_1089 = tpu.vector_load %arg11[%get3A_1088] {strides = array<i32>} : memref<128xi32, #tpu.memory_space<vmem>>, vector<16xi32>,
          %add3A_1090 = arith.addi %mul3A_1087, %get3A_1089 : vector<16xi32>
          %swap3A_1091 = arith.constant 48 : index
          %swap3A_1092 = tpu.vector_load %arg19[%swap3A_1091] {strides = array<i32>} : memref<128xi32, #tpu.memory_space<vmem>>, vector<16xi32>,
          tpu.vector_store %arg19[%swap3A_1091], %add3A_1090 {strides = array<i32>} : memref<128xi32, #tpu.memory_space<vmem>>, vector<16xi32>,
          %get3A_1093 = arith.constant 64 : index
          %get3A_1094 = tpu.vector_load %arg13[%get3A_1093] {strides = array<i32>} : memref<128xi32, #tpu.memory_space<vmem>>, vector<16xi32>,
          %get3A_1095 = arith.constant 64 : index
          %get3A_1096 = tpu.vector_load %arg21[%get3A_1095] {strides = array<i32>} : memref<128xi32, #tpu.memory_space<vmem>>, vector<16xi32>,
          %mul3A_1097 = arith.constant 16 : i32
          %mul3A_1098 = vector.broadcast %mul3A_1097 : i32 to vector<16xi32>
          %mul3A_1099 = arith.muli %get3A_1096, %mul3A_1098 : vector<16xi32>
          %add3A_1100 = arith.addi %mul3A_1099, %get3A_1094 : vector<16xi32>
          %swap3A_1101 = arith.constant 64 : index
          %swap3A_1102 = tpu.vector_load %arg15[%swap3A_1101] {strides = array<i32>} : memref<128xi32, #tpu.memory_space<vmem>>, vector<16xi32>,
          tpu.vector_store %arg15[%swap3A_1101], %add3A_1100 {strides = array<i32>} : memref<128xi32, #tpu.memory_space<vmem>>, vector<16xi32>,
          %get3A_1103 = arith.constant 64 : index
          %get3A_1104 = tpu.vector_load %arg11[%get3A_1103] {strides = array<i32>} : memref<128xi32, #tpu.memory_space<vmem>>, vector<16xi32>,
          %mul3A_1105 = arith.constant 16 : i32
          %mul3A_1106 = vector.broadcast %mul3A_1105 : i32 to vector<16xi32>
          %mul3A_1107 = arith.muli %get3A_1104, %mul3A_1106 : vector<16xi32>
          %add3A_1108 = arith.constant 8 : i32
          %add3A_1109 = vector.broadcast %add3A_1108 : i32 to vector<16xi32>
          %add3A_1110 = arith.addi %get3A_1094, %add3A_1109 : vector<16xi32>
          %add3A_1111 = arith.addi %mul3A_1107, %add3A_1110 : vector<16xi32>
          %swap3A_1112 = arith.constant 64 : index
          %swap3A_1113 = tpu.vector_load %arg17[%swap3A_1112] {strides = array<i32>} : memref<128xi32, #tpu.memory_space<vmem>>, vector<16xi32>,
          tpu.vector_store %arg17[%swap3A_1112], %add3A_1111 {strides = array<i32>} : memref<128xi32, #tpu.memory_space<vmem>>, vector<16xi32>,
          %mul3A_1114 = arith.constant 10000 : i32
          %mul3A_1115 = vector.broadcast %mul3A_1114 : i32 to vector<16xi32>
          %mul3A_1116 = arith.muli %get3A_1094, %mul3A_1115 : vector<16xi32>
          %get3A_1117 = arith.constant 64 : index
          %get3A_1118 = tpu.vector_load %arg11[%get3A_1117] {strides = array<i32>} : memref<128xi32, #tpu.memory_space<vmem>>, vector<16xi32>,
          %add3A_1119 = arith.addi %mul3A_1116, %get3A_1118 : vector<16xi32>
          %swap3A_1120 = arith.constant 64 : index
          %swap3A_1121 = tpu.vector_load %arg19[%swap3A_1120] {strides = array<i32>} : memref<128xi32, #tpu.memory_space<vmem>>, vector<16xi32>,
          tpu.vector_store %arg19[%swap3A_1120], %add3A_1119 {strides = array<i32>} : memref<128xi32, #tpu.memory_space<vmem>>, vector<16xi32>,
          %get3A_1122 = arith.constant 80 : index
          %get3A_1123 = tpu.vector_load %arg13[%get3A_1122] {strides = array<i32>} : memref<128xi32, #tpu.memory_space<vmem>>, vector<16xi32>,
          %get3A_1124 = arith.constant 80 : index
          %get3A_1125 = tpu.vector_load %arg21[%get3A_1124] {strides = array<i32>} : memref<128xi32, #tpu.memory_space<vmem>>, vector<16xi32>,
          %mul3A_1126 = arith.constant 16 : i32
          %mul3A_1127 = vector.broadcast %mul3A_1126 : i32 to vector<16xi32>
          %mul3A_1128 = arith.muli %get3A_1125, %mul3A_1127 : vector<16xi32>
          %add3A_1129 = arith.addi %mul3A_1128, %get3A_1123 : vector<16xi32>
          %swap3A_1130 = arith.constant 80 : index
          %swap3A_1131 = tpu.vector_load %arg15[%swap3A_1130] {strides = array<i32>} : memref<128xi32, #tpu.memory_space<vmem>>, vector<16xi32>,
          tpu.vector_store %arg15[%swap3A_1130], %add3A_1129 {strides = array<i32>} : memref<128xi32, #tpu.memory_space<vmem>>, vector<16xi32>,
          %get3A_1132 = arith.constant 80 : index
          %get3A_1133 = tpu.vector_load %arg11[%get3A_1132] {strides = array<i32>} : memref<128xi32, #tpu.memory_space<vmem>>, vector<16xi32>,
          %mul3A_1134 = arith.constant 16 : i32
          %mul3A_1135 = vector.broadcast %mul3A_1134 : i32 to vector<16xi32>
          %mul3A_1136 = arith.muli %get3A_1133, %mul3A_1135 : vector<16xi32>
          %add3A_1137 = arith.constant 8 : i32
          %add3A_1138 = vector.broadcast %add3A_1137 : i32 to vector<16xi32>
          %add3A_1139 = arith.addi %get3A_1123, %add3A_1138 : vector<16xi32>
          %add3A_1140 = arith.addi %mul3A_1136, %add3A_1139 : vector<16xi32>
          %swap3A_1141 = arith.constant 80 : index
          %swap3A_1142 = tpu.vector_load %arg17[%swap3A_1141] {strides = array<i32>} : memref<128xi32, #tpu.memory_space<vmem>>, vector<16xi32>,
          tpu.vector_store %arg17[%swap3A_1141], %add3A_1140 {strides = array<i32>} : memref<128xi32, #tpu.memory_space<vmem>>, vector<16xi32>,
          %mul3A_1143 = arith.constant 10000 : i32
          %mul3A_1144 = vector.broadcast %mul3A_1143 : i32 to vector<16xi32>
          %mul3A_1145 = arith.muli %get3A_1123, %mul3A_1144 : vector<16xi32>
          %get3A_1146 = arith.constant 80 : index
          %get3A_1147 = tpu.vector_load %arg11[%get3A_1146] {strides = array<i32>} : memref<128xi32, #tpu.memory_space<vmem>>, vector<16xi32>,
          %add3A_1148 = arith.addi %mul3A_1145, %get3A_1147 : vector<16xi32>
          %swap3A_1149 = arith.constant 80 : index
          %swap3A_1150 = tpu.vector_load %arg19[%swap3A_1149] {strides = array<i32>} : memref<128xi32, #tpu.memory_space<vmem>>, vector<16xi32>,
          tpu.vector_store %arg19[%swap3A_1149], %add3A_1148 {strides = array<i32>} : memref<128xi32, #tpu.memory_space<vmem>>, vector<16xi32>,
          %get3A_1151 = arith.constant 96 : index
          %get3A_1152 = tpu.vector_load %arg13[%get3A_1151] {strides = array<i32>} : memref<128xi32, #tpu.memory_space<vmem>>, vector<16xi32>,
          %get3A_1153 = arith.constant 96 : index
          %get3A_1154 = tpu.vector_load %arg21[%get3A_1153] {strides = array<i32>} : memref<128xi32, #tpu.memory_space<vmem>>, vector<16xi32>,
          %mul3A_1155 = arith.constant 16 : i32
          %mul3A_1156 = vector.broadcast %mul3A_1155 : i32 to vector<16xi32>
          %mul3A_1157 = arith.muli %get3A_1154, %mul3A_1156 : vector<16xi32>
          %add3A_1158 = arith.addi %mul3A_1157, %get3A_1152 : vector<16xi32>
          %swap3A_1159 = arith.constant 96 : index
          %swap3A_1160 = tpu.vector_load %arg15[%swap3A_1159] {strides = array<i32>} : memref<128xi32, #tpu.memory_space<vmem>>, vector<16xi32>,
          tpu.vector_store %arg15[%swap3A_1159], %add3A_1158 {strides = array<i32>} : memref<128xi32, #tpu.memory_space<vmem>>, vector<16xi32>,
          %get3A_1161 = arith.constant 96 : index
          %get3A_1162 = tpu.vector_load %arg11[%get3A_1161] {strides = array<i32>} : memref<128xi32, #tpu.memory_space<vmem>>, vector<16xi32>,
          %mul3A_1163 = arith.constant 16 : i32
          %mul3A_1164 = vector.broadcast %mul3A_1163 : i32 to vector<16xi32>
          %mul3A_1165 = arith.muli %get3A_1162, %mul3A_1164 : vector<16xi32>
          %add3A_1166 = arith.constant 8 : i32
          %add3A_1167 = vector.broadcast %add3A_1166 : i32 to vector<16xi32>
          %add3A_1168 = arith.addi %get3A_1152, %add3A_1167 : vector<16xi32>
          %add3A_1169 = arith.addi %mul3A_1165, %add3A_1168 : vector<16xi32>
          %swap3A_1170 = arith.constant 96 : index
          %swap3A_1171 = tpu.vector_load %arg17[%swap3A_1170] {strides = array<i32>} : memref<128xi32, #tpu.memory_space<vmem>>, vector<16xi32>,
          tpu.vector_store %arg17[%swap3A_1170], %add3A_1169 {strides = array<i32>} : memref<128xi32, #tpu.memory_space<vmem>>, vector<16xi32>,
          %mul3A_1172 = arith.constant 10000 : i32
          %mul3A_1173 = vector.broadcast %mul3A_1172 : i32 to vector<16xi32>
          %mul3A_1174 = arith.muli %get3A_1152, %mul3A_1173 : vector<16xi32>
          %get3A_1175 = arith.constant 96 : index
          %get3A_1176 = tpu.vector_load %arg11[%get3A_1175] {strides = array<i32>} : memref<128xi32, #tpu.memory_space<vmem>>, vector<16xi32>,
          %add3A_1177 = arith.addi %mul3A_1174, %get3A_1176 : vector<16xi32>
          %swap3A_1178 = arith.constant 96 : index
          %swap3A_1179 = tpu.vector_load %arg19[%swap3A_1178] {strides = array<i32>} : memref<128xi32, #tpu.memory_space<vmem>>, vector<16xi32>,
          tpu.vector_store %arg19[%swap3A_1178], %add3A_1177 {strides = array<i32>} : memref<128xi32, #tpu.memory_space<vmem>>, vector<16xi32>,
          %get3A_1180 = arith.constant 112 : index
          %get3A_1181 = tpu.vector_load %arg13[%get3A_1180] {strides = array<i32>} : memref<128xi32, #tpu.memory_space<vmem>>, vector<16xi32>,
          %get3A_1182 = arith.constant 112 : index
          %get3A_1183 = tpu.vector_load %arg21[%get3A_1182] {strides = array<i32>} : memref<128xi32, #tpu.memory_space<vmem>>, vector<16xi32>,
          %mul3A_1184 = arith.constant 16 : i32
          %mul3A_1185 = vector.broadcast %mul3A_1184 : i32 to vector<16xi32>
          %mul3A_1186 = arith.muli %get3A_1183, %mul3A_1185 : vector<16xi32>
          %add3A_1187 = arith.addi %mul3A_1186, %get3A_1181 : vector<16xi32>
          %swap3A_1188 = arith.constant 112 : index
          %swap3A_1189 = tpu.vector_load %arg15[%swap3A_1188] {strides = array<i32>} : memref<128xi32, #tpu.memory_space<vmem>>, vector<16xi32>,
          tpu.vector_store %arg15[%swap3A_1188], %add3A_1187 {strides = array<i32>} : memref<128xi32, #tpu.memory_space<vmem>>, vector<16xi32>,
          %get3A_1190 = arith.constant 112 : index
          %get3A_1191 = tpu.vector_load %arg11[%get3A_1190] {strides = array<i32>} : memref<128xi32, #tpu.memory_space<vmem>>, vector<16xi32>,
          %mul3A_1192 = arith.constant 16 : i32
          %mul3A_1193 = vector.broadcast %mul3A_1192 : i32 to vector<16xi32>
          %mul3A_1194 = arith.muli %get3A_1191, %mul3A_1193 : vector<16xi32>
          %add3A_1195 = arith.constant 8 : i32
          %add3A_1196 = vector.broadcast %add3A_1195 : i32 to vector<16xi32>
          %add3A_1197 = arith.addi %get3A_1181, %add3A_1196 : vector<16xi32>
          %add3A_1198 = arith.addi %mul3A_1194, %add3A_1197 : vector<16xi32>
          %swap3A_1199 = arith.constant 112 : index
          %swap3A_1200 = tpu.vector_load %arg17[%swap3A_1199] {strides = array<i32>} : memref<128xi32, #tpu.memory_space<vmem>>, vector<16xi32>,
          tpu.vector_store %arg17[%swap3A_1199], %add3A_1198 {strides = array<i32>} : memref<128xi32, #tpu.memory_space<vmem>>, vector<16xi32>,
          %mul3A_1201 = arith.constant 10000 : i32
          %mul3A_1202 = vector.broadcast %mul3A_1201 : i32 to vector<16xi32>
          %mul3A_1203 = arith.muli %get3A_1181, %mul3A_1202 : vector<16xi32>
          %get3A_1204 = arith.constant 112 : index
          %get3A_1205 = tpu.vector_load %arg11[%get3A_1204] {strides = array<i32>} : memref<128xi32, #tpu.memory_space<vmem>>, vector<16xi32>,
          %add3A_1206 = arith.addi %mul3A_1203, %get3A_1205 : vector<16xi32>
          %swap3A_1207 = arith.constant 112 : index
          %swap3A_1208 = tpu.vector_load %arg19[%swap3A_1207] {strides = array<i32>} : memref<128xi32, #tpu.memory_space<vmem>>, vector<16xi32>,
          tpu.vector_store %arg19[%swap3A_1207], %add3A_1206 {strides = array<i32>} : memref<128xi32, #tpu.memory_space<vmem>>, vector<16xi32>,
        } else {
        }
        %dma_wait3A_790 = arith.constant 0 : i32
        %dma_wait3A_791 = arith.constant 0 : i32
        %dma_wait3A_792 = tpu.memref_slice %arg34[%dma_wait3A_790, %dma_wait3A_791] : memref<10000x128xf32, #tpu.memory_space<vmem_shared>> -> memref<10000x128xf32, #tpu.memory_space<vmem_shared>>
        tpu.wait_indirect_dma semaphore(%arg39 : memref<!tpu.dma_semaphore, #tpu.memory_space<semaphore_mem>>) src(%arg30 : memref<128x128xf32, #tpu.memory_space<vmem>>) dst(%dma_wait3A_792 : memref<10000x128xf32, #tpu.memory_space<vmem_shared>>)
        %sub3A_793 = arith.constant 1 : i32
        %sub3A_794 = arith.subi %select_n3A_32, %sub3A_793 : i32
        %lt3A_795 = arith.cmpi slt, %add3A_363, %sub3A_794 : i32
        %convert_element_type3A_796 = arith.extui %lt3A_795 : i1 to i32
        %cond3A_797 = arith.constant 0 : i32
        %cond3A_798 = arith.cmpi ne, %convert_element_type3A_796, %cond3A_797 : i32
        scf.if %cond3A_798 {
          %dma_start3A_960 = arith.constant 0 : i32
          %dma_start3A_961 = tpu.memref_slice %arg5[%dma_start3A_960] : memref<160000xf32, #tpu.memory_space<hbm>> -> memref<160000xf32, #tpu.memory_space<hbm>>
          tpu.enqueue_indirect_dma source(%dma_start3A_961 : memref<160000xf32, #tpu.memory_space<hbm>>) target(%arg25 : memref<128xf32, #tpu.memory_space<vmem>>) offsets(%arg15 : memref<128xi32, #tpu.memory_space<vmem>>) semaphore(%arg37 : memref<!tpu.dma_semaphore, #tpu.memory_space<semaphore_mem>>)
          %dma_start3A_962 = arith.constant 0 : i32
          %dma_start3A_963 = tpu.memref_slice %arg5[%dma_start3A_962] : memref<160000xf32, #tpu.memory_space<hbm>> -> memref<160000xf32, #tpu.memory_space<hbm>>
          tpu.enqueue_indirect_dma source(%dma_start3A_963 : memref<160000xf32, #tpu.memory_space<hbm>>) target(%arg27 : memref<128xf32, #tpu.memory_space<vmem>>) offsets(%arg17 : memref<128xi32, #tpu.memory_space<vmem>>) semaphore(%arg37 : memref<!tpu.dma_semaphore, #tpu.memory_space<semaphore_mem>>)
          %dma_start3A_964 = arith.constant 0 : i32
          %dma_start3A_965 = arith.constant 0 : i32
          %dma_start3A_966 = tpu.memref_slice %arg4[%dma_start3A_964, %dma_start3A_965] : memref<80000x128xf32, #tpu.memory_space<hbm>> -> memref<80000x128xf32, #tpu.memory_space<hbm>>
          tpu.enqueue_indirect_dma source(%dma_start3A_966 : memref<80000x128xf32, #tpu.memory_space<hbm>>) target(%arg30 : memref<128x128xf32, #tpu.memory_space<vmem>>) offsets(%arg19 : memref<128xi32, #tpu.memory_space<vmem>>) semaphore(%arg37 : memref<!tpu.dma_semaphore, #tpu.memory_space<semaphore_mem>>)
        } else {
        }
        %add3A_799 = arith.constant 1 : i32
        %add3A_800 = arith.addi %mul3A_365, %add3A_799 : i32
        %dma_wait3A_801 = arith.constant 0 : i32
        %dma_wait3A_802 = tpu.memref_slice %arg5[%dma_wait3A_801] : memref<160000xf32, #tpu.memory_space<hbm>> -> memref<160000xf32, #tpu.memory_space<hbm>>
        tpu.wait_indirect_dma semaphore(%arg38 : memref<!tpu.dma_semaphore, #tpu.memory_space<semaphore_mem>>) src(%dma_wait3A_802 : memref<160000xf32, #tpu.memory_space<hbm>>) dst(%arg26 : memref<128xf32, #tpu.memory_space<vmem>>)
        %dma_wait3A_803 = arith.constant 0 : i32
        %dma_wait3A_804 = tpu.memref_slice %arg5[%dma_wait3A_803] : memref<160000xf32, #tpu.memory_space<hbm>> -> memref<160000xf32, #tpu.memory_space<hbm>>
        tpu.wait_indirect_dma semaphore(%arg38 : memref<!tpu.dma_semaphore, #tpu.memory_space<semaphore_mem>>) src(%dma_wait3A_804 : memref<160000xf32, #tpu.memory_space<hbm>>) dst(%arg28 : memref<128xf32, #tpu.memory_space<vmem>>)
        %dma_wait3A_805 = arith.constant 0 : i32
        %dma_wait3A_806 = arith.constant 0 : i32
        %dma_wait3A_807 = tpu.memref_slice %arg4[%dma_wait3A_805, %dma_wait3A_806] : memref<80000x128xf32, #tpu.memory_space<hbm>> -> memref<80000x128xf32, #tpu.memory_space<hbm>>
        tpu.wait_indirect_dma semaphore(%arg38 : memref<!tpu.dma_semaphore, #tpu.memory_space<semaphore_mem>>) src(%dma_wait3A_807 : memref<80000x128xf32, #tpu.memory_space<hbm>>) dst(%arg31 : memref<128x128xf32, #tpu.memory_space<vmem>>)
        %get3A_808 = arith.constant 0 : index
        %get3A_809 = tpu.vector_load %arg33[%get3A_808] {strides = array<i32>} : memref<16xf32, #tpu.memory_space<vmem>>, vector<16xf32>,
        %get3A_810 = arith.constant 0 : index
        %get3A_811 = tpu.vector_load %arg26[%get3A_810] {strides = array<i32>} : memref<128xf32, #tpu.memory_space<vmem>>, vector<16xf32>,
        %get3A_812 = arith.constant 0 : index
        %get3A_813 = tpu.vector_load %arg28[%get3A_812] {strides = array<i32>} : memref<128xf32, #tpu.memory_space<vmem>>, vector<16xf32>,
        %add3A_814 = arith.addf %get3A_811, %get3A_813 : vector<16xf32>
        %mul3A_815 = arith.constant 2.000000e-01 : f32
        %mul3A_816 = vector.broadcast %mul3A_815 : f32 to vector<16xf32>
        %mul3A_817 = arith.mulf %mul3A_816, %add3A_814 : vector<16xf32>
        %max3A_818 = arith.maximumf %add3A_814, %mul3A_817 : vector<16xf32>
        %sub3A_819 = arith.subf %max3A_818, %get3A_809 : vector<16xf32>
        %exp3A_820 = math.exp %sub3A_819 : vector<16xf32>
        %swap3A_821 = arith.constant 0 : index
        %swap3A_822 = tpu.vector_load %arg29[%swap3A_821] {strides = array<i32>} : memref<128xf32, #tpu.memory_space<vmem>>, vector<16xf32>,
        tpu.vector_store %arg29[%swap3A_821], %exp3A_820 {strides = array<i32>} : memref<128xf32, #tpu.memory_space<vmem>>, vector<16xf32>,
        %get3A_823 = arith.constant 0 : index
        %get3A_824 = tpu.vector_load %arg22[%get3A_823] {strides = array<i32>} : memref<128xi32, #tpu.memory_space<vmem>>, vector<16xi32>,
        tpu.vector_store_idx %arg32[%get3A_824], %exp3A_820 {add = true} : memref<10000xf32, #tpu.memory_space<vmem>>[vector<16xi32>], vector<16xf32>,
        %swap3A_825 = arith.constant 0 : index
        %swap3A_826 = tpu.vector_load %arg24[%swap3A_825] {strides = array<i32>} : memref<128xi32, #tpu.memory_space<vmem>>, vector<16xi32>,
        tpu.vector_store %arg24[%swap3A_825], %get3A_824 {strides = array<i32>} : memref<128xi32, #tpu.memory_space<vmem>>, vector<16xi32>,
        %get3A_827 = arith.constant 16 : index
        %get3A_828 = tpu.vector_load %arg26[%get3A_827] {strides = array<i32>} : memref<128xf32, #tpu.memory_space<vmem>>, vector<16xf32>,
        %get3A_829 = arith.constant 16 : index
        %get3A_830 = tpu.vector_load %arg28[%get3A_829] {strides = array<i32>} : memref<128xf32, #tpu.memory_space<vmem>>, vector<16xf32>,
        %add3A_831 = arith.addf %get3A_828, %get3A_830 : vector<16xf32>
        %mul3A_832 = arith.constant 2.000000e-01 : f32
        %mul3A_833 = vector.broadcast %mul3A_832 : f32 to vector<16xf32>
        %mul3A_834 = arith.mulf %mul3A_833, %add3A_831 : vector<16xf32>
        %max3A_835 = arith.maximumf %add3A_831, %mul3A_834 : vector<16xf32>
        %sub3A_836 = arith.subf %max3A_835, %get3A_809 : vector<16xf32>
        %exp3A_837 = math.exp %sub3A_836 : vector<16xf32>
        %swap3A_838 = arith.constant 16 : index
        %swap3A_839 = tpu.vector_load %arg29[%swap3A_838] {strides = array<i32>} : memref<128xf32, #tpu.memory_space<vmem>>, vector<16xf32>,
        tpu.vector_store %arg29[%swap3A_838], %exp3A_837 {strides = array<i32>} : memref<128xf32, #tpu.memory_space<vmem>>, vector<16xf32>,
        %get3A_840 = arith.constant 16 : index
        %get3A_841 = tpu.vector_load %arg22[%get3A_840] {strides = array<i32>} : memref<128xi32, #tpu.memory_space<vmem>>, vector<16xi32>,
        tpu.vector_store_idx %arg32[%get3A_841], %exp3A_837 {add = true} : memref<10000xf32, #tpu.memory_space<vmem>>[vector<16xi32>], vector<16xf32>,
        %swap3A_842 = arith.constant 16 : index
        %swap3A_843 = tpu.vector_load %arg24[%swap3A_842] {strides = array<i32>} : memref<128xi32, #tpu.memory_space<vmem>>, vector<16xi32>,
        tpu.vector_store %arg24[%swap3A_842], %get3A_841 {strides = array<i32>} : memref<128xi32, #tpu.memory_space<vmem>>, vector<16xi32>,
        %get3A_844 = arith.constant 32 : index
        %get3A_845 = tpu.vector_load %arg26[%get3A_844] {strides = array<i32>} : memref<128xf32, #tpu.memory_space<vmem>>, vector<16xf32>,
        %get3A_846 = arith.constant 32 : index
        %get3A_847 = tpu.vector_load %arg28[%get3A_846] {strides = array<i32>} : memref<128xf32, #tpu.memory_space<vmem>>, vector<16xf32>,
        %add3A_848 = arith.addf %get3A_845, %get3A_847 : vector<16xf32>
        %mul3A_849 = arith.constant 2.000000e-01 : f32
        %mul3A_850 = vector.broadcast %mul3A_849 : f32 to vector<16xf32>
        %mul3A_851 = arith.mulf %mul3A_850, %add3A_848 : vector<16xf32>
        %max3A_852 = arith.maximumf %add3A_848, %mul3A_851 : vector<16xf32>
        %sub3A_853 = arith.subf %max3A_852, %get3A_809 : vector<16xf32>
        %exp3A_854 = math.exp %sub3A_853 : vector<16xf32>
        %swap3A_855 = arith.constant 32 : index
        %swap3A_856 = tpu.vector_load %arg29[%swap3A_855] {strides = array<i32>} : memref<128xf32, #tpu.memory_space<vmem>>, vector<16xf32>,
        tpu.vector_store %arg29[%swap3A_855], %exp3A_854 {strides = array<i32>} : memref<128xf32, #tpu.memory_space<vmem>>, vector<16xf32>,
        %get3A_857 = arith.constant 32 : index
        %get3A_858 = tpu.vector_load %arg22[%get3A_857] {strides = array<i32>} : memref<128xi32, #tpu.memory_space<vmem>>, vector<16xi32>,
        tpu.vector_store_idx %arg32[%get3A_858], %exp3A_854 {add = true} : memref<10000xf32, #tpu.memory_space<vmem>>[vector<16xi32>], vector<16xf32>,
        %swap3A_859 = arith.constant 32 : index
        %swap3A_860 = tpu.vector_load %arg24[%swap3A_859] {strides = array<i32>} : memref<128xi32, #tpu.memory_space<vmem>>, vector<16xi32>,
        tpu.vector_store %arg24[%swap3A_859], %get3A_858 {strides = array<i32>} : memref<128xi32, #tpu.memory_space<vmem>>, vector<16xi32>,
        %get3A_861 = arith.constant 48 : index
        %get3A_862 = tpu.vector_load %arg26[%get3A_861] {strides = array<i32>} : memref<128xf32, #tpu.memory_space<vmem>>, vector<16xf32>,
        %get3A_863 = arith.constant 48 : index
        %get3A_864 = tpu.vector_load %arg28[%get3A_863] {strides = array<i32>} : memref<128xf32, #tpu.memory_space<vmem>>, vector<16xf32>,
        %add3A_865 = arith.addf %get3A_862, %get3A_864 : vector<16xf32>
        %mul3A_866 = arith.constant 2.000000e-01 : f32
        %mul3A_867 = vector.broadcast %mul3A_866 : f32 to vector<16xf32>
        %mul3A_868 = arith.mulf %mul3A_867, %add3A_865 : vector<16xf32>
        %max3A_869 = arith.maximumf %add3A_865, %mul3A_868 : vector<16xf32>
        %sub3A_870 = arith.subf %max3A_869, %get3A_809 : vector<16xf32>
        %exp3A_871 = math.exp %sub3A_870 : vector<16xf32>
        %swap3A_872 = arith.constant 48 : index
        %swap3A_873 = tpu.vector_load %arg29[%swap3A_872] {strides = array<i32>} : memref<128xf32, #tpu.memory_space<vmem>>, vector<16xf32>,
        tpu.vector_store %arg29[%swap3A_872], %exp3A_871 {strides = array<i32>} : memref<128xf32, #tpu.memory_space<vmem>>, vector<16xf32>,
        %get3A_874 = arith.constant 48 : index
        %get3A_875 = tpu.vector_load %arg22[%get3A_874] {strides = array<i32>} : memref<128xi32, #tpu.memory_space<vmem>>, vector<16xi32>,
        tpu.vector_store_idx %arg32[%get3A_875], %exp3A_871 {add = true} : memref<10000xf32, #tpu.memory_space<vmem>>[vector<16xi32>], vector<16xf32>,
        %swap3A_876 = arith.constant 48 : index
        %swap3A_877 = tpu.vector_load %arg24[%swap3A_876] {strides = array<i32>} : memref<128xi32, #tpu.memory_space<vmem>>, vector<16xi32>,
        tpu.vector_store %arg24[%swap3A_876], %get3A_875 {strides = array<i32>} : memref<128xi32, #tpu.memory_space<vmem>>, vector<16xi32>,
        %get3A_878 = arith.constant 64 : index
        %get3A_879 = tpu.vector_load %arg26[%get3A_878] {strides = array<i32>} : memref<128xf32, #tpu.memory_space<vmem>>, vector<16xf32>,
        %get3A_880 = arith.constant 64 : index
        %get3A_881 = tpu.vector_load %arg28[%get3A_880] {strides = array<i32>} : memref<128xf32, #tpu.memory_space<vmem>>, vector<16xf32>,
        %add3A_882 = arith.addf %get3A_879, %get3A_881 : vector<16xf32>
        %mul3A_883 = arith.constant 2.000000e-01 : f32
        %mul3A_884 = vector.broadcast %mul3A_883 : f32 to vector<16xf32>
        %mul3A_885 = arith.mulf %mul3A_884, %add3A_882 : vector<16xf32>
        %max3A_886 = arith.maximumf %add3A_882, %mul3A_885 : vector<16xf32>
        %sub3A_887 = arith.subf %max3A_886, %get3A_809 : vector<16xf32>
        %exp3A_888 = math.exp %sub3A_887 : vector<16xf32>
        %swap3A_889 = arith.constant 64 : index
        %swap3A_890 = tpu.vector_load %arg29[%swap3A_889] {strides = array<i32>} : memref<128xf32, #tpu.memory_space<vmem>>, vector<16xf32>,
        tpu.vector_store %arg29[%swap3A_889], %exp3A_888 {strides = array<i32>} : memref<128xf32, #tpu.memory_space<vmem>>, vector<16xf32>,
        %get3A_891 = arith.constant 64 : index
        %get3A_892 = tpu.vector_load %arg22[%get3A_891] {strides = array<i32>} : memref<128xi32, #tpu.memory_space<vmem>>, vector<16xi32>,
        tpu.vector_store_idx %arg32[%get3A_892], %exp3A_888 {add = true} : memref<10000xf32, #tpu.memory_space<vmem>>[vector<16xi32>], vector<16xf32>,
        %swap3A_893 = arith.constant 64 : index
        %swap3A_894 = tpu.vector_load %arg24[%swap3A_893] {strides = array<i32>} : memref<128xi32, #tpu.memory_space<vmem>>, vector<16xi32>,
        tpu.vector_store %arg24[%swap3A_893], %get3A_892 {strides = array<i32>} : memref<128xi32, #tpu.memory_space<vmem>>, vector<16xi32>,
        %get3A_895 = arith.constant 80 : index
        %get3A_896 = tpu.vector_load %arg26[%get3A_895] {strides = array<i32>} : memref<128xf32, #tpu.memory_space<vmem>>, vector<16xf32>,
        %get3A_897 = arith.constant 80 : index
        %get3A_898 = tpu.vector_load %arg28[%get3A_897] {strides = array<i32>} : memref<128xf32, #tpu.memory_space<vmem>>, vector<16xf32>,
        %add3A_899 = arith.addf %get3A_896, %get3A_898 : vector<16xf32>
        %mul3A_900 = arith.constant 2.000000e-01 : f32
        %mul3A_901 = vector.broadcast %mul3A_900 : f32 to vector<16xf32>
        %mul3A_902 = arith.mulf %mul3A_901, %add3A_899 : vector<16xf32>
        %max3A_903 = arith.maximumf %add3A_899, %mul3A_902 : vector<16xf32>
        %sub3A_904 = arith.subf %max3A_903, %get3A_809 : vector<16xf32>
        %exp3A_905 = math.exp %sub3A_904 : vector<16xf32>
        %swap3A_906 = arith.constant 80 : index
        %swap3A_907 = tpu.vector_load %arg29[%swap3A_906] {strides = array<i32>} : memref<128xf32, #tpu.memory_space<vmem>>, vector<16xf32>,
        tpu.vector_store %arg29[%swap3A_906], %exp3A_905 {strides = array<i32>} : memref<128xf32, #tpu.memory_space<vmem>>, vector<16xf32>,
        %get3A_908 = arith.constant 80 : index
        %get3A_909 = tpu.vector_load %arg22[%get3A_908] {strides = array<i32>} : memref<128xi32, #tpu.memory_space<vmem>>, vector<16xi32>,
        tpu.vector_store_idx %arg32[%get3A_909], %exp3A_905 {add = true} : memref<10000xf32, #tpu.memory_space<vmem>>[vector<16xi32>], vector<16xf32>,
        %swap3A_910 = arith.constant 80 : index
        %swap3A_911 = tpu.vector_load %arg24[%swap3A_910] {strides = array<i32>} : memref<128xi32, #tpu.memory_space<vmem>>, vector<16xi32>,
        tpu.vector_store %arg24[%swap3A_910], %get3A_909 {strides = array<i32>} : memref<128xi32, #tpu.memory_space<vmem>>, vector<16xi32>,
        %get3A_912 = arith.constant 96 : index
        %get3A_913 = tpu.vector_load %arg26[%get3A_912] {strides = array<i32>} : memref<128xf32, #tpu.memory_space<vmem>>, vector<16xf32>,
        %get3A_914 = arith.constant 96 : index
        %get3A_915 = tpu.vector_load %arg28[%get3A_914] {strides = array<i32>} : memref<128xf32, #tpu.memory_space<vmem>>, vector<16xf32>,
        %add3A_916 = arith.addf %get3A_913, %get3A_915 : vector<16xf32>
        %mul3A_917 = arith.constant 2.000000e-01 : f32
        %mul3A_918 = vector.broadcast %mul3A_917 : f32 to vector<16xf32>
        %mul3A_919 = arith.mulf %mul3A_918, %add3A_916 : vector<16xf32>
        %max3A_920 = arith.maximumf %add3A_916, %mul3A_919 : vector<16xf32>
        %sub3A_921 = arith.subf %max3A_920, %get3A_809 : vector<16xf32>
        %exp3A_922 = math.exp %sub3A_921 : vector<16xf32>
        %swap3A_923 = arith.constant 96 : index
        %swap3A_924 = tpu.vector_load %arg29[%swap3A_923] {strides = array<i32>} : memref<128xf32, #tpu.memory_space<vmem>>, vector<16xf32>,
        tpu.vector_store %arg29[%swap3A_923], %exp3A_922 {strides = array<i32>} : memref<128xf32, #tpu.memory_space<vmem>>, vector<16xf32>,
        %get3A_925 = arith.constant 96 : index
        %get3A_926 = tpu.vector_load %arg22[%get3A_925] {strides = array<i32>} : memref<128xi32, #tpu.memory_space<vmem>>, vector<16xi32>,
        tpu.vector_store_idx %arg32[%get3A_926], %exp3A_922 {add = true} : memref<10000xf32, #tpu.memory_space<vmem>>[vector<16xi32>], vector<16xf32>,
        %swap3A_927 = arith.constant 96 : index
        %swap3A_928 = tpu.vector_load %arg24[%swap3A_927] {strides = array<i32>} : memref<128xi32, #tpu.memory_space<vmem>>, vector<16xi32>,
        tpu.vector_store %arg24[%swap3A_927], %get3A_926 {strides = array<i32>} : memref<128xi32, #tpu.memory_space<vmem>>, vector<16xi32>,
        %get3A_929 = arith.constant 112 : index
        %get3A_930 = tpu.vector_load %arg26[%get3A_929] {strides = array<i32>} : memref<128xf32, #tpu.memory_space<vmem>>, vector<16xf32>,
        %get3A_931 = arith.constant 112 : index
        %get3A_932 = tpu.vector_load %arg28[%get3A_931] {strides = array<i32>} : memref<128xf32, #tpu.memory_space<vmem>>, vector<16xf32>,
        %add3A_933 = arith.addf %get3A_930, %get3A_932 : vector<16xf32>
        %mul3A_934 = arith.constant 2.000000e-01 : f32
        %mul3A_935 = vector.broadcast %mul3A_934 : f32 to vector<16xf32>
        %mul3A_936 = arith.mulf %mul3A_935, %add3A_933 : vector<16xf32>
        %max3A_937 = arith.maximumf %add3A_933, %mul3A_936 : vector<16xf32>
        %sub3A_938 = arith.subf %max3A_937, %get3A_809 : vector<16xf32>
        %exp3A_939 = math.exp %sub3A_938 : vector<16xf32>
        %swap3A_940 = arith.constant 112 : index
        %swap3A_941 = tpu.vector_load %arg29[%swap3A_940] {strides = array<i32>} : memref<128xf32, #tpu.memory_space<vmem>>, vector<16xf32>,
        tpu.vector_store %arg29[%swap3A_940], %exp3A_939 {strides = array<i32>} : memref<128xf32, #tpu.memory_space<vmem>>, vector<16xf32>,
        %get3A_942 = arith.constant 112 : index
        %get3A_943 = tpu.vector_load %arg22[%get3A_942] {strides = array<i32>} : memref<128xi32, #tpu.memory_space<vmem>>, vector<16xi32>,
        tpu.vector_store_idx %arg32[%get3A_943], %exp3A_939 {add = true} : memref<10000xf32, #tpu.memory_space<vmem>>[vector<16xi32>], vector<16xf32>,
        %swap3A_944 = arith.constant 112 : index
        %swap3A_945 = tpu.vector_load %arg24[%swap3A_944] {strides = array<i32>} : memref<128xi32, #tpu.memory_space<vmem>>, vector<16xi32>,
        tpu.vector_store %arg24[%swap3A_944], %get3A_943 {strides = array<i32>} : memref<128xi32, #tpu.memory_space<vmem>>, vector<16xi32>,
        %sub3A_946 = arith.constant 1 : i32
        %sub3A_947 = arith.subi %select_n3A_32, %sub3A_946 : i32
        %lt3A_948 = arith.cmpi slt, %add3A_363, %sub3A_947 : i32
        %convert_element_type3A_949 = arith.extui %lt3A_948 : i1 to i32
        %cond3A_950 = arith.constant 0 : i32
        %cond3A_951 = arith.cmpi ne, %convert_element_type3A_949, %cond3A_950 : i32
        scf.if %cond3A_951 {
          %add3A_960 = arith.constant 2 : i32
          %add3A_961 = arith.addi %add3A_800, %add3A_960 : i32
          %add3A_962 = arith.addi %select_n3A, %add3A_961 : i32
          %mul3A_963 = arith.constant 128 : i32
          %mul3A_964 = arith.muli %add3A_962, %mul3A_963 : i32
          %dma_start3A_965 = arith.constant 0 : i32
          %dma_start3A_966 = tpu.memref_slice %arg2[%dma_start3A_965, %mul3A_964] : memref<2x320000xi32, #tpu.memory_space<hbm>> -> memref<1x128xi32, #tpu.memory_space<hbm>>
          %dma_start3A_967 = tpu.memref_squeeze %dma_start3A_966 : memref<1x128xi32, #tpu.memory_space<hbm>> -> memref<128xi32, #tpu.memory_space<hbm>>
          %dma_start3A_968 = tpu.memref_slice %arg2[%dma_start3A_965, %mul3A_964] : memref<2x320000xi32, #tpu.memory_space<hbm>> -> memref<1x128xi32, #tpu.memory_space<hbm>>
          %dma_start3A_969 = tpu.memref_squeeze %dma_start3A_968 : memref<1x128xi32, #tpu.memory_space<hbm>> -> memref<128xi32, #tpu.memory_space<hbm>>
          tpu.enqueue_dma source(%dma_start3A_969 : memref<128xi32, #tpu.memory_space<hbm>>) target(%arg12 : memref<128xi32, #tpu.memory_space<vmem>>) target_semaphore(%arg36 : memref<!tpu.dma_semaphore, #tpu.memory_space<semaphore_mem>>)
          %dma_start3A_970 = arith.constant 1 : i32
          %dma_start3A_971 = tpu.memref_slice %arg2[%dma_start3A_970, %mul3A_964] : memref<2x320000xi32, #tpu.memory_space<hbm>> -> memref<1x128xi32, #tpu.memory_space<hbm>>
          %dma_start3A_972 = tpu.memref_squeeze %dma_start3A_971 : memref<1x128xi32, #tpu.memory_space<hbm>> -> memref<128xi32, #tpu.memory_space<hbm>>
          %dma_start3A_973 = tpu.memref_slice %arg2[%dma_start3A_970, %mul3A_964] : memref<2x320000xi32, #tpu.memory_space<hbm>> -> memref<1x128xi32, #tpu.memory_space<hbm>>
          %dma_start3A_974 = tpu.memref_squeeze %dma_start3A_973 : memref<1x128xi32, #tpu.memory_space<hbm>> -> memref<128xi32, #tpu.memory_space<hbm>>
          tpu.enqueue_dma source(%dma_start3A_974 : memref<128xi32, #tpu.memory_space<hbm>>) target(%arg22 : memref<128xi32, #tpu.memory_space<vmem>>) target_semaphore(%arg36 : memref<!tpu.dma_semaphore, #tpu.memory_space<semaphore_mem>>)
          %dma_start3A_975 = tpu.memref_slice %arg3[%mul3A_964] : memref<320000xi32, #tpu.memory_space<hbm>> -> memref<128xi32, #tpu.memory_space<hbm>>
          %dma_start3A_976 = tpu.memref_slice %arg3[%mul3A_964] : memref<320000xi32, #tpu.memory_space<hbm>> -> memref<128xi32, #tpu.memory_space<hbm>>
          tpu.enqueue_dma source(%dma_start3A_976 : memref<128xi32, #tpu.memory_space<hbm>>) target(%arg14 : memref<128xi32, #tpu.memory_space<vmem>>) target_semaphore(%arg36 : memref<!tpu.dma_semaphore, #tpu.memory_space<semaphore_mem>>)
        } else {
        }
        %scan3A_952 = arith.constant 0 : i32
        %scan3A_953 = arith.constant 128 : i32
        %scan3A_954 = arith.addi %scan3A_952, %scan3A_953 : i32
        %scan3A_955 = arith.constant 1 : i32
        scf.for %scan3A_960 = %scan3A_952 to %scan3A_954 step %scan3A_955  : i32 {
          %mul3A_961 = arith.constant 1 : i32
          %mul3A_962 = arith.muli %scan3A_960, %mul3A_961 : i32
          %add3A_963 = arith.constant 0 : i32
          %add3A_964 = arith.addi %add3A_963, %mul3A_962 : i32
          %broadcast_in_dim3A = vector.broadcast %add3A_964 : i32 to vector<16xi32>
          %gather3A = tpu.vector_load_idx %arg29[%broadcast_in_dim3A] : memref<128xf32, #tpu.memory_space<vmem>>[vector<16xi32>], vector<16xf32>,
          %get3A_965 = arith.index_cast %add3A_964 : i32 to index
          %get3A_966 = arith.constant 0 : index
          %get3A_967 = tpu.vector_load %arg31[%get3A_965, %get3A_966] {strides = array<i32>} : memref<128x128xf32, #tpu.memory_space<vmem>>, vector<16xf32>,
          %mul3A_968 = arith.mulf %get3A_967, %gather3A : vector<16xf32>
          %swap3A_969 = arith.index_cast %add3A_964 : i32 to index
          %swap3A_970 = arith.constant 0 : index
          %swap3A_971 = tpu.vector_load %arg31[%swap3A_969, %swap3A_970] {strides = array<i32>} : memref<128x128xf32, #tpu.memory_space<vmem>>, vector<16xf32>,
          tpu.vector_store %arg31[%swap3A_969, %swap3A_970], %mul3A_968 {strides = array<i32>} : memref<128x128xf32, #tpu.memory_space<vmem>>, vector<16xf32>,
          %get3A_972 = arith.index_cast %add3A_964 : i32 to index
          %get3A_973 = arith.constant 16 : index
          %get3A_974 = tpu.vector_load %arg31[%get3A_972, %get3A_973] {strides = array<i32>} : memref<128x128xf32, #tpu.memory_space<vmem>>, vector<16xf32>,
          %mul3A_975 = arith.mulf %get3A_974, %gather3A : vector<16xf32>
          %swap3A_976 = arith.index_cast %add3A_964 : i32 to index
          %swap3A_977 = arith.constant 16 : index
          %swap3A_978 = tpu.vector_load %arg31[%swap3A_976, %swap3A_977] {strides = array<i32>} : memref<128x128xf32, #tpu.memory_space<vmem>>, vector<16xf32>,
          tpu.vector_store %arg31[%swap3A_976, %swap3A_977], %mul3A_975 {strides = array<i32>} : memref<128x128xf32, #tpu.memory_space<vmem>>, vector<16xf32>,
          %get3A_979 = arith.index_cast %add3A_964 : i32 to index
          %get3A_980 = arith.constant 32 : index
          %get3A_981 = tpu.vector_load %arg31[%get3A_979, %get3A_980] {strides = array<i32>} : memref<128x128xf32, #tpu.memory_space<vmem>>, vector<16xf32>,
          %mul3A_982 = arith.mulf %get3A_981, %gather3A : vector<16xf32>
          %swap3A_983 = arith.index_cast %add3A_964 : i32 to index
          %swap3A_984 = arith.constant 32 : index
          %swap3A_985 = tpu.vector_load %arg31[%swap3A_983, %swap3A_984] {strides = array<i32>} : memref<128x128xf32, #tpu.memory_space<vmem>>, vector<16xf32>,
          tpu.vector_store %arg31[%swap3A_983, %swap3A_984], %mul3A_982 {strides = array<i32>} : memref<128x128xf32, #tpu.memory_space<vmem>>, vector<16xf32>,
          %get3A_986 = arith.index_cast %add3A_964 : i32 to index
          %get3A_987 = arith.constant 48 : index
          %get3A_988 = tpu.vector_load %arg31[%get3A_986, %get3A_987] {strides = array<i32>} : memref<128x128xf32, #tpu.memory_space<vmem>>, vector<16xf32>,
          %mul3A_989 = arith.mulf %get3A_988, %gather3A : vector<16xf32>
          %swap3A_990 = arith.index_cast %add3A_964 : i32 to index
          %swap3A_991 = arith.constant 48 : index
          %swap3A_992 = tpu.vector_load %arg31[%swap3A_990, %swap3A_991] {strides = array<i32>} : memref<128x128xf32, #tpu.memory_space<vmem>>, vector<16xf32>,
          tpu.vector_store %arg31[%swap3A_990, %swap3A_991], %mul3A_989 {strides = array<i32>} : memref<128x128xf32, #tpu.memory_space<vmem>>, vector<16xf32>,
          %get3A_993 = arith.index_cast %add3A_964 : i32 to index
          %get3A_994 = arith.constant 64 : index
          %get3A_995 = tpu.vector_load %arg31[%get3A_993, %get3A_994] {strides = array<i32>} : memref<128x128xf32, #tpu.memory_space<vmem>>, vector<16xf32>,
          %mul3A_996 = arith.mulf %get3A_995, %gather3A : vector<16xf32>
          %swap3A_997 = arith.index_cast %add3A_964 : i32 to index
          %swap3A_998 = arith.constant 64 : index
          %swap3A_999 = tpu.vector_load %arg31[%swap3A_997, %swap3A_998] {strides = array<i32>} : memref<128x128xf32, #tpu.memory_space<vmem>>, vector<16xf32>,
          tpu.vector_store %arg31[%swap3A_997, %swap3A_998], %mul3A_996 {strides = array<i32>} : memref<128x128xf32, #tpu.memory_space<vmem>>, vector<16xf32>,
          %get3A_1000 = arith.index_cast %add3A_964 : i32 to index
          %get3A_1001 = arith.constant 80 : index
          %get3A_1002 = tpu.vector_load %arg31[%get3A_1000, %get3A_1001] {strides = array<i32>} : memref<128x128xf32, #tpu.memory_space<vmem>>, vector<16xf32>,
          %mul3A_1003 = arith.mulf %get3A_1002, %gather3A : vector<16xf32>
          %swap3A_1004 = arith.index_cast %add3A_964 : i32 to index
          %swap3A_1005 = arith.constant 80 : index
          %swap3A_1006 = tpu.vector_load %arg31[%swap3A_1004, %swap3A_1005] {strides = array<i32>} : memref<128x128xf32, #tpu.memory_space<vmem>>, vector<16xf32>,
          tpu.vector_store %arg31[%swap3A_1004, %swap3A_1005], %mul3A_1003 {strides = array<i32>} : memref<128x128xf32, #tpu.memory_space<vmem>>, vector<16xf32>,
          %get3A_1007 = arith.index_cast %add3A_964 : i32 to index
          %get3A_1008 = arith.constant 96 : index
          %get3A_1009 = tpu.vector_load %arg31[%get3A_1007, %get3A_1008] {strides = array<i32>} : memref<128x128xf32, #tpu.memory_space<vmem>>, vector<16xf32>,
          %mul3A_1010 = arith.mulf %get3A_1009, %gather3A : vector<16xf32>
          %swap3A_1011 = arith.index_cast %add3A_964 : i32 to index
          %swap3A_1012 = arith.constant 96 : index
          %swap3A_1013 = tpu.vector_load %arg31[%swap3A_1011, %swap3A_1012] {strides = array<i32>} : memref<128x128xf32, #tpu.memory_space<vmem>>, vector<16xf32>,
          tpu.vector_store %arg31[%swap3A_1011, %swap3A_1012], %mul3A_1010 {strides = array<i32>} : memref<128x128xf32, #tpu.memory_space<vmem>>, vector<16xf32>,
          %get3A_1014 = arith.index_cast %add3A_964 : i32 to index
          %get3A_1015 = arith.constant 112 : index
          %get3A_1016 = tpu.vector_load %arg31[%get3A_1014, %get3A_1015] {strides = array<i32>} : memref<128x128xf32, #tpu.memory_space<vmem>>, vector<16xf32>,
          %mul3A_1017 = arith.mulf %get3A_1016, %gather3A : vector<16xf32>
          %swap3A_1018 = arith.index_cast %add3A_964 : i32 to index
          %swap3A_1019 = arith.constant 112 : index
          %swap3A_1020 = tpu.vector_load %arg31[%swap3A_1018, %swap3A_1019] {strides = array<i32>} : memref<128x128xf32, #tpu.memory_space<vmem>>, vector<16xf32>,
          tpu.vector_store %arg31[%swap3A_1018, %swap3A_1019], %mul3A_1017 {strides = array<i32>} : memref<128x128xf32, #tpu.memory_space<vmem>>, vector<16xf32>,
        }
        %scan3A_956 = arith.constant 128 : i32
        %dma_start3A_957 = arith.constant 0 : i32
        %dma_start3A_958 = arith.constant 0 : i32
        %dma_start3A_959 = tpu.memref_slice %arg34[%dma_start3A_957, %dma_start3A_958] : memref<10000x128xf32, #tpu.memory_space<vmem_shared>> -> memref<10000x128xf32, #tpu.memory_space<vmem_shared>>
        tpu.enqueue_indirect_dma source(%arg31 : memref<128x128xf32, #tpu.memory_space<vmem>>) target(%dma_start3A_959 : memref<10000x128xf32, #tpu.memory_space<vmem_shared>>) offsets(%arg24 : memref<128xi32, #tpu.memory_space<vmem>>) semaphore(%arg40 : memref<!tpu.dma_semaphore, #tpu.memory_space<semaphore_mem>>) {add = true}
      }
      %while3A_357 = arith.constant 1 : i32
      scf.for %while3A_361 = %while3A_355 to %while3A_351 step %while3A_357  : i32 {
        %mul3A_362 = arith.muli %while3A_361, %while3A : i32
        %add3A_363 = arith.addi %while3A_348, %mul3A_362 : i32
        %mul3A_364 = arith.constant 2 : i32
        %mul3A_365 = arith.muli %mul3A_364, %add3A_363 : i32
        %add3A_366 = arith.constant 1 : i32
        %add3A_367 = arith.addi %mul3A_365, %add3A_366 : i32
        %add3A_368 = arith.addi %select_n3A, %add3A_367 : i32
        %mul3A_369 = arith.constant 128 : i32
        %mul3A_370 = arith.muli %add3A_368, %mul3A_369 : i32
        %dma_wait3A_371 = arith.constant 0 : i32
        %dma_wait3A_372 = tpu.memref_slice %arg2[%dma_wait3A_371, %mul3A_370] : memref<2x320000xi32, #tpu.memory_space<hbm>> -> memref<1x128xi32, #tpu.memory_space<hbm>>
        %dma_wait3A_373 = tpu.memref_squeeze %dma_wait3A_372 : memref<1x128xi32, #tpu.memory_space<hbm>> -> memref<128xi32, #tpu.memory_space<hbm>>
        %dma_wait3A_374 = tpu.memref_slice %arg2[%dma_wait3A_371, %mul3A_370] : memref<2x320000xi32, #tpu.memory_space<hbm>> -> memref<1x128xi32, #tpu.memory_space<hbm>>
        %dma_wait3A_375 = tpu.memref_squeeze %dma_wait3A_374 : memref<1x128xi32, #tpu.memory_space<hbm>> -> memref<128xi32, #tpu.memory_space<hbm>>
        tpu.wait_dma2 semaphore(%arg36 : memref<!tpu.dma_semaphore, #tpu.memory_space<semaphore_mem>>) src(%dma_wait3A_375 : memref<128xi32, #tpu.memory_space<hbm>>) dst(%arg12 : memref<128xi32, #tpu.memory_space<vmem>>)
        %dma_wait3A_376 = arith.constant 1 : i32
        %dma_wait3A_377 = tpu.memref_slice %arg2[%dma_wait3A_376, %mul3A_370] : memref<2x320000xi32, #tpu.memory_space<hbm>> -> memref<1x128xi32, #tpu.memory_space<hbm>>
        %dma_wait3A_378 = tpu.memref_squeeze %dma_wait3A_377 : memref<1x128xi32, #tpu.memory_space<hbm>> -> memref<128xi32, #tpu.memory_space<hbm>>
        %dma_wait3A_379 = tpu.memref_slice %arg2[%dma_wait3A_376, %mul3A_370] : memref<2x320000xi32, #tpu.memory_space<hbm>> -> memref<1x128xi32, #tpu.memory_space<hbm>>
        %dma_wait3A_380 = tpu.memref_squeeze %dma_wait3A_379 : memref<1x128xi32, #tpu.memory_space<hbm>> -> memref<128xi32, #tpu.memory_space<hbm>>
        tpu.wait_dma2 semaphore(%arg36 : memref<!tpu.dma_semaphore, #tpu.memory_space<semaphore_mem>>) src(%dma_wait3A_380 : memref<128xi32, #tpu.memory_space<hbm>>) dst(%arg22 : memref<128xi32, #tpu.memory_space<vmem>>)
        %dma_wait3A_381 = tpu.memref_slice %arg3[%mul3A_370] : memref<320000xi32, #tpu.memory_space<hbm>> -> memref<128xi32, #tpu.memory_space<hbm>>
        %dma_wait3A_382 = tpu.memref_slice %arg3[%mul3A_370] : memref<320000xi32, #tpu.memory_space<hbm>> -> memref<128xi32, #tpu.memory_space<hbm>>
        tpu.wait_dma2 semaphore(%arg36 : memref<!tpu.dma_semaphore, #tpu.memory_space<semaphore_mem>>) src(%dma_wait3A_382 : memref<128xi32, #tpu.memory_space<hbm>>) dst(%arg14 : memref<128xi32, #tpu.memory_space<vmem>>)
        %get3A_383 = arith.constant 0 : index
        %get3A_384 = tpu.vector_load %arg14[%get3A_383] {strides = array<i32>} : memref<128xi32, #tpu.memory_space<vmem>>, vector<16xi32>,
        %get3A_385 = arith.constant 0 : index
        %get3A_386 = tpu.vector_load %arg22[%get3A_385] {strides = array<i32>} : memref<128xi32, #tpu.memory_space<vmem>>, vector<16xi32>,
        %mul3A_387 = arith.constant 16 : i32
        %mul3A_388 = vector.broadcast %mul3A_387 : i32 to vector<16xi32>
        %mul3A_389 = arith.muli %get3A_386, %mul3A_388 : vector<16xi32>
        %add3A_390 = arith.addi %mul3A_389, %get3A_384 : vector<16xi32>
        %swap3A_391 = arith.constant 0 : index
        %swap3A_392 = tpu.vector_load %arg16[%swap3A_391] {strides = array<i32>} : memref<128xi32, #tpu.memory_space<vmem>>, vector<16xi32>,
        tpu.vector_store %arg16[%swap3A_391], %add3A_390 {strides = array<i32>} : memref<128xi32, #tpu.memory_space<vmem>>, vector<16xi32>,
        %get3A_393 = arith.constant 0 : index
        %get3A_394 = tpu.vector_load %arg12[%get3A_393] {strides = array<i32>} : memref<128xi32, #tpu.memory_space<vmem>>, vector<16xi32>,
        %mul3A_395 = arith.constant 16 : i32
        %mul3A_396 = vector.broadcast %mul3A_395 : i32 to vector<16xi32>
        %mul3A_397 = arith.muli %get3A_394, %mul3A_396 : vector<16xi32>
        %add3A_398 = arith.constant 8 : i32
        %add3A_399 = vector.broadcast %add3A_398 : i32 to vector<16xi32>
        %add3A_400 = arith.addi %get3A_384, %add3A_399 : vector<16xi32>
        %add3A_401 = arith.addi %mul3A_397, %add3A_400 : vector<16xi32>
        %swap3A_402 = arith.constant 0 : index
        %swap3A_403 = tpu.vector_load %arg18[%swap3A_402] {strides = array<i32>} : memref<128xi32, #tpu.memory_space<vmem>>, vector<16xi32>,
        tpu.vector_store %arg18[%swap3A_402], %add3A_401 {strides = array<i32>} : memref<128xi32, #tpu.memory_space<vmem>>, vector<16xi32>,
        %mul3A_404 = arith.constant 10000 : i32
        %mul3A_405 = vector.broadcast %mul3A_404 : i32 to vector<16xi32>
        %mul3A_406 = arith.muli %get3A_384, %mul3A_405 : vector<16xi32>
        %get3A_407 = arith.constant 0 : index
        %get3A_408 = tpu.vector_load %arg12[%get3A_407] {strides = array<i32>} : memref<128xi32, #tpu.memory_space<vmem>>, vector<16xi32>,
        %add3A_409 = arith.addi %mul3A_406, %get3A_408 : vector<16xi32>
        %swap3A_410 = arith.constant 0 : index
        %swap3A_411 = tpu.vector_load %arg20[%swap3A_410] {strides = array<i32>} : memref<128xi32, #tpu.memory_space<vmem>>, vector<16xi32>,
        tpu.vector_store %arg20[%swap3A_410], %add3A_409 {strides = array<i32>} : memref<128xi32, #tpu.memory_space<vmem>>, vector<16xi32>,
        %get3A_412 = arith.constant 16 : index
        %get3A_413 = tpu.vector_load %arg14[%get3A_412] {strides = array<i32>} : memref<128xi32, #tpu.memory_space<vmem>>, vector<16xi32>,
        %get3A_414 = arith.constant 16 : index
        %get3A_415 = tpu.vector_load %arg22[%get3A_414] {strides = array<i32>} : memref<128xi32, #tpu.memory_space<vmem>>, vector<16xi32>,
        %mul3A_416 = arith.constant 16 : i32
        %mul3A_417 = vector.broadcast %mul3A_416 : i32 to vector<16xi32>
        %mul3A_418 = arith.muli %get3A_415, %mul3A_417 : vector<16xi32>
        %add3A_419 = arith.addi %mul3A_418, %get3A_413 : vector<16xi32>
        %swap3A_420 = arith.constant 16 : index
        %swap3A_421 = tpu.vector_load %arg16[%swap3A_420] {strides = array<i32>} : memref<128xi32, #tpu.memory_space<vmem>>, vector<16xi32>,
        tpu.vector_store %arg16[%swap3A_420], %add3A_419 {strides = array<i32>} : memref<128xi32, #tpu.memory_space<vmem>>, vector<16xi32>,
        %get3A_422 = arith.constant 16 : index
        %get3A_423 = tpu.vector_load %arg12[%get3A_422] {strides = array<i32>} : memref<128xi32, #tpu.memory_space<vmem>>, vector<16xi32>,
        %mul3A_424 = arith.constant 16 : i32
        %mul3A_425 = vector.broadcast %mul3A_424 : i32 to vector<16xi32>
        %mul3A_426 = arith.muli %get3A_423, %mul3A_425 : vector<16xi32>
        %add3A_427 = arith.constant 8 : i32
        %add3A_428 = vector.broadcast %add3A_427 : i32 to vector<16xi32>
        %add3A_429 = arith.addi %get3A_413, %add3A_428 : vector<16xi32>
        %add3A_430 = arith.addi %mul3A_426, %add3A_429 : vector<16xi32>
        %swap3A_431 = arith.constant 16 : index
        %swap3A_432 = tpu.vector_load %arg18[%swap3A_431] {strides = array<i32>} : memref<128xi32, #tpu.memory_space<vmem>>, vector<16xi32>,
        tpu.vector_store %arg18[%swap3A_431], %add3A_430 {strides = array<i32>} : memref<128xi32, #tpu.memory_space<vmem>>, vector<16xi32>,
        %mul3A_433 = arith.constant 10000 : i32
        %mul3A_434 = vector.broadcast %mul3A_433 : i32 to vector<16xi32>
        %mul3A_435 = arith.muli %get3A_413, %mul3A_434 : vector<16xi32>
        %get3A_436 = arith.constant 16 : index
        %get3A_437 = tpu.vector_load %arg12[%get3A_436] {strides = array<i32>} : memref<128xi32, #tpu.memory_space<vmem>>, vector<16xi32>,
        %add3A_438 = arith.addi %mul3A_435, %get3A_437 : vector<16xi32>
        %swap3A_439 = arith.constant 16 : index
        %swap3A_440 = tpu.vector_load %arg20[%swap3A_439] {strides = array<i32>} : memref<128xi32, #tpu.memory_space<vmem>>, vector<16xi32>,
        tpu.vector_store %arg20[%swap3A_439], %add3A_438 {strides = array<i32>} : memref<128xi32, #tpu.memory_space<vmem>>, vector<16xi32>,
        %get3A_441 = arith.constant 32 : index
        %get3A_442 = tpu.vector_load %arg14[%get3A_441] {strides = array<i32>} : memref<128xi32, #tpu.memory_space<vmem>>, vector<16xi32>,
        %get3A_443 = arith.constant 32 : index
        %get3A_444 = tpu.vector_load %arg22[%get3A_443] {strides = array<i32>} : memref<128xi32, #tpu.memory_space<vmem>>, vector<16xi32>,
        %mul3A_445 = arith.constant 16 : i32
        %mul3A_446 = vector.broadcast %mul3A_445 : i32 to vector<16xi32>
        %mul3A_447 = arith.muli %get3A_444, %mul3A_446 : vector<16xi32>
        %add3A_448 = arith.addi %mul3A_447, %get3A_442 : vector<16xi32>
        %swap3A_449 = arith.constant 32 : index
        %swap3A_450 = tpu.vector_load %arg16[%swap3A_449] {strides = array<i32>} : memref<128xi32, #tpu.memory_space<vmem>>, vector<16xi32>,
        tpu.vector_store %arg16[%swap3A_449], %add3A_448 {strides = array<i32>} : memref<128xi32, #tpu.memory_space<vmem>>, vector<16xi32>,
        %get3A_451 = arith.constant 32 : index
        %get3A_452 = tpu.vector_load %arg12[%get3A_451] {strides = array<i32>} : memref<128xi32, #tpu.memory_space<vmem>>, vector<16xi32>,
        %mul3A_453 = arith.constant 16 : i32
        %mul3A_454 = vector.broadcast %mul3A_453 : i32 to vector<16xi32>
        %mul3A_455 = arith.muli %get3A_452, %mul3A_454 : vector<16xi32>
        %add3A_456 = arith.constant 8 : i32
        %add3A_457 = vector.broadcast %add3A_456 : i32 to vector<16xi32>
        %add3A_458 = arith.addi %get3A_442, %add3A_457 : vector<16xi32>
        %add3A_459 = arith.addi %mul3A_455, %add3A_458 : vector<16xi32>
        %swap3A_460 = arith.constant 32 : index
        %swap3A_461 = tpu.vector_load %arg18[%swap3A_460] {strides = array<i32>} : memref<128xi32, #tpu.memory_space<vmem>>, vector<16xi32>,
        tpu.vector_store %arg18[%swap3A_460], %add3A_459 {strides = array<i32>} : memref<128xi32, #tpu.memory_space<vmem>>, vector<16xi32>,
        %mul3A_462 = arith.constant 10000 : i32
        %mul3A_463 = vector.broadcast %mul3A_462 : i32 to vector<16xi32>
        %mul3A_464 = arith.muli %get3A_442, %mul3A_463 : vector<16xi32>
        %get3A_465 = arith.constant 32 : index
        %get3A_466 = tpu.vector_load %arg12[%get3A_465] {strides = array<i32>} : memref<128xi32, #tpu.memory_space<vmem>>, vector<16xi32>,
        %add3A_467 = arith.addi %mul3A_464, %get3A_466 : vector<16xi32>
        %swap3A_468 = arith.constant 32 : index
        %swap3A_469 = tpu.vector_load %arg20[%swap3A_468] {strides = array<i32>} : memref<128xi32, #tpu.memory_space<vmem>>, vector<16xi32>,
        tpu.vector_store %arg20[%swap3A_468], %add3A_467 {strides = array<i32>} : memref<128xi32, #tpu.memory_space<vmem>>, vector<16xi32>,
        %get3A_470 = arith.constant 48 : index
        %get3A_471 = tpu.vector_load %arg14[%get3A_470] {strides = array<i32>} : memref<128xi32, #tpu.memory_space<vmem>>, vector<16xi32>,
        %get3A_472 = arith.constant 48 : index
        %get3A_473 = tpu.vector_load %arg22[%get3A_472] {strides = array<i32>} : memref<128xi32, #tpu.memory_space<vmem>>, vector<16xi32>,
        %mul3A_474 = arith.constant 16 : i32
        %mul3A_475 = vector.broadcast %mul3A_474 : i32 to vector<16xi32>
        %mul3A_476 = arith.muli %get3A_473, %mul3A_475 : vector<16xi32>
        %add3A_477 = arith.addi %mul3A_476, %get3A_471 : vector<16xi32>
        %swap3A_478 = arith.constant 48 : index
        %swap3A_479 = tpu.vector_load %arg16[%swap3A_478] {strides = array<i32>} : memref<128xi32, #tpu.memory_space<vmem>>, vector<16xi32>,
        tpu.vector_store %arg16[%swap3A_478], %add3A_477 {strides = array<i32>} : memref<128xi32, #tpu.memory_space<vmem>>, vector<16xi32>,
        %get3A_480 = arith.constant 48 : index
        %get3A_481 = tpu.vector_load %arg12[%get3A_480] {strides = array<i32>} : memref<128xi32, #tpu.memory_space<vmem>>, vector<16xi32>,
        %mul3A_482 = arith.constant 16 : i32
        %mul3A_483 = vector.broadcast %mul3A_482 : i32 to vector<16xi32>
        %mul3A_484 = arith.muli %get3A_481, %mul3A_483 : vector<16xi32>
        %add3A_485 = arith.constant 8 : i32
        %add3A_486 = vector.broadcast %add3A_485 : i32 to vector<16xi32>
        %add3A_487 = arith.addi %get3A_471, %add3A_486 : vector<16xi32>
        %add3A_488 = arith.addi %mul3A_484, %add3A_487 : vector<16xi32>
        %swap3A_489 = arith.constant 48 : index
        %swap3A_490 = tpu.vector_load %arg18[%swap3A_489] {strides = array<i32>} : memref<128xi32, #tpu.memory_space<vmem>>, vector<16xi32>,
        tpu.vector_store %arg18[%swap3A_489], %add3A_488 {strides = array<i32>} : memref<128xi32, #tpu.memory_space<vmem>>, vector<16xi32>,
        %mul3A_491 = arith.constant 10000 : i32
        %mul3A_492 = vector.broadcast %mul3A_491 : i32 to vector<16xi32>
        %mul3A_493 = arith.muli %get3A_471, %mul3A_492 : vector<16xi32>
        %get3A_494 = arith.constant 48 : index
        %get3A_495 = tpu.vector_load %arg12[%get3A_494] {strides = array<i32>} : memref<128xi32, #tpu.memory_space<vmem>>, vector<16xi32>,
        %add3A_496 = arith.addi %mul3A_493, %get3A_495 : vector<16xi32>
        %swap3A_497 = arith.constant 48 : index
        %swap3A_498 = tpu.vector_load %arg20[%swap3A_497] {strides = array<i32>} : memref<128xi32, #tpu.memory_space<vmem>>, vector<16xi32>,
        tpu.vector_store %arg20[%swap3A_497], %add3A_496 {strides = array<i32>} : memref<128xi32, #tpu.memory_space<vmem>>, vector<16xi32>,
        %get3A_499 = arith.constant 64 : index
        %get3A_500 = tpu.vector_load %arg14[%get3A_499] {strides = array<i32>} : memref<128xi32, #tpu.memory_space<vmem>>, vector<16xi32>,
        %get3A_501 = arith.constant 64 : index
        %get3A_502 = tpu.vector_load %arg22[%get3A_501] {strides = array<i32>} : memref<128xi32, #tpu.memory_space<vmem>>, vector<16xi32>,
        %mul3A_503 = arith.constant 16 : i32
        %mul3A_504 = vector.broadcast %mul3A_503 : i32 to vector<16xi32>
        %mul3A_505 = arith.muli %get3A_502, %mul3A_504 : vector<16xi32>
        %add3A_506 = arith.addi %mul3A_505, %get3A_500 : vector<16xi32>
        %swap3A_507 = arith.constant 64 : index
        %swap3A_508 = tpu.vector_load %arg16[%swap3A_507] {strides = array<i32>} : memref<128xi32, #tpu.memory_space<vmem>>, vector<16xi32>,
        tpu.vector_store %arg16[%swap3A_507], %add3A_506 {strides = array<i32>} : memref<128xi32, #tpu.memory_space<vmem>>, vector<16xi32>,
        %get3A_509 = arith.constant 64 : index
        %get3A_510 = tpu.vector_load %arg12[%get3A_509] {strides = array<i32>} : memref<128xi32, #tpu.memory_space<vmem>>, vector<16xi32>,
        %mul3A_511 = arith.constant 16 : i32
        %mul3A_512 = vector.broadcast %mul3A_511 : i32 to vector<16xi32>
        %mul3A_513 = arith.muli %get3A_510, %mul3A_512 : vector<16xi32>
        %add3A_514 = arith.constant 8 : i32
        %add3A_515 = vector.broadcast %add3A_514 : i32 to vector<16xi32>
        %add3A_516 = arith.addi %get3A_500, %add3A_515 : vector<16xi32>
        %add3A_517 = arith.addi %mul3A_513, %add3A_516 : vector<16xi32>
        %swap3A_518 = arith.constant 64 : index
        %swap3A_519 = tpu.vector_load %arg18[%swap3A_518] {strides = array<i32>} : memref<128xi32, #tpu.memory_space<vmem>>, vector<16xi32>,
        tpu.vector_store %arg18[%swap3A_518], %add3A_517 {strides = array<i32>} : memref<128xi32, #tpu.memory_space<vmem>>, vector<16xi32>,
        %mul3A_520 = arith.constant 10000 : i32
        %mul3A_521 = vector.broadcast %mul3A_520 : i32 to vector<16xi32>
        %mul3A_522 = arith.muli %get3A_500, %mul3A_521 : vector<16xi32>
        %get3A_523 = arith.constant 64 : index
        %get3A_524 = tpu.vector_load %arg12[%get3A_523] {strides = array<i32>} : memref<128xi32, #tpu.memory_space<vmem>>, vector<16xi32>,
        %add3A_525 = arith.addi %mul3A_522, %get3A_524 : vector<16xi32>
        %swap3A_526 = arith.constant 64 : index
        %swap3A_527 = tpu.vector_load %arg20[%swap3A_526] {strides = array<i32>} : memref<128xi32, #tpu.memory_space<vmem>>, vector<16xi32>,
        tpu.vector_store %arg20[%swap3A_526], %add3A_525 {strides = array<i32>} : memref<128xi32, #tpu.memory_space<vmem>>, vector<16xi32>,
        %get3A_528 = arith.constant 80 : index
        %get3A_529 = tpu.vector_load %arg14[%get3A_528] {strides = array<i32>} : memref<128xi32, #tpu.memory_space<vmem>>, vector<16xi32>,
        %get3A_530 = arith.constant 80 : index
        %get3A_531 = tpu.vector_load %arg22[%get3A_530] {strides = array<i32>} : memref<128xi32, #tpu.memory_space<vmem>>, vector<16xi32>,
        %mul3A_532 = arith.constant 16 : i32
        %mul3A_533 = vector.broadcast %mul3A_532 : i32 to vector<16xi32>
        %mul3A_534 = arith.muli %get3A_531, %mul3A_533 : vector<16xi32>
        %add3A_535 = arith.addi %mul3A_534, %get3A_529 : vector<16xi32>
        %swap3A_536 = arith.constant 80 : index
        %swap3A_537 = tpu.vector_load %arg16[%swap3A_536] {strides = array<i32>} : memref<128xi32, #tpu.memory_space<vmem>>, vector<16xi32>,
        tpu.vector_store %arg16[%swap3A_536], %add3A_535 {strides = array<i32>} : memref<128xi32, #tpu.memory_space<vmem>>, vector<16xi32>,
        %get3A_538 = arith.constant 80 : index
        %get3A_539 = tpu.vector_load %arg12[%get3A_538] {strides = array<i32>} : memref<128xi32, #tpu.memory_space<vmem>>, vector<16xi32>,
        %mul3A_540 = arith.constant 16 : i32
        %mul3A_541 = vector.broadcast %mul3A_540 : i32 to vector<16xi32>
        %mul3A_542 = arith.muli %get3A_539, %mul3A_541 : vector<16xi32>
        %add3A_543 = arith.constant 8 : i32
        %add3A_544 = vector.broadcast %add3A_543 : i32 to vector<16xi32>
        %add3A_545 = arith.addi %get3A_529, %add3A_544 : vector<16xi32>
        %add3A_546 = arith.addi %mul3A_542, %add3A_545 : vector<16xi32>
        %swap3A_547 = arith.constant 80 : index
        %swap3A_548 = tpu.vector_load %arg18[%swap3A_547] {strides = array<i32>} : memref<128xi32, #tpu.memory_space<vmem>>, vector<16xi32>,
        tpu.vector_store %arg18[%swap3A_547], %add3A_546 {strides = array<i32>} : memref<128xi32, #tpu.memory_space<vmem>>, vector<16xi32>,
        %mul3A_549 = arith.constant 10000 : i32
        %mul3A_550 = vector.broadcast %mul3A_549 : i32 to vector<16xi32>
        %mul3A_551 = arith.muli %get3A_529, %mul3A_550 : vector<16xi32>
        %get3A_552 = arith.constant 80 : index
        %get3A_553 = tpu.vector_load %arg12[%get3A_552] {strides = array<i32>} : memref<128xi32, #tpu.memory_space<vmem>>, vector<16xi32>,
        %add3A_554 = arith.addi %mul3A_551, %get3A_553 : vector<16xi32>
        %swap3A_555 = arith.constant 80 : index
        %swap3A_556 = tpu.vector_load %arg20[%swap3A_555] {strides = array<i32>} : memref<128xi32, #tpu.memory_space<vmem>>, vector<16xi32>,
        tpu.vector_store %arg20[%swap3A_555], %add3A_554 {strides = array<i32>} : memref<128xi32, #tpu.memory_space<vmem>>, vector<16xi32>,
        %get3A_557 = arith.constant 96 : index
        %get3A_558 = tpu.vector_load %arg14[%get3A_557] {strides = array<i32>} : memref<128xi32, #tpu.memory_space<vmem>>, vector<16xi32>,
        %get3A_559 = arith.constant 96 : index
        %get3A_560 = tpu.vector_load %arg22[%get3A_559] {strides = array<i32>} : memref<128xi32, #tpu.memory_space<vmem>>, vector<16xi32>,
        %mul3A_561 = arith.constant 16 : i32
        %mul3A_562 = vector.broadcast %mul3A_561 : i32 to vector<16xi32>
        %mul3A_563 = arith.muli %get3A_560, %mul3A_562 : vector<16xi32>
        %add3A_564 = arith.addi %mul3A_563, %get3A_558 : vector<16xi32>
        %swap3A_565 = arith.constant 96 : index
        %swap3A_566 = tpu.vector_load %arg16[%swap3A_565] {strides = array<i32>} : memref<128xi32, #tpu.memory_space<vmem>>, vector<16xi32>,
        tpu.vector_store %arg16[%swap3A_565], %add3A_564 {strides = array<i32>} : memref<128xi32, #tpu.memory_space<vmem>>, vector<16xi32>,
        %get3A_567 = arith.constant 96 : index
        %get3A_568 = tpu.vector_load %arg12[%get3A_567] {strides = array<i32>} : memref<128xi32, #tpu.memory_space<vmem>>, vector<16xi32>,
        %mul3A_569 = arith.constant 16 : i32
        %mul3A_570 = vector.broadcast %mul3A_569 : i32 to vector<16xi32>
        %mul3A_571 = arith.muli %get3A_568, %mul3A_570 : vector<16xi32>
        %add3A_572 = arith.constant 8 : i32
        %add3A_573 = vector.broadcast %add3A_572 : i32 to vector<16xi32>
        %add3A_574 = arith.addi %get3A_558, %add3A_573 : vector<16xi32>
        %add3A_575 = arith.addi %mul3A_571, %add3A_574 : vector<16xi32>
        %swap3A_576 = arith.constant 96 : index
        %swap3A_577 = tpu.vector_load %arg18[%swap3A_576] {strides = array<i32>} : memref<128xi32, #tpu.memory_space<vmem>>, vector<16xi32>,
        tpu.vector_store %arg18[%swap3A_576], %add3A_575 {strides = array<i32>} : memref<128xi32, #tpu.memory_space<vmem>>, vector<16xi32>,
        %mul3A_578 = arith.constant 10000 : i32
        %mul3A_579 = vector.broadcast %mul3A_578 : i32 to vector<16xi32>
        %mul3A_580 = arith.muli %get3A_558, %mul3A_579 : vector<16xi32>
        %get3A_581 = arith.constant 96 : index
        %get3A_582 = tpu.vector_load %arg12[%get3A_581] {strides = array<i32>} : memref<128xi32, #tpu.memory_space<vmem>>, vector<16xi32>,
        %add3A_583 = arith.addi %mul3A_580, %get3A_582 : vector<16xi32>
        %swap3A_584 = arith.constant 96 : index
        %swap3A_585 = tpu.vector_load %arg20[%swap3A_584] {strides = array<i32>} : memref<128xi32, #tpu.memory_space<vmem>>, vector<16xi32>,
        tpu.vector_store %arg20[%swap3A_584], %add3A_583 {strides = array<i32>} : memref<128xi32, #tpu.memory_space<vmem>>, vector<16xi32>,
        %get3A_586 = arith.constant 112 : index
        %get3A_587 = tpu.vector_load %arg14[%get3A_586] {strides = array<i32>} : memref<128xi32, #tpu.memory_space<vmem>>, vector<16xi32>,
        %get3A_588 = arith.constant 112 : index
        %get3A_589 = tpu.vector_load %arg22[%get3A_588] {strides = array<i32>} : memref<128xi32, #tpu.memory_space<vmem>>, vector<16xi32>,
        %mul3A_590 = arith.constant 16 : i32
        %mul3A_591 = vector.broadcast %mul3A_590 : i32 to vector<16xi32>
        %mul3A_592 = arith.muli %get3A_589, %mul3A_591 : vector<16xi32>
        %add3A_593 = arith.addi %mul3A_592, %get3A_587 : vector<16xi32>
        %swap3A_594 = arith.constant 112 : index
        %swap3A_595 = tpu.vector_load %arg16[%swap3A_594] {strides = array<i32>} : memref<128xi32, #tpu.memory_space<vmem>>, vector<16xi32>,
        tpu.vector_store %arg16[%swap3A_594], %add3A_593 {strides = array<i32>} : memref<128xi32, #tpu.memory_space<vmem>>, vector<16xi32>,
        %get3A_596 = arith.constant 112 : index
        %get3A_597 = tpu.vector_load %arg12[%get3A_596] {strides = array<i32>} : memref<128xi32, #tpu.memory_space<vmem>>, vector<16xi32>,
        %mul3A_598 = arith.constant 16 : i32
        %mul3A_599 = vector.broadcast %mul3A_598 : i32 to vector<16xi32>
        %mul3A_600 = arith.muli %get3A_597, %mul3A_599 : vector<16xi32>
        %add3A_601 = arith.constant 8 : i32
        %add3A_602 = vector.broadcast %add3A_601 : i32 to vector<16xi32>
        %add3A_603 = arith.addi %get3A_587, %add3A_602 : vector<16xi32>
        %add3A_604 = arith.addi %mul3A_600, %add3A_603 : vector<16xi32>
        %swap3A_605 = arith.constant 112 : index
        %swap3A_606 = tpu.vector_load %arg18[%swap3A_605] {strides = array<i32>} : memref<128xi32, #tpu.memory_space<vmem>>, vector<16xi32>,
        tpu.vector_store %arg18[%swap3A_605], %add3A_604 {strides = array<i32>} : memref<128xi32, #tpu.memory_space<vmem>>, vector<16xi32>,
        %mul3A_607 = arith.constant 10000 : i32
        %mul3A_608 = vector.broadcast %mul3A_607 : i32 to vector<16xi32>
        %mul3A_609 = arith.muli %get3A_587, %mul3A_608 : vector<16xi32>
        %get3A_610 = arith.constant 112 : index
        %get3A_611 = tpu.vector_load %arg12[%get3A_610] {strides = array<i32>} : memref<128xi32, #tpu.memory_space<vmem>>, vector<16xi32>,
        %add3A_612 = arith.addi %mul3A_609, %get3A_611 : vector<16xi32>
        %swap3A_613 = arith.constant 112 : index
        %swap3A_614 = tpu.vector_load %arg20[%swap3A_613] {strides = array<i32>} : memref<128xi32, #tpu.memory_space<vmem>>, vector<16xi32>,
        tpu.vector_store %arg20[%swap3A_613], %add3A_612 {strides = array<i32>} : memref<128xi32, #tpu.memory_space<vmem>>, vector<16xi32>,
        %gt3A_615 = arith.constant 0 : i32
        %gt3A_616 = arith.cmpi sgt, %add3A_363, %gt3A_615 : i32
        %convert_element_type3A_617 = arith.extui %gt3A_616 : i1 to i32
        %cond3A_618 = arith.constant 0 : i32
        %cond3A_619 = arith.cmpi ne, %convert_element_type3A_617, %cond3A_618 : i32
        scf.if %cond3A_619 {
          %dma_wait3A_960 = arith.constant 0 : i32
          %dma_wait3A_961 = arith.constant 0 : i32
          %dma_wait3A_962 = tpu.memref_slice %arg34[%dma_wait3A_960, %dma_wait3A_961] : memref<10000x128xf32, #tpu.memory_space<vmem_shared>> -> memref<10000x128xf32, #tpu.memory_space<vmem_shared>>
          tpu.wait_indirect_dma semaphore(%arg40 : memref<!tpu.dma_semaphore, #tpu.memory_space<semaphore_mem>>) src(%arg31 : memref<128x128xf32, #tpu.memory_space<vmem>>) dst(%dma_wait3A_962 : memref<10000x128xf32, #tpu.memory_space<vmem_shared>>)
        } else {
        }
        %dma_start3A_620 = arith.constant 0 : i32
        %dma_start3A_621 = tpu.memref_slice %arg5[%dma_start3A_620] : memref<160000xf32, #tpu.memory_space<hbm>> -> memref<160000xf32, #tpu.memory_space<hbm>>
        tpu.enqueue_indirect_dma source(%dma_start3A_621 : memref<160000xf32, #tpu.memory_space<hbm>>) target(%arg26 : memref<128xf32, #tpu.memory_space<vmem>>) offsets(%arg16 : memref<128xi32, #tpu.memory_space<vmem>>) semaphore(%arg38 : memref<!tpu.dma_semaphore, #tpu.memory_space<semaphore_mem>>)
        %dma_start3A_622 = arith.constant 0 : i32
        %dma_start3A_623 = tpu.memref_slice %arg5[%dma_start3A_622] : memref<160000xf32, #tpu.memory_space<hbm>> -> memref<160000xf32, #tpu.memory_space<hbm>>
        tpu.enqueue_indirect_dma source(%dma_start3A_623 : memref<160000xf32, #tpu.memory_space<hbm>>) target(%arg28 : memref<128xf32, #tpu.memory_space<vmem>>) offsets(%arg18 : memref<128xi32, #tpu.memory_space<vmem>>) semaphore(%arg38 : memref<!tpu.dma_semaphore, #tpu.memory_space<semaphore_mem>>)
        %dma_start3A_624 = arith.constant 0 : i32
        %dma_start3A_625 = arith.constant 0 : i32
        %dma_start3A_626 = tpu.memref_slice %arg4[%dma_start3A_624, %dma_start3A_625] : memref<80000x128xf32, #tpu.memory_space<hbm>> -> memref<80000x128xf32, #tpu.memory_space<hbm>>
        tpu.enqueue_indirect_dma source(%dma_start3A_626 : memref<80000x128xf32, #tpu.memory_space<hbm>>) target(%arg31 : memref<128x128xf32, #tpu.memory_space<vmem>>) offsets(%arg20 : memref<128xi32, #tpu.memory_space<vmem>>) semaphore(%arg38 : memref<!tpu.dma_semaphore, #tpu.memory_space<semaphore_mem>>)
        %dma_wait3A_627 = arith.constant 0 : i32
        %dma_wait3A_628 = tpu.memref_slice %arg5[%dma_wait3A_627] : memref<160000xf32, #tpu.memory_space<hbm>> -> memref<160000xf32, #tpu.memory_space<hbm>>
        tpu.wait_indirect_dma semaphore(%arg37 : memref<!tpu.dma_semaphore, #tpu.memory_space<semaphore_mem>>) src(%dma_wait3A_628 : memref<160000xf32, #tpu.memory_space<hbm>>) dst(%arg25 : memref<128xf32, #tpu.memory_space<vmem>>)
        %dma_wait3A_629 = arith.constant 0 : i32
        %dma_wait3A_630 = tpu.memref_slice %arg5[%dma_wait3A_629] : memref<160000xf32, #tpu.memory_space<hbm>> -> memref<160000xf32, #tpu.memory_space<hbm>>
        tpu.wait_indirect_dma semaphore(%arg37 : memref<!tpu.dma_semaphore, #tpu.memory_space<semaphore_mem>>) src(%dma_wait3A_630 : memref<160000xf32, #tpu.memory_space<hbm>>) dst(%arg27 : memref<128xf32, #tpu.memory_space<vmem>>)
        %dma_wait3A_631 = arith.constant 0 : i32
        %dma_wait3A_632 = arith.constant 0 : i32
        %dma_wait3A_633 = tpu.memref_slice %arg4[%dma_wait3A_631, %dma_wait3A_632] : memref<80000x128xf32, #tpu.memory_space<hbm>> -> memref<80000x128xf32, #tpu.memory_space<hbm>>
        tpu.wait_indirect_dma semaphore(%arg37 : memref<!tpu.dma_semaphore, #tpu.memory_space<semaphore_mem>>) src(%dma_wait3A_633 : memref<80000x128xf32, #tpu.memory_space<hbm>>) dst(%arg30 : memref<128x128xf32, #tpu.memory_space<vmem>>)
        %get3A_634 = arith.constant 0 : index
        %get3A_635 = tpu.vector_load %arg33[%get3A_634] {strides = array<i32>} : memref<16xf32, #tpu.memory_space<vmem>>, vector<16xf32>,
        %get3A_636 = arith.constant 0 : index
        %get3A_637 = tpu.vector_load %arg25[%get3A_636] {strides = array<i32>} : memref<128xf32, #tpu.memory_space<vmem>>, vector<16xf32>,
        %get3A_638 = arith.constant 0 : index
        %get3A_639 = tpu.vector_load %arg27[%get3A_638] {strides = array<i32>} : memref<128xf32, #tpu.memory_space<vmem>>, vector<16xf32>,
        %add3A_640 = arith.addf %get3A_637, %get3A_639 : vector<16xf32>
        %mul3A_641 = arith.constant 2.000000e-01 : f32
        %mul3A_642 = vector.broadcast %mul3A_641 : f32 to vector<16xf32>
        %mul3A_643 = arith.mulf %mul3A_642, %add3A_640 : vector<16xf32>
        %max3A_644 = arith.maximumf %add3A_640, %mul3A_643 : vector<16xf32>
        %sub3A_645 = arith.subf %max3A_644, %get3A_635 : vector<16xf32>
        %exp3A = math.exp %sub3A_645 : vector<16xf32>
        %swap3A_646 = arith.constant 0 : index
        %swap3A_647 = tpu.vector_load %arg29[%swap3A_646] {strides = array<i32>} : memref<128xf32, #tpu.memory_space<vmem>>, vector<16xf32>,
        tpu.vector_store %arg29[%swap3A_646], %exp3A {strides = array<i32>} : memref<128xf32, #tpu.memory_space<vmem>>, vector<16xf32>,
        %get3A_648 = arith.constant 0 : index
        %get3A_649 = tpu.vector_load %arg21[%get3A_648] {strides = array<i32>} : memref<128xi32, #tpu.memory_space<vmem>>, vector<16xi32>,
        tpu.vector_store_idx %arg32[%get3A_649], %exp3A {add = true} : memref<10000xf32, #tpu.memory_space<vmem>>[vector<16xi32>], vector<16xf32>,
        %swap3A_650 = arith.constant 0 : index
        %swap3A_651 = tpu.vector_load %arg23[%swap3A_650] {strides = array<i32>} : memref<128xi32, #tpu.memory_space<vmem>>, vector<16xi32>,
        tpu.vector_store %arg23[%swap3A_650], %get3A_649 {strides = array<i32>} : memref<128xi32, #tpu.memory_space<vmem>>, vector<16xi32>,
        %get3A_652 = arith.constant 16 : index
        %get3A_653 = tpu.vector_load %arg25[%get3A_652] {strides = array<i32>} : memref<128xf32, #tpu.memory_space<vmem>>, vector<16xf32>,
        %get3A_654 = arith.constant 16 : index
        %get3A_655 = tpu.vector_load %arg27[%get3A_654] {strides = array<i32>} : memref<128xf32, #tpu.memory_space<vmem>>, vector<16xf32>,
        %add3A_656 = arith.addf %get3A_653, %get3A_655 : vector<16xf32>
        %mul3A_657 = arith.constant 2.000000e-01 : f32
        %mul3A_658 = vector.broadcast %mul3A_657 : f32 to vector<16xf32>
        %mul3A_659 = arith.mulf %mul3A_658, %add3A_656 : vector<16xf32>
        %max3A_660 = arith.maximumf %add3A_656, %mul3A_659 : vector<16xf32>
        %sub3A_661 = arith.subf %max3A_660, %get3A_635 : vector<16xf32>
        %exp3A_662 = math.exp %sub3A_661 : vector<16xf32>
        %swap3A_663 = arith.constant 16 : index
        %swap3A_664 = tpu.vector_load %arg29[%swap3A_663] {strides = array<i32>} : memref<128xf32, #tpu.memory_space<vmem>>, vector<16xf32>,
        tpu.vector_store %arg29[%swap3A_663], %exp3A_662 {strides = array<i32>} : memref<128xf32, #tpu.memory_space<vmem>>, vector<16xf32>,
        %get3A_665 = arith.constant 16 : index
        %get3A_666 = tpu.vector_load %arg21[%get3A_665] {strides = array<i32>} : memref<128xi32, #tpu.memory_space<vmem>>, vector<16xi32>,
        tpu.vector_store_idx %arg32[%get3A_666], %exp3A_662 {add = true} : memref<10000xf32, #tpu.memory_space<vmem>>[vector<16xi32>], vector<16xf32>,
        %swap3A_667 = arith.constant 16 : index
        %swap3A_668 = tpu.vector_load %arg23[%swap3A_667] {strides = array<i32>} : memref<128xi32, #tpu.memory_space<vmem>>, vector<16xi32>,
        tpu.vector_store %arg23[%swap3A_667], %get3A_666 {strides = array<i32>} : memref<128xi32, #tpu.memory_space<vmem>>, vector<16xi32>,
        %get3A_669 = arith.constant 32 : index
        %get3A_670 = tpu.vector_load %arg25[%get3A_669] {strides = array<i32>} : memref<128xf32, #tpu.memory_space<vmem>>, vector<16xf32>,
        %get3A_671 = arith.constant 32 : index
        %get3A_672 = tpu.vector_load %arg27[%get3A_671] {strides = array<i32>} : memref<128xf32, #tpu.memory_space<vmem>>, vector<16xf32>,
        %add3A_673 = arith.addf %get3A_670, %get3A_672 : vector<16xf32>
        %mul3A_674 = arith.constant 2.000000e-01 : f32
        %mul3A_675 = vector.broadcast %mul3A_674 : f32 to vector<16xf32>
        %mul3A_676 = arith.mulf %mul3A_675, %add3A_673 : vector<16xf32>
        %max3A_677 = arith.maximumf %add3A_673, %mul3A_676 : vector<16xf32>
        %sub3A_678 = arith.subf %max3A_677, %get3A_635 : vector<16xf32>
        %exp3A_679 = math.exp %sub3A_678 : vector<16xf32>
        %swap3A_680 = arith.constant 32 : index
        %swap3A_681 = tpu.vector_load %arg29[%swap3A_680] {strides = array<i32>} : memref<128xf32, #tpu.memory_space<vmem>>, vector<16xf32>,
        tpu.vector_store %arg29[%swap3A_680], %exp3A_679 {strides = array<i32>} : memref<128xf32, #tpu.memory_space<vmem>>, vector<16xf32>,
        %get3A_682 = arith.constant 32 : index
        %get3A_683 = tpu.vector_load %arg21[%get3A_682] {strides = array<i32>} : memref<128xi32, #tpu.memory_space<vmem>>, vector<16xi32>,
        tpu.vector_store_idx %arg32[%get3A_683], %exp3A_679 {add = true} : memref<10000xf32, #tpu.memory_space<vmem>>[vector<16xi32>], vector<16xf32>,
        %swap3A_684 = arith.constant 32 : index
        %swap3A_685 = tpu.vector_load %arg23[%swap3A_684] {strides = array<i32>} : memref<128xi32, #tpu.memory_space<vmem>>, vector<16xi32>,
        tpu.vector_store %arg23[%swap3A_684], %get3A_683 {strides = array<i32>} : memref<128xi32, #tpu.memory_space<vmem>>, vector<16xi32>,
        %get3A_686 = arith.constant 48 : index
        %get3A_687 = tpu.vector_load %arg25[%get3A_686] {strides = array<i32>} : memref<128xf32, #tpu.memory_space<vmem>>, vector<16xf32>,
        %get3A_688 = arith.constant 48 : index
        %get3A_689 = tpu.vector_load %arg27[%get3A_688] {strides = array<i32>} : memref<128xf32, #tpu.memory_space<vmem>>, vector<16xf32>,
        %add3A_690 = arith.addf %get3A_687, %get3A_689 : vector<16xf32>
        %mul3A_691 = arith.constant 2.000000e-01 : f32
        %mul3A_692 = vector.broadcast %mul3A_691 : f32 to vector<16xf32>
        %mul3A_693 = arith.mulf %mul3A_692, %add3A_690 : vector<16xf32>
        %max3A_694 = arith.maximumf %add3A_690, %mul3A_693 : vector<16xf32>
        %sub3A_695 = arith.subf %max3A_694, %get3A_635 : vector<16xf32>
        %exp3A_696 = math.exp %sub3A_695 : vector<16xf32>
        %swap3A_697 = arith.constant 48 : index
        %swap3A_698 = tpu.vector_load %arg29[%swap3A_697] {strides = array<i32>} : memref<128xf32, #tpu.memory_space<vmem>>, vector<16xf32>,
        tpu.vector_store %arg29[%swap3A_697], %exp3A_696 {strides = array<i32>} : memref<128xf32, #tpu.memory_space<vmem>>, vector<16xf32>,
        %get3A_699 = arith.constant 48 : index
        %get3A_700 = tpu.vector_load %arg21[%get3A_699] {strides = array<i32>} : memref<128xi32, #tpu.memory_space<vmem>>, vector<16xi32>,
        tpu.vector_store_idx %arg32[%get3A_700], %exp3A_696 {add = true} : memref<10000xf32, #tpu.memory_space<vmem>>[vector<16xi32>], vector<16xf32>,
        %swap3A_701 = arith.constant 48 : index
        %swap3A_702 = tpu.vector_load %arg23[%swap3A_701] {strides = array<i32>} : memref<128xi32, #tpu.memory_space<vmem>>, vector<16xi32>,
        tpu.vector_store %arg23[%swap3A_701], %get3A_700 {strides = array<i32>} : memref<128xi32, #tpu.memory_space<vmem>>, vector<16xi32>,
        %get3A_703 = arith.constant 64 : index
        %get3A_704 = tpu.vector_load %arg25[%get3A_703] {strides = array<i32>} : memref<128xf32, #tpu.memory_space<vmem>>, vector<16xf32>,
        %get3A_705 = arith.constant 64 : index
        %get3A_706 = tpu.vector_load %arg27[%get3A_705] {strides = array<i32>} : memref<128xf32, #tpu.memory_space<vmem>>, vector<16xf32>,
        %add3A_707 = arith.addf %get3A_704, %get3A_706 : vector<16xf32>
        %mul3A_708 = arith.constant 2.000000e-01 : f32
        %mul3A_709 = vector.broadcast %mul3A_708 : f32 to vector<16xf32>
        %mul3A_710 = arith.mulf %mul3A_709, %add3A_707 : vector<16xf32>
        %max3A_711 = arith.maximumf %add3A_707, %mul3A_710 : vector<16xf32>
        %sub3A_712 = arith.subf %max3A_711, %get3A_635 : vector<16xf32>
        %exp3A_713 = math.exp %sub3A_712 : vector<16xf32>
        %swap3A_714 = arith.constant 64 : index
        %swap3A_715 = tpu.vector_load %arg29[%swap3A_714] {strides = array<i32>} : memref<128xf32, #tpu.memory_space<vmem>>, vector<16xf32>,
        tpu.vector_store %arg29[%swap3A_714], %exp3A_713 {strides = array<i32>} : memref<128xf32, #tpu.memory_space<vmem>>, vector<16xf32>,
        %get3A_716 = arith.constant 64 : index
        %get3A_717 = tpu.vector_load %arg21[%get3A_716] {strides = array<i32>} : memref<128xi32, #tpu.memory_space<vmem>>, vector<16xi32>,
        tpu.vector_store_idx %arg32[%get3A_717], %exp3A_713 {add = true} : memref<10000xf32, #tpu.memory_space<vmem>>[vector<16xi32>], vector<16xf32>,
        %swap3A_718 = arith.constant 64 : index
        %swap3A_719 = tpu.vector_load %arg23[%swap3A_718] {strides = array<i32>} : memref<128xi32, #tpu.memory_space<vmem>>, vector<16xi32>,
        tpu.vector_store %arg23[%swap3A_718], %get3A_717 {strides = array<i32>} : memref<128xi32, #tpu.memory_space<vmem>>, vector<16xi32>,
        %get3A_720 = arith.constant 80 : index
        %get3A_721 = tpu.vector_load %arg25[%get3A_720] {strides = array<i32>} : memref<128xf32, #tpu.memory_space<vmem>>, vector<16xf32>,
        %get3A_722 = arith.constant 80 : index
        %get3A_723 = tpu.vector_load %arg27[%get3A_722] {strides = array<i32>} : memref<128xf32, #tpu.memory_space<vmem>>, vector<16xf32>,
        %add3A_724 = arith.addf %get3A_721, %get3A_723 : vector<16xf32>
        %mul3A_725 = arith.constant 2.000000e-01 : f32
        %mul3A_726 = vector.broadcast %mul3A_725 : f32 to vector<16xf32>
        %mul3A_727 = arith.mulf %mul3A_726, %add3A_724 : vector<16xf32>
        %max3A_728 = arith.maximumf %add3A_724, %mul3A_727 : vector<16xf32>
        %sub3A_729 = arith.subf %max3A_728, %get3A_635 : vector<16xf32>
        %exp3A_730 = math.exp %sub3A_729 : vector<16xf32>
        %swap3A_731 = arith.constant 80 : index
        %swap3A_732 = tpu.vector_load %arg29[%swap3A_731] {strides = array<i32>} : memref<128xf32, #tpu.memory_space<vmem>>, vector<16xf32>,
        tpu.vector_store %arg29[%swap3A_731], %exp3A_730 {strides = array<i32>} : memref<128xf32, #tpu.memory_space<vmem>>, vector<16xf32>,
        %get3A_733 = arith.constant 80 : index
        %get3A_734 = tpu.vector_load %arg21[%get3A_733] {strides = array<i32>} : memref<128xi32, #tpu.memory_space<vmem>>, vector<16xi32>,
        tpu.vector_store_idx %arg32[%get3A_734], %exp3A_730 {add = true} : memref<10000xf32, #tpu.memory_space<vmem>>[vector<16xi32>], vector<16xf32>,
        %swap3A_735 = arith.constant 80 : index
        %swap3A_736 = tpu.vector_load %arg23[%swap3A_735] {strides = array<i32>} : memref<128xi32, #tpu.memory_space<vmem>>, vector<16xi32>,
        tpu.vector_store %arg23[%swap3A_735], %get3A_734 {strides = array<i32>} : memref<128xi32, #tpu.memory_space<vmem>>, vector<16xi32>,
        %get3A_737 = arith.constant 96 : index
        %get3A_738 = tpu.vector_load %arg25[%get3A_737] {strides = array<i32>} : memref<128xf32, #tpu.memory_space<vmem>>, vector<16xf32>,
        %get3A_739 = arith.constant 96 : index
        %get3A_740 = tpu.vector_load %arg27[%get3A_739] {strides = array<i32>} : memref<128xf32, #tpu.memory_space<vmem>>, vector<16xf32>,
        %add3A_741 = arith.addf %get3A_738, %get3A_740 : vector<16xf32>
        %mul3A_742 = arith.constant 2.000000e-01 : f32
        %mul3A_743 = vector.broadcast %mul3A_742 : f32 to vector<16xf32>
        %mul3A_744 = arith.mulf %mul3A_743, %add3A_741 : vector<16xf32>
        %max3A_745 = arith.maximumf %add3A_741, %mul3A_744 : vector<16xf32>
        %sub3A_746 = arith.subf %max3A_745, %get3A_635 : vector<16xf32>
        %exp3A_747 = math.exp %sub3A_746 : vector<16xf32>
        %swap3A_748 = arith.constant 96 : index
        %swap3A_749 = tpu.vector_load %arg29[%swap3A_748] {strides = array<i32>} : memref<128xf32, #tpu.memory_space<vmem>>, vector<16xf32>,
        tpu.vector_store %arg29[%swap3A_748], %exp3A_747 {strides = array<i32>} : memref<128xf32, #tpu.memory_space<vmem>>, vector<16xf32>,
        %get3A_750 = arith.constant 96 : index
        %get3A_751 = tpu.vector_load %arg21[%get3A_750] {strides = array<i32>} : memref<128xi32, #tpu.memory_space<vmem>>, vector<16xi32>,
        tpu.vector_store_idx %arg32[%get3A_751], %exp3A_747 {add = true} : memref<10000xf32, #tpu.memory_space<vmem>>[vector<16xi32>], vector<16xf32>,
        %swap3A_752 = arith.constant 96 : index
        %swap3A_753 = tpu.vector_load %arg23[%swap3A_752] {strides = array<i32>} : memref<128xi32, #tpu.memory_space<vmem>>, vector<16xi32>,
        tpu.vector_store %arg23[%swap3A_752], %get3A_751 {strides = array<i32>} : memref<128xi32, #tpu.memory_space<vmem>>, vector<16xi32>,
        %get3A_754 = arith.constant 112 : index
        %get3A_755 = tpu.vector_load %arg25[%get3A_754] {strides = array<i32>} : memref<128xf32, #tpu.memory_space<vmem>>, vector<16xf32>,
        %get3A_756 = arith.constant 112 : index
        %get3A_757 = tpu.vector_load %arg27[%get3A_756] {strides = array<i32>} : memref<128xf32, #tpu.memory_space<vmem>>, vector<16xf32>,
        %add3A_758 = arith.addf %get3A_755, %get3A_757 : vector<16xf32>
        %mul3A_759 = arith.constant 2.000000e-01 : f32
        %mul3A_760 = vector.broadcast %mul3A_759 : f32 to vector<16xf32>
        %mul3A_761 = arith.mulf %mul3A_760, %add3A_758 : vector<16xf32>
        %max3A_762 = arith.maximumf %add3A_758, %mul3A_761 : vector<16xf32>
        %sub3A_763 = arith.subf %max3A_762, %get3A_635 : vector<16xf32>
        %exp3A_764 = math.exp %sub3A_763 : vector<16xf32>
        %swap3A_765 = arith.constant 112 : index
        %swap3A_766 = tpu.vector_load %arg29[%swap3A_765] {strides = array<i32>} : memref<128xf32, #tpu.memory_space<vmem>>, vector<16xf32>,
        tpu.vector_store %arg29[%swap3A_765], %exp3A_764 {strides = array<i32>} : memref<128xf32, #tpu.memory_space<vmem>>, vector<16xf32>,
        %get3A_767 = arith.constant 112 : index
        %get3A_768 = tpu.vector_load %arg21[%get3A_767] {strides = array<i32>} : memref<128xi32, #tpu.memory_space<vmem>>, vector<16xi32>,
        tpu.vector_store_idx %arg32[%get3A_768], %exp3A_764 {add = true} : memref<10000xf32, #tpu.memory_space<vmem>>[vector<16xi32>], vector<16xf32>,
        %swap3A_769 = arith.constant 112 : index
        %swap3A_770 = tpu.vector_load %arg23[%swap3A_769] {strides = array<i32>} : memref<128xi32, #tpu.memory_space<vmem>>, vector<16xi32>,
        tpu.vector_store %arg23[%swap3A_769], %get3A_768 {strides = array<i32>} : memref<128xi32, #tpu.memory_space<vmem>>, vector<16xi32>,
        %sub3A_771 = arith.constant 1 : i32
        %sub3A_772 = arith.subi %select_n3A_32, %sub3A_771 : i32
        %lt3A_773 = arith.cmpi slt, %add3A_363, %sub3A_772 : i32
        %convert_element_type3A_774 = arith.extui %lt3A_773 : i1 to i32
        %cond3A_775 = arith.constant 0 : i32
        %cond3A_776 = arith.cmpi ne, %convert_element_type3A_774, %cond3A_775 : i32
        scf.if %cond3A_776 {
          %add3A_960 = arith.constant 2 : i32
          %add3A_961 = arith.addi %mul3A_365, %add3A_960 : i32
          %add3A_962 = arith.addi %select_n3A, %add3A_961 : i32
          %mul3A_963 = arith.constant 128 : i32
          %mul3A_964 = arith.muli %add3A_962, %mul3A_963 : i32
          %dma_start3A_965 = arith.constant 0 : i32
          %dma_start3A_966 = tpu.memref_slice %arg2[%dma_start3A_965, %mul3A_964] : memref<2x320000xi32, #tpu.memory_space<hbm>> -> memref<1x128xi32, #tpu.memory_space<hbm>>
          %dma_start3A_967 = tpu.memref_squeeze %dma_start3A_966 : memref<1x128xi32, #tpu.memory_space<hbm>> -> memref<128xi32, #tpu.memory_space<hbm>>
          %dma_start3A_968 = tpu.memref_slice %arg2[%dma_start3A_965, %mul3A_964] : memref<2x320000xi32, #tpu.memory_space<hbm>> -> memref<1x128xi32, #tpu.memory_space<hbm>>
          %dma_start3A_969 = tpu.memref_squeeze %dma_start3A_968 : memref<1x128xi32, #tpu.memory_space<hbm>> -> memref<128xi32, #tpu.memory_space<hbm>>
          tpu.enqueue_dma source(%dma_start3A_969 : memref<128xi32, #tpu.memory_space<hbm>>) target(%arg11 : memref<128xi32, #tpu.memory_space<vmem>>) target_semaphore(%arg35 : memref<!tpu.dma_semaphore, #tpu.memory_space<semaphore_mem>>)
          %dma_start3A_970 = arith.constant 1 : i32
          %dma_start3A_971 = tpu.memref_slice %arg2[%dma_start3A_970, %mul3A_964] : memref<2x320000xi32, #tpu.memory_space<hbm>> -> memref<1x128xi32, #tpu.memory_space<hbm>>
          %dma_start3A_972 = tpu.memref_squeeze %dma_start3A_971 : memref<1x128xi32, #tpu.memory_space<hbm>> -> memref<128xi32, #tpu.memory_space<hbm>>
          %dma_start3A_973 = tpu.memref_slice %arg2[%dma_start3A_970, %mul3A_964] : memref<2x320000xi32, #tpu.memory_space<hbm>> -> memref<1x128xi32, #tpu.memory_space<hbm>>
          %dma_start3A_974 = tpu.memref_squeeze %dma_start3A_973 : memref<1x128xi32, #tpu.memory_space<hbm>> -> memref<128xi32, #tpu.memory_space<hbm>>
          tpu.enqueue_dma source(%dma_start3A_974 : memref<128xi32, #tpu.memory_space<hbm>>) target(%arg21 : memref<128xi32, #tpu.memory_space<vmem>>) target_semaphore(%arg35 : memref<!tpu.dma_semaphore, #tpu.memory_space<semaphore_mem>>)
          %dma_start3A_975 = tpu.memref_slice %arg3[%mul3A_964] : memref<320000xi32, #tpu.memory_space<hbm>> -> memref<128xi32, #tpu.memory_space<hbm>>
          %dma_start3A_976 = tpu.memref_slice %arg3[%mul3A_964] : memref<320000xi32, #tpu.memory_space<hbm>> -> memref<128xi32, #tpu.memory_space<hbm>>
          tpu.enqueue_dma source(%dma_start3A_976 : memref<128xi32, #tpu.memory_space<hbm>>) target(%arg13 : memref<128xi32, #tpu.memory_space<vmem>>) target_semaphore(%arg35 : memref<!tpu.dma_semaphore, #tpu.memory_space<semaphore_mem>>)
        } else {
        }
        %scan3A = arith.constant 0 : i32
        %scan3A_777 = arith.constant 128 : i32
        %scan3A_778 = arith.addi %scan3A, %scan3A_777 : i32
        %scan3A_779 = arith.constant 1 : i32
        scf.for %scan3A_960 = %scan3A to %scan3A_778 step %scan3A_779  : i32 {
          %mul3A_961 = arith.constant 1 : i32
          %mul3A_962 = arith.muli %scan3A_960, %mul3A_961 : i32
          %add3A_963 = arith.constant 0 : i32
          %add3A_964 = arith.addi %add3A_963, %mul3A_962 : i32
          %broadcast_in_dim3A = vector.broadcast %add3A_964 : i32 to vector<16xi32>
          %gather3A = tpu.vector_load_idx %arg29[%broadcast_in_dim3A] : memref<128xf32, #tpu.memory_space<vmem>>[vector<16xi32>], vector<16xf32>,
          %get3A_965 = arith.index_cast %add3A_964 : i32 to index
          %get3A_966 = arith.constant 0 : index
          %get3A_967 = tpu.vector_load %arg30[%get3A_965, %get3A_966] {strides = array<i32>} : memref<128x128xf32, #tpu.memory_space<vmem>>, vector<16xf32>,
          %mul3A_968 = arith.mulf %get3A_967, %gather3A : vector<16xf32>
          %swap3A_969 = arith.index_cast %add3A_964 : i32 to index
          %swap3A_970 = arith.constant 0 : index
          %swap3A_971 = tpu.vector_load %arg30[%swap3A_969, %swap3A_970] {strides = array<i32>} : memref<128x128xf32, #tpu.memory_space<vmem>>, vector<16xf32>,
          tpu.vector_store %arg30[%swap3A_969, %swap3A_970], %mul3A_968 {strides = array<i32>} : memref<128x128xf32, #tpu.memory_space<vmem>>, vector<16xf32>,
          %get3A_972 = arith.index_cast %add3A_964 : i32 to index
          %get3A_973 = arith.constant 16 : index
          %get3A_974 = tpu.vector_load %arg30[%get3A_972, %get3A_973] {strides = array<i32>} : memref<128x128xf32, #tpu.memory_space<vmem>>, vector<16xf32>,
          %mul3A_975 = arith.mulf %get3A_974, %gather3A : vector<16xf32>
          %swap3A_976 = arith.index_cast %add3A_964 : i32 to index
          %swap3A_977 = arith.constant 16 : index
          %swap3A_978 = tpu.vector_load %arg30[%swap3A_976, %swap3A_977] {strides = array<i32>} : memref<128x128xf32, #tpu.memory_space<vmem>>, vector<16xf32>,
          tpu.vector_store %arg30[%swap3A_976, %swap3A_977], %mul3A_975 {strides = array<i32>} : memref<128x128xf32, #tpu.memory_space<vmem>>, vector<16xf32>,
          %get3A_979 = arith.index_cast %add3A_964 : i32 to index
          %get3A_980 = arith.constant 32 : index
          %get3A_981 = tpu.vector_load %arg30[%get3A_979, %get3A_980] {strides = array<i32>} : memref<128x128xf32, #tpu.memory_space<vmem>>, vector<16xf32>,
          %mul3A_982 = arith.mulf %get3A_981, %gather3A : vector<16xf32>
          %swap3A_983 = arith.index_cast %add3A_964 : i32 to index
          %swap3A_984 = arith.constant 32 : index
          %swap3A_985 = tpu.vector_load %arg30[%swap3A_983, %swap3A_984] {strides = array<i32>} : memref<128x128xf32, #tpu.memory_space<vmem>>, vector<16xf32>,
          tpu.vector_store %arg30[%swap3A_983, %swap3A_984], %mul3A_982 {strides = array<i32>} : memref<128x128xf32, #tpu.memory_space<vmem>>, vector<16xf32>,
          %get3A_986 = arith.index_cast %add3A_964 : i32 to index
          %get3A_987 = arith.constant 48 : index
          %get3A_988 = tpu.vector_load %arg30[%get3A_986, %get3A_987] {strides = array<i32>} : memref<128x128xf32, #tpu.memory_space<vmem>>, vector<16xf32>,
          %mul3A_989 = arith.mulf %get3A_988, %gather3A : vector<16xf32>
          %swap3A_990 = arith.index_cast %add3A_964 : i32 to index
          %swap3A_991 = arith.constant 48 : index
          %swap3A_992 = tpu.vector_load %arg30[%swap3A_990, %swap3A_991] {strides = array<i32>} : memref<128x128xf32, #tpu.memory_space<vmem>>, vector<16xf32>,
          tpu.vector_store %arg30[%swap3A_990, %swap3A_991], %mul3A_989 {strides = array<i32>} : memref<128x128xf32, #tpu.memory_space<vmem>>, vector<16xf32>,
          %get3A_993 = arith.index_cast %add3A_964 : i32 to index
          %get3A_994 = arith.constant 64 : index
          %get3A_995 = tpu.vector_load %arg30[%get3A_993, %get3A_994] {strides = array<i32>} : memref<128x128xf32, #tpu.memory_space<vmem>>, vector<16xf32>,
          %mul3A_996 = arith.mulf %get3A_995, %gather3A : vector<16xf32>
          %swap3A_997 = arith.index_cast %add3A_964 : i32 to index
          %swap3A_998 = arith.constant 64 : index
          %swap3A_999 = tpu.vector_load %arg30[%swap3A_997, %swap3A_998] {strides = array<i32>} : memref<128x128xf32, #tpu.memory_space<vmem>>, vector<16xf32>,
          tpu.vector_store %arg30[%swap3A_997, %swap3A_998], %mul3A_996 {strides = array<i32>} : memref<128x128xf32, #tpu.memory_space<vmem>>, vector<16xf32>,
          %get3A_1000 = arith.index_cast %add3A_964 : i32 to index
          %get3A_1001 = arith.constant 80 : index
          %get3A_1002 = tpu.vector_load %arg30[%get3A_1000, %get3A_1001] {strides = array<i32>} : memref<128x128xf32, #tpu.memory_space<vmem>>, vector<16xf32>,
          %mul3A_1003 = arith.mulf %get3A_1002, %gather3A : vector<16xf32>
          %swap3A_1004 = arith.index_cast %add3A_964 : i32 to index
          %swap3A_1005 = arith.constant 80 : index
          %swap3A_1006 = tpu.vector_load %arg30[%swap3A_1004, %swap3A_1005] {strides = array<i32>} : memref<128x128xf32, #tpu.memory_space<vmem>>, vector<16xf32>,
          tpu.vector_store %arg30[%swap3A_1004, %swap3A_1005], %mul3A_1003 {strides = array<i32>} : memref<128x128xf32, #tpu.memory_space<vmem>>, vector<16xf32>,
          %get3A_1007 = arith.index_cast %add3A_964 : i32 to index
          %get3A_1008 = arith.constant 96 : index
          %get3A_1009 = tpu.vector_load %arg30[%get3A_1007, %get3A_1008] {strides = array<i32>} : memref<128x128xf32, #tpu.memory_space<vmem>>, vector<16xf32>,
          %mul3A_1010 = arith.mulf %get3A_1009, %gather3A : vector<16xf32>
          %swap3A_1011 = arith.index_cast %add3A_964 : i32 to index
          %swap3A_1012 = arith.constant 96 : index
          %swap3A_1013 = tpu.vector_load %arg30[%swap3A_1011, %swap3A_1012] {strides = array<i32>} : memref<128x128xf32, #tpu.memory_space<vmem>>, vector<16xf32>,
          tpu.vector_store %arg30[%swap3A_1011, %swap3A_1012], %mul3A_1010 {strides = array<i32>} : memref<128x128xf32, #tpu.memory_space<vmem>>, vector<16xf32>,
          %get3A_1014 = arith.index_cast %add3A_964 : i32 to index
          %get3A_1015 = arith.constant 112 : index
          %get3A_1016 = tpu.vector_load %arg30[%get3A_1014, %get3A_1015] {strides = array<i32>} : memref<128x128xf32, #tpu.memory_space<vmem>>, vector<16xf32>,
          %mul3A_1017 = arith.mulf %get3A_1016, %gather3A : vector<16xf32>
          %swap3A_1018 = arith.index_cast %add3A_964 : i32 to index
          %swap3A_1019 = arith.constant 112 : index
          %swap3A_1020 = tpu.vector_load %arg30[%swap3A_1018, %swap3A_1019] {strides = array<i32>} : memref<128x128xf32, #tpu.memory_space<vmem>>, vector<16xf32>,
          tpu.vector_store %arg30[%swap3A_1018, %swap3A_1019], %mul3A_1017 {strides = array<i32>} : memref<128x128xf32, #tpu.memory_space<vmem>>, vector<16xf32>,
        }
        %scan3A_780 = arith.constant 128 : i32
        %dma_start3A_781 = arith.constant 0 : i32
        %dma_start3A_782 = arith.constant 0 : i32
        %dma_start3A_783 = tpu.memref_slice %arg34[%dma_start3A_781, %dma_start3A_782] : memref<10000x128xf32, #tpu.memory_space<vmem_shared>> -> memref<10000x128xf32, #tpu.memory_space<vmem_shared>>
        tpu.enqueue_indirect_dma source(%arg30 : memref<128x128xf32, #tpu.memory_space<vmem>>) target(%dma_start3A_783 : memref<10000x128xf32, #tpu.memory_space<vmem_shared>>) offsets(%arg23 : memref<128xi32, #tpu.memory_space<vmem>>) semaphore(%arg39 : memref<!tpu.dma_semaphore, #tpu.memory_space<semaphore_mem>>) {add = true}
        %sub3A_784 = arith.constant 1 : i32
        %sub3A_785 = arith.subi %select_n3A_32, %sub3A_784 : i32
        %lt3A_786 = arith.cmpi slt, %add3A_363, %sub3A_785 : i32
        %convert_element_type3A_787 = arith.extui %lt3A_786 : i1 to i32
        %cond3A_788 = arith.constant 0 : i32
        %cond3A_789 = arith.cmpi ne, %convert_element_type3A_787, %cond3A_788 : i32
        scf.if %cond3A_789 {
          %add3A_960 = arith.constant 2 : i32
          %add3A_961 = arith.addi %mul3A_365, %add3A_960 : i32
          %add3A_962 = arith.addi %select_n3A, %add3A_961 : i32
          %mul3A_963 = arith.constant 128 : i32
          %mul3A_964 = arith.muli %add3A_962, %mul3A_963 : i32
          %dma_wait3A_965 = arith.constant 0 : i32
          %dma_wait3A_966 = tpu.memref_slice %arg2[%dma_wait3A_965, %mul3A_964] : memref<2x320000xi32, #tpu.memory_space<hbm>> -> memref<1x128xi32, #tpu.memory_space<hbm>>
          %dma_wait3A_967 = tpu.memref_squeeze %dma_wait3A_966 : memref<1x128xi32, #tpu.memory_space<hbm>> -> memref<128xi32, #tpu.memory_space<hbm>>
          %dma_wait3A_968 = tpu.memref_slice %arg2[%dma_wait3A_965, %mul3A_964] : memref<2x320000xi32, #tpu.memory_space<hbm>> -> memref<1x128xi32, #tpu.memory_space<hbm>>
          %dma_wait3A_969 = tpu.memref_squeeze %dma_wait3A_968 : memref<1x128xi32, #tpu.memory_space<hbm>> -> memref<128xi32, #tpu.memory_space<hbm>>
          tpu.wait_dma2 semaphore(%arg35 : memref<!tpu.dma_semaphore, #tpu.memory_space<semaphore_mem>>) src(%dma_wait3A_969 : memref<128xi32, #tpu.memory_space<hbm>>) dst(%arg11 : memref<128xi32, #tpu.memory_space<vmem>>)
          %dma_wait3A_970 = arith.constant 1 : i32
          %dma_wait3A_971 = tpu.memref_slice %arg2[%dma_wait3A_970, %mul3A_964] : memref<2x320000xi32, #tpu.memory_space<hbm>> -> memref<1x128xi32, #tpu.memory_space<hbm>>
          %dma_wait3A_972 = tpu.memref_squeeze %dma_wait3A_971 : memref<1x128xi32, #tpu.memory_space<hbm>> -> memref<128xi32, #tpu.memory_space<hbm>>
          %dma_wait3A_973 = tpu.memref_slice %arg2[%dma_wait3A_970, %mul3A_964] : memref<2x320000xi32, #tpu.memory_space<hbm>> -> memref<1x128xi32, #tpu.memory_space<hbm>>
          %dma_wait3A_974 = tpu.memref_squeeze %dma_wait3A_973 : memref<1x128xi32, #tpu.memory_space<hbm>> -> memref<128xi32, #tpu.memory_space<hbm>>
          tpu.wait_dma2 semaphore(%arg35 : memref<!tpu.dma_semaphore, #tpu.memory_space<semaphore_mem>>) src(%dma_wait3A_974 : memref<128xi32, #tpu.memory_space<hbm>>) dst(%arg21 : memref<128xi32, #tpu.memory_space<vmem>>)
          %dma_wait3A_975 = tpu.memref_slice %arg3[%mul3A_964] : memref<320000xi32, #tpu.memory_space<hbm>> -> memref<128xi32, #tpu.memory_space<hbm>>
          %dma_wait3A_976 = tpu.memref_slice %arg3[%mul3A_964] : memref<320000xi32, #tpu.memory_space<hbm>> -> memref<128xi32, #tpu.memory_space<hbm>>
          tpu.wait_dma2 semaphore(%arg35 : memref<!tpu.dma_semaphore, #tpu.memory_space<semaphore_mem>>) src(%dma_wait3A_976 : memref<128xi32, #tpu.memory_space<hbm>>) dst(%arg13 : memref<128xi32, #tpu.memory_space<vmem>>)
          %get3A_977 = arith.constant 0 : index
          %get3A_978 = tpu.vector_load %arg13[%get3A_977] {strides = array<i32>} : memref<128xi32, #tpu.memory_space<vmem>>, vector<16xi32>,
          %get3A_979 = arith.constant 0 : index
          %get3A_980 = tpu.vector_load %arg21[%get3A_979] {strides = array<i32>} : memref<128xi32, #tpu.memory_space<vmem>>, vector<16xi32>,
          %mul3A_981 = arith.constant 16 : i32
          %mul3A_982 = vector.broadcast %mul3A_981 : i32 to vector<16xi32>
          %mul3A_983 = arith.muli %get3A_980, %mul3A_982 : vector<16xi32>
          %add3A_984 = arith.addi %mul3A_983, %get3A_978 : vector<16xi32>
          %swap3A_985 = arith.constant 0 : index
          %swap3A_986 = tpu.vector_load %arg15[%swap3A_985] {strides = array<i32>} : memref<128xi32, #tpu.memory_space<vmem>>, vector<16xi32>,
          tpu.vector_store %arg15[%swap3A_985], %add3A_984 {strides = array<i32>} : memref<128xi32, #tpu.memory_space<vmem>>, vector<16xi32>,
          %get3A_987 = arith.constant 0 : index
          %get3A_988 = tpu.vector_load %arg11[%get3A_987] {strides = array<i32>} : memref<128xi32, #tpu.memory_space<vmem>>, vector<16xi32>,
          %mul3A_989 = arith.constant 16 : i32
          %mul3A_990 = vector.broadcast %mul3A_989 : i32 to vector<16xi32>
          %mul3A_991 = arith.muli %get3A_988, %mul3A_990 : vector<16xi32>
          %add3A_992 = arith.constant 8 : i32
          %add3A_993 = vector.broadcast %add3A_992 : i32 to vector<16xi32>
          %add3A_994 = arith.addi %get3A_978, %add3A_993 : vector<16xi32>
          %add3A_995 = arith.addi %mul3A_991, %add3A_994 : vector<16xi32>
          %swap3A_996 = arith.constant 0 : index
          %swap3A_997 = tpu.vector_load %arg17[%swap3A_996] {strides = array<i32>} : memref<128xi32, #tpu.memory_space<vmem>>, vector<16xi32>,
          tpu.vector_store %arg17[%swap3A_996], %add3A_995 {strides = array<i32>} : memref<128xi32, #tpu.memory_space<vmem>>, vector<16xi32>,
          %mul3A_998 = arith.constant 10000 : i32
          %mul3A_999 = vector.broadcast %mul3A_998 : i32 to vector<16xi32>
          %mul3A_1000 = arith.muli %get3A_978, %mul3A_999 : vector<16xi32>
          %get3A_1001 = arith.constant 0 : index
          %get3A_1002 = tpu.vector_load %arg11[%get3A_1001] {strides = array<i32>} : memref<128xi32, #tpu.memory_space<vmem>>, vector<16xi32>,
          %add3A_1003 = arith.addi %mul3A_1000, %get3A_1002 : vector<16xi32>
          %swap3A_1004 = arith.constant 0 : index
          %swap3A_1005 = tpu.vector_load %arg19[%swap3A_1004] {strides = array<i32>} : memref<128xi32, #tpu.memory_space<vmem>>, vector<16xi32>,
          tpu.vector_store %arg19[%swap3A_1004], %add3A_1003 {strides = array<i32>} : memref<128xi32, #tpu.memory_space<vmem>>, vector<16xi32>,
          %get3A_1006 = arith.constant 16 : index
          %get3A_1007 = tpu.vector_load %arg13[%get3A_1006] {strides = array<i32>} : memref<128xi32, #tpu.memory_space<vmem>>, vector<16xi32>,
          %get3A_1008 = arith.constant 16 : index
          %get3A_1009 = tpu.vector_load %arg21[%get3A_1008] {strides = array<i32>} : memref<128xi32, #tpu.memory_space<vmem>>, vector<16xi32>,
          %mul3A_1010 = arith.constant 16 : i32
          %mul3A_1011 = vector.broadcast %mul3A_1010 : i32 to vector<16xi32>
          %mul3A_1012 = arith.muli %get3A_1009, %mul3A_1011 : vector<16xi32>
          %add3A_1013 = arith.addi %mul3A_1012, %get3A_1007 : vector<16xi32>
          %swap3A_1014 = arith.constant 16 : index
          %swap3A_1015 = tpu.vector_load %arg15[%swap3A_1014] {strides = array<i32>} : memref<128xi32, #tpu.memory_space<vmem>>, vector<16xi32>,
          tpu.vector_store %arg15[%swap3A_1014], %add3A_1013 {strides = array<i32>} : memref<128xi32, #tpu.memory_space<vmem>>, vector<16xi32>,
          %get3A_1016 = arith.constant 16 : index
          %get3A_1017 = tpu.vector_load %arg11[%get3A_1016] {strides = array<i32>} : memref<128xi32, #tpu.memory_space<vmem>>, vector<16xi32>,
          %mul3A_1018 = arith.constant 16 : i32
          %mul3A_1019 = vector.broadcast %mul3A_1018 : i32 to vector<16xi32>
          %mul3A_1020 = arith.muli %get3A_1017, %mul3A_1019 : vector<16xi32>
          %add3A_1021 = arith.constant 8 : i32
          %add3A_1022 = vector.broadcast %add3A_1021 : i32 to vector<16xi32>
          %add3A_1023 = arith.addi %get3A_1007, %add3A_1022 : vector<16xi32>
          %add3A_1024 = arith.addi %mul3A_1020, %add3A_1023 : vector<16xi32>
          %swap3A_1025 = arith.constant 16 : index
          %swap3A_1026 = tpu.vector_load %arg17[%swap3A_1025] {strides = array<i32>} : memref<128xi32, #tpu.memory_space<vmem>>, vector<16xi32>,
          tpu.vector_store %arg17[%swap3A_1025], %add3A_1024 {strides = array<i32>} : memref<128xi32, #tpu.memory_space<vmem>>, vector<16xi32>,
          %mul3A_1027 = arith.constant 10000 : i32
          %mul3A_1028 = vector.broadcast %mul3A_1027 : i32 to vector<16xi32>
          %mul3A_1029 = arith.muli %get3A_1007, %mul3A_1028 : vector<16xi32>
          %get3A_1030 = arith.constant 16 : index
          %get3A_1031 = tpu.vector_load %arg11[%get3A_1030] {strides = array<i32>} : memref<128xi32, #tpu.memory_space<vmem>>, vector<16xi32>,
          %add3A_1032 = arith.addi %mul3A_1029, %get3A_1031 : vector<16xi32>
          %swap3A_1033 = arith.constant 16 : index
          %swap3A_1034 = tpu.vector_load %arg19[%swap3A_1033] {strides = array<i32>} : memref<128xi32, #tpu.memory_space<vmem>>, vector<16xi32>,
          tpu.vector_store %arg19[%swap3A_1033], %add3A_1032 {strides = array<i32>} : memref<128xi32, #tpu.memory_space<vmem>>, vector<16xi32>,
          %get3A_1035 = arith.constant 32 : index
          %get3A_1036 = tpu.vector_load %arg13[%get3A_1035] {strides = array<i32>} : memref<128xi32, #tpu.memory_space<vmem>>, vector<16xi32>,
          %get3A_1037 = arith.constant 32 : index
          %get3A_1038 = tpu.vector_load %arg21[%get3A_1037] {strides = array<i32>} : memref<128xi32, #tpu.memory_space<vmem>>, vector<16xi32>,
          %mul3A_1039 = arith.constant 16 : i32
          %mul3A_1040 = vector.broadcast %mul3A_1039 : i32 to vector<16xi32>
          %mul3A_1041 = arith.muli %get3A_1038, %mul3A_1040 : vector<16xi32>
          %add3A_1042 = arith.addi %mul3A_1041, %get3A_1036 : vector<16xi32>
          %swap3A_1043 = arith.constant 32 : index
          %swap3A_1044 = tpu.vector_load %arg15[%swap3A_1043] {strides = array<i32>} : memref<128xi32, #tpu.memory_space<vmem>>, vector<16xi32>,
          tpu.vector_store %arg15[%swap3A_1043], %add3A_1042 {strides = array<i32>} : memref<128xi32, #tpu.memory_space<vmem>>, vector<16xi32>,
          %get3A_1045 = arith.constant 32 : index
          %get3A_1046 = tpu.vector_load %arg11[%get3A_1045] {strides = array<i32>} : memref<128xi32, #tpu.memory_space<vmem>>, vector<16xi32>,
          %mul3A_1047 = arith.constant 16 : i32
          %mul3A_1048 = vector.broadcast %mul3A_1047 : i32 to vector<16xi32>
          %mul3A_1049 = arith.muli %get3A_1046, %mul3A_1048 : vector<16xi32>
          %add3A_1050 = arith.constant 8 : i32
          %add3A_1051 = vector.broadcast %add3A_1050 : i32 to vector<16xi32>
          %add3A_1052 = arith.addi %get3A_1036, %add3A_1051 : vector<16xi32>
          %add3A_1053 = arith.addi %mul3A_1049, %add3A_1052 : vector<16xi32>
          %swap3A_1054 = arith.constant 32 : index
          %swap3A_1055 = tpu.vector_load %arg17[%swap3A_1054] {strides = array<i32>} : memref<128xi32, #tpu.memory_space<vmem>>, vector<16xi32>,
          tpu.vector_store %arg17[%swap3A_1054], %add3A_1053 {strides = array<i32>} : memref<128xi32, #tpu.memory_space<vmem>>, vector<16xi32>,
          %mul3A_1056 = arith.constant 10000 : i32
          %mul3A_1057 = vector.broadcast %mul3A_1056 : i32 to vector<16xi32>
          %mul3A_1058 = arith.muli %get3A_1036, %mul3A_1057 : vector<16xi32>
          %get3A_1059 = arith.constant 32 : index
          %get3A_1060 = tpu.vector_load %arg11[%get3A_1059] {strides = array<i32>} : memref<128xi32, #tpu.memory_space<vmem>>, vector<16xi32>,
          %add3A_1061 = arith.addi %mul3A_1058, %get3A_1060 : vector<16xi32>
          %swap3A_1062 = arith.constant 32 : index
          %swap3A_1063 = tpu.vector_load %arg19[%swap3A_1062] {strides = array<i32>} : memref<128xi32, #tpu.memory_space<vmem>>, vector<16xi32>,
          tpu.vector_store %arg19[%swap3A_1062], %add3A_1061 {strides = array<i32>} : memref<128xi32, #tpu.memory_space<vmem>>, vector<16xi32>,
          %get3A_1064 = arith.constant 48 : index
          %get3A_1065 = tpu.vector_load %arg13[%get3A_1064] {strides = array<i32>} : memref<128xi32, #tpu.memory_space<vmem>>, vector<16xi32>,
          %get3A_1066 = arith.constant 48 : index
          %get3A_1067 = tpu.vector_load %arg21[%get3A_1066] {strides = array<i32>} : memref<128xi32, #tpu.memory_space<vmem>>, vector<16xi32>,
          %mul3A_1068 = arith.constant 16 : i32
          %mul3A_1069 = vector.broadcast %mul3A_1068 : i32 to vector<16xi32>
          %mul3A_1070 = arith.muli %get3A_1067, %mul3A_1069 : vector<16xi32>
          %add3A_1071 = arith.addi %mul3A_1070, %get3A_1065 : vector<16xi32>
          %swap3A_1072 = arith.constant 48 : index
          %swap3A_1073 = tpu.vector_load %arg15[%swap3A_1072] {strides = array<i32>} : memref<128xi32, #tpu.memory_space<vmem>>, vector<16xi32>,
          tpu.vector_store %arg15[%swap3A_1072], %add3A_1071 {strides = array<i32>} : memref<128xi32, #tpu.memory_space<vmem>>, vector<16xi32>,
          %get3A_1074 = arith.constant 48 : index
          %get3A_1075 = tpu.vector_load %arg11[%get3A_1074] {strides = array<i32>} : memref<128xi32, #tpu.memory_space<vmem>>, vector<16xi32>,
          %mul3A_1076 = arith.constant 16 : i32
          %mul3A_1077 = vector.broadcast %mul3A_1076 : i32 to vector<16xi32>
          %mul3A_1078 = arith.muli %get3A_1075, %mul3A_1077 : vector<16xi32>
          %add3A_1079 = arith.constant 8 : i32
          %add3A_1080 = vector.broadcast %add3A_1079 : i32 to vector<16xi32>
          %add3A_1081 = arith.addi %get3A_1065, %add3A_1080 : vector<16xi32>
          %add3A_1082 = arith.addi %mul3A_1078, %add3A_1081 : vector<16xi32>
          %swap3A_1083 = arith.constant 48 : index
          %swap3A_1084 = tpu.vector_load %arg17[%swap3A_1083] {strides = array<i32>} : memref<128xi32, #tpu.memory_space<vmem>>, vector<16xi32>,
          tpu.vector_store %arg17[%swap3A_1083], %add3A_1082 {strides = array<i32>} : memref<128xi32, #tpu.memory_space<vmem>>, vector<16xi32>,
          %mul3A_1085 = arith.constant 10000 : i32
          %mul3A_1086 = vector.broadcast %mul3A_1085 : i32 to vector<16xi32>
          %mul3A_1087 = arith.muli %get3A_1065, %mul3A_1086 : vector<16xi32>
          %get3A_1088 = arith.constant 48 : index
          %get3A_1089 = tpu.vector_load %arg11[%get3A_1088] {strides = array<i32>} : memref<128xi32, #tpu.memory_space<vmem>>, vector<16xi32>,
          %add3A_1090 = arith.addi %mul3A_1087, %get3A_1089 : vector<16xi32>
          %swap3A_1091 = arith.constant 48 : index
          %swap3A_1092 = tpu.vector_load %arg19[%swap3A_1091] {strides = array<i32>} : memref<128xi32, #tpu.memory_space<vmem>>, vector<16xi32>,
          tpu.vector_store %arg19[%swap3A_1091], %add3A_1090 {strides = array<i32>} : memref<128xi32, #tpu.memory_space<vmem>>, vector<16xi32>,
          %get3A_1093 = arith.constant 64 : index
          %get3A_1094 = tpu.vector_load %arg13[%get3A_1093] {strides = array<i32>} : memref<128xi32, #tpu.memory_space<vmem>>, vector<16xi32>,
          %get3A_1095 = arith.constant 64 : index
          %get3A_1096 = tpu.vector_load %arg21[%get3A_1095] {strides = array<i32>} : memref<128xi32, #tpu.memory_space<vmem>>, vector<16xi32>,
          %mul3A_1097 = arith.constant 16 : i32
          %mul3A_1098 = vector.broadcast %mul3A_1097 : i32 to vector<16xi32>
          %mul3A_1099 = arith.muli %get3A_1096, %mul3A_1098 : vector<16xi32>
          %add3A_1100 = arith.addi %mul3A_1099, %get3A_1094 : vector<16xi32>
          %swap3A_1101 = arith.constant 64 : index
          %swap3A_1102 = tpu.vector_load %arg15[%swap3A_1101] {strides = array<i32>} : memref<128xi32, #tpu.memory_space<vmem>>, vector<16xi32>,
          tpu.vector_store %arg15[%swap3A_1101], %add3A_1100 {strides = array<i32>} : memref<128xi32, #tpu.memory_space<vmem>>, vector<16xi32>,
          %get3A_1103 = arith.constant 64 : index
          %get3A_1104 = tpu.vector_load %arg11[%get3A_1103] {strides = array<i32>} : memref<128xi32, #tpu.memory_space<vmem>>, vector<16xi32>,
          %mul3A_1105 = arith.constant 16 : i32
          %mul3A_1106 = vector.broadcast %mul3A_1105 : i32 to vector<16xi32>
          %mul3A_1107 = arith.muli %get3A_1104, %mul3A_1106 : vector<16xi32>
          %add3A_1108 = arith.constant 8 : i32
          %add3A_1109 = vector.broadcast %add3A_1108 : i32 to vector<16xi32>
          %add3A_1110 = arith.addi %get3A_1094, %add3A_1109 : vector<16xi32>
          %add3A_1111 = arith.addi %mul3A_1107, %add3A_1110 : vector<16xi32>
          %swap3A_1112 = arith.constant 64 : index
          %swap3A_1113 = tpu.vector_load %arg17[%swap3A_1112] {strides = array<i32>} : memref<128xi32, #tpu.memory_space<vmem>>, vector<16xi32>,
          tpu.vector_store %arg17[%swap3A_1112], %add3A_1111 {strides = array<i32>} : memref<128xi32, #tpu.memory_space<vmem>>, vector<16xi32>,
          %mul3A_1114 = arith.constant 10000 : i32
          %mul3A_1115 = vector.broadcast %mul3A_1114 : i32 to vector<16xi32>
          %mul3A_1116 = arith.muli %get3A_1094, %mul3A_1115 : vector<16xi32>
          %get3A_1117 = arith.constant 64 : index
          %get3A_1118 = tpu.vector_load %arg11[%get3A_1117] {strides = array<i32>} : memref<128xi32, #tpu.memory_space<vmem>>, vector<16xi32>,
          %add3A_1119 = arith.addi %mul3A_1116, %get3A_1118 : vector<16xi32>
          %swap3A_1120 = arith.constant 64 : index
          %swap3A_1121 = tpu.vector_load %arg19[%swap3A_1120] {strides = array<i32>} : memref<128xi32, #tpu.memory_space<vmem>>, vector<16xi32>,
          tpu.vector_store %arg19[%swap3A_1120], %add3A_1119 {strides = array<i32>} : memref<128xi32, #tpu.memory_space<vmem>>, vector<16xi32>,
          %get3A_1122 = arith.constant 80 : index
          %get3A_1123 = tpu.vector_load %arg13[%get3A_1122] {strides = array<i32>} : memref<128xi32, #tpu.memory_space<vmem>>, vector<16xi32>,
          %get3A_1124 = arith.constant 80 : index
          %get3A_1125 = tpu.vector_load %arg21[%get3A_1124] {strides = array<i32>} : memref<128xi32, #tpu.memory_space<vmem>>, vector<16xi32>,
          %mul3A_1126 = arith.constant 16 : i32
          %mul3A_1127 = vector.broadcast %mul3A_1126 : i32 to vector<16xi32>
          %mul3A_1128 = arith.muli %get3A_1125, %mul3A_1127 : vector<16xi32>
          %add3A_1129 = arith.addi %mul3A_1128, %get3A_1123 : vector<16xi32>
          %swap3A_1130 = arith.constant 80 : index
          %swap3A_1131 = tpu.vector_load %arg15[%swap3A_1130] {strides = array<i32>} : memref<128xi32, #tpu.memory_space<vmem>>, vector<16xi32>,
          tpu.vector_store %arg15[%swap3A_1130], %add3A_1129 {strides = array<i32>} : memref<128xi32, #tpu.memory_space<vmem>>, vector<16xi32>,
          %get3A_1132 = arith.constant 80 : index
          %get3A_1133 = tpu.vector_load %arg11[%get3A_1132] {strides = array<i32>} : memref<128xi32, #tpu.memory_space<vmem>>, vector<16xi32>,
          %mul3A_1134 = arith.constant 16 : i32
          %mul3A_1135 = vector.broadcast %mul3A_1134 : i32 to vector<16xi32>
          %mul3A_1136 = arith.muli %get3A_1133, %mul3A_1135 : vector<16xi32>
          %add3A_1137 = arith.constant 8 : i32
          %add3A_1138 = vector.broadcast %add3A_1137 : i32 to vector<16xi32>
          %add3A_1139 = arith.addi %get3A_1123, %add3A_1138 : vector<16xi32>
          %add3A_1140 = arith.addi %mul3A_1136, %add3A_1139 : vector<16xi32>
          %swap3A_1141 = arith.constant 80 : index
          %swap3A_1142 = tpu.vector_load %arg17[%swap3A_1141] {strides = array<i32>} : memref<128xi32, #tpu.memory_space<vmem>>, vector<16xi32>,
          tpu.vector_store %arg17[%swap3A_1141], %add3A_1140 {strides = array<i32>} : memref<128xi32, #tpu.memory_space<vmem>>, vector<16xi32>,
          %mul3A_1143 = arith.constant 10000 : i32
          %mul3A_1144 = vector.broadcast %mul3A_1143 : i32 to vector<16xi32>
          %mul3A_1145 = arith.muli %get3A_1123, %mul3A_1144 : vector<16xi32>
          %get3A_1146 = arith.constant 80 : index
          %get3A_1147 = tpu.vector_load %arg11[%get3A_1146] {strides = array<i32>} : memref<128xi32, #tpu.memory_space<vmem>>, vector<16xi32>,
          %add3A_1148 = arith.addi %mul3A_1145, %get3A_1147 : vector<16xi32>
          %swap3A_1149 = arith.constant 80 : index
          %swap3A_1150 = tpu.vector_load %arg19[%swap3A_1149] {strides = array<i32>} : memref<128xi32, #tpu.memory_space<vmem>>, vector<16xi32>,
          tpu.vector_store %arg19[%swap3A_1149], %add3A_1148 {strides = array<i32>} : memref<128xi32, #tpu.memory_space<vmem>>, vector<16xi32>,
          %get3A_1151 = arith.constant 96 : index
          %get3A_1152 = tpu.vector_load %arg13[%get3A_1151] {strides = array<i32>} : memref<128xi32, #tpu.memory_space<vmem>>, vector<16xi32>,
          %get3A_1153 = arith.constant 96 : index
          %get3A_1154 = tpu.vector_load %arg21[%get3A_1153] {strides = array<i32>} : memref<128xi32, #tpu.memory_space<vmem>>, vector<16xi32>,
          %mul3A_1155 = arith.constant 16 : i32
          %mul3A_1156 = vector.broadcast %mul3A_1155 : i32 to vector<16xi32>
          %mul3A_1157 = arith.muli %get3A_1154, %mul3A_1156 : vector<16xi32>
          %add3A_1158 = arith.addi %mul3A_1157, %get3A_1152 : vector<16xi32>
          %swap3A_1159 = arith.constant 96 : index
          %swap3A_1160 = tpu.vector_load %arg15[%swap3A_1159] {strides = array<i32>} : memref<128xi32, #tpu.memory_space<vmem>>, vector<16xi32>,
          tpu.vector_store %arg15[%swap3A_1159], %add3A_1158 {strides = array<i32>} : memref<128xi32, #tpu.memory_space<vmem>>, vector<16xi32>,
          %get3A_1161 = arith.constant 96 : index
          %get3A_1162 = tpu.vector_load %arg11[%get3A_1161] {strides = array<i32>} : memref<128xi32, #tpu.memory_space<vmem>>, vector<16xi32>,
          %mul3A_1163 = arith.constant 16 : i32
          %mul3A_1164 = vector.broadcast %mul3A_1163 : i32 to vector<16xi32>
          %mul3A_1165 = arith.muli %get3A_1162, %mul3A_1164 : vector<16xi32>
          %add3A_1166 = arith.constant 8 : i32
          %add3A_1167 = vector.broadcast %add3A_1166 : i32 to vector<16xi32>
          %add3A_1168 = arith.addi %get3A_1152, %add3A_1167 : vector<16xi32>
          %add3A_1169 = arith.addi %mul3A_1165, %add3A_1168 : vector<16xi32>
          %swap3A_1170 = arith.constant 96 : index
          %swap3A_1171 = tpu.vector_load %arg17[%swap3A_1170] {strides = array<i32>} : memref<128xi32, #tpu.memory_space<vmem>>, vector<16xi32>,
          tpu.vector_store %arg17[%swap3A_1170], %add3A_1169 {strides = array<i32>} : memref<128xi32, #tpu.memory_space<vmem>>, vector<16xi32>,
          %mul3A_1172 = arith.constant 10000 : i32
          %mul3A_1173 = vector.broadcast %mul3A_1172 : i32 to vector<16xi32>
          %mul3A_1174 = arith.muli %get3A_1152, %mul3A_1173 : vector<16xi32>
          %get3A_1175 = arith.constant 96 : index
          %get3A_1176 = tpu.vector_load %arg11[%get3A_1175] {strides = array<i32>} : memref<128xi32, #tpu.memory_space<vmem>>, vector<16xi32>,
          %add3A_1177 = arith.addi %mul3A_1174, %get3A_1176 : vector<16xi32>
          %swap3A_1178 = arith.constant 96 : index
          %swap3A_1179 = tpu.vector_load %arg19[%swap3A_1178] {strides = array<i32>} : memref<128xi32, #tpu.memory_space<vmem>>, vector<16xi32>,
          tpu.vector_store %arg19[%swap3A_1178], %add3A_1177 {strides = array<i32>} : memref<128xi32, #tpu.memory_space<vmem>>, vector<16xi32>,
          %get3A_1180 = arith.constant 112 : index
          %get3A_1181 = tpu.vector_load %arg13[%get3A_1180] {strides = array<i32>} : memref<128xi32, #tpu.memory_space<vmem>>, vector<16xi32>,
          %get3A_1182 = arith.constant 112 : index
          %get3A_1183 = tpu.vector_load %arg21[%get3A_1182] {strides = array<i32>} : memref<128xi32, #tpu.memory_space<vmem>>, vector<16xi32>,
          %mul3A_1184 = arith.constant 16 : i32
          %mul3A_1185 = vector.broadcast %mul3A_1184 : i32 to vector<16xi32>
          %mul3A_1186 = arith.muli %get3A_1183, %mul3A_1185 : vector<16xi32>
          %add3A_1187 = arith.addi %mul3A_1186, %get3A_1181 : vector<16xi32>
          %swap3A_1188 = arith.constant 112 : index
          %swap3A_1189 = tpu.vector_load %arg15[%swap3A_1188] {strides = array<i32>} : memref<128xi32, #tpu.memory_space<vmem>>, vector<16xi32>,
          tpu.vector_store %arg15[%swap3A_1188], %add3A_1187 {strides = array<i32>} : memref<128xi32, #tpu.memory_space<vmem>>, vector<16xi32>,
          %get3A_1190 = arith.constant 112 : index
          %get3A_1191 = tpu.vector_load %arg11[%get3A_1190] {strides = array<i32>} : memref<128xi32, #tpu.memory_space<vmem>>, vector<16xi32>,
          %mul3A_1192 = arith.constant 16 : i32
          %mul3A_1193 = vector.broadcast %mul3A_1192 : i32 to vector<16xi32>
          %mul3A_1194 = arith.muli %get3A_1191, %mul3A_1193 : vector<16xi32>
          %add3A_1195 = arith.constant 8 : i32
          %add3A_1196 = vector.broadcast %add3A_1195 : i32 to vector<16xi32>
          %add3A_1197 = arith.addi %get3A_1181, %add3A_1196 : vector<16xi32>
          %add3A_1198 = arith.addi %mul3A_1194, %add3A_1197 : vector<16xi32>
          %swap3A_1199 = arith.constant 112 : index
          %swap3A_1200 = tpu.vector_load %arg17[%swap3A_1199] {strides = array<i32>} : memref<128xi32, #tpu.memory_space<vmem>>, vector<16xi32>,
          tpu.vector_store %arg17[%swap3A_1199], %add3A_1198 {strides = array<i32>} : memref<128xi32, #tpu.memory_space<vmem>>, vector<16xi32>,
          %mul3A_1201 = arith.constant 10000 : i32
          %mul3A_1202 = vector.broadcast %mul3A_1201 : i32 to vector<16xi32>
          %mul3A_1203 = arith.muli %get3A_1181, %mul3A_1202 : vector<16xi32>
          %get3A_1204 = arith.constant 112 : index
          %get3A_1205 = tpu.vector_load %arg11[%get3A_1204] {strides = array<i32>} : memref<128xi32, #tpu.memory_space<vmem>>, vector<16xi32>,
          %add3A_1206 = arith.addi %mul3A_1203, %get3A_1205 : vector<16xi32>
          %swap3A_1207 = arith.constant 112 : index
          %swap3A_1208 = tpu.vector_load %arg19[%swap3A_1207] {strides = array<i32>} : memref<128xi32, #tpu.memory_space<vmem>>, vector<16xi32>,
          tpu.vector_store %arg19[%swap3A_1207], %add3A_1206 {strides = array<i32>} : memref<128xi32, #tpu.memory_space<vmem>>, vector<16xi32>,
        } else {
        }
        %dma_wait3A_790 = arith.constant 0 : i32
        %dma_wait3A_791 = arith.constant 0 : i32
        %dma_wait3A_792 = tpu.memref_slice %arg34[%dma_wait3A_790, %dma_wait3A_791] : memref<10000x128xf32, #tpu.memory_space<vmem_shared>> -> memref<10000x128xf32, #tpu.memory_space<vmem_shared>>
        tpu.wait_indirect_dma semaphore(%arg39 : memref<!tpu.dma_semaphore, #tpu.memory_space<semaphore_mem>>) src(%arg30 : memref<128x128xf32, #tpu.memory_space<vmem>>) dst(%dma_wait3A_792 : memref<10000x128xf32, #tpu.memory_space<vmem_shared>>)
        %sub3A_793 = arith.constant 1 : i32
        %sub3A_794 = arith.subi %select_n3A_32, %sub3A_793 : i32
        %lt3A_795 = arith.cmpi slt, %add3A_363, %sub3A_794 : i32
        %convert_element_type3A_796 = arith.extui %lt3A_795 : i1 to i32
        %cond3A_797 = arith.constant 0 : i32
        %cond3A_798 = arith.cmpi ne, %convert_element_type3A_796, %cond3A_797 : i32
        scf.if %cond3A_798 {
          %dma_start3A_960 = arith.constant 0 : i32
          %dma_start3A_961 = tpu.memref_slice %arg5[%dma_start3A_960] : memref<160000xf32, #tpu.memory_space<hbm>> -> memref<160000xf32, #tpu.memory_space<hbm>>
          tpu.enqueue_indirect_dma source(%dma_start3A_961 : memref<160000xf32, #tpu.memory_space<hbm>>) target(%arg25 : memref<128xf32, #tpu.memory_space<vmem>>) offsets(%arg15 : memref<128xi32, #tpu.memory_space<vmem>>) semaphore(%arg37 : memref<!tpu.dma_semaphore, #tpu.memory_space<semaphore_mem>>)
          %dma_start3A_962 = arith.constant 0 : i32
          %dma_start3A_963 = tpu.memref_slice %arg5[%dma_start3A_962] : memref<160000xf32, #tpu.memory_space<hbm>> -> memref<160000xf32, #tpu.memory_space<hbm>>
          tpu.enqueue_indirect_dma source(%dma_start3A_963 : memref<160000xf32, #tpu.memory_space<hbm>>) target(%arg27 : memref<128xf32, #tpu.memory_space<vmem>>) offsets(%arg17 : memref<128xi32, #tpu.memory_space<vmem>>) semaphore(%arg37 : memref<!tpu.dma_semaphore, #tpu.memory_space<semaphore_mem>>)
          %dma_start3A_964 = arith.constant 0 : i32
          %dma_start3A_965 = arith.constant 0 : i32
          %dma_start3A_966 = tpu.memref_slice %arg4[%dma_start3A_964, %dma_start3A_965] : memref<80000x128xf32, #tpu.memory_space<hbm>> -> memref<80000x128xf32, #tpu.memory_space<hbm>>
          tpu.enqueue_indirect_dma source(%dma_start3A_966 : memref<80000x128xf32, #tpu.memory_space<hbm>>) target(%arg30 : memref<128x128xf32, #tpu.memory_space<vmem>>) offsets(%arg19 : memref<128xi32, #tpu.memory_space<vmem>>) semaphore(%arg37 : memref<!tpu.dma_semaphore, #tpu.memory_space<semaphore_mem>>)
        } else {
        }
        %add3A_799 = arith.constant 1 : i32
        %add3A_800 = arith.addi %mul3A_365, %add3A_799 : i32
        %dma_wait3A_801 = arith.constant 0 : i32
        %dma_wait3A_802 = tpu.memref_slice %arg5[%dma_wait3A_801] : memref<160000xf32, #tpu.memory_space<hbm>> -> memref<160000xf32, #tpu.memory_space<hbm>>
        tpu.wait_indirect_dma semaphore(%arg38 : memref<!tpu.dma_semaphore, #tpu.memory_space<semaphore_mem>>) src(%dma_wait3A_802 : memref<160000xf32, #tpu.memory_space<hbm>>) dst(%arg26 : memref<128xf32, #tpu.memory_space<vmem>>)
        %dma_wait3A_803 = arith.constant 0 : i32
        %dma_wait3A_804 = tpu.memref_slice %arg5[%dma_wait3A_803] : memref<160000xf32, #tpu.memory_space<hbm>> -> memref<160000xf32, #tpu.memory_space<hbm>>
        tpu.wait_indirect_dma semaphore(%arg38 : memref<!tpu.dma_semaphore, #tpu.memory_space<semaphore_mem>>) src(%dma_wait3A_804 : memref<160000xf32, #tpu.memory_space<hbm>>) dst(%arg28 : memref<128xf32, #tpu.memory_space<vmem>>)
        %dma_wait3A_805 = arith.constant 0 : i32
        %dma_wait3A_806 = arith.constant 0 : i32
        %dma_wait3A_807 = tpu.memref_slice %arg4[%dma_wait3A_805, %dma_wait3A_806] : memref<80000x128xf32, #tpu.memory_space<hbm>> -> memref<80000x128xf32, #tpu.memory_space<hbm>>
        tpu.wait_indirect_dma semaphore(%arg38 : memref<!tpu.dma_semaphore, #tpu.memory_space<semaphore_mem>>) src(%dma_wait3A_807 : memref<80000x128xf32, #tpu.memory_space<hbm>>) dst(%arg31 : memref<128x128xf32, #tpu.memory_space<vmem>>)
        %get3A_808 = arith.constant 0 : index
        %get3A_809 = tpu.vector_load %arg33[%get3A_808] {strides = array<i32>} : memref<16xf32, #tpu.memory_space<vmem>>, vector<16xf32>,
        %get3A_810 = arith.constant 0 : index
        %get3A_811 = tpu.vector_load %arg26[%get3A_810] {strides = array<i32>} : memref<128xf32, #tpu.memory_space<vmem>>, vector<16xf32>,
        %get3A_812 = arith.constant 0 : index
        %get3A_813 = tpu.vector_load %arg28[%get3A_812] {strides = array<i32>} : memref<128xf32, #tpu.memory_space<vmem>>, vector<16xf32>,
        %add3A_814 = arith.addf %get3A_811, %get3A_813 : vector<16xf32>
        %mul3A_815 = arith.constant 2.000000e-01 : f32
        %mul3A_816 = vector.broadcast %mul3A_815 : f32 to vector<16xf32>
        %mul3A_817 = arith.mulf %mul3A_816, %add3A_814 : vector<16xf32>
        %max3A_818 = arith.maximumf %add3A_814, %mul3A_817 : vector<16xf32>
        %sub3A_819 = arith.subf %max3A_818, %get3A_809 : vector<16xf32>
        %exp3A_820 = math.exp %sub3A_819 : vector<16xf32>
        %swap3A_821 = arith.constant 0 : index
        %swap3A_822 = tpu.vector_load %arg29[%swap3A_821] {strides = array<i32>} : memref<128xf32, #tpu.memory_space<vmem>>, vector<16xf32>,
        tpu.vector_store %arg29[%swap3A_821], %exp3A_820 {strides = array<i32>} : memref<128xf32, #tpu.memory_space<vmem>>, vector<16xf32>,
        %get3A_823 = arith.constant 0 : index
        %get3A_824 = tpu.vector_load %arg22[%get3A_823] {strides = array<i32>} : memref<128xi32, #tpu.memory_space<vmem>>, vector<16xi32>,
        tpu.vector_store_idx %arg32[%get3A_824], %exp3A_820 {add = true} : memref<10000xf32, #tpu.memory_space<vmem>>[vector<16xi32>], vector<16xf32>,
        %swap3A_825 = arith.constant 0 : index
        %swap3A_826 = tpu.vector_load %arg24[%swap3A_825] {strides = array<i32>} : memref<128xi32, #tpu.memory_space<vmem>>, vector<16xi32>,
        tpu.vector_store %arg24[%swap3A_825], %get3A_824 {strides = array<i32>} : memref<128xi32, #tpu.memory_space<vmem>>, vector<16xi32>,
        %get3A_827 = arith.constant 16 : index
        %get3A_828 = tpu.vector_load %arg26[%get3A_827] {strides = array<i32>} : memref<128xf32, #tpu.memory_space<vmem>>, vector<16xf32>,
        %get3A_829 = arith.constant 16 : index
        %get3A_830 = tpu.vector_load %arg28[%get3A_829] {strides = array<i32>} : memref<128xf32, #tpu.memory_space<vmem>>, vector<16xf32>,
        %add3A_831 = arith.addf %get3A_828, %get3A_830 : vector<16xf32>
        %mul3A_832 = arith.constant 2.000000e-01 : f32
        %mul3A_833 = vector.broadcast %mul3A_832 : f32 to vector<16xf32>
        %mul3A_834 = arith.mulf %mul3A_833, %add3A_831 : vector<16xf32>
        %max3A_835 = arith.maximumf %add3A_831, %mul3A_834 : vector<16xf32>
        %sub3A_836 = arith.subf %max3A_835, %get3A_809 : vector<16xf32>
        %exp3A_837 = math.exp %sub3A_836 : vector<16xf32>
        %swap3A_838 = arith.constant 16 : index
        %swap3A_839 = tpu.vector_load %arg29[%swap3A_838] {strides = array<i32>} : memref<128xf32, #tpu.memory_space<vmem>>, vector<16xf32>,
        tpu.vector_store %arg29[%swap3A_838], %exp3A_837 {strides = array<i32>} : memref<128xf32, #tpu.memory_space<vmem>>, vector<16xf32>,
        %get3A_840 = arith.constant 16 : index
        %get3A_841 = tpu.vector_load %arg22[%get3A_840] {strides = array<i32>} : memref<128xi32, #tpu.memory_space<vmem>>, vector<16xi32>,
        tpu.vector_store_idx %arg32[%get3A_841], %exp3A_837 {add = true} : memref<10000xf32, #tpu.memory_space<vmem>>[vector<16xi32>], vector<16xf32>,
        %swap3A_842 = arith.constant 16 : index
        %swap3A_843 = tpu.vector_load %arg24[%swap3A_842] {strides = array<i32>} : memref<128xi32, #tpu.memory_space<vmem>>, vector<16xi32>,
        tpu.vector_store %arg24[%swap3A_842], %get3A_841 {strides = array<i32>} : memref<128xi32, #tpu.memory_space<vmem>>, vector<16xi32>,
        %get3A_844 = arith.constant 32 : index
        %get3A_845 = tpu.vector_load %arg26[%get3A_844] {strides = array<i32>} : memref<128xf32, #tpu.memory_space<vmem>>, vector<16xf32>,
        %get3A_846 = arith.constant 32 : index
        %get3A_847 = tpu.vector_load %arg28[%get3A_846] {strides = array<i32>} : memref<128xf32, #tpu.memory_space<vmem>>, vector<16xf32>,
        %add3A_848 = arith.addf %get3A_845, %get3A_847 : vector<16xf32>
        %mul3A_849 = arith.constant 2.000000e-01 : f32
        %mul3A_850 = vector.broadcast %mul3A_849 : f32 to vector<16xf32>
        %mul3A_851 = arith.mulf %mul3A_850, %add3A_848 : vector<16xf32>
        %max3A_852 = arith.maximumf %add3A_848, %mul3A_851 : vector<16xf32>
        %sub3A_853 = arith.subf %max3A_852, %get3A_809 : vector<16xf32>
        %exp3A_854 = math.exp %sub3A_853 : vector<16xf32>
        %swap3A_855 = arith.constant 32 : index
        %swap3A_856 = tpu.vector_load %arg29[%swap3A_855] {strides = array<i32>} : memref<128xf32, #tpu.memory_space<vmem>>, vector<16xf32>,
        tpu.vector_store %arg29[%swap3A_855], %exp3A_854 {strides = array<i32>} : memref<128xf32, #tpu.memory_space<vmem>>, vector<16xf32>,
        %get3A_857 = arith.constant 32 : index
        %get3A_858 = tpu.vector_load %arg22[%get3A_857] {strides = array<i32>} : memref<128xi32, #tpu.memory_space<vmem>>, vector<16xi32>,
        tpu.vector_store_idx %arg32[%get3A_858], %exp3A_854 {add = true} : memref<10000xf32, #tpu.memory_space<vmem>>[vector<16xi32>], vector<16xf32>,
        %swap3A_859 = arith.constant 32 : index
        %swap3A_860 = tpu.vector_load %arg24[%swap3A_859] {strides = array<i32>} : memref<128xi32, #tpu.memory_space<vmem>>, vector<16xi32>,
        tpu.vector_store %arg24[%swap3A_859], %get3A_858 {strides = array<i32>} : memref<128xi32, #tpu.memory_space<vmem>>, vector<16xi32>,
        %get3A_861 = arith.constant 48 : index
        %get3A_862 = tpu.vector_load %arg26[%get3A_861] {strides = array<i32>} : memref<128xf32, #tpu.memory_space<vmem>>, vector<16xf32>,
        %get3A_863 = arith.constant 48 : index
        %get3A_864 = tpu.vector_load %arg28[%get3A_863] {strides = array<i32>} : memref<128xf32, #tpu.memory_space<vmem>>, vector<16xf32>,
        %add3A_865 = arith.addf %get3A_862, %get3A_864 : vector<16xf32>
        %mul3A_866 = arith.constant 2.000000e-01 : f32
        %mul3A_867 = vector.broadcast %mul3A_866 : f32 to vector<16xf32>
        %mul3A_868 = arith.mulf %mul3A_867, %add3A_865 : vector<16xf32>
        %max3A_869 = arith.maximumf %add3A_865, %mul3A_868 : vector<16xf32>
        %sub3A_870 = arith.subf %max3A_869, %get3A_809 : vector<16xf32>
        %exp3A_871 = math.exp %sub3A_870 : vector<16xf32>
        %swap3A_872 = arith.constant 48 : index
        %swap3A_873 = tpu.vector_load %arg29[%swap3A_872] {strides = array<i32>} : memref<128xf32, #tpu.memory_space<vmem>>, vector<16xf32>,
        tpu.vector_store %arg29[%swap3A_872], %exp3A_871 {strides = array<i32>} : memref<128xf32, #tpu.memory_space<vmem>>, vector<16xf32>,
        %get3A_874 = arith.constant 48 : index
        %get3A_875 = tpu.vector_load %arg22[%get3A_874] {strides = array<i32>} : memref<128xi32, #tpu.memory_space<vmem>>, vector<16xi32>,
        tpu.vector_store_idx %arg32[%get3A_875], %exp3A_871 {add = true} : memref<10000xf32, #tpu.memory_space<vmem>>[vector<16xi32>], vector<16xf32>,
        %swap3A_876 = arith.constant 48 : index
        %swap3A_877 = tpu.vector_load %arg24[%swap3A_876] {strides = array<i32>} : memref<128xi32, #tpu.memory_space<vmem>>, vector<16xi32>,
        tpu.vector_store %arg24[%swap3A_876], %get3A_875 {strides = array<i32>} : memref<128xi32, #tpu.memory_space<vmem>>, vector<16xi32>,
        %get3A_878 = arith.constant 64 : index
        %get3A_879 = tpu.vector_load %arg26[%get3A_878] {strides = array<i32>} : memref<128xf32, #tpu.memory_space<vmem>>, vector<16xf32>,
        %get3A_880 = arith.constant 64 : index
        %get3A_881 = tpu.vector_load %arg28[%get3A_880] {strides = array<i32>} : memref<128xf32, #tpu.memory_space<vmem>>, vector<16xf32>,
        %add3A_882 = arith.addf %get3A_879, %get3A_881 : vector<16xf32>
        %mul3A_883 = arith.constant 2.000000e-01 : f32
        %mul3A_884 = vector.broadcast %mul3A_883 : f32 to vector<16xf32>
        %mul3A_885 = arith.mulf %mul3A_884, %add3A_882 : vector<16xf32>
        %max3A_886 = arith.maximumf %add3A_882, %mul3A_885 : vector<16xf32>
        %sub3A_887 = arith.subf %max3A_886, %get3A_809 : vector<16xf32>
        %exp3A_888 = math.exp %sub3A_887 : vector<16xf32>
        %swap3A_889 = arith.constant 64 : index
        %swap3A_890 = tpu.vector_load %arg29[%swap3A_889] {strides = array<i32>} : memref<128xf32, #tpu.memory_space<vmem>>, vector<16xf32>,
        tpu.vector_store %arg29[%swap3A_889], %exp3A_888 {strides = array<i32>} : memref<128xf32, #tpu.memory_space<vmem>>, vector<16xf32>,
        %get3A_891 = arith.constant 64 : index
        %get3A_892 = tpu.vector_load %arg22[%get3A_891] {strides = array<i32>} : memref<128xi32, #tpu.memory_space<vmem>>, vector<16xi32>,
        tpu.vector_store_idx %arg32[%get3A_892], %exp3A_888 {add = true} : memref<10000xf32, #tpu.memory_space<vmem>>[vector<16xi32>], vector<16xf32>,
        %swap3A_893 = arith.constant 64 : index
        %swap3A_894 = tpu.vector_load %arg24[%swap3A_893] {strides = array<i32>} : memref<128xi32, #tpu.memory_space<vmem>>, vector<16xi32>,
        tpu.vector_store %arg24[%swap3A_893], %get3A_892 {strides = array<i32>} : memref<128xi32, #tpu.memory_space<vmem>>, vector<16xi32>,
        %get3A_895 = arith.constant 80 : index
        %get3A_896 = tpu.vector_load %arg26[%get3A_895] {strides = array<i32>} : memref<128xf32, #tpu.memory_space<vmem>>, vector<16xf32>,
        %get3A_897 = arith.constant 80 : index
        %get3A_898 = tpu.vector_load %arg28[%get3A_897] {strides = array<i32>} : memref<128xf32, #tpu.memory_space<vmem>>, vector<16xf32>,
        %add3A_899 = arith.addf %get3A_896, %get3A_898 : vector<16xf32>
        %mul3A_900 = arith.constant 2.000000e-01 : f32
        %mul3A_901 = vector.broadcast %mul3A_900 : f32 to vector<16xf32>
        %mul3A_902 = arith.mulf %mul3A_901, %add3A_899 : vector<16xf32>
        %max3A_903 = arith.maximumf %add3A_899, %mul3A_902 : vector<16xf32>
        %sub3A_904 = arith.subf %max3A_903, %get3A_809 : vector<16xf32>
        %exp3A_905 = math.exp %sub3A_904 : vector<16xf32>
        %swap3A_906 = arith.constant 80 : index
        %swap3A_907 = tpu.vector_load %arg29[%swap3A_906] {strides = array<i32>} : memref<128xf32, #tpu.memory_space<vmem>>, vector<16xf32>,
        tpu.vector_store %arg29[%swap3A_906], %exp3A_905 {strides = array<i32>} : memref<128xf32, #tpu.memory_space<vmem>>, vector<16xf32>,
        %get3A_908 = arith.constant 80 : index
        %get3A_909 = tpu.vector_load %arg22[%get3A_908] {strides = array<i32>} : memref<128xi32, #tpu.memory_space<vmem>>, vector<16xi32>,
        tpu.vector_store_idx %arg32[%get3A_909], %exp3A_905 {add = true} : memref<10000xf32, #tpu.memory_space<vmem>>[vector<16xi32>], vector<16xf32>,
        %swap3A_910 = arith.constant 80 : index
        %swap3A_911 = tpu.vector_load %arg24[%swap3A_910] {strides = array<i32>} : memref<128xi32, #tpu.memory_space<vmem>>, vector<16xi32>,
        tpu.vector_store %arg24[%swap3A_910], %get3A_909 {strides = array<i32>} : memref<128xi32, #tpu.memory_space<vmem>>, vector<16xi32>,
        %get3A_912 = arith.constant 96 : index
        %get3A_913 = tpu.vector_load %arg26[%get3A_912] {strides = array<i32>} : memref<128xf32, #tpu.memory_space<vmem>>, vector<16xf32>,
        %get3A_914 = arith.constant 96 : index
        %get3A_915 = tpu.vector_load %arg28[%get3A_914] {strides = array<i32>} : memref<128xf32, #tpu.memory_space<vmem>>, vector<16xf32>,
        %add3A_916 = arith.addf %get3A_913, %get3A_915 : vector<16xf32>
        %mul3A_917 = arith.constant 2.000000e-01 : f32
        %mul3A_918 = vector.broadcast %mul3A_917 : f32 to vector<16xf32>
        %mul3A_919 = arith.mulf %mul3A_918, %add3A_916 : vector<16xf32>
        %max3A_920 = arith.maximumf %add3A_916, %mul3A_919 : vector<16xf32>
        %sub3A_921 = arith.subf %max3A_920, %get3A_809 : vector<16xf32>
        %exp3A_922 = math.exp %sub3A_921 : vector<16xf32>
        %swap3A_923 = arith.constant 96 : index
        %swap3A_924 = tpu.vector_load %arg29[%swap3A_923] {strides = array<i32>} : memref<128xf32, #tpu.memory_space<vmem>>, vector<16xf32>,
        tpu.vector_store %arg29[%swap3A_923], %exp3A_922 {strides = array<i32>} : memref<128xf32, #tpu.memory_space<vmem>>, vector<16xf32>,
        %get3A_925 = arith.constant 96 : index
        %get3A_926 = tpu.vector_load %arg22[%get3A_925] {strides = array<i32>} : memref<128xi32, #tpu.memory_space<vmem>>, vector<16xi32>,
        tpu.vector_store_idx %arg32[%get3A_926], %exp3A_922 {add = true} : memref<10000xf32, #tpu.memory_space<vmem>>[vector<16xi32>], vector<16xf32>,
        %swap3A_927 = arith.constant 96 : index
        %swap3A_928 = tpu.vector_load %arg24[%swap3A_927] {strides = array<i32>} : memref<128xi32, #tpu.memory_space<vmem>>, vector<16xi32>,
        tpu.vector_store %arg24[%swap3A_927], %get3A_926 {strides = array<i32>} : memref<128xi32, #tpu.memory_space<vmem>>, vector<16xi32>,
        %get3A_929 = arith.constant 112 : index
        %get3A_930 = tpu.vector_load %arg26[%get3A_929] {strides = array<i32>} : memref<128xf32, #tpu.memory_space<vmem>>, vector<16xf32>,
        %get3A_931 = arith.constant 112 : index
        %get3A_932 = tpu.vector_load %arg28[%get3A_931] {strides = array<i32>} : memref<128xf32, #tpu.memory_space<vmem>>, vector<16xf32>,
        %add3A_933 = arith.addf %get3A_930, %get3A_932 : vector<16xf32>
        %mul3A_934 = arith.constant 2.000000e-01 : f32
        %mul3A_935 = vector.broadcast %mul3A_934 : f32 to vector<16xf32>
        %mul3A_936 = arith.mulf %mul3A_935, %add3A_933 : vector<16xf32>
        %max3A_937 = arith.maximumf %add3A_933, %mul3A_936 : vector<16xf32>
        %sub3A_938 = arith.subf %max3A_937, %get3A_809 : vector<16xf32>
        %exp3A_939 = math.exp %sub3A_938 : vector<16xf32>
        %swap3A_940 = arith.constant 112 : index
        %swap3A_941 = tpu.vector_load %arg29[%swap3A_940] {strides = array<i32>} : memref<128xf32, #tpu.memory_space<vmem>>, vector<16xf32>,
        tpu.vector_store %arg29[%swap3A_940], %exp3A_939 {strides = array<i32>} : memref<128xf32, #tpu.memory_space<vmem>>, vector<16xf32>,
        %get3A_942 = arith.constant 112 : index
        %get3A_943 = tpu.vector_load %arg22[%get3A_942] {strides = array<i32>} : memref<128xi32, #tpu.memory_space<vmem>>, vector<16xi32>,
        tpu.vector_store_idx %arg32[%get3A_943], %exp3A_939 {add = true} : memref<10000xf32, #tpu.memory_space<vmem>>[vector<16xi32>], vector<16xf32>,
        %swap3A_944 = arith.constant 112 : index
        %swap3A_945 = tpu.vector_load %arg24[%swap3A_944] {strides = array<i32>} : memref<128xi32, #tpu.memory_space<vmem>>, vector<16xi32>,
        tpu.vector_store %arg24[%swap3A_944], %get3A_943 {strides = array<i32>} : memref<128xi32, #tpu.memory_space<vmem>>, vector<16xi32>,
        %sub3A_946 = arith.constant 1 : i32
        %sub3A_947 = arith.subi %select_n3A_32, %sub3A_946 : i32
        %lt3A_948 = arith.cmpi slt, %add3A_363, %sub3A_947 : i32
        %convert_element_type3A_949 = arith.extui %lt3A_948 : i1 to i32
        %cond3A_950 = arith.constant 0 : i32
        %cond3A_951 = arith.cmpi ne, %convert_element_type3A_949, %cond3A_950 : i32
        scf.if %cond3A_951 {
          %add3A_960 = arith.constant 2 : i32
          %add3A_961 = arith.addi %add3A_800, %add3A_960 : i32
          %add3A_962 = arith.addi %select_n3A, %add3A_961 : i32
          %mul3A_963 = arith.constant 128 : i32
          %mul3A_964 = arith.muli %add3A_962, %mul3A_963 : i32
          %dma_start3A_965 = arith.constant 0 : i32
          %dma_start3A_966 = tpu.memref_slice %arg2[%dma_start3A_965, %mul3A_964] : memref<2x320000xi32, #tpu.memory_space<hbm>> -> memref<1x128xi32, #tpu.memory_space<hbm>>
          %dma_start3A_967 = tpu.memref_squeeze %dma_start3A_966 : memref<1x128xi32, #tpu.memory_space<hbm>> -> memref<128xi32, #tpu.memory_space<hbm>>
          %dma_start3A_968 = tpu.memref_slice %arg2[%dma_start3A_965, %mul3A_964] : memref<2x320000xi32, #tpu.memory_space<hbm>> -> memref<1x128xi32, #tpu.memory_space<hbm>>
          %dma_start3A_969 = tpu.memref_squeeze %dma_start3A_968 : memref<1x128xi32, #tpu.memory_space<hbm>> -> memref<128xi32, #tpu.memory_space<hbm>>
          tpu.enqueue_dma source(%dma_start3A_969 : memref<128xi32, #tpu.memory_space<hbm>>) target(%arg12 : memref<128xi32, #tpu.memory_space<vmem>>) target_semaphore(%arg36 : memref<!tpu.dma_semaphore, #tpu.memory_space<semaphore_mem>>)
          %dma_start3A_970 = arith.constant 1 : i32
          %dma_start3A_971 = tpu.memref_slice %arg2[%dma_start3A_970, %mul3A_964] : memref<2x320000xi32, #tpu.memory_space<hbm>> -> memref<1x128xi32, #tpu.memory_space<hbm>>
          %dma_start3A_972 = tpu.memref_squeeze %dma_start3A_971 : memref<1x128xi32, #tpu.memory_space<hbm>> -> memref<128xi32, #tpu.memory_space<hbm>>
          %dma_start3A_973 = tpu.memref_slice %arg2[%dma_start3A_970, %mul3A_964] : memref<2x320000xi32, #tpu.memory_space<hbm>> -> memref<1x128xi32, #tpu.memory_space<hbm>>
          %dma_start3A_974 = tpu.memref_squeeze %dma_start3A_973 : memref<1x128xi32, #tpu.memory_space<hbm>> -> memref<128xi32, #tpu.memory_space<hbm>>
          tpu.enqueue_dma source(%dma_start3A_974 : memref<128xi32, #tpu.memory_space<hbm>>) target(%arg22 : memref<128xi32, #tpu.memory_space<vmem>>) target_semaphore(%arg36 : memref<!tpu.dma_semaphore, #tpu.memory_space<semaphore_mem>>)
          %dma_start3A_975 = tpu.memref_slice %arg3[%mul3A_964] : memref<320000xi32, #tpu.memory_space<hbm>> -> memref<128xi32, #tpu.memory_space<hbm>>
          %dma_start3A_976 = tpu.memref_slice %arg3[%mul3A_964] : memref<320000xi32, #tpu.memory_space<hbm>> -> memref<128xi32, #tpu.memory_space<hbm>>
          tpu.enqueue_dma source(%dma_start3A_976 : memref<128xi32, #tpu.memory_space<hbm>>) target(%arg14 : memref<128xi32, #tpu.memory_space<vmem>>) target_semaphore(%arg36 : memref<!tpu.dma_semaphore, #tpu.memory_space<semaphore_mem>>)
        } else {
        }
        %scan3A_952 = arith.constant 0 : i32
        %scan3A_953 = arith.constant 128 : i32
        %scan3A_954 = arith.addi %scan3A_952, %scan3A_953 : i32
        %scan3A_955 = arith.constant 1 : i32
        scf.for %scan3A_960 = %scan3A_952 to %scan3A_954 step %scan3A_955  : i32 {
          %mul3A_961 = arith.constant 1 : i32
          %mul3A_962 = arith.muli %scan3A_960, %mul3A_961 : i32
          %add3A_963 = arith.constant 0 : i32
          %add3A_964 = arith.addi %add3A_963, %mul3A_962 : i32
          %broadcast_in_dim3A = vector.broadcast %add3A_964 : i32 to vector<16xi32>
          %gather3A = tpu.vector_load_idx %arg29[%broadcast_in_dim3A] : memref<128xf32, #tpu.memory_space<vmem>>[vector<16xi32>], vector<16xf32>,
          %get3A_965 = arith.index_cast %add3A_964 : i32 to index
          %get3A_966 = arith.constant 0 : index
          %get3A_967 = tpu.vector_load %arg31[%get3A_965, %get3A_966] {strides = array<i32>} : memref<128x128xf32, #tpu.memory_space<vmem>>, vector<16xf32>,
          %mul3A_968 = arith.mulf %get3A_967, %gather3A : vector<16xf32>
          %swap3A_969 = arith.index_cast %add3A_964 : i32 to index
          %swap3A_970 = arith.constant 0 : index
          %swap3A_971 = tpu.vector_load %arg31[%swap3A_969, %swap3A_970] {strides = array<i32>} : memref<128x128xf32, #tpu.memory_space<vmem>>, vector<16xf32>,
          tpu.vector_store %arg31[%swap3A_969, %swap3A_970], %mul3A_968 {strides = array<i32>} : memref<128x128xf32, #tpu.memory_space<vmem>>, vector<16xf32>,
          %get3A_972 = arith.index_cast %add3A_964 : i32 to index
          %get3A_973 = arith.constant 16 : index
          %get3A_974 = tpu.vector_load %arg31[%get3A_972, %get3A_973] {strides = array<i32>} : memref<128x128xf32, #tpu.memory_space<vmem>>, vector<16xf32>,
          %mul3A_975 = arith.mulf %get3A_974, %gather3A : vector<16xf32>
          %swap3A_976 = arith.index_cast %add3A_964 : i32 to index
          %swap3A_977 = arith.constant 16 : index
          %swap3A_978 = tpu.vector_load %arg31[%swap3A_976, %swap3A_977] {strides = array<i32>} : memref<128x128xf32, #tpu.memory_space<vmem>>, vector<16xf32>,
          tpu.vector_store %arg31[%swap3A_976, %swap3A_977], %mul3A_975 {strides = array<i32>} : memref<128x128xf32, #tpu.memory_space<vmem>>, vector<16xf32>,
          %get3A_979 = arith.index_cast %add3A_964 : i32 to index
          %get3A_980 = arith.constant 32 : index
          %get3A_981 = tpu.vector_load %arg31[%get3A_979, %get3A_980] {strides = array<i32>} : memref<128x128xf32, #tpu.memory_space<vmem>>, vector<16xf32>,
          %mul3A_982 = arith.mulf %get3A_981, %gather3A : vector<16xf32>
          %swap3A_983 = arith.index_cast %add3A_964 : i32 to index
          %swap3A_984 = arith.constant 32 : index
          %swap3A_985 = tpu.vector_load %arg31[%swap3A_983, %swap3A_984] {strides = array<i32>} : memref<128x128xf32, #tpu.memory_space<vmem>>, vector<16xf32>,
          tpu.vector_store %arg31[%swap3A_983, %swap3A_984], %mul3A_982 {strides = array<i32>} : memref<128x128xf32, #tpu.memory_space<vmem>>, vector<16xf32>,
          %get3A_986 = arith.index_cast %add3A_964 : i32 to index
          %get3A_987 = arith.constant 48 : index
          %get3A_988 = tpu.vector_load %arg31[%get3A_986, %get3A_987] {strides = array<i32>} : memref<128x128xf32, #tpu.memory_space<vmem>>, vector<16xf32>,
          %mul3A_989 = arith.mulf %get3A_988, %gather3A : vector<16xf32>
          %swap3A_990 = arith.index_cast %add3A_964 : i32 to index
          %swap3A_991 = arith.constant 48 : index
          %swap3A_992 = tpu.vector_load %arg31[%swap3A_990, %swap3A_991] {strides = array<i32>} : memref<128x128xf32, #tpu.memory_space<vmem>>, vector<16xf32>,
          tpu.vector_store %arg31[%swap3A_990, %swap3A_991], %mul3A_989 {strides = array<i32>} : memref<128x128xf32, #tpu.memory_space<vmem>>, vector<16xf32>,
          %get3A_993 = arith.index_cast %add3A_964 : i32 to index
          %get3A_994 = arith.constant 64 : index
          %get3A_995 = tpu.vector_load %arg31[%get3A_993, %get3A_994] {strides = array<i32>} : memref<128x128xf32, #tpu.memory_space<vmem>>, vector<16xf32>,
          %mul3A_996 = arith.mulf %get3A_995, %gather3A : vector<16xf32>
          %swap3A_997 = arith.index_cast %add3A_964 : i32 to index
          %swap3A_998 = arith.constant 64 : index
          %swap3A_999 = tpu.vector_load %arg31[%swap3A_997, %swap3A_998] {strides = array<i32>} : memref<128x128xf32, #tpu.memory_space<vmem>>, vector<16xf32>,
          tpu.vector_store %arg31[%swap3A_997, %swap3A_998], %mul3A_996 {strides = array<i32>} : memref<128x128xf32, #tpu.memory_space<vmem>>, vector<16xf32>,
          %get3A_1000 = arith.index_cast %add3A_964 : i32 to index
          %get3A_1001 = arith.constant 80 : index
          %get3A_1002 = tpu.vector_load %arg31[%get3A_1000, %get3A_1001] {strides = array<i32>} : memref<128x128xf32, #tpu.memory_space<vmem>>, vector<16xf32>,
          %mul3A_1003 = arith.mulf %get3A_1002, %gather3A : vector<16xf32>
          %swap3A_1004 = arith.index_cast %add3A_964 : i32 to index
          %swap3A_1005 = arith.constant 80 : index
          %swap3A_1006 = tpu.vector_load %arg31[%swap3A_1004, %swap3A_1005] {strides = array<i32>} : memref<128x128xf32, #tpu.memory_space<vmem>>, vector<16xf32>,
          tpu.vector_store %arg31[%swap3A_1004, %swap3A_1005], %mul3A_1003 {strides = array<i32>} : memref<128x128xf32, #tpu.memory_space<vmem>>, vector<16xf32>,
          %get3A_1007 = arith.index_cast %add3A_964 : i32 to index
          %get3A_1008 = arith.constant 96 : index
          %get3A_1009 = tpu.vector_load %arg31[%get3A_1007, %get3A_1008] {strides = array<i32>} : memref<128x128xf32, #tpu.memory_space<vmem>>, vector<16xf32>,
          %mul3A_1010 = arith.mulf %get3A_1009, %gather3A : vector<16xf32>
          %swap3A_1011 = arith.index_cast %add3A_964 : i32 to index
          %swap3A_1012 = arith.constant 96 : index
          %swap3A_1013 = tpu.vector_load %arg31[%swap3A_1011, %swap3A_1012] {strides = array<i32>} : memref<128x128xf32, #tpu.memory_space<vmem>>, vector<16xf32>,
          tpu.vector_store %arg31[%swap3A_1011, %swap3A_1012], %mul3A_1010 {strides = array<i32>} : memref<128x128xf32, #tpu.memory_space<vmem>>, vector<16xf32>,
          %get3A_1014 = arith.index_cast %add3A_964 : i32 to index
          %get3A_1015 = arith.constant 112 : index
          %get3A_1016 = tpu.vector_load %arg31[%get3A_1014, %get3A_1015] {strides = array<i32>} : memref<128x128xf32, #tpu.memory_space<vmem>>, vector<16xf32>,
          %mul3A_1017 = arith.mulf %get3A_1016, %gather3A : vector<16xf32>
          %swap3A_1018 = arith.index_cast %add3A_964 : i32 to index
          %swap3A_1019 = arith.constant 112 : index
          %swap3A_1020 = tpu.vector_load %arg31[%swap3A_1018, %swap3A_1019] {strides = array<i32>} : memref<128x128xf32, #tpu.memory_space<vmem>>, vector<16xf32>,
          tpu.vector_store %arg31[%swap3A_1018, %swap3A_1019], %mul3A_1017 {strides = array<i32>} : memref<128x128xf32, #tpu.memory_space<vmem>>, vector<16xf32>,
        }
        %scan3A_956 = arith.constant 128 : i32
        %dma_start3A_957 = arith.constant 0 : i32
        %dma_start3A_958 = arith.constant 0 : i32
        %dma_start3A_959 = tpu.memref_slice %arg34[%dma_start3A_957, %dma_start3A_958] : memref<10000x128xf32, #tpu.memory_space<vmem_shared>> -> memref<10000x128xf32, #tpu.memory_space<vmem_shared>>
        tpu.enqueue_indirect_dma source(%arg31 : memref<128x128xf32, #tpu.memory_space<vmem>>) target(%dma_start3A_959 : memref<10000x128xf32, #tpu.memory_space<vmem_shared>>) offsets(%arg24 : memref<128xi32, #tpu.memory_space<vmem>>) semaphore(%arg40 : memref<!tpu.dma_semaphore, #tpu.memory_space<semaphore_mem>>) {add = true}
      }
      %dma_wait3A_358 = arith.constant 0 : i32
      %dma_wait3A_359 = arith.constant 0 : i32
      %dma_wait3A_360 = tpu.memref_slice %arg34[%dma_wait3A_358, %dma_wait3A_359] : memref<10000x128xf32, #tpu.memory_space<vmem_shared>> -> memref<10000x128xf32, #tpu.memory_space<vmem_shared>>
      tpu.wait_indirect_dma semaphore(%arg40 : memref<!tpu.dma_semaphore, #tpu.memory_space<semaphore_mem>>) src(%arg31 : memref<128x128xf32, #tpu.memory_space<vmem>>) dst(%dma_wait3A_360 : memref<10000x128xf32, #tpu.memory_space<vmem_shared>>)
    } else {
    }
    %barrier3A_46 = arith.constant 0 : index
    tpu.barrier barrier_id(%barrier3A_46)
    %lt3A_47 = arith.constant 15 : i32
    %lt3A_48 = arith.cmpi slt, %arg1, %lt3A_47 : i32
    %convert_element_type3A_49 = arith.extui %lt3A_48 : i1 to i32
    %cond3A_50 = arith.constant 0 : i32
    %cond3A_51 = arith.cmpi ne, %convert_element_type3A_49, %cond3A_50 : i32
    scf.if %cond3A_51 {
      "tpu.region"() ({
        %run_scoped3A_57 = tpu.sem_alloc : memref<!tpu.dma_semaphore, #tpu.memory_space<semaphore_mem>>
        %dma_start3A = arith.constant 0 : i32
        %dma_start3A_58 = tpu.memref_slice %arg9[%arg0, %mul3A_34, %dma_start3A] : memref<2x10000x128xf32, #tpu.memory_space<hbm>> -> memref<1x632x128xf32, #tpu.memory_space<hbm>>
        %dma_start3A_59 = tpu.memref_squeeze %dma_start3A_58 : memref<1x632x128xf32, #tpu.memory_space<hbm>> -> memref<632x128xf32, #tpu.memory_space<hbm>>
        %dma_start3A_60 = arith.constant 0 : i32
        %dma_start3A_61 = tpu.memref_slice %arg34[%mul3A_34, %dma_start3A_60] : memref<10000x128xf32, #tpu.memory_space<vmem_shared>> -> memref<632x128xf32, #tpu.memory_space<vmem_shared>>
        tpu.enqueue_dma source(%dma_start3A_61 : memref<632x128xf32, #tpu.memory_space<vmem_shared>>) target(%dma_start3A_59 : memref<632x128xf32, #tpu.memory_space<hbm>>) target_semaphore(%run_scoped3A_57 : memref<!tpu.dma_semaphore, #tpu.memory_space<semaphore_mem>>)
        %dma_wait3A = arith.constant 0 : i32
        %dma_wait3A_62 = tpu.memref_slice %arg9[%arg0, %mul3A_34, %dma_wait3A] : memref<2x10000x128xf32, #tpu.memory_space<hbm>> -> memref<1x632x128xf32, #tpu.memory_space<hbm>>
        %dma_wait3A_63 = tpu.memref_squeeze %dma_wait3A_62 : memref<1x632x128xf32, #tpu.memory_space<hbm>> -> memref<632x128xf32, #tpu.memory_space<hbm>>
        %dma_wait3A_64 = arith.constant 0 : i32
        %dma_wait3A_65 = tpu.memref_slice %arg34[%mul3A_34, %dma_wait3A_64] : memref<10000x128xf32, #tpu.memory_space<vmem_shared>> -> memref<632x128xf32, #tpu.memory_space<vmem_shared>>
        tpu.wait_dma2 semaphore(%run_scoped3A_57 : memref<!tpu.dma_semaphore, #tpu.memory_space<semaphore_mem>>) src(%dma_wait3A_65 : memref<632x128xf32, #tpu.memory_space<vmem_shared>>) dst(%dma_wait3A_63 : memref<632x128xf32, #tpu.memory_space<hbm>>)
        tpu.yield
      }) : () -> ()
    } else {
    }
    %eq3A_52 = arith.constant 15 : i32
    %eq3A_53 = arith.cmpi eq, %arg1, %eq3A_52 : i32
    %convert_element_type3A_54 = arith.extui %eq3A_53 : i1 to i32
    %cond3A_55 = arith.constant 0 : i32
    %cond3A_56 = arith.cmpi ne, %convert_element_type3A_54, %cond3A_55 : i32
    scf.if %cond3A_56 {
      "tpu.region"() ({
        %run_scoped3A_57 = tpu.sem_alloc : memref<!tpu.dma_semaphore, #tpu.memory_space<semaphore_mem>>
        %dma_start3A = arith.constant 9480 : i32
        %dma_start3A_58 = arith.constant 0 : i32
        %dma_start3A_59 = tpu.memref_slice %arg9[%arg0, %dma_start3A, %dma_start3A_58] : memref<2x10000x128xf32, #tpu.memory_space<hbm>> -> memref<1x520x128xf32, #tpu.memory_space<hbm>>
        %dma_start3A_60 = tpu.memref_squeeze %dma_start3A_59 : memref<1x520x128xf32, #tpu.memory_space<hbm>> -> memref<520x128xf32, #tpu.memory_space<hbm>>
        %dma_start3A_61 = arith.constant 9480 : i32
        %dma_start3A_62 = arith.constant 0 : i32
        %dma_start3A_63 = tpu.memref_slice %arg34[%dma_start3A_61, %dma_start3A_62] : memref<10000x128xf32, #tpu.memory_space<vmem_shared>> -> memref<520x128xf32, #tpu.memory_space<vmem_shared>>
        tpu.enqueue_dma source(%dma_start3A_63 : memref<520x128xf32, #tpu.memory_space<vmem_shared>>) target(%dma_start3A_60 : memref<520x128xf32, #tpu.memory_space<hbm>>) target_semaphore(%run_scoped3A_57 : memref<!tpu.dma_semaphore, #tpu.memory_space<semaphore_mem>>)
        %dma_wait3A = arith.constant 9480 : i32
        %dma_wait3A_64 = arith.constant 0 : i32
        %dma_wait3A_65 = tpu.memref_slice %arg9[%arg0, %dma_wait3A, %dma_wait3A_64] : memref<2x10000x128xf32, #tpu.memory_space<hbm>> -> memref<1x520x128xf32, #tpu.memory_space<hbm>>
        %dma_wait3A_66 = tpu.memref_squeeze %dma_wait3A_65 : memref<1x520x128xf32, #tpu.memory_space<hbm>> -> memref<520x128xf32, #tpu.memory_space<hbm>>
        %dma_wait3A_67 = arith.constant 9480 : i32
        %dma_wait3A_68 = arith.constant 0 : i32
        %dma_wait3A_69 = tpu.memref_slice %arg34[%dma_wait3A_67, %dma_wait3A_68] : memref<10000x128xf32, #tpu.memory_space<vmem_shared>> -> memref<520x128xf32, #tpu.memory_space<vmem_shared>>
        tpu.wait_dma2 semaphore(%run_scoped3A_57 : memref<!tpu.dma_semaphore, #tpu.memory_space<semaphore_mem>>) src(%dma_wait3A_69 : memref<520x128xf32, #tpu.memory_space<vmem_shared>>) dst(%dma_wait3A_66 : memref<520x128xf32, #tpu.memory_space<hbm>>)
        tpu.yield
      }) : () -> ()
    } else {
    }
    "tpu.region"() ({
      %run_scoped3A_57 = tpu.sem_alloc : memref<!tpu.dma_semaphore, #tpu.memory_space<semaphore_mem>>
      %dma_start3A = arith.constant 0 : i32
      %dma_start3A_58 = tpu.memref_slice %arg10[%add3A, %dma_start3A] : memref<32x10000xf32, #tpu.memory_space<hbm>> -> memref<1x10000xf32, #tpu.memory_space<hbm>>
      %dma_start3A_59 = tpu.memref_squeeze %dma_start3A_58 : memref<1x10000xf32, #tpu.memory_space<hbm>> -> memref<10000xf32, #tpu.memory_space<hbm>>
      %dma_start3A_60 = arith.constant 0 : i32
      %dma_start3A_61 = tpu.memref_slice %arg10[%add3A, %dma_start3A_60] : memref<32x10000xf32, #tpu.memory_space<hbm>> -> memref<1x10000xf32, #tpu.memory_space<hbm>>
      %dma_start3A_62 = tpu.memref_squeeze %dma_start3A_61 : memref<1x10000xf32, #tpu.memory_space<hbm>> -> memref<10000xf32, #tpu.memory_space<hbm>>
      tpu.enqueue_dma source(%arg32 : memref<10000xf32, #tpu.memory_space<vmem>>) target(%dma_start3A_62 : memref<10000xf32, #tpu.memory_space<hbm>>) target_semaphore(%run_scoped3A_57 : memref<!tpu.dma_semaphore, #tpu.memory_space<semaphore_mem>>)
      %dma_wait3A = arith.constant 0 : i32
      %dma_wait3A_63 = tpu.memref_slice %arg10[%add3A, %dma_wait3A] : memref<32x10000xf32, #tpu.memory_space<hbm>> -> memref<1x10000xf32, #tpu.memory_space<hbm>>
      %dma_wait3A_64 = tpu.memref_squeeze %dma_wait3A_63 : memref<1x10000xf32, #tpu.memory_space<hbm>> -> memref<10000xf32, #tpu.memory_space<hbm>>
      %dma_wait3A_65 = arith.constant 0 : i32
      %dma_wait3A_66 = tpu.memref_slice %arg10[%add3A, %dma_wait3A_65] : memref<32x10000xf32, #tpu.memory_space<hbm>> -> memref<1x10000xf32, #tpu.memory_space<hbm>>
      %dma_wait3A_67 = tpu.memref_squeeze %dma_wait3A_66 : memref<1x10000xf32, #tpu.memory_space<hbm>> -> memref<10000xf32, #tpu.memory_space<hbm>>
      tpu.wait_dma2 semaphore(%run_scoped3A_57 : memref<!tpu.dma_semaphore, #tpu.memory_space<semaphore_mem>>) src(%arg32 : memref<10000xf32, #tpu.memory_space<vmem>>) dst(%dma_wait3A_67 : memref<10000xf32, #tpu.memory_space<hbm>>)
      tpu.yield
    }) : () -> ()
    return
  }
}

</mosaic_0001>

<sc_bundles>
// kernel: _edge_pass.3.cloned.1.call-start
scs
__scs_entry_jumppad:
0x0: {  	(pc) =	sbr.rel $0x88, $3  }
0x1: {  	(tag) =	ssettag $0x0;
	lr =	simm.s32 $0x1  }
0x2: {  	[smem:$0x3F9A] =	sst lr;
	_ =	strace $0xD0000000  }
0x3: {  	_ = 	snop  }
0x4: {  	_ = 	snop  }
0x5: {  	_ = 	snop  }
0x6: {  	_ = 	snop  }
0x7: {  	_ = 	snop  }
__scs_overlays_trampoline_lowered:
0x8: {  	[smem:$0x3FA9] =	sst s0  }
0x9: {  	[smem:$0x3FAA] =	sst s1  }
0xa: {  	[smem:$0x3FAB] =	sst s2  }
0xb: {  	[smem:$0x3FAC] =	sst s3  }
0xc: {  	[smem:$0x3FAD] =	sst s4  }
0xd: {  	[smem:$0x3FAE] =	sst s5  }
0xe: {  	[smem:$0x3FAF] =	sst s6  }
0xf: {  	[smem:$0x3FB0] =	sst s7  }
0x10: {  	[smem:$0x3FB1] =	sst s8  }
0x11: {  	[smem:$0x3FB2] =	sst s9;
	s0 =	simm.s32 @!p0 $0x0  }
0x12: {  	s1 =	sld [smem:$0x3F98];
	s0 =	simm.s32 @p0 $0x1  }
0x13: {  	[smem:$0x3FB3] =	sst s0;
	s0 =	simm.s32 @!p1 $0x0  }
0x14: {  	s2 =	sld [smem:$0x3F97];
	s0 =	simm.s32 @p1 $0x1  }
0x15: {  	[smem:$0x3FB4] =	sst s0;
	s0 =	simm.s32 @!p2 $0x0  }
0x16: {  	s3 =	sld [smem:$0x3FDB];
	s0 =	simm.s32 @p2 $0x1  }
0x17: {  	s4 =	simm.s32 $0x1BF5;
	[smem:$0x3FB6] =	sst s0  }
0x18: {  	s0 =	sld [smem:$0x3F99];
	_ =	swait.ge [sflag:s4], $0x0  }
0x19: {  	s7 =	sld [smem:$0x3F9A]  }
0x1a: {  	s8 =	sadd.s32 $0xFFFFE003, lr  }
0x1b: {  	s9 =	sadd.s32 $0xFFFFFEF7, lr;
	s5 =	simm.s32 $0xFFFFFFFF;
	p2 =	slt.u32 s8, $0xFFFFF086  }
0x1c: {  	p1 =	slt.u32 s9, $0xF7A;
	s5 =	simm.s32 @!p2 $0x0  }
0x1d: {  	s5 =	simm.s32 @p1 $0x1;
	p0 =	seq.s32 s7, s2  }
0x1e: {  	s7 =	smul.u32 @!p0 $0xF7A, s2;
	p2 =	seq.s32 @!p0 s5, $0x0  }
0x1f: {  	s9 =	smul.u32 $0xF7A, s1;
	s8 =	simm.s32 @!p0 $0x1BF5;
	p2 =	por !p2, p0  }
0x20: {  	[sflag:s8] =	ssyncset.s32 @!p0 $0xFFFFF086;
	s6 =	sadd.s32 @!p0 s3, s7;
	s7 =	simm.s32 @!p0 $0x108  }
0x21: {  	s3 =	sadd.s32 s3, s9;
	s6 =	sadd.s32 @!p0 $0x88, s6;
	s7 =	simm.s32 @p2 $0x1082  }
0x22: {  	[simem:s7], [sflag:s8] =	dma.local @!p0 [hbm:s6], $0xF7A  }
0x23: {  	s9 =	sor.u32 $0xD0000000, s2;
	s6 =	simm.s32 $0x108;
	_ =	swait.ge @!p0 [sflag:s8], $0x0  }
0x24: {  	s3 =	sadd.s32 $0x88, s3;
	s6 =	simm.s32 @!p1 $0x1082;
	[sflag:s4] =	ssyncset.s32 $0xFFFFF086  }
0x25: {  	[simem:s6], [sflag:s4] =	dma.local [hbm:s3], $0xF7A  }
0x26: {  	[smem:$0x3F9A] =	sst s1;
	(tag) =	ssettag s2;
	_ =	strace s9  }
0x27: {  	s1 =	sld [smem:$0x3FAA]  }
0x28: {  	s2 =	sld [smem:$0x3FAB]  }
0x29: {  	s4 =	sld [smem:$0x3FAD]  }
0x2a: {  	p0 =	seq.s32 s5, $0x0;
	s5 =	sld [smem:$0x3FAE]  }
0x2b: {  	s6 =	sld [smem:$0x3FAF]  }
0x2c: {  	s7 =	sld [smem:$0x3FB0]  }
0x2d: {  	s3 =	simm.s32 $0x108;
	s8 =	sld [smem:$0x3FB1]  }
0x2e: {  	s3 =	simm.s32 @!p0 $0x1082;
	s9 =	sld [smem:$0x3FB2]  }
0x2f: {  	lr =	sadd.s32 s0, s3;
	s0 =	sld [smem:$0x3FA9]  }
0x30: {  	s3 =	sld [smem:$0x3FAC]  }
0x31: {  	[smem:$0x3FB5] =	sst s10  }
0x32: {  	s10 =	sld [smem:$0x3FB3];
	_ =	sdelay $0x3  }
0x33: {  	p0 =	seq.s32 s10, $0x1;
	s10 =	sld [smem:$0x3FB5];
	_ =	sdelay $0x3  }
0x34: {  	[smem:$0x3FB5] =	sst s10  }
0x35: {  	s10 =	sld [smem:$0x3FB4];
	_ =	sdelay $0x3  }
0x36: {  	p1 =	seq.s32 s10, $0x1;
	s10 =	sld [smem:$0x3FB5];
	_ =	sdelay $0x3  }
0x37: {  	[smem:$0x3FB5] =	sst s10  }
0x38: {  	s10 =	sld [smem:$0x3FB6]  }
0x39: {  	_ = 	snop;
	(pc) =	sbr.ind lr, $3  }
0x3a: {  	_ = 	snop  }
0x3b: {  	_ = 	snop  }
0x3c: {  	p2 =	seq.s32 s10, $0x1;
	s10 =	sld [smem:$0x3FB5]  }
0x3d: {  	_ =	shalt  }
0x3e: {  	_ =	shalt  }
0x3f: {  	_ =	shalt  }
0x40: {  	_ =	shalt  }
0x41: {  	_ =	shalt  }
0x42: {  	_ =	shalt  }
0x43: {  	_ =	shalt  }
0x44: {  	_ =	shalt  }
0x45: {  	_ =	shalt  }
0x46: {  	_ =	shalt  }
0x47: {  	_ =	shalt  }
0x48: {  	_ =	shalt  }
0x49: {  	_ =	shalt  }
0x4a: {  	_ =	shalt  }
0x4b: {  	_ =	shalt  }
0x4c: {  	_ =	shalt  }
0x4d: {  	_ =	shalt  }
0x4e: {  	_ =	shalt  }
0x4f: {  	_ =	shalt  }
0x50: {  	_ =	shalt  }
0x51: {  	_ =	shalt  }
0x52: {  	_ =	shalt  }
0x53: {  	_ =	shalt  }
0x54: {  	_ =	shalt  }
0x55: {  	_ =	shalt  }
0x56: {  	_ =	shalt  }
0x57: {  	_ =	shalt  }
0x58: {  	_ =	shalt  }
0x59: {  	_ =	shalt  }
0x5a: {  	_ =	shalt  }
0x5b: {  	_ =	shalt  }
0x5c: {  	_ =	shalt  }
0x5d: {  	_ =	shalt  }
0x5e: {  	_ =	shalt  }
0x5f: {  	_ =	shalt  }
0x60: {  	_ =	shalt  }
0x61: {  	_ =	shalt  }
0x62: {  	_ =	shalt  }
0x63: {  	_ =	shalt  }
0x64: {  	_ =	shalt  }
0x65: {  	_ =	shalt  }
0x66: {  	_ =	shalt  }
0x67: {  	_ =	shalt  }
0x68: {  	_ =	shalt  }
0x69: {  	_ =	shalt  }
0x6a: {  	_ =	shalt  }
0x6b: {  	_ =	shalt  }
0x6c: {  	_ =	shalt  }
0x6d: {  	_ =	shalt  }
0x6e: {  	_ =	shalt  }
0x6f: {  	_ =	shalt  }
0x70: {  	_ =	shalt  }
0x71: {  	_ =	shalt  }
0x72: {  	_ =	shalt  }
0x73: {  	_ =	shalt  }
0x74: {  	_ =	shalt  }
0x75: {  	_ =	shalt  }
0x76: {  	_ =	shalt  }
0x77: {  	_ =	shalt  }
0x78: {  	_ =	shalt  }
0x79: {  	_ =	shalt  }
0x7a: {  	_ =	shalt  }
0x7b: {  	_ =	shalt  }
0x7c: {  	_ =	shalt  }
0x7d: {  	_ =	shalt  }
0x7e: {  	_ =	shalt  }
0x7f: {  	_ =	shalt  }
0x80: {  	_ =	shalt  }
0x81: {  	_ =	shalt  }
0x82: {  	_ =	shalt  }
0x83: {  	_ =	shalt  }
0x84: {  	_ =	shalt  }
0x85: {  	_ =	shalt  }
0x86: {  	_ =	shalt  }
0x87: {  	_ =	shalt  }
.Lfunc_end0:
.L_simem_size_0:
called_computation_lowered:
.L_overlay_start_0:
0x88: {  	s2 =	sld [smem:$0x3FD9]  }
0x89: {  	s3 =	sld [smem:$0x3FFE];
	_ =	sdelay $0x1  }
0x8a: {  	s1 =	srdreg.scid  }
0x8b: {  	s0 =	sand.u32 $0x1, s1  }
0x8c: {  	s15 =	sshll.u32 s0, $0xA;
	s2 =	sadd.s32 s3, s2  }
0x8d: {  	s2 =	sadd.s32 s2, s15  }
0x8e: {  	[smem:$0x3FC1] =	sst s2  }
0x8f: {  	_ = 	snop  }
0x90: {  	s2 =	sld [smem:$0x3FC9]  }
0x91: {  	s16 =	sld [smem:$0x3FC8]  }
0x92: {  	s4 =	sld [smem:$0x3FC7]  }
0x93: {  	s5 =	sld [smem:$0x3FC6]  }
0x94: {  	s6 =	sld [smem:$0x3FD0]  }
0x95: {  	s7 =	sld [smem:$0x3FC5]  }
0x96: {  	s8 =	sld [smem:$0x3FC4]  }
0x97: {  	s10 =	simm.s32 $0xA;
	s11 =	simm.s32 $0x10;
	s9 =	sld [smem:$0x3FC3]  }
0x98: {  	[smem:s11], [sflag:s10] =	dma.local [hbm:s6], $0x1  }
0x99: {  	_ =	swait.eq [sflag:s10], $0x1  }
0x9a: {  	[sflag:s10] =	ssyncset.done $0x0  }
0x9b: {  	s17 =	sld [smem:$0x10];
	[sflag:s10] =	ssyncadd.s32 $0xFFFFFFFF  }
0x9c: {  	s18 =	sld [smem:$0x11];
	(tm) =	ssettm $0x1  }
0x9d: {  	s19 =	sld [smem:$0x3FFB];
	_ =	sdelay $0x3  }
0x9e: {  	_ =	strace s19  }
0x9f: {  	s11 =	sld [smem:$0x3FFC];
	_ =	sdelay $0x3  }
0xa0: {  	_ =	strace s11  }
0xa1: {  	s11 =	sld [smem:$0x3FFD];
	_ =	sdelay $0x3  }
0xa2: {  	_ =	strace s11  }
0xa3: {  	_ =	strace $0x8FFFFFFF  }
0xa4: {  	s20 =	sld [smem:$0x3FDB];
	_ =	sdelay $0x1  }
0xa5: {  	s12 =	simm.s32 $_scs_section_size  }
0xa6: {  	s13 =	simm.s32 $_size__tile_overlayer_lowered;
	s14 =	simm.s32 $_tile_overlayer_lowered  }
0xa7: {  	s23 =	simm.s32 $0x1BFF;
	s22 =	sshll.u32 s14, $0x1;
	s11 =	sadd.s32 s12, s20  }
0xa8: {  	s21 =	sshll.u32 s13, $0x1;
	s15 =	simm.s32 $0x0;
	s13 =	sadd.s32 s22, s11  }
0xa9: {  	[timem:s15], [sflag:s23] =	dma.local [hbm:s13], s21  }
0xaa: {  	_ =	swait.ge [sflag:s23], s21  }
0xab: {  	s12 =	ssub.s32 $0x0, s21;
	[sflag:s23] =	ssyncset.done $0x0  }
0xac: {  	[sflag:s23] =	ssyncadd.s32 s12;
	_ =	sdelay $0x1  }
0xad: {  	s24 =	simm.s32 $0x1B8B  }
0xae: {  	_ =	swait.ge [sflag:s24], $0x1  }
0xaf: {  	[sflag:s24] =	ssyncset.done $0x0  }
0xb0: {  	s25 =	simm.s32 $0x1B8E;
	[sflag:s24] =	ssyncadd.s32 $0xFFFFFFFF  }
0xb1: {  	s26 =	simm.s32 $execute0_lowered;
	[smem:$0x3FD2] =	sst s25  }
0xb2: {  	s12 =	sshll.u32 s26, $0x1;
	_ =	strace $0x80000046;
	[dreg:$0x1] =	wrdreg $0xFFFFFFFF  }
0xb3: {  	s28 =	simm.s32 $_size_execute0_lowered;
	s11 =	sadd.s32 s11, s12;
	[dreg:$0x0] =	wrdreg $0x0  }
0xb4: {  	s12 =	sshll.u32 s28, $0x1;
	[dreg:$0x2] =	wrdreg s11  }
0xb5: {  	[dreg:$0x3] =	wrdreg s12  }
0xb6: {  	[dreg:$0x4] =	wrdreg $0xC0  }
0xb7: {  	_ =	task [dreg:s15], $0x5FFFF  }
0xb8: {  	[dreg:$0x1] =	wrdreg $0xFFFFFFFF  }
0xb9: {  	[dreg:$0x0] =	wrdreg $0x60  }
0xba: {  	[dreg:$0x2] =	wrdreg s2  }
0xbb: {  	[dreg:$0x3] =	wrdreg s16  }
0xbc: {  	[dreg:$0x4] =	wrdreg s4  }
0xbd: {  	[dreg:$0x5] =	wrdreg s5  }
0xbe: {  	[dreg:$0x6] =	wrdreg s7  }
0xbf: {  	[dreg:$0x7] =	wrdreg s8  }
0xc0: {  	[dreg:$0x8] =	wrdreg s9  }
0xc1: {  	[dreg:$0x9] =	wrdreg s17  }
0xc2: {  	[dreg:$0xa] =	wrdreg s18  }
0xc3: {  	[dreg:$0xb] =	wrdreg $0xB1800  }
0xc4: {  	[dreg:$0xc] =	wrdreg $0x9  }
0xc5: {  	_ =	task.clear_ibuf [dreg:s15], $0xDFFFF;
	_ =	strace $0x90000046  }
0xc6: {  	s29 =	simm.s32 $0x9;
	_ =	strace $0x80000048  }
0xc7: {  	_ =	swait.ge [sflag:s29], $0x1  }
0xc8: {  	[sflag:s29] =	ssyncadd.s32 $0xFFFFFFFF  }
0xc9: {  	_ =	strace $0x90000048  }
0xca: {  	_ =	sfence  }
0xcb: {  	s30 =	sld [smem:$0x0];
	_ =	sdelay $0x2  }
0xcc: {  	s31 =	sshll.u32 s1, $0xD;
	s1 =	sshrl.u32 s1, $0x2  }
0xcd: {  	s3 =	sand.u32 $0x4000, s31;
	s1 =	sadd.s32 s1, s30  }
0xce: {  	s0 =	sor.u32 s3, s0;
	s1 =	sshll.u32 s1, $0x11  }
0xcf: {  	s0 =	sor.u32 s1, s0  }
0xd0: {  	s0 =	sadd.s32 $0x8F2B, s0  }
0xd1: {  	[sflag:s0] =	ssyncadd.remote.s32 $0x1  }
0xd2: {  	_ =	sfence.sel $0xFFFF  }
0xd3: {  	[dreg:$0x0] =	wrdreg $0xFFFFFFFF;
	(pc) =	sbr.abs _section_cstart, $3  }
0xd4: {  	[dreg:$0x1] =	wrdreg $0xFFFFFFFF  }
0xd5: {  	_ =	task.clear_ibuf [dreg:s15], $0x2FFFF;
	_ =	strace $0x9FFFFFFF  }
0xd6: {  	(tm) =	ssettm $0x7FFFFFFF  }
0xd7: {  	_ =	shalt  }
tec
execute0_lowered:
.L_overlay_start_1:
0x0: {  	(tag) =	ssettag $0x1  }
0x1: {  	s0 =	rddreg [dreg:$0x0]  }
0x2: {  	s1 =	rddreg [dreg:$0x1]  }
0x3: {  	s2 =	rddreg [dreg:$0x2]  }
0x4: {  	s3 =	rddreg [dreg:$0x3]  }
0x5: {  	s4 =	rddreg [dreg:$0x5]  }
0x6: {  	s5 =	rddreg [dreg:$0x7]  }
0x7: {  	s6 =	rddreg [dreg:$0x8]  }
0x8: {  	s8 =	rddreg [dreg:$0x9];
	s16 =	stileid.u32;
	s10 =	simm.s32 $0x0  }
0x9: {  	s7 =	srdreg.scid;
	s30 =	simm.s32 $0x8980;
	s9 =	smul.u32 $0x50, s16  }
0xa: {  	s28 =	simm.s32 $0x600;
	s31 =	simm.s32 $0x4;
	s21 =	smul.u32 $0x4F000, s16  }
0xb: {  	[smem:$0x7FF] =	sst s10;
	s7 =	sand.u32 $0x1, s7;
	s14 =	smul.u32 $0x2780, s16  }
0xc: {  	s17 =	smul.u32 $0x13C00, s16;
	s18 =	sshrl.u32 s16, $0x2;
	s15 =	sshll.u32 s16, $0x8  }
0xd: {  	_ =	strace $0x80000047;
	p0 =	seq.s32 s7, $0x0;
	s20 =	ssub.s32 $0x2, s7  }
0xe: {  	s26 =	smul.u32 $0x138800, s7;
	s7 =	sshll.u32 s7, $0x7;
	s15 =	sand.u32 $0x300, s15  }
0xf: {  	s11 =	sadd.s32 $0x500, s9;
	s12 =	sshrl.u32 s20, $0x1;
	s23 =	sadd.s32 s4, s14  }
0x10: {  	s4 =	sadd.s32 $0x25080, s4;
	s14 =	sadd.s32 $0x10, s0;
	s7 =	sor.u32 s7, s15  }
0x11: {  	s11 =	smov.u32 @p0 s9;
	s12 =	ssub.s32 s20, s12;
	[dreg:$0xc] =	wrdreg s23  }
0x12: {  	s9 =	sshrl.u32 s21, $0x2;
	[dreg:$0xd] =	wrdreg s4;
	p0 =	seq.s32 s16, $0xF  }
0x13: {  	s16 =	simm.s32 $0x2;
	s13 =	ssub.s32 $0x9C4, s11;
	s9 =	sadd.s32 s9, s8  }
0x14: {  	s24 =	sshll.u32 s11, $0x5;
	s19 =	sshll.u32 s11, $0x4;
	s20 =	sor.u32 $0x1, s11  }
0x15: {  	s22 =	smin.u32 s13, $0x50;
	[dreg:$0xb] =	wrdreg s9;
	s25 =	sadd.s32 s0, s24  }
0x16: {  	s4 =	sadd.s32 s24, s14;
	s13 =	smul.u32 $0x13C00, s18;
	s9 =	sadd.s32 s17, s26  }
0x17: {  	s15 =	sadd.s32 s1, s19;
	s21 =	sshll.u32 s20, $0x5;
	s23 =	sshll.u32 s20, $0x4  }
0x18: {  	s17 =	simm.s32 $0x400;
	s19 =	simm.s32 $0x380;
	[dreg:$0xe] =	wrdreg s25  }
0x19: {  	s20 =	simm.s32 $0x880;
	s10 =	sshrl.u32 s22, $0x1;
	[dreg:$0xf] =	wrdreg s4  }
0x1a: {  	[dreg:$0x10] =	wrdreg s15;
	s9 =	sshrl.u32 s9, $0x3;
	s4 =	sshrl.u32 s26, $0x3  }
0x1b: {  	s22 =	sadd.s32 s0, s21;
	s24 =	sadd.s32 s1, s23;
	s23 =	sor.u32 $0x2, s11  }
0x1c: {  	s25 =	smax.u32 s12, $0x1;
	s26 =	sadd.s32 $0x128400, s8;
	s12 =	simm.s32 $0x7  }
0x1d: {  	s15 =	simm.s32 $0x980;
	s7 =	sor.u32 s13, s7;
	[dreg:$0x13] =	wrdreg s22  }
0x1e: {  	s9 =	sadd.s32 s5, s9;
	s4 =	sadd.s32 s5, s4;
	[dreg:$0x15] =	wrdreg s24  }
0x1f: {  	s5 =	sadd.s32 s21, s14;
	s24 =	sor.u32 $0x3, s11;
	[dreg:$0x17] =	wrdreg s25  }
0x20: {  	[dreg:$0x18] =	wrdreg s26;
	s29 =	sadd.s32 $0xFFFFFFFF, s10;
	s21 =	simm.s32 $0x480  }
0x21: {  	s22 =	simm.s32 $0x4980;
	s25 =	simm.s32 $0x3;
	s26 =	simm.s32 $0x900  }
0x22: {  	s11 =	simm.s32 $0x0;
	[dreg:$0x11] =	wrdreg s9;
	s7 =	sshrl.u32 s7, $0x3  }
0x23: {  	[dreg:$0x14] =	wrdreg s5;
	s4 =	sadd.s32 $0x25080, s4;
	s5 =	simm.s32 $0x80  }
0x24: {  	s9 =	simm.s32 $0x5;
	s6 =	sadd.s32 s6, s7;
	[dreg:$0x16] =	wrdreg s4  }
0x25: {  	s4 =	simm.s32 $0x1;
	[dreg:$0x12] =	wrdreg s6;
	s6 =	simm.s32 $0x680  }
.LBB2_1:
0x26: {  	[dreg:$0x19] =	wrdreg s11  }
0x27: {  	s7 =	rddreg [dreg:$0x18]  }
0x28: {  	s11 =	rddreg [dreg:$0xd];
	s13 =	sshrl.u32 @p0 s7, $0x3  }
0x29: {  	s7 =	simm.s32 @p0 $0x1FC7;
	[dreg:$0x1a] =	wrdreg s13  }
0x2a: {  	[spmem:s13], [sflag:s7] =	dma.local @p0 [hbm:s11], $0x2080  }
0x2b: {  	s7 =	simm.s32 @p0 $0x7  }
0x2c: {  	s11 =	stileid.u32;
	_ =	swait.ge @p0 [sflag:s7], $0x2080  }
0x2d: {  	s11 =	sshll.u32 @!p0 s11, $0x6;
	[sflag:s7] =	ssyncset.done @p0 $0x0  }
0x2e: {  	s11 =	sor.u32 @!p0 $0x1C07, s11;
	[sflag:s7] =	ssyncadd.s32 @p0 $0xFFFFDF80;
	s7 =	rddreg [dreg:$0xb]  }
0x2f: {  	[dreg:$0x1b] =	wrdreg s11  }
0x30: {  	s13 =	sshrl.u32 @!p0 s7, $0x3;
	s7 =	rddreg [dreg:$0xc]  }
0x31: {  	[dreg:$0x1c] =	wrdreg s13  }
0x32: {  	[spmem:s13], [sflag:s11] =	dma.local @!p0 [hbm:s7], $0x2780  }
0x33: {  	s7 =	simm.s32 @!p0 $0x7  }
0x34: {  	_ =	swait.ge @!p0 [sflag:s7], $0x2780  }
0x35: {  	[sflag:s7] =	ssyncset.done @!p0 $0x0  }
0x36: {  	[sflag:s7] =	ssyncadd.s32 @!p0 $0xFFFFD880  }
0x37: {  	s11 =	simm.s32 $0x0;
	s7 =	rddreg [dreg:$0x6]  }
0x38: {  	[tilespmem:s30], [sflag:$0x7] =	stream.linear.gather [hbm4b:s7+s11], $0x2780, $0x38;
	[tilespmem:$0x1EA00] =	vst v63  }
0x39: {  	_ =	swait.ge [sflag:s12], $0x2780  }
0x3a: {  	[sflag:s12] =	ssyncset.done $0x0  }
0x3b: {  	[sflag:s12] =	ssyncadd.s32 $0xFFFFD880  }
0x3c: {  	s18 =	simm.s32 $0xB100;
	s13 =	rddreg [dreg:$0x4]  }
0x3d: {  	[tilespmem:s18], [sflag:$0x7] =	stream.linear.gather [hbm4b:s13+s11], $0x80, $0x38;
	[tilespmem:$0x1EA00] =	vst v63  }
0x3e: {  	_ =	swait.ge [sflag:s12], $0x80  }
0x3f: {  	[sflag:s12] =	ssyncset.done $0x0  }
0x40: {  	[sflag:s12] =	ssyncadd.s32 $0xFFFFFF80  }
0x41: {  	[bflag:$0x0] =	sbarrier.arrive $0xFFFF  }
0x42: {  	s12 =	rddreg [dreg:$0xe]  }
0x43: {  	[tilespmem:s11], [sflag:$0x1] =	stream.linear.gather [hbm4b:s12+s11], $0x80, $0x38;
	[tilespmem:$0x1EA00] =	vst v63  }
0x44: {  	s18 =	simm.s32 $0x500;
	s13 =	rddreg [dreg:$0xf]  }
0x45: {  	[tilespmem:s18], [sflag:$0x1] =	stream.linear.gather [hbm4b:s13+s11], $0x80, $0x38;
	[tilespmem:$0x1EA00] =	vst v63  }
0x46: {  	s13 =	rddreg [dreg:$0x10];
	s18 =	simm.s32 $0x100  }
0x47: {  	[tilespmem:s18], [sflag:$0x1] =	stream.linear.gather [hbm4b:s13+s11], $0x80, $0x38;
	[tilespmem:$0x1EA00] =	vst v63  }
0x48: {  	_ =	swait.ge [sflag:s4], $0x80  }
0x49: {  	[sflag:s4] =	ssyncset.done $0x0  }
0x4a: {  	[sflag:s4] =	ssyncadd.s32 $0xFFFFFF80  }
0x4b: {  	_ =	swait.ge [sflag:s4], $0x80  }
0x4c: {  	[sflag:s4] =	ssyncset.done $0x0  }
0x4d: {  	[sflag:s4] =	ssyncadd.s32 $0xFFFFFF80  }
0x4e: {  	_ =	swait.ge [sflag:s4], $0x80  }
0x4f: {  	[sflag:s4] =	ssyncset.done $0x0  }
0x50: {  	[sflag:s4] =	ssyncadd.s32 $0xFFFFFF80  }
0x51: {  	v0 =	vld [tilespmem:$0x100]  }
0x52: {  	v1 =	vld [tilespmem:$0x500]  }
0x53: {  	v2 =	vld [tilespmem:$0x0]  }
0x54: {  	v3 =	vld [tilespmem:$0x0]  }
0x55: {  	v4 =	vld [tilespmem:$0x110]  }
0x56: {  	v5 =	vld [tilespmem:$0x510]  }
0x57: {  	v6 =	vld [tilespmem:$0x10]  }
0x58: {  	v8 =	vld [tilespmem:$0x120]  }
0x59: {  	v9 =	vld [tilespmem:$0x520]  }
0x5a: {  	v12 =	vld [tilespmem:$0x130]  }
0x5b: {  	v13 =	vld [tilespmem:$0x530]  }
0x5c: {  	v53 =	vld [tilespmem:$0x140]  }
0x5d: {  	v57 =	vld [tilespmem:$0x540]  }
0x5e: {  	v20 =	vld [tilespmem:$0x550];
	v1 =	vshll.u32 v1, $0x4  }
0x5f: {  	v18 =	vld [tilespmem:$0x150];
	v51 =	vshll.u32 v5, $0x4;
	v1 =	vadd.s32 v0, v1  }
0x60: {  	v7 =	vld [tilespmem:$0x10];
	v61 =	vshll.u32 v9, $0x4;
	v54 =	vadd.s32 v4, v51;
	[tilespmem:$0x200] =	vst v1  }
0x61: {  	v10 =	vld [tilespmem:$0x20];
	v22 =	vshll.u32 v13, $0x4;
	v15 =	vadd.s32 v8, v61;
	[tilespmem:$0x210] =	vst v54  }
0x62: {  	v11 =	vld [tilespmem:$0x20];
	v32 =	vshll.u32 v57, $0x4;
	v25 =	vadd.s32 v12, v22;
	[tilespmem:$0x220] =	vst v15  }
0x63: {  	v14 =	vld [tilespmem:$0x30];
	v2 =	vshll.u32 v2, $0x4;
	v40 =	vshll.u32 v20, $0x4;
	v34 =	vadd.s32 v53, v32;
	[tilespmem:$0x230] =	vst v25  }
0x64: {  	v50 =	vld [tilespmem:$0x30];
	v52 =	vshll.u32 v6, $0x4;
	v2 =	vadd.s32 v2, v0;
	v43 =	vadd.s32 v18, v40;
	[tilespmem:$0x240] =	vst v34  }
0x65: {  	v59 =	vld [tilespmem:$0x40];
	v56 =	vmul.u32 $0x2710, v4;
	v55 =	vadd.s32 v52, v4;
	v49 =	vadd.s32 $0x8, v2;
	[tilespmem:$0x250] =	vst v43  }
0x66: {  	v24 =	vld [tilespmem:$0x50];
	v62 =	vshll.u32 v10, $0x4;
	v58 =	vadd.s32 $0x8, v55;
	[tilespmem:$0x300] =	vst v49  }
0x67: {  	v63 =	vld [tilespmem:$0x40];
	v17 =	vmul.u32 $0x2710, v8;
	v16 =	vadd.s32 v62, v8;
	v60 =	vadd.s32 v56, v7;
	[tilespmem:$0x310] =	vst v58  }
0x68: {  	v28 =	vld [tilespmem:$0x50];
	v23 =	vshll.u32 v14, $0x4;
	v19 =	vadd.s32 $0x8, v16;
	[tilespmem:$0x410] =	vst v60  }
0x69: {  	v30 =	vld [tilespmem:$0x160];
	v27 =	vmul.u32 $0x2710, v12;
	v26 =	vadd.s32 v23, v12;
	v21 =	vadd.s32 v17, v11;
	[tilespmem:$0x320] =	vst v19  }
0x6a: {  	v33 =	vld [tilespmem:$0x560];
	v35 =	vmul.u32 $0x2710, v53;
	v29 =	vadd.s32 $0x8, v26;
	[tilespmem:$0x420] =	vst v21  }
0x6b: {  	v36 =	vld [tilespmem:$0x60];
	v41 =	vshll.u32 v24, $0x4;
	v31 =	vadd.s32 v27, v50;
	[tilespmem:$0x330] =	vst v29  }
0x6c: {  	v38 =	vld [tilespmem:$0x60];
	v0 =	vmul.u32 $0x2710, v0;
	v44 =	vadd.s32 v41, v18;
	v39 =	vadd.s32 v35, v63;
	[tilespmem:$0x430] =	vst v31  }
0x6d: {  	v42 =	vld [tilespmem:$0x570];
	v45 =	vmul.u32 $0x2710, v18;
	v47 =	vadd.s32 $0x8, v44;
	[tilespmem:$0x440] =	vst v39  }
0x6e: {  	v46 =	vld [tilespmem:$0x70];
	v0 =	vadd.s32 v0, v3;
	[tilespmem:$0x350] =	vst v47  }
0x6f: {  	v48 =	vld [tilespmem:$0x170];
	v1 =	vshll.u32 v59, $0x4;
	v50 =	vshll.u32 v33, $0x4;
	v49 =	vadd.s32 v45, v28;
	[tilespmem:$0x400] =	vst v0  }
0x70: {  	v51 =	vshll.u32 v36, $0x4;
	v1 =	vadd.s32 v1, v53;
	v52 =	vadd.s32 v30, v50;
	[tilespmem:$0x450] =	vst v49  }
0x71: {  	v54 =	vmul.u32 $0x2710, v30;
	v55 =	vld [tilespmem:$0x70];
	v53 =	vadd.s32 v51, v30;
	v37 =	vadd.s32 $0x8, v1;
	[tilespmem:$0x260] =	vst v52  }
0x72: {  	v56 =	vadd.s32 $0x8, v53;
	[tilespmem:$0x340] =	vst v37  }
0x73: {  	v59 =	vshll.u32 v46, $0x4;
	v58 =	vshll.u32 v42, $0x4;
	v57 =	vadd.s32 v54, v38;
	[tilespmem:$0x360] =	vst v56  }
0x74: {  	v2 =	vmul.u32 $0x2710, v48;
	v61 =	vadd.s32 v59, v48;
	v60 =	vadd.s32 v48, v58;
	[tilespmem:$0x460] =	vst v57  }
0x75: {  	v62 =	vadd.s32 $0x8, v61;
	[tilespmem:$0x270] =	vst v60  }
0x76: {  	[tilespmem:$0x370] =	vst v62;
	v63 =	vadd.s32 v2, v55  }
0x77: {  	s13 =	simm.s32 $0x200;
	s18 =	simm.s32 $0x700;
	[tilespmem:$0x470] =	vst v63  }
0x78: {  	[tilespmem:s18], [sflag:$0x3] =	stream.indirect.gather [hbm4b:s3+s5], $0x1, s13, s5, $0xb8;
	[tilespmem:$0x1EA00] =	vst v63  }
0x79: {  	s12 =	simm.s32 $0x300;
	s13 =	simm.s32 $0x800  }
0x7a: {  	[tilespmem:s13], [sflag:$0x3] =	stream.indirect.gather [hbm4b:s3+s5], $0x1, s12, s5, $0xb8;
	[tilespmem:$0x1EA00] =	vst v63  }
0x7b: {  	_ = 	snop  }
0x7c: {  	[tilespmem:s15], [sflag:$0x3] =	stream.indirect.gather [hbm4b:s2+s5], $0x80, s17, s5, $0xb8;
	[tilespmem:$0x1EA00] =	vst v63  }
0x7d: {  	s18 =	rddreg [dreg:$0x13]  }
0x7e: {  	[tilespmem:s5], [sflag:$0x2] =	stream.linear.gather [hbm4b:s18+s11], $0x80, $0x38;
	[tilespmem:$0x1EA00] =	vst v63  }
0x7f: {  	s12 =	rddreg [dreg:$0x14];
	s13 =	simm.s32 $0x580  }
0x80: {  	[tilespmem:s13], [sflag:$0x2] =	stream.linear.gather [hbm4b:s12+s11], $0x80, $0x38;
	[tilespmem:$0x1EA00] =	vst v63  }
0x81: {  	s7 =	simm.s32 $0x0;
	s17 =	rddreg [dreg:$0x15];
	s18 =	simm.s32 $0x180  }
0x82: {  	[tilespmem:s18], [sflag:$0x2] =	stream.linear.gather [hbm4b:s17+s11], $0x80, $0x38;
	[tilespmem:$0x1EA00] =	vst v63  }
.LBB2_2:
0x83: {  	_ =	swait.ge [sflag:s16], $0x80  }
0x84: {  	[sflag:s16] =	ssyncset.done $0x0  }
0x85: {  	[sflag:s16] =	ssyncadd.s32 $0xFFFFFF80  }
0x86: {  	_ =	swait.ge [sflag:s16], $0x80  }
0x87: {  	[sflag:s16] =	ssyncset.done $0x0  }
0x88: {  	[sflag:s16] =	ssyncadd.s32 $0xFFFFFF80  }
0x89: {  	_ =	swait.ge [sflag:s16], $0x80  }
0x8a: {  	[sflag:s16] =	ssyncset.done $0x0  }
0x8b: {  	[sflag:s16] =	ssyncadd.s32 $0xFFFFFF80  }
0x8c: {  	v0 =	vld [tilespmem:$0x180]  }
0x8d: {  	v1 =	vld [tilespmem:$0x580]  }
0x8e: {  	v2 =	vld [tilespmem:$0x80]  }
0x8f: {  	v3 =	vld [tilespmem:$0x80]  }
0x90: {  	v4 =	vld [tilespmem:$0x190]  }
0x91: {  	v5 =	vld [tilespmem:$0x590]  }
0x92: {  	v6 =	vld [tilespmem:$0x90]  }
0x93: {  	v7 =	vld [tilespmem:$0x90]  }
0x94: {  	v8 =	vld [tilespmem:$0x1A0]  }
0x95: {  	v9 =	vld [tilespmem:$0x5A0]  }
0x96: {  	v10 =	vld [tilespmem:$0xA0]  }
0x97: {  	v11 =	vld [tilespmem:$0xA0]  }
0x98: {  	v12 =	vld [tilespmem:$0x1B0];
	v1 =	vshll.u32 v1, $0x4;
	v2 =	vshll.u32 v2, $0x4  }
0x99: {  	v13 =	vld [tilespmem:$0x5B0];
	v1 =	vadd.s32 v0, v1;
	v2 =	vadd.s32 v2, v0;
	v0 =	vmul.u32 $0x2710, v0  }
0x9a: {  	v14 =	vld [tilespmem:$0xB0]  }
0x9b: {  	[tilespmem:$0x280] =	vst v1;
	v1 =	vadd.s32 $0x8, v2;
	v2 =	vld [tilespmem:$0xB0];
	v0 =	vadd.s32 v0, v3  }
0x9c: {  	[tilespmem:$0x380] =	vst v1;
	v1 =	vshll.u32 v5, $0x4;
	v3 =	vshll.u32 v6, $0x4;
	v5 =	vld [tilespmem:$0x1C0];
	v6 =	vshll.u32 v10, $0x4  }
0x9d: {  	v10 =	vld [tilespmem:$0xD0];
	[tilespmem:$0x480] =	vst v0;
	v0 =	vadd.s32 v4, v1;
	v1 =	vadd.s32 v3, v4;
	v3 =	vmul.u32 $0x2710, v4  }
0x9e: {  	v4 =	vld [tilespmem:$0x5C0];
	[tilespmem:$0x290] =	vst v0;
	v0 =	vadd.s32 $0x8, v1  }
0x9f: {  	v1 =	vld [tilespmem:$0xC0];
	[tilespmem:$0x390] =	vst v0;
	v0 =	vadd.s32 v3, v7;
	v3 =	vshll.u32 v9, $0x4  }
0xa0: {  	v7 =	vld [tilespmem:$0xC0];
	[tilespmem:$0x490] =	vst v0;
	v0 =	vadd.s32 v8, v3;
	v3 =	vadd.s32 v6, v8;
	v6 =	vmul.u32 $0x2710, v8  }
0xa1: {  	v8 =	vld [tilespmem:$0x1D0];
	[tilespmem:$0x2A0] =	vst v0;
	v0 =	vadd.s32 $0x8, v3  }
0xa2: {  	v9 =	vshll.u32 v14, $0x4;
	v3 =	vld [tilespmem:$0x5D0];
	[tilespmem:$0x3A0] =	vst v0;
	v0 =	vadd.s32 v6, v11;
	v6 =	vshll.u32 v13, $0x4  }
0xa3: {  	v11 =	vld [tilespmem:$0xD0];
	[tilespmem:$0x4A0] =	vst v0;
	v0 =	vadd.s32 v12, v6;
	v6 =	vadd.s32 v9, v12;
	v9 =	vmul.u32 $0x2710, v12  }
0xa4: {  	[tilespmem:$0x2B0] =	vst v0;
	v0 =	vadd.s32 $0x8, v6;
	v6 =	vld [tilespmem:$0x1E0]  }
0xa5: {  	v1 =	vshll.u32 v1, $0x4;
	[tilespmem:$0x3B0] =	vst v0;
	v0 =	vadd.s32 v9, v2;
	v2 =	vshll.u32 v4, $0x4;
	v4 =	vld [tilespmem:$0x5E0]  }
0xa6: {  	v1 =	vadd.s32 v1, v5;
	[tilespmem:$0x4B0] =	vst v0;
	v0 =	vadd.s32 v5, v2;
	v2 =	vmul.u32 $0x2710, v5;
	v5 =	vld [tilespmem:$0xE0]  }
0xa7: {  	[tilespmem:$0x2C0] =	vst v0;
	v0 =	vadd.s32 $0x8, v1;
	v1 =	vld [tilespmem:$0xE0]  }
0xa8: {  	[tilespmem:$0x3C0] =	vst v0;
	v0 =	vadd.s32 v2, v7;
	v2 =	vshll.u32 v3, $0x4;
	v3 =	vshll.u32 v10, $0x4;
	v7 =	vld [tilespmem:$0x5F0]  }
0xa9: {  	[tilespmem:$0x4C0] =	vst v0;
	v0 =	vadd.s32 v8, v2;
	v2 =	vadd.s32 v3, v8;
	v3 =	vmul.u32 $0x2710, v8;
	v8 =	vld [tilespmem:$0xF0]  }
0xaa: {  	[tilespmem:$0x2D0] =	vst v0;
	v0 =	vadd.s32 $0x8, v2;
	v2 =	vld [tilespmem:$0x1F0]  }
0xab: {  	[tilespmem:$0x3D0] =	vst v0;
	v0 =	vadd.s32 v3, v11;
	v3 =	vshll.u32 v4, $0x4;
	v4 =	vshll.u32 v5, $0x4  }
0xac: {  	v5 =	vld [tilespmem:$0xF0];
	[tilespmem:$0x4D0] =	vst v0;
	v0 =	vadd.s32 v6, v3;
	v3 =	vadd.s32 v4, v6;
	v4 =	vmul.u32 $0x2710, v6  }
0xad: {  	[tilespmem:$0x2E0] =	vst v0;
	v0 =	vadd.s32 $0x8, v3  }
0xae: {  	[tilespmem:$0x3E0] =	vst v0;
	v0 =	vadd.s32 v4, v1;
	v1 =	vshll.u32 v7, $0x4;
	v3 =	vshll.u32 v8, $0x4  }
0xaf: {  	[tilespmem:$0x4E0] =	vst v0;
	v0 =	vadd.s32 v2, v1;
	v1 =	vadd.s32 v3, v2;
	v2 =	vmul.u32 $0x2710, v2  }
0xb0: {  	[tilespmem:$0x2F0] =	vst v0;
	v0 =	vadd.s32 $0x8, v1  }
0xb1: {  	p1 =	seq.s32 s7, $0x0;
	[tilespmem:$0x3F0] =	vst v0;
	v0 =	vadd.s32 v2, v5  }
0xb2: {  	s11 =	simm.s32 @!p1 $0x6;
	[tilespmem:$0x4F0] =	vst v0  }
0xb3: {  	_ =	swait.ge @!p1 [sflag:s11], $0x4000  }
0xb4: {  	[sflag:s11] =	ssyncset.done @!p1 $0x0  }
0xb5: {  	s18 =	simm.s32 $0x280;
	s12 =	simm.s32 $0x780;
	[sflag:s11] =	ssyncadd.s32 @!p1 $0xFFFFC000  }
0xb6: {  	[tilespmem:s12], [sflag:$0x4] =	stream.indirect.gather [hbm4b:s3+s5], $0x1, s18, s5, $0xb8;
	[tilespmem:$0x1EA00] =	vst v63  }
0xb7: {  	_ = 	snop  }
0xb8: {  	[tilespmem:s20], [sflag:$0x4] =	stream.indirect.gather [hbm4b:s3+s5], $0x1, s19, s5, $0xb8;
	[tilespmem:$0x1EA00] =	vst v63  }
0xb9: {  	_ = 	snop  }
0xba: {  	[tilespmem:s22], [sflag:$0x4] =	stream.indirect.gather [hbm4b:s2+s5], $0x80, s21, s5, $0xb8;
	[tilespmem:$0x1EA00] =	vst v63  }
0xbb: {  	_ =	swait.ge [sflag:s25], $0x80  }
0xbc: {  	[sflag:s25] =	ssyncset.done $0x0  }
0xbd: {  	[sflag:s25] =	ssyncadd.s32 $0xFFFFFF80  }
0xbe: {  	_ =	swait.ge [sflag:s25], $0x80  }
0xbf: {  	[sflag:s25] =	ssyncset.done $0x0  }
0xc0: {  	[sflag:s25] =	ssyncadd.s32 $0xFFFFFF80  }
0xc1: {  	_ =	swait.ge [sflag:s25], $0x4000  }
0xc2: {  	[sflag:s25] =	ssyncset.done $0x0  }
0xc3: {  	[sflag:s25] =	ssyncadd.s32 $0xFFFFC000  }
0xc4: {  	v0 =	vld [tilespmem:$0x700]  }
0xc5: {  	v1 =	vld [tilespmem:$0x800];
	_ =	sdelay $0x4  }
0xc6: {  	v2 =	vld [tilespmem:$0xB100];
	v0 =	vadd.f32 v1, v0;
	_ =	sdelay $0x1  }
0xc7: {  	v1 =	vmul.f32 $2.000000030e-01, v0;
	_ =	sdelay $0x1  }
0xc8: {  	v0 =	vmax.f32 v0, v1  }
0xc9: {  	v0 =	vsub.f32 v0, v2;
	_ =	sdelay $0x1  }
0xca: {  	v0 =	vmul.f32 $1.442695020e+00, v0;
	_ =	sdelay $0x1  }
0xcb: {  	(erf) = vpow2.f32 v0;
	_ =	sdelay $0x2  }
0xcc: {  	v0 =	vld [tilespmem:$0x500];
	_ =	sdelay $0x5  }
0xcd: {  	v1 =	vpop (erf)  }
0xce: {  	[tilespmem:$0x900] =	vst v1  }
0xcf: {  	[tilespmem:v0+s30+$0x0] =	vst.idx.add.f32.msk $0xffff, v1  }
0xd0: {  	v1 =	vld [tilespmem:$0x710]  }
0xd1: {  	v3 =	vld [tilespmem:$0x810];
	_ =	sdelay $0x4  }
0xd2: {  	v1 =	vadd.f32 v3, v1;
	_ =	sdelay $0x1  }
0xd3: {  	v3 =	vmul.f32 $2.000000030e-01, v1;
	_ =	sdelay $0x1  }
0xd4: {  	v1 =	vmax.f32 v1, v3  }
0xd5: {  	v1 =	vsub.f32 v1, v2;
	_ =	sdelay $0x1  }
0xd6: {  	v1 =	vmul.f32 $1.442695020e+00, v1;
	_ =	sdelay $0x1  }
0xd7: {  	(erf) = vpow2.f32 v1;
	_ =	sdelay $0x2  }
0xd8: {  	v1 =	vld [tilespmem:$0x510];
	_ =	sdelay $0x5  }
0xd9: {  	[tilespmem:$0x600] =	vst v0;
	v0 =	vpop (erf)  }
0xda: {  	[tilespmem:$0x910] =	vst v0  }
0xdb: {  	[tilespmem:v1+s30+$0x0] =	vst.idx.add.f32.msk $0xffff, v0  }
0xdc: {  	v0 =	vld [tilespmem:$0x720]  }
0xdd: {  	v3 =	vld [tilespmem:$0x820];
	_ =	sdelay $0x4  }
0xde: {  	v0 =	vadd.f32 v3, v0;
	_ =	sdelay $0x1  }
0xdf: {  	v3 =	vmul.f32 $2.000000030e-01, v0;
	_ =	sdelay $0x1  }
0xe0: {  	v0 =	vmax.f32 v0, v3  }
0xe1: {  	v0 =	vsub.f32 v0, v2;
	_ =	sdelay $0x1  }
0xe2: {  	v0 =	vmul.f32 $1.442695020e+00, v0;
	_ =	sdelay $0x1  }
0xe3: {  	(erf) = vpow2.f32 v0;
	_ =	sdelay $0x2  }
0xe4: {  	v0 =	vld [tilespmem:$0x520];
	_ =	sdelay $0x5  }
0xe5: {  	[tilespmem:$0x610] =	vst v1;
	v1 =	vpop (erf)  }
0xe6: {  	[tilespmem:$0x920] =	vst v1  }
0xe7: {  	[tilespmem:v0+s30+$0x0] =	vst.idx.add.f32.msk $0xffff, v1  }
0xe8: {  	v1 =	vld [tilespmem:$0x730]  }
0xe9: {  	v3 =	vld [tilespmem:$0x830];
	_ =	sdelay $0x4  }
0xea: {  	v1 =	vadd.f32 v3, v1;
	_ =	sdelay $0x1  }
0xeb: {  	v3 =	vmul.f32 $2.000000030e-01, v1;
	_ =	sdelay $0x1  }
0xec: {  	v1 =	vmax.f32 v1, v3  }
0xed: {  	v1 =	vsub.f32 v1, v2;
	_ =	sdelay $0x1  }
0xee: {  	v1 =	vmul.f32 $1.442695020e+00, v1;
	_ =	sdelay $0x1  }
0xef: {  	(erf) = vpow2.f32 v1;
	_ =	sdelay $0x2  }
0xf0: {  	v1 =	vld [tilespmem:$0x530];
	_ =	sdelay $0x5  }
0xf1: {  	[tilespmem:$0x620] =	vst v0;
	v0 =	vpop (erf)  }
0xf2: {  	[tilespmem:$0x930] =	vst v0  }
0xf3: {  	[tilespmem:v1+s30+$0x0] =	vst.idx.add.f32.msk $0xffff, v0  }
0xf4: {  	v0 =	vld [tilespmem:$0x740]  }
0xf5: {  	v3 =	vld [tilespmem:$0x840];
	_ =	sdelay $0x4  }
0xf6: {  	v0 =	vadd.f32 v3, v0;
	_ =	sdelay $0x1  }
0xf7: {  	v3 =	vmul.f32 $2.000000030e-01, v0;
	_ =	sdelay $0x1  }
0xf8: {  	v0 =	vmax.f32 v0, v3  }
0xf9: {  	v0 =	vsub.f32 v0, v2;
	_ =	sdelay $0x1  }
0xfa: {  	v0 =	vmul.f32 $1.442695020e+00, v0;
	_ =	sdelay $0x1  }
0xfb: {  	(erf) = vpow2.f32 v0;
	_ =	sdelay $0x2  }
0xfc: {  	v0 =	vld [tilespmem:$0x540];
	_ =	sdelay $0x5  }
0xfd: {  	[tilespmem:$0x630] =	vst v1;
	v1 =	vpop (erf)  }
0xfe: {  	[tilespmem:$0x940] =	vst v1  }
0xff: {  	[tilespmem:v0+s30+$0x0] =	vst.idx.add.f32.msk $0xffff, v1  }
0x100: {  	v1 =	vld [tilespmem:$0x750]  }
0x101: {  	v3 =	vld [tilespmem:$0x850];
	_ =	sdelay $0x4  }
0x102: {  	v1 =	vadd.f32 v3, v1;
	_ =	sdelay $0x1  }
0x103: {  	v3 =	vmul.f32 $2.000000030e-01, v1;
	_ =	sdelay $0x1  }
0x104: {  	v1 =	vmax.f32 v1, v3  }
0x105: {  	v1 =	vsub.f32 v1, v2;
	_ =	sdelay $0x1  }
0x106: {  	v1 =	vmul.f32 $1.442695020e+00, v1;
	_ =	sdelay $0x1  }
0x107: {  	(erf) = vpow2.f32 v1;
	_ =	sdelay $0x2  }
0x108: {  	v1 =	vld [tilespmem:$0x550];
	_ =	sdelay $0x5  }
0x109: {  	[tilespmem:$0x640] =	vst v0;
	v0 =	vpop (erf)  }
0x10a: {  	[tilespmem:$0x950] =	vst v0  }
0x10b: {  	[tilespmem:v1+s30+$0x0] =	vst.idx.add.f32.msk $0xffff, v0  }
0x10c: {  	v0 =	vld [tilespmem:$0x760]  }
0x10d: {  	v3 =	vld [tilespmem:$0x860];
	_ =	sdelay $0x4  }
0x10e: {  	v0 =	vadd.f32 v3, v0;
	_ =	sdelay $0x1  }
0x10f: {  	v3 =	vmul.f32 $2.000000030e-01, v0;
	_ =	sdelay $0x1  }
0x110: {  	v0 =	vmax.f32 v0, v3  }
0x111: {  	v0 =	vsub.f32 v0, v2;
	_ =	sdelay $0x1  }
0x112: {  	v0 =	vmul.f32 $1.442695020e+00, v0;
	_ =	sdelay $0x1  }
0x113: {  	(erf) = vpow2.f32 v0;
	_ =	sdelay $0x2  }
0x114: {  	v0 =	vld [tilespmem:$0x560];
	_ =	sdelay $0x5  }
0x115: {  	[tilespmem:$0x650] =	vst v1;
	v1 =	vpop (erf)  }
0x116: {  	[tilespmem:$0x960] =	vst v1  }
0x117: {  	[tilespmem:v0+s30+$0x0] =	vst.idx.add.f32.msk $0xffff, v1  }
0x118: {  	v1 =	vld [tilespmem:$0x770]  }
0x119: {  	v3 =	vld [tilespmem:$0x870];
	_ =	sdelay $0x4  }
0x11a: {  	v1 =	vadd.f32 v3, v1;
	_ =	sdelay $0x1  }
0x11b: {  	v3 =	vmul.f32 $2.000000030e-01, v1;
	_ =	sdelay $0x1  }
0x11c: {  	v1 =	vmax.f32 v1, v3  }
0x11d: {  	v1 =	vsub.f32 v1, v2;
	_ =	sdelay $0x1  }
0x11e: {  	v1 =	vmul.f32 $1.442695020e+00, v1;
	_ =	sdelay $0x1  }
0x11f: {  	(erf) = vpow2.f32 v1;
	_ =	sdelay $0x2  }
0x120: {  	v1 =	vld [tilespmem:$0x570];
	_ =	sdelay $0x5  }
0x121: {  	s11 =	sshll.u32 s7, $0x1;
	p1 =	sge.s32 s7, s29;
	[tilespmem:$0x660] =	vst v0;
	v0 =	vpop (erf)  }
0x122: {  	s12 =	sadd.s32 @!p1 s11, s23;
	[tilespmem:$0x970] =	vst v0  }
0x123: {  	s13 =	sshll.u32 @!p1 s12, $0x5;
	[tilespmem:v1+s30+$0x0] =	vst.idx.add.f32.msk $0xffff, v0  }
0x124: {  	s18 =	simm.s32 @!p1 $0x0;
	s17 =	sadd.s32 @!p1 s0, s13;
	[tilespmem:$0x670] =	vst v1  }
0x125: {  	[tilespmem:s18], [sflag:$0x1] =	stream.linear.gather @!p1 [hbm4b:s17+s18], $0x80, $0x38;
	[tilespmem:$0x1EA00] =	vst v63  }
0x126: {  	s12 =	sshll.u32 @!p1 s12, $0x4;
	s13 =	sadd.s32 @!p1 s13, s14;
	s17 =	simm.s32 @!p1 $0x500  }
0x127: {  	[tilespmem:s17], [sflag:$0x1] =	stream.linear.gather @!p1 [hbm4b:s13+s18], $0x80, $0x38;
	[tilespmem:$0x1EA00] =	vst v63  }
0x128: {  	s12 =	sadd.s32 @!p1 s1, s12;
	s13 =	simm.s32 @!p1 $0x100;
	s17 =	simm.s32 $0x0  }
0x129: {  	v0 =	vmov s17;
	[tilespmem:s13], [sflag:$0x1] =	stream.linear.gather @!p1 [hbm4b:s12+s18], $0x80, $0x38;
	[tilespmem:$0x1EA00] =	vst v63  }
0x12a: {  	s12 =	simm.s32 $0x9C0  }
0x12b: {  	v4 =	vld [tilespmem:s12+$0x30]  }
0x12c: {  	v7 =	vld [tilespmem:s12+$0x10]  }
0x12d: {  	v5 =	vld [tilespmem:s12+$0xFFFFFFC0]  }
0x12e: {  	v1 =	vld.idx.msk [tilespmem:v0+s26+$0x0], $0xffff  }
0x12f: {  	v9 =	vld [tilespmem:s12+$0xFFFFFFE0]  }
0x130: {  	v2 =	vld [tilespmem:s12+$0x20]  }
0x131: {  	v3 =	vld [tilespmem:s12+$0xFFFFFFD0]  }
0x132: {  	v0 =	vld [tilespmem:s12+$0xFFFFFFF0]  }
0x133: {  	v8 =	vmul.f32 v4, v1;
	v4 =	vld [tilespmem:s12+$0x0]  }
0x134: {  	v6 =	vmul.f32 v5, v1  }
0x135: {  	s17 =	simm.s32 $0x9C0;
	s13 =	simm.s32 $0x1;
	v5 =	vmul.f32 v9, v1;
	v7 =	vmul.f32 v7, v1  }
.LBB2_3:
0x136: {  	p2 =	sne.s32 s13, $0x7F  }
0x137: {  	v3 =	vmul.f32 v3, v1;
	v2 =	vmul.f32 v2, v1;
	[tilespmem:s12+$0x30] =	vst v8;
	s17 =	sadd.s32 $0x80, s17;
	s18 =	smov.u32 s13;
	s13 =	sadd.s32 $0x1, s13  }
0x138: {  	[tilespmem:s12+$0xFFFFFFC0] =	vst v6;
	v6 =	vmul.f32 v0, v1;
	v1 =	vmul.f32 v4, v1  }
0x139: {  	[tilespmem:s12+$0x10] =	vst v7  }
0x13a: {  	v4 =	vmov s18;
	[tilespmem:s12+$0xFFFFFFE0] =	vst v5  }
0x13b: {  	v0 =	vld [tilespmem:s17+$0xFFFFFFF0];
	[tilespmem:s12+$0xFFFFFFF0] =	vst v6  }
0x13c: {  	v5 =	vld [tilespmem:s17+$0x30];
	[tilespmem:s12+$0x0] =	vst v1  }
0x13d: {  	v7 =	vld [tilespmem:s17+$0x10];
	[tilespmem:s12+$0x20] =	vst v2  }
0x13e: {  	v6 =	vld [tilespmem:s17+$0xFFFFFFC0];
	[tilespmem:s12+$0xFFFFFFD0] =	vst v3;
	s12 =	smov.u32 s17  }
0x13f: {  	v1 =	vld.idx.msk [tilespmem:v4+s26+$0x0], $0xffff  }
0x140: {  	v9 =	vld [tilespmem:s17+$0xFFFFFFE0]  }
0x141: {  	v2 =	vld [tilespmem:s17+$0x20]  }
.Ltmp0:
0x142: {  	v3 =	vld [tilespmem:s17+$0xFFFFFFD0];
	(pc) =	sbr.rel @p2 .LBB2_3-.Ltmp0, $3  }
0x143: {  	v4 =	vld [tilespmem:s17+$0x0];
	_ =	sdelay $0x1  }
0x144: {  	v6 =	vmul.f32 v6, v1;
	v8 =	vmul.f32 v5, v1  }
0x145: {  	v7 =	vmul.f32 v7, v1;
	v5 =	vmul.f32 v9, v1  }
0x146: {  	[tilespmem:s12+$0x30] =	vst v8  }
0x147: {  	[tilespmem:s12+$0xFFFFFFC0] =	vst v6  }
0x148: {  	v0 =	vmul.f32 v0, v1;
	[tilespmem:s12+$0x10] =	vst v7  }
0x149: {  	v2 =	vmul.f32 v2, v1;
	[tilespmem:s12+$0xFFFFFFE0] =	vst v5  }
.Ltmp1:
0x14a: {  	v63 =	vmul.f32 v3, v1;
	[tilespmem:s12+$0xFFFFFFF0] =	vst v0;
	(pc) =	sbr.rel @p1 .LBB2_6-.Ltmp1, $4  }
0x14b: {  	v4 =	vmul.f32 v4, v1;
	[tilespmem:s12+$0x20] =	vst v2  }
0x14c: {  	[tilespmem:s12+$0xFFFFFFD0] =	vst v63  }
0x14d: {  	[tilespmem:s12+$0x0] =	vst v4  }
0x14e: {  	[spmem:s8] =	stream.indirect.scatter.add.f32 [tilespmem:s15], [sflag:$0x5], $0x80, s28, s5, $0xb8;
	[tilespmem:$0x1EA00] =	vst v63  }
0x14f: {  	_ =	swait.ge [sflag:s4], $0x80  }
0x150: {  	[sflag:s4] =	ssyncset.done $0x0  }
0x151: {  	[sflag:s4] =	ssyncadd.s32 $0xFFFFFF80  }
0x152: {  	_ =	swait.ge [sflag:s4], $0x80  }
0x153: {  	[sflag:s4] =	ssyncset.done $0x0  }
0x154: {  	[sflag:s4] =	ssyncadd.s32 $0xFFFFFF80  }
0x155: {  	_ =	swait.ge [sflag:s4], $0x80  }
0x156: {  	[sflag:s4] =	ssyncset.done $0x0  }
0x157: {  	[sflag:s4] =	ssyncadd.s32 $0xFFFFFF80  }
0x158: {  	v0 =	vld [tilespmem:$0x100]  }
0x159: {  	v1 =	vld [tilespmem:$0x500]  }
0x15a: {  	v2 =	vld [tilespmem:$0x0]  }
0x15b: {  	v3 =	vld [tilespmem:$0x0]  }
0x15c: {  	v4 =	vld [tilespmem:$0x110]  }
0x15d: {  	v5 =	vld [tilespmem:$0x510]  }
0x15e: {  	v6 =	vld [tilespmem:$0x10]  }
0x15f: {  	v8 =	vld [tilespmem:$0x120]  }
0x160: {  	v9 =	vld [tilespmem:$0x520]  }
0x161: {  	v12 =	vld [tilespmem:$0x130]  }
0x162: {  	v13 =	vld [tilespmem:$0x530]  }
0x163: {  	v53 =	vld [tilespmem:$0x140]  }
0x164: {  	v57 =	vld [tilespmem:$0x540]  }
0x165: {  	v20 =	vld [tilespmem:$0x550];
	v1 =	vshll.u32 v1, $0x4  }
0x166: {  	v18 =	vld [tilespmem:$0x150];
	v51 =	vshll.u32 v5, $0x4;
	v1 =	vadd.s32 v0, v1  }
0x167: {  	v7 =	vld [tilespmem:$0x10];
	v61 =	vshll.u32 v9, $0x4;
	v54 =	vadd.s32 v4, v51;
	[tilespmem:$0x200] =	vst v1  }
0x168: {  	v10 =	vld [tilespmem:$0x20];
	v22 =	vshll.u32 v13, $0x4;
	v15 =	vadd.s32 v8, v61;
	[tilespmem:$0x210] =	vst v54  }
0x169: {  	v11 =	vld [tilespmem:$0x20];
	v32 =	vshll.u32 v57, $0x4;
	v25 =	vadd.s32 v12, v22;
	[tilespmem:$0x220] =	vst v15  }
0x16a: {  	v14 =	vld [tilespmem:$0x30];
	v2 =	vshll.u32 v2, $0x4;
	v40 =	vshll.u32 v20, $0x4;
	v34 =	vadd.s32 v53, v32;
	[tilespmem:$0x230] =	vst v25  }
0x16b: {  	v50 =	vld [tilespmem:$0x30];
	v52 =	vshll.u32 v6, $0x4;
	v2 =	vadd.s32 v2, v0;
	v43 =	vadd.s32 v18, v40;
	[tilespmem:$0x240] =	vst v34  }
0x16c: {  	v59 =	vld [tilespmem:$0x40];
	v56 =	vmul.u32 $0x2710, v4;
	v55 =	vadd.s32 v52, v4;
	v49 =	vadd.s32 $0x8, v2;
	[tilespmem:$0x250] =	vst v43  }
0x16d: {  	v24 =	vld [tilespmem:$0x50];
	v62 =	vshll.u32 v10, $0x4;
	v58 =	vadd.s32 $0x8, v55;
	[tilespmem:$0x300] =	vst v49  }
0x16e: {  	v63 =	vld [tilespmem:$0x40];
	v17 =	vmul.u32 $0x2710, v8;
	v16 =	vadd.s32 v62, v8;
	v60 =	vadd.s32 v56, v7;
	[tilespmem:$0x310] =	vst v58  }
0x16f: {  	v28 =	vld [tilespmem:$0x50];
	v23 =	vshll.u32 v14, $0x4;
	v19 =	vadd.s32 $0x8, v16;
	[tilespmem:$0x410] =	vst v60  }
0x170: {  	v30 =	vld [tilespmem:$0x160];
	v27 =	vmul.u32 $0x2710, v12;
	v26 =	vadd.s32 v23, v12;
	v21 =	vadd.s32 v17, v11;
	[tilespmem:$0x320] =	vst v19  }
0x171: {  	v33 =	vld [tilespmem:$0x560];
	v35 =	vmul.u32 $0x2710, v53;
	v29 =	vadd.s32 $0x8, v26;
	[tilespmem:$0x420] =	vst v21  }
0x172: {  	v36 =	vld [tilespmem:$0x60];
	v41 =	vshll.u32 v24, $0x4;
	v31 =	vadd.s32 v27, v50;
	[tilespmem:$0x330] =	vst v29  }
0x173: {  	v38 =	vld [tilespmem:$0x60];
	v0 =	vmul.u32 $0x2710, v0;
	v44 =	vadd.s32 v41, v18;
	v39 =	vadd.s32 v35, v63;
	[tilespmem:$0x430] =	vst v31  }
0x174: {  	v42 =	vld [tilespmem:$0x570];
	v45 =	vmul.u32 $0x2710, v18;
	v47 =	vadd.s32 $0x8, v44;
	[tilespmem:$0x440] =	vst v39  }
0x175: {  	v46 =	vld [tilespmem:$0x70];
	v0 =	vadd.s32 v0, v3;
	[tilespmem:$0x350] =	vst v47  }
0x176: {  	v48 =	vld [tilespmem:$0x170];
	v1 =	vshll.u32 v59, $0x4;
	v50 =	vshll.u32 v33, $0x4;
	v49 =	vadd.s32 v45, v28;
	[tilespmem:$0x400] =	vst v0  }
0x177: {  	v51 =	vshll.u32 v36, $0x4;
	v1 =	vadd.s32 v1, v53;
	v52 =	vadd.s32 v30, v50;
	[tilespmem:$0x450] =	vst v49  }
0x178: {  	v54 =	vmul.u32 $0x2710, v30;
	v55 =	vld [tilespmem:$0x70];
	v53 =	vadd.s32 v51, v30;
	v37 =	vadd.s32 $0x8, v1;
	[tilespmem:$0x260] =	vst v52  }
0x179: {  	v56 =	vadd.s32 $0x8, v53;
	[tilespmem:$0x340] =	vst v37  }
0x17a: {  	v59 =	vshll.u32 v46, $0x4;
	v58 =	vshll.u32 v42, $0x4;
	v57 =	vadd.s32 v54, v38;
	[tilespmem:$0x360] =	vst v56  }
0x17b: {  	v2 =	vmul.u32 $0x2710, v48;
	v61 =	vadd.s32 v59, v48;
	v60 =	vadd.s32 v48, v58;
	[tilespmem:$0x460] =	vst v57  }
0x17c: {  	v62 =	vadd.s32 $0x8, v61;
	[tilespmem:$0x270] =	vst v60  }
0x17d: {  	[tilespmem:$0x370] =	vst v62;
	v63 =	vadd.s32 v2, v55  }
0x17e: {  	[tilespmem:$0x470] =	vst v63  }
0x17f: {  	_ =	swait.ge [sflag:s9], $0x4000  }
0x180: {  	[sflag:s9] =	ssyncset.done $0x0  }
0x181: {  	s12 =	simm.s32 $0x200;
	s13 =	simm.s32 $0x700;
	[sflag:s9] =	ssyncadd.s32 $0xFFFFC000  }
0x182: {  	[tilespmem:s13], [sflag:$0x3] =	stream.indirect.gather [hbm4b:s3+s5], $0x1, s12, s5, $0xb8;
	[tilespmem:$0x1EA00] =	vst v63  }
.Ltmp2:
0x183: {  	_ = 	snop;
	(pc) =	sbr.rel .LBB2_7-.Ltmp2, $4  }
0x184: {  	s17 =	simm.s32 $0x800;
	s13 =	simm.s32 $0x300  }
0x185: {  	[tilespmem:s17], [sflag:$0x3] =	stream.indirect.gather [hbm4b:s3+s5], $0x1, s13, s5, $0xb8;
	[tilespmem:$0x1EA00] =	vst v63  }
0x186: {  	s18 =	simm.s32 $0x400  }
0x187: {  	[tilespmem:s15], [sflag:$0x3] =	stream.indirect.gather [hbm4b:s2+s5], $0x80, s18, s5, $0xb8;
	[tilespmem:$0x1EA00] =	vst v63  }
.LBB2_6:
0x188: {  	_ =	swait.ge [sflag:s9], $0x4000  }
0x189: {  	[sflag:s9] =	ssyncset.done $0x0  }
0x18a: {  	[sflag:s9] =	ssyncadd.s32 $0xFFFFC000  }
.LBB2_7:
0x18b: {  	_ =	swait.ge [sflag:s31], $0x80  }
0x18c: {  	[sflag:s31] =	ssyncset.done $0x0  }
0x18d: {  	[sflag:s31] =	ssyncadd.s32 $0xFFFFFF80  }
0x18e: {  	_ =	swait.ge [sflag:s31], $0x80  }
0x18f: {  	[sflag:s31] =	ssyncset.done $0x0  }
0x190: {  	[sflag:s31] =	ssyncadd.s32 $0xFFFFFF80  }
0x191: {  	_ =	swait.ge [sflag:s31], $0x4000  }
0x192: {  	[sflag:s31] =	ssyncset.done $0x0  }
0x193: {  	[sflag:s31] =	ssyncadd.s32 $0xFFFFC000  }
0x194: {  	v0 =	vld [tilespmem:$0x780]  }
0x195: {  	v1 =	vld [tilespmem:$0x880];
	_ =	sdelay $0x4  }
0x196: {  	v2 =	vld [tilespmem:$0xB100];
	v0 =	vadd.f32 v1, v0;
	_ =	sdelay $0x1  }
0x197: {  	v1 =	vmul.f32 $2.000000030e-01, v0;
	_ =	sdelay $0x1  }
0x198: {  	v0 =	vmax.f32 v0, v1  }
0x199: {  	v0 =	vsub.f32 v0, v2;
	_ =	sdelay $0x1  }
0x19a: {  	v0 =	vmul.f32 $1.442695020e+00, v0;
	_ =	sdelay $0x1  }
0x19b: {  	(erf) = vpow2.f32 v0;
	_ =	sdelay $0x2  }
0x19c: {  	v0 =	vld [tilespmem:$0x580];
	_ =	sdelay $0x5  }
0x19d: {  	v1 =	vpop (erf)  }
0x19e: {  	[tilespmem:$0x900] =	vst v1  }
0x19f: {  	[tilespmem:v0+s30+$0x0] =	vst.idx.add.f32.msk $0xffff, v1  }
0x1a0: {  	v1 =	vld [tilespmem:$0x790]  }
0x1a1: {  	v3 =	vld [tilespmem:$0x890];
	_ =	sdelay $0x4  }
0x1a2: {  	v1 =	vadd.f32 v3, v1;
	_ =	sdelay $0x1  }
0x1a3: {  	v3 =	vmul.f32 $2.000000030e-01, v1;
	_ =	sdelay $0x1  }
0x1a4: {  	v1 =	vmax.f32 v1, v3  }
0x1a5: {  	v1 =	vsub.f32 v1, v2;
	_ =	sdelay $0x1  }
0x1a6: {  	v1 =	vmul.f32 $1.442695020e+00, v1;
	_ =	sdelay $0x1  }
0x1a7: {  	(erf) = vpow2.f32 v1;
	_ =	sdelay $0x2  }
0x1a8: {  	v1 =	vld [tilespmem:$0x590];
	_ =	sdelay $0x5  }
0x1a9: {  	[tilespmem:$0x680] =	vst v0;
	v0 =	vpop (erf)  }
0x1aa: {  	[tilespmem:$0x910] =	vst v0  }
0x1ab: {  	[tilespmem:v1+s30+$0x0] =	vst.idx.add.f32.msk $0xffff, v0  }
0x1ac: {  	v0 =	vld [tilespmem:$0x7A0]  }
0x1ad: {  	v3 =	vld [tilespmem:$0x8A0];
	_ =	sdelay $0x4  }
0x1ae: {  	v0 =	vadd.f32 v3, v0;
	_ =	sdelay $0x1  }
0x1af: {  	v3 =	vmul.f32 $2.000000030e-01, v0;
	_ =	sdelay $0x1  }
0x1b0: {  	v0 =	vmax.f32 v0, v3  }
0x1b1: {  	v0 =	vsub.f32 v0, v2;
	_ =	sdelay $0x1  }
0x1b2: {  	v0 =	vmul.f32 $1.442695020e+00, v0;
	_ =	sdelay $0x1  }
0x1b3: {  	(erf) = vpow2.f32 v0;
	_ =	sdelay $0x2  }
0x1b4: {  	v0 =	vld [tilespmem:$0x5A0];
	_ =	sdelay $0x5  }
0x1b5: {  	[tilespmem:$0x690] =	vst v1;
	v1 =	vpop (erf)  }
0x1b6: {  	[tilespmem:$0x920] =	vst v1  }
0x1b7: {  	[tilespmem:v0+s30+$0x0] =	vst.idx.add.f32.msk $0xffff, v1  }
0x1b8: {  	v1 =	vld [tilespmem:$0x7B0]  }
0x1b9: {  	v3 =	vld [tilespmem:$0x8B0];
	_ =	sdelay $0x4  }
0x1ba: {  	v1 =	vadd.f32 v3, v1;
	_ =	sdelay $0x1  }
0x1bb: {  	v3 =	vmul.f32 $2.000000030e-01, v1;
	_ =	sdelay $0x1  }
0x1bc: {  	v1 =	vmax.f32 v1, v3  }
0x1bd: {  	v1 =	vsub.f32 v1, v2;
	_ =	sdelay $0x1  }
0x1be: {  	v1 =	vmul.f32 $1.442695020e+00, v1;
	_ =	sdelay $0x1  }
0x1bf: {  	(erf) = vpow2.f32 v1;
	_ =	sdelay $0x2  }
0x1c0: {  	v1 =	vld [tilespmem:$0x5B0];
	_ =	sdelay $0x5  }
0x1c1: {  	[tilespmem:$0x6A0] =	vst v0;
	v0 =	vpop (erf)  }
0x1c2: {  	[tilespmem:$0x930] =	vst v0  }
0x1c3: {  	[tilespmem:v1+s30+$0x0] =	vst.idx.add.f32.msk $0xffff, v0  }
0x1c4: {  	v0 =	vld [tilespmem:$0x7C0]  }
0x1c5: {  	v3 =	vld [tilespmem:$0x8C0];
	_ =	sdelay $0x4  }
0x1c6: {  	v0 =	vadd.f32 v3, v0;
	_ =	sdelay $0x1  }
0x1c7: {  	v3 =	vmul.f32 $2.000000030e-01, v0;
	_ =	sdelay $0x1  }
0x1c8: {  	v0 =	vmax.f32 v0, v3  }
0x1c9: {  	v0 =	vsub.f32 v0, v2;
	_ =	sdelay $0x1  }
0x1ca: {  	v0 =	vmul.f32 $1.442695020e+00, v0;
	_ =	sdelay $0x1  }
0x1cb: {  	(erf) = vpow2.f32 v0;
	_ =	sdelay $0x2  }
0x1cc: {  	v0 =	vld [tilespmem:$0x5C0];
	_ =	sdelay $0x5  }
0x1cd: {  	[tilespmem:$0x6B0] =	vst v1;
	v1 =	vpop (erf)  }
0x1ce: {  	[tilespmem:$0x940] =	vst v1  }
0x1cf: {  	[tilespmem:v0+s30+$0x0] =	vst.idx.add.f32.msk $0xffff, v1  }
0x1d0: {  	v1 =	vld [tilespmem:$0x7D0]  }
0x1d1: {  	v3 =	vld [tilespmem:$0x8D0];
	_ =	sdelay $0x4  }
0x1d2: {  	v1 =	vadd.f32 v3, v1;
	_ =	sdelay $0x1  }
0x1d3: {  	v3 =	vmul.f32 $2.000000030e-01, v1;
	_ =	sdelay $0x1  }
0x1d4: {  	v1 =	vmax.f32 v1, v3  }
0x1d5: {  	v1 =	vsub.f32 v1, v2;
	_ =	sdelay $0x1  }
0x1d6: {  	v1 =	vmul.f32 $1.442695020e+00, v1;
	_ =	sdelay $0x1  }
0x1d7: {  	(erf) = vpow2.f32 v1;
	_ =	sdelay $0x2  }
0x1d8: {  	v1 =	vld [tilespmem:$0x5D0];
	_ =	sdelay $0x5  }
0x1d9: {  	[tilespmem:$0x6C0] =	vst v0;
	v0 =	vpop (erf)  }
0x1da: {  	[tilespmem:$0x950] =	vst v0  }
0x1db: {  	[tilespmem:v1+s30+$0x0] =	vst.idx.add.f32.msk $0xffff, v0  }
0x1dc: {  	v0 =	vld [tilespmem:$0x7E0]  }
0x1dd: {  	v3 =	vld [tilespmem:$0x8E0];
	_ =	sdelay $0x4  }
0x1de: {  	v0 =	vadd.f32 v3, v0;
	_ =	sdelay $0x1  }
0x1df: {  	v3 =	vmul.f32 $2.000000030e-01, v0;
	_ =	sdelay $0x1  }
0x1e0: {  	v0 =	vmax.f32 v0, v3  }
0x1e1: {  	v0 =	vsub.f32 v0, v2;
	_ =	sdelay $0x1  }
0x1e2: {  	v0 =	vmul.f32 $1.442695020e+00, v0;
	_ =	sdelay $0x1  }
0x1e3: {  	(erf) = vpow2.f32 v0;
	_ =	sdelay $0x2  }
0x1e4: {  	v0 =	vld [tilespmem:$0x5E0];
	_ =	sdelay $0x5  }
0x1e5: {  	[tilespmem:$0x6D0] =	vst v1;
	v1 =	vpop (erf)  }
0x1e6: {  	[tilespmem:$0x960] =	vst v1  }
0x1e7: {  	[tilespmem:v0+s30+$0x0] =	vst.idx.add.f32.msk $0xffff, v1  }
0x1e8: {  	v1 =	vld [tilespmem:$0x7F0]  }
0x1e9: {  	v3 =	vld [tilespmem:$0x8F0];
	_ =	sdelay $0x4  }
0x1ea: {  	v1 =	vadd.f32 v3, v1;
	_ =	sdelay $0x1  }
0x1eb: {  	v3 =	vmul.f32 $2.000000030e-01, v1;
	_ =	sdelay $0x1  }
0x1ec: {  	v1 =	vmax.f32 v1, v3  }
0x1ed: {  	v1 =	vsub.f32 v1, v2;
	_ =	sdelay $0x1  }
0x1ee: {  	v1 =	vmul.f32 $1.442695020e+00, v1;
	_ =	sdelay $0x1  }
0x1ef: {  	(erf) = vpow2.f32 v1;
	_ =	sdelay $0x2  }
0x1f0: {  	v1 =	vld [tilespmem:$0x5F0];
	_ =	sdelay $0x5  }
0x1f1: {  	[tilespmem:$0x6E0] =	vst v0;
	v0 =	vpop (erf)  }
0x1f2: {  	s11 =	sadd.s32 @!p1 s11, s24;
	[tilespmem:$0x970] =	vst v0  }
0x1f3: {  	s12 =	sshll.u32 @!p1 s11, $0x5;
	[tilespmem:v1+s30+$0x0] =	vst.idx.add.f32.msk $0xffff, v0  }
0x1f4: {  	s17 =	simm.s32 @!p1 $0x0;
	s18 =	simm.s32 @!p1 $0x80;
	s13 =	sadd.s32 @!p1 s0, s12;
	[tilespmem:$0x6F0] =	vst v1  }
0x1f5: {  	[tilespmem:s18], [sflag:$0x2] =	stream.linear.gather @!p1 [hbm4b:s13+s17], $0x80, $0x38;
	[tilespmem:$0x1EA00] =	vst v63  }
0x1f6: {  	s11 =	sshll.u32 @!p1 s11, $0x4;
	s12 =	sadd.s32 @!p1 s12, s14;
	s13 =	simm.s32 @!p1 $0x580  }
0x1f7: {  	[tilespmem:s13], [sflag:$0x2] =	stream.linear.gather @!p1 [hbm4b:s12+s17], $0x80, $0x38;
	[tilespmem:$0x1EA00] =	vst v63  }
0x1f8: {  	s11 =	sadd.s32 @!p1 s1, s11;
	s18 =	simm.s32 $0x0;
	s12 =	simm.s32 @!p1 $0x180  }
0x1f9: {  	v0 =	vmov s18;
	[tilespmem:s12], [sflag:$0x2] =	stream.linear.gather @!p1 [hbm4b:s11+s17], $0x80, $0x38;
	[tilespmem:$0x1EA00] =	vst v63  }
0x1fa: {  	s11 =	simm.s32 $0x49C0  }
0x1fb: {  	v4 =	vld [tilespmem:s11+$0x30]  }
0x1fc: {  	v7 =	vld [tilespmem:s11+$0x10]  }
0x1fd: {  	v5 =	vld [tilespmem:s11+$0xFFFFFFC0]  }
0x1fe: {  	v1 =	vld.idx.msk [tilespmem:v0+s26+$0x0], $0xffff  }
0x1ff: {  	v9 =	vld [tilespmem:s11+$0xFFFFFFE0]  }
0x200: {  	v2 =	vld [tilespmem:s11+$0x20]  }
0x201: {  	v3 =	vld [tilespmem:s11+$0xFFFFFFD0]  }
0x202: {  	v0 =	vld [tilespmem:s11+$0xFFFFFFF0]  }
0x203: {  	v8 =	vmul.f32 v4, v1;
	v4 =	vld [tilespmem:s11+$0x0]  }
0x204: {  	v6 =	vmul.f32 v5, v1  }
0x205: {  	s13 =	simm.s32 $0x49C0;
	s12 =	simm.s32 $0x1;
	v5 =	vmul.f32 v9, v1;
	v7 =	vmul.f32 v7, v1  }
.LBB2_8:
0x206: {  	p1 =	sne.s32 s12, $0x7F  }
0x207: {  	v3 =	vmul.f32 v3, v1;
	v2 =	vmul.f32 v2, v1;
	[tilespmem:s11+$0x30] =	vst v8;
	s13 =	sadd.s32 $0x80, s13;
	s17 =	smov.u32 s12;
	s12 =	sadd.s32 $0x1, s12  }
0x208: {  	[tilespmem:s11+$0xFFFFFFC0] =	vst v6;
	v6 =	vmul.f32 v0, v1;
	v1 =	vmul.f32 v4, v1  }
0x209: {  	[tilespmem:s11+$0x10] =	vst v7  }
0x20a: {  	v4 =	vmov s17;
	[tilespmem:s11+$0xFFFFFFE0] =	vst v5  }
0x20b: {  	v0 =	vld [tilespmem:s13+$0xFFFFFFF0];
	[tilespmem:s11+$0xFFFFFFF0] =	vst v6  }
0x20c: {  	v5 =	vld [tilespmem:s13+$0x30];
	[tilespmem:s11+$0x0] =	vst v1  }
0x20d: {  	v7 =	vld [tilespmem:s13+$0x10];
	[tilespmem:s11+$0x20] =	vst v2  }
0x20e: {  	v6 =	vld [tilespmem:s13+$0xFFFFFFC0];
	[tilespmem:s11+$0xFFFFFFD0] =	vst v3;
	s11 =	smov.u32 s13  }
0x20f: {  	v1 =	vld.idx.msk [tilespmem:v4+s26+$0x0], $0xffff  }
0x210: {  	v9 =	vld [tilespmem:s13+$0xFFFFFFE0]  }
0x211: {  	v2 =	vld [tilespmem:s13+$0x20]  }
.Ltmp3:
0x212: {  	v3 =	vld [tilespmem:s13+$0xFFFFFFD0];
	(pc) =	sbr.rel @p1 .LBB2_8-.Ltmp3, $3  }
0x213: {  	v4 =	vld [tilespmem:s13+$0x0];
	_ =	sdelay $0x1  }
0x214: {  	v6 =	vmul.f32 v6, v1;
	v8 =	vmul.f32 v5, v1  }
0x215: {  	v7 =	vmul.f32 v7, v1;
	v5 =	vmul.f32 v9, v1  }
0x216: {  	[tilespmem:s11+$0x30] =	vst v8  }
0x217: {  	[tilespmem:s11+$0xFFFFFFC0] =	vst v6  }
0x218: {  	v0 =	vmul.f32 v0, v1;
	s7 =	sadd.s32 $0x1, s7;
	[tilespmem:s11+$0x10] =	vst v7  }
0x219: {  	v2 =	vmul.f32 v2, v1;
	[tilespmem:s11+$0xFFFFFFE0] =	vst v5;
	p1 =	sne.s32 s7, s10  }
.Ltmp4:
0x21a: {  	v63 =	vmul.f32 v3, v1;
	[tilespmem:s11+$0xFFFFFFF0] =	vst v0;
	(pc) =	sbr.rel @p1 .LBB2_2-.Ltmp4, $4  }
0x21b: {  	v4 =	vmul.f32 v4, v1;
	[tilespmem:s11+$0x20] =	vst v2  }
0x21c: {  	[tilespmem:s11+$0xFFFFFFD0] =	vst v63  }
0x21d: {  	[tilespmem:s11+$0x0] =	vst v4  }
0x21e: {  	[spmem:s8] =	stream.indirect.scatter.add.f32 [tilespmem:s22], [sflag:$0x6], $0x80, s6, s5, $0xb8;
	[tilespmem:$0x1EA00] =	vst v63  }
0x21f: {  	s7 =	simm.s32 $0x6  }
0x220: {  	_ =	swait.ge [sflag:s7], $0x4000  }
0x221: {  	[sflag:s7] =	ssyncset.done $0x0  }
0x222: {  	[sflag:s7] =	ssyncadd.s32 $0xFFFFC000  }
0x223: {  	[bflag:$0x0] =	sbarrier.arrive $0xFFFF  }
0x224: {  	s11 =	rddreg [dreg:$0x16]  }
0x225: {  	s7 =	simm.s32 @p0 $0x1FC7;
	s12 =	rddreg [dreg:$0x1a]  }
0x226: {  	[hbm:s11], [sflag:s7] =	dma.local @p0 [spmem:s12], $0x2080  }
0x227: {  	s7 =	simm.s32 @p0 $0x7  }
0x228: {  	_ =	swait.ge @p0 [sflag:s7], $0x2080  }
0x229: {  	s11 =	rddreg [dreg:$0x1b]  }
0x22a: {  	[sflag:s7] =	ssyncset.done @p0 $0x0;
	s12 =	rddreg [dreg:$0x1c]  }
0x22b: {  	[sflag:s7] =	ssyncadd.s32 @p0 $0xFFFFDF80;
	s7 =	rddreg [dreg:$0x11]  }
0x22c: {  	[hbm:s7], [sflag:s11] =	dma.local @!p0 [spmem:s12], $0x2780  }
0x22d: {  	s7 =	simm.s32 @!p0 $0x7  }
0x22e: {  	_ =	swait.ge @!p0 [sflag:s7], $0x2780  }
0x22f: {  	[sflag:s7] =	ssyncset.done @!p0 $0x0  }
0x230: {  	s17 =	simm.s32 $0x400;
	s12 =	rddreg [dreg:$0x12];
	[sflag:s7] =	ssyncadd.s32 @!p0 $0xFFFFD880  }
0x231: {  	[hbm4b:s12+s5] =	stream.strided.scatter [tilespmem:s30], [sflag:$0x7], $0x2780, s17, s5, $0x38;
	[tilespmem:$0x1EA00] =	vst v63  }
0x232: {  	s12 =	simm.s32 $0x7  }
0x233: {  	_ =	swait.ge [sflag:s12], $0x2780  }
0x234: {  	s13 =	rddreg [dreg:$0x19]  }
0x235: {  	s18 =	rddreg [dreg:$0x17];
	s11 =	sadd.s32 $0x1, s13  }
0x236: {  	p1 =	sne.s32 s11, s18  }
.Ltmp5:
0x237: {  	_ = 	snop;
	(pc) =	sbr.rel @p1 .LBB2_1-.Ltmp5, $3  }
0x238: {  	_ =	sdelay $0x1  }
0x239: {  	[sflag:s12] =	ssyncset.done $0x0  }
0x23a: {  	[sflag:s12] =	ssyncadd.s32 $0xFFFFD880  }
0x23b: {  	_ =	sfence.sel $0x180000  }
0x23c: {  	[bflag:$0x0] =	sbarrier.arrive $0xFFFF  }
0x23d: {  	_ =	strace $0x90000047  }
0x23e: {  	s0 =	stileid.u32;
	[bflag:$0x2] =	sbarrier.arrive $0xFFFF  }
0x23f: {  	p0 =	sne.s32 s0, $0x0;
	s0 =	rddreg [dreg:$0xa]  }
0x240: {  	s0 =	sadd.s32 @!p0 $0x100000, s0  }
0x241: {  	[sflag:s0] =	ssyncadd.tile.s32 @!p0 $0x1;
	_ =	shalt  }
.Lfunc_end2:
_tile_overlayer_lowered:
.L_overlay_start_2:
0x242: {  	(tag) =	ssettag $0x2  }
0x243: {  	s0 =	rddreg [dreg:$0x0];
	s2 =	stileid.u32  }
0x244: {  	s1 =	rddreg [dreg:$0x1];
	p0 =	sne.s32 s2, $0x0  }
0x245: {  	s3 =	rddreg [dreg:$0x2];
	[bflag:$0x3] =	sbarrier.arrive $0xFFFF;
	s2 =	simm.s32 @!p0 $0x1C07  }
0x246: {  	[timem:s3], [sflag:s2] =	dma.local @!p0 [hbm:s0], s1  }
0x247: {  	s0 =	simm.s32 @!p0 $0x7  }
0x248: {  	_ =	swait.ge @!p0 [sflag:s0], s1  }
0x249: {  	s1 =	ssub.s32 @!p0 $0x0, s1;
	[sflag:s0] =	ssyncset.done @!p0 $0x0  }
0x24a: {  	[sflag:s0] =	ssyncadd.s32 @!p0 s1  }
0x24b: {  	[bflag:$0x3] =	sbarrier.arrive $0xFFFF  }
0x24c: {  	_ =	shalt  }

</sc_bundles>
